<compile_context>
chip_gen: v7x
topology: tpu7x:2x2x1
jax: 0.10.2.dev20260603
libtpu: 0.0.44.dev20260713+nightly
codegen_flags: <defaults>
</compile_context>

<pallas_src>
import functools

import jax
import jax.numpy as jnp
from jax import lax
from jax.experimental import pallas as pl
from jax.experimental.pallas import tpu as pltpu
from jax.experimental.pallas import tpu_sc as plsc

N = 10000
E = 320000
NUM_GRAPHS = 64
HIDDEN = 128
OUT = 11
PE = 8
IN = 128
LAYERS = 6
EPS = 1e-5

NC = 2
NS = 16
CHUNK = 128
NCH = 78
NEXTRA = 2
SRCBLK = 26
IO_TILES = 10
ROWS_PER_IO = N // IO_TILES

_MESH = plsc.VectorSubcoreMesh(core_axis_name="c", subcore_axis_name="s")


@functools.partial(
    pl.kernel,
    out_type=jax.ShapeDtypeStruct((NC, N, HIDDEN), jnp.float32),
    mesh=_MESH,
    scratch_types=[
        pltpu.VMEM((NCH, CHUNK), jnp.int32),
        pltpu.VMEM((1, CHUNK), jnp.int32),
        pltpu.VMEM((CHUNK, HIDDEN), jnp.float32),
        pltpu.VMEM_SHARED((N, HIDDEN), jnp.float32),
    ],
)
def _sc_degree(dst_hbm, edst_hbm, ones_hbm, zeros_hbm, out_hbm,
               dst_v, edst_v, ones_v, acc_sh):
    c = lax.axis_index("c")
    s = lax.axis_index("s")
    pltpu.sync_copy(dst_hbm.at[c, s], dst_v)
    pltpu.sync_copy(ones_hbm, ones_v)

    @pl.when(s < IO_TILES)
    def _():
        pltpu.sync_copy(zeros_hbm,
                        acc_sh.at[pl.ds(s * ROWS_PER_IO, ROWS_PER_IO)])

    plsc.subcore_barrier()

    @pl.loop(0, NCH)
    def _(j):
        pltpu.sync_copy(ones_v, acc_sh.at[dst_v.at[j]], add=True)

    @pl.when(s < NEXTRA)
    def _():
        pltpu.sync_copy(edst_hbm.at[c, pl.ds(s, 1)], edst_v)
        pltpu.sync_copy(ones_v, acc_sh.at[edst_v.at[0]], add=True)

    plsc.subcore_barrier()

    @pl.when(s < IO_TILES)
    def _():
        sl = pl.ds(s * ROWS_PER_IO, ROWS_PER_IO)
        pltpu.sync_copy(acc_sh.at[sl], out_hbm.at[c, sl])


@functools.partial(
    pl.kernel,
    out_type=jax.ShapeDtypeStruct((NC, N, HIDDEN), jnp.float32),
    mesh=_MESH,
    scratch_types=[
        pltpu.VMEM((SRCBLK, CHUNK), jnp.int32),
        pltpu.VMEM((NCH, CHUNK), jnp.int32),
        pltpu.VMEM((1, CHUNK), jnp.int32),
        pltpu.VMEM((1, CHUNK), jnp.int32),
        pltpu.VMEM((CHUNK, HIDDEN), jnp.float32),
        pltpu.VMEM((CHUNK, HIDDEN), jnp.float32),
        pltpu.VMEM_SHARED((N, HIDDEN), jnp.float32),
        pltpu.SemaphoreType.DMA,
        pltpu.SemaphoreType.DMA,
    ],
)
def _sc_aggregate(g_hbm, src_hbm, dst_hbm, esrc_hbm, edst_hbm, zeros_hbm,
                  out_hbm, src_v, dst_v, esrc_v, edst_v, rows0, rows1,
                  acc_sh, sem0, sem1):
    c = lax.axis_index("c")
    s = lax.axis_index("s")
    pltpu.sync_copy(dst_hbm.at[c, s], dst_v)

    @pl.when(s < IO_TILES)
    def _():
        pltpu.sync_copy(zeros_hbm,
                        acc_sh.at[pl.ds(s * ROWS_PER_IO, ROWS_PER_IO)])

    plsc.subcore_barrier()

    @pl.loop(0, NCH // SRCBLK)
    def _(blk):
        base = blk * SRCBLK
        pltpu.sync_copy(src_hbm.at[c, s, blk], src_v)
        pltpu.make_async_copy(g_hbm.at[src_v.at[0]], rows0, sem0).start()

        @pl.loop(0, SRCBLK - 2, step=2)
        def _(j):
            pltpu.make_async_copy(g_hbm.at[src_v.at[j + 1]], rows1, sem1).start()
            pltpu.make_async_copy(g_hbm.at[src_v.at[j]], rows0, sem0).wait()
            pltpu.sync_copy(rows0, acc_sh.at[dst_v.at[base + j]], add=True)
            pltpu.make_async_copy(g_hbm.at[src_v.at[j + 2]], rows0, sem0).start()
            pltpu.make_async_copy(g_hbm.at[src_v.at[j + 1]], rows1, sem1).wait()
            pltpu.sync_copy(rows1, acc_sh.at[dst_v.at[base + j + 1]], add=True)

        pltpu.make_async_copy(g_hbm.at[src_v.at[SRCBLK - 1]], rows1, sem1).start()
        pltpu.make_async_copy(g_hbm.at[src_v.at[SRCBLK - 2]], rows0, sem0).wait()
        pltpu.sync_copy(rows0, acc_sh.at[dst_v.at[base + SRCBLK - 2]], add=True)
        pltpu.make_async_copy(g_hbm.at[src_v.at[SRCBLK - 1]], rows1, sem1).wait()
        pltpu.sync_copy(rows1, acc_sh.at[dst_v.at[base + SRCBLK - 1]], add=True)

    @pl.when(s < NEXTRA)
    def _():
        pltpu.sync_copy(esrc_hbm.at[c, pl.ds(s, 1)], esrc_v)
        pltpu.sync_copy(edst_hbm.at[c, pl.ds(s, 1)], edst_v)
        pltpu.sync_copy(g_hbm.at[esrc_v.at[0]], rows0)
        pltpu.sync_copy(rows0, acc_sh.at[edst_v.at[0]], add=True)

    plsc.subcore_barrier()

    @pl.when(s < IO_TILES)
    def _():
        sl = pl.ds(s * ROWS_PER_IO, ROWS_PER_IO)
        pltpu.sync_copy(acc_sh.at[sl], out_hbm.at[c, sl])


def _dot(a, b):
    return lax.dot_general(a, b, (((1,), (0,)), ((), ())),
                           preferred_element_type=jnp.float32)


def _dot3(a, b):
    a_hi = a.astype(jnp.bfloat16).astype(jnp.float32)
    a_lo = a - a_hi
    b_hi = b.astype(jnp.bfloat16).astype(jnp.float32)
    b_lo = b - b_hi
    return _dot(a_hi, b_hi) + (_dot(a_hi, b_lo) + _dot(a_lo, b_hi))


R = 2000
NB = N // R

_blk = pl.BlockSpec((R, HIDDEN), lambda i: (i, 0))
_blk_p = pl.BlockSpec((NC, R, HIDDEN), lambda i: (0, i, 0))
_blk_dinv = pl.BlockSpec((R, 1), lambda i: (i, 0))
_rep = lambda shape: pl.BlockSpec(shape, lambda i: tuple(0 for _ in shape))


def _tc_pre_body(h_ref, w_ref, cnt_ref, hw_ref, g_ref, dinv_ref):
    hw = _dot(h_ref[...], w_ref[...])
    deg = 1.0 + cnt_ref[...][0, :, 0] + cnt_ref[...][1, :, 0]
    dinv = lax.rsqrt(deg)[:, None]
    hw_ref[...] = hw
    g_ref[...] = hw * dinv
    dinv_ref[...] = dinv


_tc_pre = pl.pallas_call(
    _tc_pre_body,
    grid=(NB,),
    in_specs=[_blk, _rep((HIDDEN, HIDDEN)), _blk_p],
    out_specs=[_blk, _blk, _blk_dinv],
    out_shape=[
        jax.ShapeDtypeStruct((N, HIDDEN), jnp.float32),
        jax.ShapeDtypeStruct((N, HIDDEN), jnp.float32),
        jax.ShapeDtypeStruct((N, 1), jnp.float32),
    ],
)


def _agg_block(p_ref, hw_ref, dinv_ref, b_ref):
    dinv = dinv_ref[...]
    p = p_ref[...]
    return dinv * (p[0] + p[1]) + hw_ref[...] * (dinv * dinv) + b_ref[...]


def _tc_layer_body(p_ref, hw_ref, dinv_ref, b_ref, gm_ref, bt_ref, w_ref,
                   hwn_ref, gn_ref, agg_vm, st_vm):
    i = pl.program_id(0)
    b = lax.rem(i, NB)

    @pl.when(i == 0)
    def _():
        st_vm[...] = jnp.zeros((8, HIDDEN), jnp.float32)

    @pl.when(i < NB)
    def _():
        agg = _agg_block(p_ref, hw_ref, dinv_ref, b_ref)
        agg_vm[pl.ds(b * R, R), :] = agg
        s = jnp.sum(agg, axis=0)
        st_vm[...] += jnp.concatenate(
            [s[None], jnp.zeros((7, HIDDEN), jnp.float32)], axis=0)

    @pl.when((i >= NB) & (i < 2 * NB))
    def _():
        m = st_vm[...][0] / N
        d = agg_vm[pl.ds(b * R, R), :] - m
        s2 = jnp.sum(d * d, axis=0)
        st_vm[...] += jnp.concatenate(
            [jnp.zeros((1, HIDDEN), jnp.float32), s2[None],
             jnp.zeros((6, HIDDEN), jnp.float32)], axis=0)

    @pl.when(i >= 2 * NB)
    def _():
        st = st_vm[...]
        m = st[0] / N
        v = st[1] / N
        z = (agg_vm[pl.ds(b * R, R), :] - m) * (lax.rsqrt(v + EPS)
                                                * gm_ref[...]) + bt_ref[...]
        h = jnp.maximum(z, 0.0)
        hwn = _dot(h, w_ref[...])
        hwn_ref[...] = hwn
        gn_ref[...] = hwn * dinv_ref[...]


def _clamp_blk(shape):
    return pl.BlockSpec(shape, lambda i: (jnp.minimum(i, NB - 1), 0))


_tc_layer = pl.pallas_call(
    _tc_layer_body,
    grid=(3 * NB,),
    in_specs=[pl.BlockSpec((NC, R, HIDDEN), lambda i: (0, jnp.minimum(i, NB - 1), 0)),
              _clamp_blk((R, HIDDEN)),
              pl.BlockSpec((R, 1), lambda i: (lax.rem(i, NB), 0)),
              _rep((1, HIDDEN)), _rep((1, HIDDEN)), _rep((1, HIDDEN)),
              _rep((HIDDEN, HIDDEN))],
    out_specs=[pl.BlockSpec((R, HIDDEN), lambda i: (lax.rem(i, NB), 0)),
               pl.BlockSpec((R, HIDDEN), lambda i: (lax.rem(i, NB), 0))],
    out_shape=[
        jax.ShapeDtypeStruct((N, HIDDEN), jnp.float32),
        jax.ShapeDtypeStruct((N, HIDDEN), jnp.float32),
    ],
    scratch_shapes=[pltpu.VMEM((N, HIDDEN), jnp.float32),
                    pltpu.VMEM((8, HIDDEN), jnp.float32)],
)


def _tc_final_body(p_ref, hw_ref, dinv_ref, b_ref, batch_ref,
                   wh1_ref, bh1_ref, gh_ref, bh_ref, wh2_ref, bh2_ref,
                   wo_ref, bo_ref, out_ref, psum, pcnt):
    i = pl.program_id(0)

    @pl.when(i == 0)
    def _():
        psum[...] = jnp.zeros((NUM_GRAPHS, HIDDEN), jnp.float32)
        pcnt[...] = jnp.zeros((NUM_GRAPHS, HIDDEN), jnp.float32)

    agg = _agg_block(p_ref, hw_ref, dinv_ref, b_ref)
    gid = lax.broadcasted_iota(jnp.int32, (NUM_GRAPHS, R), 0)
    batch_row = batch_ref[...].reshape(1, R)
    onehot = (batch_row == gid).astype(jnp.float32)
    psum[...] += _dot3(onehot, agg)
    cnt = jnp.sum(onehot, axis=1, keepdims=True)
    pcnt[...] += jnp.broadcast_to(cnt, (NUM_GRAPHS, HIDDEN))

    @pl.when(i == NB - 1)
    def _():
        pooled = psum[...] / jnp.maximum(pcnt[...][:, :1], 1.0)
        z = _dot(pooled, wh1_ref[...]) + bh1_ref[...]
        m = jnp.mean(z, axis=0)
        v = jnp.mean((z - m) ** 2, axis=0)
        z = (z - m) * lax.rsqrt(v + EPS) * gh_ref[...] + bh_ref[...]
        z = jnp.maximum(z, 0.0)
        z = jnp.maximum(_dot(z, wh2_ref[...]) + bh2_ref[...], 0.0)
        out_ref[...] = _dot(z, wo_ref[...]) + bo_ref[...]


_tc_final = pl.pallas_call(
    _tc_final_body,
    grid=(NB,),
    in_specs=[_blk_p, _blk, _blk_dinv, _rep((1, HIDDEN)),
              pl.BlockSpec((1, 8, R // 8), lambda i: (i, 0, 0)),
              _rep((HIDDEN, HIDDEN)), _rep((1, HIDDEN)), _rep((1, HIDDEN)),
              _rep((1, HIDDEN)), _rep((HIDDEN, HIDDEN)), _rep((1, HIDDEN)),
              _rep((HIDDEN, OUT)), _rep((1, OUT))],
    out_specs=pl.BlockSpec((NUM_GRAPHS, OUT), lambda i: (0, 0)),
    out_shape=jax.ShapeDtypeStruct((NUM_GRAPHS, OUT), jnp.float32),
    scratch_shapes=[pltpu.VMEM((NUM_GRAPHS, HIDDEN), jnp.float32),
                    pltpu.VMEM((NUM_GRAPHS, HIDDEN), jnp.float32)],
)


def kernel(x, laplacian_eigenvector_pe, edge_index, batch, Ws, bs, gammas,
           betas, Wh1, bh1, gh, bh, Wh2, bh2, Wo, bo):
    src2 = edge_index[0].astype(jnp.int32).reshape(NC, 1250, CHUNK)
    dst2 = edge_index[1].astype(jnp.int32).reshape(NC, 1250, CHUNK)
    src = src2[:, :NS * NCH].reshape(NC, NS, NCH // SRCBLK, SRCBLK, CHUNK)
    dst = dst2[:, :NS * NCH].reshape(NC, NS, NCH, CHUNK)
    esrc = src2[:, NS * NCH:]
    edst = dst2[:, NS * NCH:]
    h0 = jnp.concatenate([x, laplacian_eigenvector_pe], axis=1)
    batch2 = batch.astype(jnp.int32).reshape(NB, 8, R // 8)

    ones128 = jnp.ones((CHUNK, HIDDEN), jnp.float32)
    zeros128 = jnp.zeros((ROWS_PER_IO, HIDDEN), jnp.float32)

    counts = _sc_degree(dst, edst, ones128, zeros128)
    hw, g, dinv = _tc_pre(h0, Ws[0], counts)

    for i in range(LAYERS - 1):
        p = _sc_aggregate(g, src, dst, esrc, edst, zeros128)
        hw, g = _tc_layer(p, hw, dinv, bs[i].reshape(1, HIDDEN),
                          gammas[i].reshape(1, HIDDEN),
                          betas[i].reshape(1, HIDDEN), Ws[i + 1])

    p = _sc_aggregate(g, src, dst, esrc, edst, zeros128)
    return _tc_final(p, hw, dinv, bs[LAYERS - 1].reshape(1, HIDDEN), batch2,
                     Wh1, bh1.reshape(1, HIDDEN), gh.reshape(1, HIDDEN),
                     bh.reshape(1, HIDDEN), Wh2, bh2.reshape(1, HIDDEN),
                     Wo, bo.reshape(1, OUT))

# --- scband reference (transcript-rebuilt; emitter-appended) ---
"""Pipeline reference for scband-new-gcn-4964982194176 (READ-ONLY COPY).

The authoritative reference and input builder live on the scoring server;
editing this copy changes nothing except your own understanding.
"""

import jax, jax.numpy as jnp
import numpy as np

N = 10000
E = 320000
NUM_GRAPHS = 64
HIDDEN = 128
OUT = 11
PE = 8
IN = 128
LAYERS = 6
EPS = 1e-5


def setup_inputs(seed: int = 0) -> dict:
    key = jax.random.key(seed)
    ks = jax.random.split(key, 16)
    x = jax.random.normal(ks[0], (N, IN - PE), dtype=jnp.float32)
    pe = jax.random.normal(ks[1], (N, PE), dtype=jnp.float32)
    edge_index = jax.random.randint(ks[2], (2, E), 0, N)
    batch = jnp.sort(jax.random.randint(ks[3], (N,), 0, NUM_GRAPHS))
    s = 1.0 / np.sqrt(HIDDEN)
    Ws = jax.random.normal(ks[4], (LAYERS, HIDDEN, HIDDEN), dtype=jnp.float32) * s
    bs = jnp.zeros((LAYERS, HIDDEN), dtype=jnp.float32)
    gammas = jnp.ones((LAYERS - 1, HIDDEN), dtype=jnp.float32)
    betas = jnp.zeros((LAYERS - 1, HIDDEN), dtype=jnp.float32)
    Wh1 = jax.random.normal(ks[5], (HIDDEN, HIDDEN), dtype=jnp.float32) * s
    bh1 = jnp.zeros((HIDDEN,), dtype=jnp.float32)
    gh = jnp.ones((HIDDEN,), dtype=jnp.float32)
    bh = jnp.zeros((HIDDEN,), dtype=jnp.float32)
    Wh2 = jax.random.normal(ks[6], (HIDDEN, HIDDEN), dtype=jnp.float32) * s
    bh2 = jnp.zeros((HIDDEN,), dtype=jnp.float32)
    Wo = jax.random.normal(ks[7], (HIDDEN, OUT), dtype=jnp.float32) * s
    bo = jnp.zeros((OUT,), dtype=jnp.float32)
    return {"x": x, "laplacian_eigenvector_pe": pe, "edge_index": edge_index,
            "batch": batch, "Ws": Ws, "bs": bs, "gammas": gammas, "betas": betas,
            "Wh1": Wh1, "bh1": bh1, "gh": gh, "bh": bh, "Wh2": Wh2, "bh2": bh2,
            "Wo": Wo, "bo": bo}


def _gcn_conv(h, src, dst, W, b):
    # GCNConv: D^{-1/2} (A + I) D^{-1/2} (h W) + b, edge weights = 1
    h = h @ W
    deg = jnp.ones((N,), h.dtype).at[dst].add(jnp.ones((src.shape[0],), h.dtype))
    dinv = jax.lax.rsqrt(deg)
    coef = dinv[src] * dinv[dst]
    agg = jnp.zeros_like(h).at[dst].add(h[src] * coef[:, None])
    agg = agg + h * (dinv * dinv)[:, None]  # self-loop contribution
    return agg + b


def _bn(z, g, b):
    # BatchNorm1d with track_running_stats=False: always uses batch statistics
    m = jnp.mean(z, axis=0)
    v = jnp.var(z, axis=0)
    return (z - m) * jax.lax.rsqrt(v + EPS) * g + b


def reference(x, laplacian_eigenvector_pe, edge_index, batch, Ws, bs, gammas, betas,
              Wh1, bh1, gh, bh, Wh2, bh2, Wo, bo):
    src, dst = edge_index[0], edge_index[1]
    h = jnp.concatenate([x, laplacian_eigenvector_pe], axis=1)
    for i in range(LAYERS):
        h = _gcn_conv(h, src, dst, Ws[i], bs[i])
        if i < LAYERS - 1:
            h = _bn(h, gammas[i], betas[i])
            h = jax.nn.relu(h)
            # dropout(0.1) is identity in eval mode
    # global mean pool
    sums = jax.ops.segment_sum(h, batch, num_segments=NUM_GRAPHS)
    cnt = jax.ops.segment_sum(jnp.ones((N,), h.dtype), batch, num_segments=NUM_GRAPHS)
    pooled = sums / jnp.maximum(cnt, 1.0)[:, None]
    # prediction head: Linear -> BN -> ReLU -> (Dropout) -> Linear -> ReLU -> Linear
    z = pooled @ Wh1 + bh1
    z = _bn(z, gh, bh)
    z = jax.nn.relu(z)
    z = z @ Wh2 + bh2
    z = jax.nn.relu(z)
    z = z @ Wo + bo
    return z

if __name__ == "__main__":
    import jax
    _d = setup_inputs()
    print(jax.jit(kernel)(*tuple(_d.values())))

</pallas_src>

<mosaic_0001>
#map = affine_map<(d0, d1) -> (0, 0, 0, 0)>
#map1 = affine_map<(d0, d1) -> (0, 0, 0)>
#map2 = affine_map<(d0, d1) -> (0, 0)>
module attributes {stable_mosaic.version = 14 : i64} {
  func.func @_sc_degree(%arg0: i32, %arg1: i32, %arg2: memref<2x16x78x128xi32, #tpu.memory_space<hbm>>, %arg3: memref<2x2x128xi32, #tpu.memory_space<hbm>>, %arg4: memref<128x128xf32, #tpu.memory_space<hbm>>, %arg5: memref<1000x128xf32, #tpu.memory_space<hbm>>, %arg6: memref<2x10000x128xf32, #tpu.memory_space<hbm>>, %arg7: memref<78x128xi32, #tpu.memory_space<vmem>>, %arg8: memref<1x128xi32, #tpu.memory_space<vmem>>, %arg9: memref<128x128xf32, #tpu.memory_space<vmem>>, %arg10: memref<10000x128xf32, #tpu.memory_space<vmem_shared>>) attributes {dimension_semantics = [#tpu.dimension_semantics<core_parallel>, #tpu.dimension_semantics<subcore_parallel>], iteration_bounds = array<i64: 2, 16>, scalar_prefetch = 0 : i64, scratch_operands = 4 : i64, tpu.core_type = #tpu.core_type<sc_vector_subcore>, window_params = [{transform_indices = #map}, {transform_indices = #map1}, {transform_indices = #map2}, {transform_indices = #map2}, {transform_indices = #map1}]} {
    "tpu.region"() ({
      %run_scoped3A = tpu.sem_alloc : memref<!tpu.dma_semaphore, #tpu.memory_space<semaphore_mem>>
      %dma_start3A = arith.constant 0 : i32
      %dma_start3A_17 = arith.constant 0 : i32
      %dma_start3A_18 = tpu.memref_slice %arg2[%arg0, %arg1, %dma_start3A, %dma_start3A_17] : memref<2x16x78x128xi32, #tpu.memory_space<hbm>> -> memref<1x1x78x128xi32, #tpu.memory_space<hbm>>
      %dma_start3A_19 = tpu.memref_squeeze %dma_start3A_18 : memref<1x1x78x128xi32, #tpu.memory_space<hbm>> -> memref<78x128xi32, #tpu.memory_space<hbm>>
      %dma_start3A_20 = arith.constant 0 : i32
      %dma_start3A_21 = arith.constant 0 : i32
      %dma_start3A_22 = tpu.memref_slice %arg2[%arg0, %arg1, %dma_start3A_20, %dma_start3A_21] : memref<2x16x78x128xi32, #tpu.memory_space<hbm>> -> memref<1x1x78x128xi32, #tpu.memory_space<hbm>>
      %dma_start3A_23 = tpu.memref_squeeze %dma_start3A_22 : memref<1x1x78x128xi32, #tpu.memory_space<hbm>> -> memref<78x128xi32, #tpu.memory_space<hbm>>
      tpu.enqueue_dma source(%dma_start3A_23 : memref<78x128xi32, #tpu.memory_space<hbm>>) target(%arg7 : memref<78x128xi32, #tpu.memory_space<vmem>>) target_semaphore(%run_scoped3A : memref<!tpu.dma_semaphore, #tpu.memory_space<semaphore_mem>>)
      %dma_wait3A = arith.constant 0 : i32
      %dma_wait3A_24 = arith.constant 0 : i32
      %dma_wait3A_25 = tpu.memref_slice %arg2[%arg0, %arg1, %dma_wait3A, %dma_wait3A_24] : memref<2x16x78x128xi32, #tpu.memory_space<hbm>> -> memref<1x1x78x128xi32, #tpu.memory_space<hbm>>
      %dma_wait3A_26 = tpu.memref_squeeze %dma_wait3A_25 : memref<1x1x78x128xi32, #tpu.memory_space<hbm>> -> memref<78x128xi32, #tpu.memory_space<hbm>>
      %dma_wait3A_27 = arith.constant 0 : i32
      %dma_wait3A_28 = arith.constant 0 : i32
      %dma_wait3A_29 = tpu.memref_slice %arg2[%arg0, %arg1, %dma_wait3A_27, %dma_wait3A_28] : memref<2x16x78x128xi32, #tpu.memory_space<hbm>> -> memref<1x1x78x128xi32, #tpu.memory_space<hbm>>
      %dma_wait3A_30 = tpu.memref_squeeze %dma_wait3A_29 : memref<1x1x78x128xi32, #tpu.memory_space<hbm>> -> memref<78x128xi32, #tpu.memory_space<hbm>>
      tpu.wait_dma2 semaphore(%run_scoped3A : memref<!tpu.dma_semaphore, #tpu.memory_space<semaphore_mem>>) src(%dma_wait3A_30 : memref<78x128xi32, #tpu.memory_space<hbm>>) dst(%arg7 : memref<78x128xi32, #tpu.memory_space<vmem>>)
      tpu.yield
    }) : () -> ()
    "tpu.region"() ({
      %run_scoped3A = tpu.sem_alloc : memref<!tpu.dma_semaphore, #tpu.memory_space<semaphore_mem>>
      tpu.enqueue_dma source(%arg4 : memref<128x128xf32, #tpu.memory_space<hbm>>) target(%arg9 : memref<128x128xf32, #tpu.memory_space<vmem>>) target_semaphore(%run_scoped3A : memref<!tpu.dma_semaphore, #tpu.memory_space<semaphore_mem>>)
      tpu.wait_dma2 semaphore(%run_scoped3A : memref<!tpu.dma_semaphore, #tpu.memory_space<semaphore_mem>>) src(%arg4 : memref<128x128xf32, #tpu.memory_space<hbm>>) dst(%arg9 : memref<128x128xf32, #tpu.memory_space<vmem>>)
      tpu.yield
    }) : () -> ()
    %lt3A = arith.constant 10 : i32
    %lt3A_0 = arith.cmpi slt, %arg1, %lt3A : i32
    %convert_element_type3A = arith.extui %lt3A_0 : i1 to i32
    %cond3A = arith.constant 0 : i32
    %cond3A_1 = arith.cmpi ne, %convert_element_type3A, %cond3A : i32
    scf.if %cond3A_1 {
      %mul3A = arith.constant 1000 : i32
      %mul3A_17 = arith.muli %arg1, %mul3A : i32
      "tpu.region"() ({
        %run_scoped3A = tpu.sem_alloc : memref<!tpu.dma_semaphore, #tpu.memory_space<semaphore_mem>>
        %dma_start3A = arith.constant 0 : i32
        %dma_start3A_18 = tpu.memref_slice %arg10[%mul3A_17, %dma_start3A] : memref<10000x128xf32, #tpu.memory_space<vmem_shared>> -> memref<1000x128xf32, #tpu.memory_space<vmem_shared>>
        tpu.enqueue_dma source(%arg5 : memref<1000x128xf32, #tpu.memory_space<hbm>>) target(%dma_start3A_18 : memref<1000x128xf32, #tpu.memory_space<vmem_shared>>) target_semaphore(%run_scoped3A : memref<!tpu.dma_semaphore, #tpu.memory_space<semaphore_mem>>)
        %dma_wait3A = arith.constant 0 : i32
        %dma_wait3A_19 = tpu.memref_slice %arg10[%mul3A_17, %dma_wait3A] : memref<10000x128xf32, #tpu.memory_space<vmem_shared>> -> memref<1000x128xf32, #tpu.memory_space<vmem_shared>>
        tpu.wait_dma2 semaphore(%run_scoped3A : memref<!tpu.dma_semaphore, #tpu.memory_space<semaphore_mem>>) src(%arg5 : memref<1000x128xf32, #tpu.memory_space<hbm>>) dst(%dma_wait3A_19 : memref<1000x128xf32, #tpu.memory_space<vmem_shared>>)
        tpu.yield
      }) : () -> ()
    } else {
    }
    %barrier3A = arith.constant 0 : index
    tpu.barrier barrier_id(%barrier3A)
    %scan3A = arith.constant 0 : i32
    %scan3A_2 = arith.constant 78 : i32
    %scan3A_3 = arith.addi %scan3A, %scan3A_2 : i32
    %scan3A_4 = arith.constant 1 : i32
    scf.for %scan3A_17 = %scan3A to %scan3A_3 step %scan3A_4  : i32 {
      %mul3A = arith.constant 1 : i32
      %mul3A_18 = arith.muli %scan3A_17, %mul3A : i32
      %add3A = arith.constant 0 : i32
      %add3A_19 = arith.addi %add3A, %mul3A_18 : i32
      "tpu.region"() ({
        %run_scoped3A = tpu.sem_alloc : memref<!tpu.dma_semaphore, #tpu.memory_space<semaphore_mem>>
        %dma_start3A = arith.constant 0 : i32
        %dma_start3A_20 = tpu.memref_slice %arg7[%add3A_19, %dma_start3A] : memref<78x128xi32, #tpu.memory_space<vmem>> -> memref<1x128xi32, #tpu.memory_space<vmem>>
        %dma_start3A_21 = tpu.memref_squeeze %dma_start3A_20 : memref<1x128xi32, #tpu.memory_space<vmem>> -> memref<128xi32, #tpu.memory_space<vmem>>
        %dma_start3A_22 = arith.constant 0 : i32
        %dma_start3A_23 = arith.constant 0 : i32
        %dma_start3A_24 = tpu.memref_slice %arg10[%dma_start3A_22, %dma_start3A_23] : memref<10000x128xf32, #tpu.memory_space<vmem_shared>> -> memref<10000x128xf32, #tpu.memory_space<vmem_shared>>
        tpu.enqueue_indirect_dma source(%arg9 : memref<128x128xf32, #tpu.memory_space<vmem>>) target(%dma_start3A_24 : memref<10000x128xf32, #tpu.memory_space<vmem_shared>>) offsets(%dma_start3A_21 : memref<128xi32, #tpu.memory_space<vmem>>) semaphore(%run_scoped3A : memref<!tpu.dma_semaphore, #tpu.memory_space<semaphore_mem>>) {add = true}
        %dma_wait3A = arith.constant 0 : i32
        %dma_wait3A_25 = tpu.memref_slice %arg7[%add3A_19, %dma_wait3A] : memref<78x128xi32, #tpu.memory_space<vmem>> -> memref<1x128xi32, #tpu.memory_space<vmem>>
        %dma_wait3A_26 = tpu.memref_squeeze %dma_wait3A_25 : memref<1x128xi32, #tpu.memory_space<vmem>> -> memref<128xi32, #tpu.memory_space<vmem>>
        %dma_wait3A_27 = arith.constant 0 : i32
        %dma_wait3A_28 = arith.constant 0 : i32
        %dma_wait3A_29 = tpu.memref_slice %arg10[%dma_wait3A_27, %dma_wait3A_28] : memref<10000x128xf32, #tpu.memory_space<vmem_shared>> -> memref<10000x128xf32, #tpu.memory_space<vmem_shared>>
        tpu.wait_indirect_dma semaphore(%run_scoped3A : memref<!tpu.dma_semaphore, #tpu.memory_space<semaphore_mem>>) src(%arg9 : memref<128x128xf32, #tpu.memory_space<vmem>>) dst(%dma_wait3A_29 : memref<10000x128xf32, #tpu.memory_space<vmem_shared>>)
        tpu.yield
      }) : () -> ()
    }
    %scan3A_5 = arith.constant 78 : i32
    %lt3A_6 = arith.constant 2 : i32
    %lt3A_7 = arith.cmpi slt, %arg1, %lt3A_6 : i32
    %convert_element_type3A_8 = arith.extui %lt3A_7 : i1 to i32
    %cond3A_9 = arith.constant 0 : i32
    %cond3A_10 = arith.cmpi ne, %convert_element_type3A_8, %cond3A_9 : i32
    scf.if %cond3A_10 {
      "tpu.region"() ({
        %run_scoped3A_17 = tpu.sem_alloc : memref<!tpu.dma_semaphore, #tpu.memory_space<semaphore_mem>>
        %dma_start3A = arith.constant 0 : i32
        %dma_start3A_18 = tpu.memref_slice %arg3[%arg0, %arg1, %dma_start3A] : memref<2x2x128xi32, #tpu.memory_space<hbm>> -> memref<1x1x128xi32, #tpu.memory_space<hbm>>
        %dma_start3A_19 = tpu.memref_squeeze %dma_start3A_18 : memref<1x1x128xi32, #tpu.memory_space<hbm>> -> memref<1x128xi32, #tpu.memory_space<hbm>>
        %dma_start3A_20 = arith.constant 0 : i32
        %dma_start3A_21 = tpu.memref_slice %arg3[%arg0, %arg1, %dma_start3A_20] : memref<2x2x128xi32, #tpu.memory_space<hbm>> -> memref<1x1x128xi32, #tpu.memory_space<hbm>>
        %dma_start3A_22 = tpu.memref_squeeze %dma_start3A_21 : memref<1x1x128xi32, #tpu.memory_space<hbm>> -> memref<1x128xi32, #tpu.memory_space<hbm>>
        tpu.enqueue_dma source(%dma_start3A_22 : memref<1x128xi32, #tpu.memory_space<hbm>>) target(%arg8 : memref<1x128xi32, #tpu.memory_space<vmem>>) target_semaphore(%run_scoped3A_17 : memref<!tpu.dma_semaphore, #tpu.memory_space<semaphore_mem>>)
        %dma_wait3A = arith.constant 0 : i32
        %dma_wait3A_23 = tpu.memref_slice %arg3[%arg0, %arg1, %dma_wait3A] : memref<2x2x128xi32, #tpu.memory_space<hbm>> -> memref<1x1x128xi32, #tpu.memory_space<hbm>>
        %dma_wait3A_24 = tpu.memref_squeeze %dma_wait3A_23 : memref<1x1x128xi32, #tpu.memory_space<hbm>> -> memref<1x128xi32, #tpu.memory_space<hbm>>
        %dma_wait3A_25 = arith.constant 0 : i32
        %dma_wait3A_26 = tpu.memref_slice %arg3[%arg0, %arg1, %dma_wait3A_25] : memref<2x2x128xi32, #tpu.memory_space<hbm>> -> memref<1x1x128xi32, #tpu.memory_space<hbm>>
        %dma_wait3A_27 = tpu.memref_squeeze %dma_wait3A_26 : memref<1x1x128xi32, #tpu.memory_space<hbm>> -> memref<1x128xi32, #tpu.memory_space<hbm>>
        tpu.wait_dma2 semaphore(%run_scoped3A_17 : memref<!tpu.dma_semaphore, #tpu.memory_space<semaphore_mem>>) src(%dma_wait3A_27 : memref<1x128xi32, #tpu.memory_space<hbm>>) dst(%arg8 : memref<1x128xi32, #tpu.memory_space<vmem>>)
        tpu.yield
      }) : () -> ()
      %run_scoped3A = arith.constant 0 : i32
      "tpu.region"() ({
        %run_scoped3A_17 = tpu.sem_alloc : memref<!tpu.dma_semaphore, #tpu.memory_space<semaphore_mem>>
        %dma_start3A = arith.constant 0 : i32
        %dma_start3A_18 = tpu.memref_slice %arg8[%run_scoped3A, %dma_start3A] : memref<1x128xi32, #tpu.memory_space<vmem>> -> memref<1x128xi32, #tpu.memory_space<vmem>>
        %dma_start3A_19 = tpu.memref_squeeze %dma_start3A_18 : memref<1x128xi32, #tpu.memory_space<vmem>> -> memref<128xi32, #tpu.memory_space<vmem>>
        %dma_start3A_20 = arith.constant 0 : i32
        %dma_start3A_21 = arith.constant 0 : i32
        %dma_start3A_22 = tpu.memref_slice %arg10[%dma_start3A_20, %dma_start3A_21] : memref<10000x128xf32, #tpu.memory_space<vmem_shared>> -> memref<10000x128xf32, #tpu.memory_space<vmem_shared>>
        tpu.enqueue_indirect_dma source(%arg9 : memref<128x128xf32, #tpu.memory_space<vmem>>) target(%dma_start3A_22 : memref<10000x128xf32, #tpu.memory_space<vmem_shared>>) offsets(%dma_start3A_19 : memref<128xi32, #tpu.memory_space<vmem>>) semaphore(%run_scoped3A_17 : memref<!tpu.dma_semaphore, #tpu.memory_space<semaphore_mem>>) {add = true}
        %dma_wait3A = arith.constant 0 : i32
        %dma_wait3A_23 = tpu.memref_slice %arg8[%run_scoped3A, %dma_wait3A] : memref<1x128xi32, #tpu.memory_space<vmem>> -> memref<1x128xi32, #tpu.memory_space<vmem>>
        %dma_wait3A_24 = tpu.memref_squeeze %dma_wait3A_23 : memref<1x128xi32, #tpu.memory_space<vmem>> -> memref<128xi32, #tpu.memory_space<vmem>>
        %dma_wait3A_25 = arith.constant 0 : i32
        %dma_wait3A_26 = arith.constant 0 : i32
        %dma_wait3A_27 = tpu.memref_slice %arg10[%dma_wait3A_25, %dma_wait3A_26] : memref<10000x128xf32, #tpu.memory_space<vmem_shared>> -> memref<10000x128xf32, #tpu.memory_space<vmem_shared>>
        tpu.wait_indirect_dma semaphore(%run_scoped3A_17 : memref<!tpu.dma_semaphore, #tpu.memory_space<semaphore_mem>>) src(%arg9 : memref<128x128xf32, #tpu.memory_space<vmem>>) dst(%dma_wait3A_27 : memref<10000x128xf32, #tpu.memory_space<vmem_shared>>)
        tpu.yield
      }) : () -> ()
    } else {
    }
    %barrier3A_11 = arith.constant 0 : index
    tpu.barrier barrier_id(%barrier3A_11)
    %lt3A_12 = arith.constant 10 : i32
    %lt3A_13 = arith.cmpi slt, %arg1, %lt3A_12 : i32
    %convert_element_type3A_14 = arith.extui %lt3A_13 : i1 to i32
    %cond3A_15 = arith.constant 0 : i32
    %cond3A_16 = arith.cmpi ne, %convert_element_type3A_14, %cond3A_15 : i32
    scf.if %cond3A_16 {
      %mul3A = arith.constant 1000 : i32
      %mul3A_17 = arith.muli %arg1, %mul3A : i32
      "tpu.region"() ({
        %run_scoped3A = tpu.sem_alloc : memref<!tpu.dma_semaphore, #tpu.memory_space<semaphore_mem>>
        %dma_start3A = arith.constant 0 : i32
        %dma_start3A_18 = tpu.memref_slice %arg6[%arg0, %mul3A_17, %dma_start3A] : memref<2x10000x128xf32, #tpu.memory_space<hbm>> -> memref<1x1000x128xf32, #tpu.memory_space<hbm>>
        %dma_start3A_19 = tpu.memref_squeeze %dma_start3A_18 : memref<1x1000x128xf32, #tpu.memory_space<hbm>> -> memref<1000x128xf32, #tpu.memory_space<hbm>>
        %dma_start3A_20 = arith.constant 0 : i32
        %dma_start3A_21 = tpu.memref_slice %arg10[%mul3A_17, %dma_start3A_20] : memref<10000x128xf32, #tpu.memory_space<vmem_shared>> -> memref<1000x128xf32, #tpu.memory_space<vmem_shared>>
        tpu.enqueue_dma source(%dma_start3A_21 : memref<1000x128xf32, #tpu.memory_space<vmem_shared>>) target(%dma_start3A_19 : memref<1000x128xf32, #tpu.memory_space<hbm>>) target_semaphore(%run_scoped3A : memref<!tpu.dma_semaphore, #tpu.memory_space<semaphore_mem>>)
        %dma_wait3A = arith.constant 0 : i32
        %dma_wait3A_22 = tpu.memref_slice %arg6[%arg0, %mul3A_17, %dma_wait3A] : memref<2x10000x128xf32, #tpu.memory_space<hbm>> -> memref<1x1000x128xf32, #tpu.memory_space<hbm>>
        %dma_wait3A_23 = tpu.memref_squeeze %dma_wait3A_22 : memref<1x1000x128xf32, #tpu.memory_space<hbm>> -> memref<1000x128xf32, #tpu.memory_space<hbm>>
        %dma_wait3A_24 = arith.constant 0 : i32
        %dma_wait3A_25 = tpu.memref_slice %arg10[%mul3A_17, %dma_wait3A_24] : memref<10000x128xf32, #tpu.memory_space<vmem_shared>> -> memref<1000x128xf32, #tpu.memory_space<vmem_shared>>
        tpu.wait_dma2 semaphore(%run_scoped3A : memref<!tpu.dma_semaphore, #tpu.memory_space<semaphore_mem>>) src(%dma_wait3A_25 : memref<1000x128xf32, #tpu.memory_space<vmem_shared>>) dst(%dma_wait3A_23 : memref<1000x128xf32, #tpu.memory_space<hbm>>)
        tpu.yield
      }) : () -> ()
    } else {
    }
    return
  }
}

#map = affine_map<(d0, d1) -> (0, 0)>
#map1 = affine_map<(d0, d1) -> (0, 0, 0, 0, 0)>
#map2 = affine_map<(d0, d1) -> (0, 0, 0, 0)>
#map3 = affine_map<(d0, d1) -> (0, 0, 0)>
module attributes {stable_mosaic.version = 14 : i64} {
  func.func @_sc_aggregate(%arg0: i32, %arg1: i32, %arg2: memref<10000x128xf32, #tpu.memory_space<hbm>>, %arg3: memref<2x16x3x26x128xi32, #tpu.memory_space<hbm>>, %arg4: memref<2x16x78x128xi32, #tpu.memory_space<hbm>>, %arg5: memref<2x2x128xi32, #tpu.memory_space<hbm>>, %arg6: memref<2x2x128xi32, #tpu.memory_space<hbm>>, %arg7: memref<1000x128xf32, #tpu.memory_space<hbm>>, %arg8: memref<2x10000x128xf32, #tpu.memory_space<hbm>>, %arg9: memref<26x128xi32, #tpu.memory_space<vmem>>, %arg10: memref<78x128xi32, #tpu.memory_space<vmem>>, %arg11: memref<1x128xi32, #tpu.memory_space<vmem>>, %arg12: memref<1x128xi32, #tpu.memory_space<vmem>>, %arg13: memref<128x128xf32, #tpu.memory_space<vmem>>, %arg14: memref<128x128xf32, #tpu.memory_space<vmem>>, %arg15: memref<10000x128xf32, #tpu.memory_space<vmem_shared>>, %arg16: memref<!tpu.dma_semaphore, #tpu.memory_space<semaphore_mem>>, %arg17: memref<!tpu.dma_semaphore, #tpu.memory_space<semaphore_mem>>) attributes {dimension_semantics = [#tpu.dimension_semantics<core_parallel>, #tpu.dimension_semantics<subcore_parallel>], iteration_bounds = array<i64: 2, 16>, scalar_prefetch = 0 : i64, scratch_operands = 9 : i64, tpu.core_type = #tpu.core_type<sc_vector_subcore>, window_params = [{transform_indices = #map}, {transform_indices = #map1}, {transform_indices = #map2}, {transform_indices = #map3}, {transform_indices = #map3}, {transform_indices = #map}, {transform_indices = #map3}]} {
    "tpu.region"() ({
      %run_scoped3A = tpu.sem_alloc : memref<!tpu.dma_semaphore, #tpu.memory_space<semaphore_mem>>
      %dma_start3A = arith.constant 0 : i32
      %dma_start3A_17 = arith.constant 0 : i32
      %dma_start3A_18 = tpu.memref_slice %arg4[%arg0, %arg1, %dma_start3A, %dma_start3A_17] : memref<2x16x78x128xi32, #tpu.memory_space<hbm>> -> memref<1x1x78x128xi32, #tpu.memory_space<hbm>>
      %dma_start3A_19 = tpu.memref_squeeze %dma_start3A_18 : memref<1x1x78x128xi32, #tpu.memory_space<hbm>> -> memref<78x128xi32, #tpu.memory_space<hbm>>
      %dma_start3A_20 = arith.constant 0 : i32
      %dma_start3A_21 = arith.constant 0 : i32
      %dma_start3A_22 = tpu.memref_slice %arg4[%arg0, %arg1, %dma_start3A_20, %dma_start3A_21] : memref<2x16x78x128xi32, #tpu.memory_space<hbm>> -> memref<1x1x78x128xi32, #tpu.memory_space<hbm>>
      %dma_start3A_23 = tpu.memref_squeeze %dma_start3A_22 : memref<1x1x78x128xi32, #tpu.memory_space<hbm>> -> memref<78x128xi32, #tpu.memory_space<hbm>>
      tpu.enqueue_dma source(%dma_start3A_23 : memref<78x128xi32, #tpu.memory_space<hbm>>) target(%arg10 : memref<78x128xi32, #tpu.memory_space<vmem>>) target_semaphore(%run_scoped3A : memref<!tpu.dma_semaphore, #tpu.memory_space<semaphore_mem>>)
      %dma_wait3A = arith.constant 0 : i32
      %dma_wait3A_24 = arith.constant 0 : i32
      %dma_wait3A_25 = tpu.memref_slice %arg4[%arg0, %arg1, %dma_wait3A, %dma_wait3A_24] : memref<2x16x78x128xi32, #tpu.memory_space<hbm>> -> memref<1x1x78x128xi32, #tpu.memory_space<hbm>>
      %dma_wait3A_26 = tpu.memref_squeeze %dma_wait3A_25 : memref<1x1x78x128xi32, #tpu.memory_space<hbm>> -> memref<78x128xi32, #tpu.memory_space<hbm>>
      %dma_wait3A_27 = arith.constant 0 : i32
      %dma_wait3A_28 = arith.constant 0 : i32
      %dma_wait3A_29 = tpu.memref_slice %arg4[%arg0, %arg1, %dma_wait3A_27, %dma_wait3A_28] : memref<2x16x78x128xi32, #tpu.memory_space<hbm>> -> memref<1x1x78x128xi32, #tpu.memory_space<hbm>>
      %dma_wait3A_30 = tpu.memref_squeeze %dma_wait3A_29 : memref<1x1x78x128xi32, #tpu.memory_space<hbm>> -> memref<78x128xi32, #tpu.memory_space<hbm>>
      tpu.wait_dma2 semaphore(%run_scoped3A : memref<!tpu.dma_semaphore, #tpu.memory_space<semaphore_mem>>) src(%dma_wait3A_30 : memref<78x128xi32, #tpu.memory_space<hbm>>) dst(%arg10 : memref<78x128xi32, #tpu.memory_space<vmem>>)
      tpu.yield
    }) : () -> ()
    %lt3A = arith.constant 10 : i32
    %lt3A_0 = arith.cmpi slt, %arg1, %lt3A : i32
    %convert_element_type3A = arith.extui %lt3A_0 : i1 to i32
    %cond3A = arith.constant 0 : i32
    %cond3A_1 = arith.cmpi ne, %convert_element_type3A, %cond3A : i32
    scf.if %cond3A_1 {
      %mul3A = arith.constant 1000 : i32
      %mul3A_17 = arith.muli %arg1, %mul3A : i32
      "tpu.region"() ({
        %run_scoped3A = tpu.sem_alloc : memref<!tpu.dma_semaphore, #tpu.memory_space<semaphore_mem>>
        %dma_start3A = arith.constant 0 : i32
        %dma_start3A_18 = tpu.memref_slice %arg15[%mul3A_17, %dma_start3A] : memref<10000x128xf32, #tpu.memory_space<vmem_shared>> -> memref<1000x128xf32, #tpu.memory_space<vmem_shared>>
        tpu.enqueue_dma source(%arg7 : memref<1000x128xf32, #tpu.memory_space<hbm>>) target(%dma_start3A_18 : memref<1000x128xf32, #tpu.memory_space<vmem_shared>>) target_semaphore(%run_scoped3A : memref<!tpu.dma_semaphore, #tpu.memory_space<semaphore_mem>>)
        %dma_wait3A = arith.constant 0 : i32
        %dma_wait3A_19 = tpu.memref_slice %arg15[%mul3A_17, %dma_wait3A] : memref<10000x128xf32, #tpu.memory_space<vmem_shared>> -> memref<1000x128xf32, #tpu.memory_space<vmem_shared>>
        tpu.wait_dma2 semaphore(%run_scoped3A : memref<!tpu.dma_semaphore, #tpu.memory_space<semaphore_mem>>) src(%arg7 : memref<1000x128xf32, #tpu.memory_space<hbm>>) dst(%dma_wait3A_19 : memref<1000x128xf32, #tpu.memory_space<vmem_shared>>)
        tpu.yield
      }) : () -> ()
    } else {
    }
    %barrier3A = arith.constant 0 : index
    tpu.barrier barrier_id(%barrier3A)
    %scan3A = arith.constant 0 : i32
    %scan3A_2 = arith.constant 3 : i32
    %scan3A_3 = arith.addi %scan3A, %scan3A_2 : i32
    %scan3A_4 = arith.constant 1 : i32
    scf.for %scan3A_17 = %scan3A to %scan3A_3 step %scan3A_4  : i32 {
      %mul3A = arith.constant 1 : i32
      %mul3A_18 = arith.muli %scan3A_17, %mul3A : i32
      %add3A = arith.constant 0 : i32
      %add3A_19 = arith.addi %add3A, %mul3A_18 : i32
      %mul3A_20 = arith.constant 26 : i32
      %mul3A_21 = arith.muli %add3A_19, %mul3A_20 : i32
      "tpu.region"() ({
        %run_scoped3A = tpu.sem_alloc : memref<!tpu.dma_semaphore, #tpu.memory_space<semaphore_mem>>
        %dma_start3A_60 = arith.constant 0 : i32
        %dma_start3A_61 = arith.constant 0 : i32
        %dma_start3A_62 = tpu.memref_slice %arg3[%arg0, %arg1, %add3A_19, %dma_start3A_60, %dma_start3A_61] : memref<2x16x3x26x128xi32, #tpu.memory_space<hbm>> -> memref<1x1x1x26x128xi32, #tpu.memory_space<hbm>>
        %dma_start3A_63 = tpu.memref_squeeze %dma_start3A_62 : memref<1x1x1x26x128xi32, #tpu.memory_space<hbm>> -> memref<26x128xi32, #tpu.memory_space<hbm>>
        %dma_start3A_64 = arith.constant 0 : i32
        %dma_start3A_65 = arith.constant 0 : i32
        %dma_start3A_66 = tpu.memref_slice %arg3[%arg0, %arg1, %add3A_19, %dma_start3A_64, %dma_start3A_65] : memref<2x16x3x26x128xi32, #tpu.memory_space<hbm>> -> memref<1x1x1x26x128xi32, #tpu.memory_space<hbm>>
        %dma_start3A_67 = tpu.memref_squeeze %dma_start3A_66 : memref<1x1x1x26x128xi32, #tpu.memory_space<hbm>> -> memref<26x128xi32, #tpu.memory_space<hbm>>
        tpu.enqueue_dma source(%dma_start3A_67 : memref<26x128xi32, #tpu.memory_space<hbm>>) target(%arg9 : memref<26x128xi32, #tpu.memory_space<vmem>>) target_semaphore(%run_scoped3A : memref<!tpu.dma_semaphore, #tpu.memory_space<semaphore_mem>>)
        %dma_wait3A_68 = arith.constant 0 : i32
        %dma_wait3A_69 = arith.constant 0 : i32
        %dma_wait3A_70 = tpu.memref_slice %arg3[%arg0, %arg1, %add3A_19, %dma_wait3A_68, %dma_wait3A_69] : memref<2x16x3x26x128xi32, #tpu.memory_space<hbm>> -> memref<1x1x1x26x128xi32, #tpu.memory_space<hbm>>
        %dma_wait3A_71 = tpu.memref_squeeze %dma_wait3A_70 : memref<1x1x1x26x128xi32, #tpu.memory_space<hbm>> -> memref<26x128xi32, #tpu.memory_space<hbm>>
        %dma_wait3A_72 = arith.constant 0 : i32
        %dma_wait3A_73 = arith.constant 0 : i32
        %dma_wait3A_74 = tpu.memref_slice %arg3[%arg0, %arg1, %add3A_19, %dma_wait3A_72, %dma_wait3A_73] : memref<2x16x3x26x128xi32, #tpu.memory_space<hbm>> -> memref<1x1x1x26x128xi32, #tpu.memory_space<hbm>>
        %dma_wait3A_75 = tpu.memref_squeeze %dma_wait3A_74 : memref<1x1x1x26x128xi32, #tpu.memory_space<hbm>> -> memref<26x128xi32, #tpu.memory_space<hbm>>
        tpu.wait_dma2 semaphore(%run_scoped3A : memref<!tpu.dma_semaphore, #tpu.memory_space<semaphore_mem>>) src(%dma_wait3A_75 : memref<26x128xi32, #tpu.memory_space<hbm>>) dst(%arg9 : memref<26x128xi32, #tpu.memory_space<vmem>>)
        tpu.yield
      }) : () -> ()
      %dma_start3A = arith.constant 0 : i32
      %dma_start3A_22 = arith.constant 0 : i32
      %dma_start3A_23 = tpu.memref_slice %arg9[%dma_start3A, %dma_start3A_22] : memref<26x128xi32, #tpu.memory_space<vmem>> -> memref<1x128xi32, #tpu.memory_space<vmem>>
      %dma_start3A_24 = tpu.memref_squeeze %dma_start3A_23 : memref<1x128xi32, #tpu.memory_space<vmem>> -> memref<128xi32, #tpu.memory_space<vmem>>
      %dma_start3A_25 = arith.constant 0 : i32
      %dma_start3A_26 = arith.constant 0 : i32
      %dma_start3A_27 = tpu.memref_slice %arg2[%dma_start3A_25, %dma_start3A_26] : memref<10000x128xf32, #tpu.memory_space<hbm>> -> memref<10000x128xf32, #tpu.memory_space<hbm>>
      tpu.enqueue_indirect_dma source(%dma_start3A_27 : memref<10000x128xf32, #tpu.memory_space<hbm>>) target(%arg13 : memref<128x128xf32, #tpu.memory_space<vmem>>) offsets(%dma_start3A_24 : memref<128xi32, #tpu.memory_space<vmem>>) semaphore(%arg16 : memref<!tpu.dma_semaphore, #tpu.memory_space<semaphore_mem>>)
      %scan3A_28 = arith.constant 0 : i32
      %scan3A_29 = arith.constant 12 : i32
      %scan3A_30 = arith.addi %scan3A_28, %scan3A_29 : i32
      %scan3A_31 = arith.constant 1 : i32
      scf.for %scan3A_60 = %scan3A_28 to %scan3A_30 step %scan3A_31  : i32 {
        %mul3A_61 = arith.constant 2 : i32
        %mul3A_62 = arith.muli %scan3A_60, %mul3A_61 : i32
        %add3A_63 = arith.constant 0 : i32
        %add3A_64 = arith.addi %add3A_63, %mul3A_62 : i32
        %add3A_65 = arith.constant 1 : i32
        %add3A_66 = arith.addi %add3A_64, %add3A_65 : i32
        %dma_start3A_67 = arith.constant 0 : i32
        %dma_start3A_68 = tpu.memref_slice %arg9[%add3A_66, %dma_start3A_67] : memref<26x128xi32, #tpu.memory_space<vmem>> -> memref<1x128xi32, #tpu.memory_space<vmem>>
        %dma_start3A_69 = tpu.memref_squeeze %dma_start3A_68 : memref<1x128xi32, #tpu.memory_space<vmem>> -> memref<128xi32, #tpu.memory_space<vmem>>
        %dma_start3A_70 = arith.constant 0 : i32
        %dma_start3A_71 = arith.constant 0 : i32
        %dma_start3A_72 = tpu.memref_slice %arg2[%dma_start3A_70, %dma_start3A_71] : memref<10000x128xf32, #tpu.memory_space<hbm>> -> memref<10000x128xf32, #tpu.memory_space<hbm>>
        tpu.enqueue_indirect_dma source(%dma_start3A_72 : memref<10000x128xf32, #tpu.memory_space<hbm>>) target(%arg14 : memref<128x128xf32, #tpu.memory_space<vmem>>) offsets(%dma_start3A_69 : memref<128xi32, #tpu.memory_space<vmem>>) semaphore(%arg17 : memref<!tpu.dma_semaphore, #tpu.memory_space<semaphore_mem>>)
        %dma_wait3A_73 = arith.constant 0 : i32
        %dma_wait3A_74 = tpu.memref_slice %arg9[%add3A_64, %dma_wait3A_73] : memref<26x128xi32, #tpu.memory_space<vmem>> -> memref<1x128xi32, #tpu.memory_space<vmem>>
        %dma_wait3A_75 = tpu.memref_squeeze %dma_wait3A_74 : memref<1x128xi32, #tpu.memory_space<vmem>> -> memref<128xi32, #tpu.memory_space<vmem>>
        %dma_wait3A_76 = arith.constant 0 : i32
        %dma_wait3A_77 = arith.constant 0 : i32
        %dma_wait3A_78 = tpu.memref_slice %arg2[%dma_wait3A_76, %dma_wait3A_77] : memref<10000x128xf32, #tpu.memory_space<hbm>> -> memref<10000x128xf32, #tpu.memory_space<hbm>>
        tpu.wait_indirect_dma semaphore(%arg16 : memref<!tpu.dma_semaphore, #tpu.memory_space<semaphore_mem>>) src(%dma_wait3A_78 : memref<10000x128xf32, #tpu.memory_space<hbm>>) dst(%arg13 : memref<128x128xf32, #tpu.memory_space<vmem>>)
        %add3A_79 = arith.addi %mul3A_21, %add3A_64 : i32
        "tpu.region"() ({
          %run_scoped3A = tpu.sem_alloc : memref<!tpu.dma_semaphore, #tpu.memory_space<semaphore_mem>>
          %dma_start3A_99 = arith.constant 0 : i32
          %dma_start3A_100 = tpu.memref_slice %arg10[%add3A_79, %dma_start3A_99] : memref<78x128xi32, #tpu.memory_space<vmem>> -> memref<1x128xi32, #tpu.memory_space<vmem>>
          %dma_start3A_101 = tpu.memref_squeeze %dma_start3A_100 : memref<1x128xi32, #tpu.memory_space<vmem>> -> memref<128xi32, #tpu.memory_space<vmem>>
          %dma_start3A_102 = arith.constant 0 : i32
          %dma_start3A_103 = arith.constant 0 : i32
          %dma_start3A_104 = tpu.memref_slice %arg15[%dma_start3A_102, %dma_start3A_103] : memref<10000x128xf32, #tpu.memory_space<vmem_shared>> -> memref<10000x128xf32, #tpu.memory_space<vmem_shared>>
          tpu.enqueue_indirect_dma source(%arg13 : memref<128x128xf32, #tpu.memory_space<vmem>>) target(%dma_start3A_104 : memref<10000x128xf32, #tpu.memory_space<vmem_shared>>) offsets(%dma_start3A_101 : memref<128xi32, #tpu.memory_space<vmem>>) semaphore(%run_scoped3A : memref<!tpu.dma_semaphore, #tpu.memory_space<semaphore_mem>>) {add = true}
          %dma_wait3A_105 = arith.constant 0 : i32
          %dma_wait3A_106 = tpu.memref_slice %arg10[%add3A_79, %dma_wait3A_105] : memref<78x128xi32, #tpu.memory_space<vmem>> -> memref<1x128xi32, #tpu.memory_space<vmem>>
          %dma_wait3A_107 = tpu.memref_squeeze %dma_wait3A_106 : memref<1x128xi32, #tpu.memory_space<vmem>> -> memref<128xi32, #tpu.memory_space<vmem>>
          %dma_wait3A_108 = arith.constant 0 : i32
          %dma_wait3A_109 = arith.constant 0 : i32
          %dma_wait3A_110 = tpu.memref_slice %arg15[%dma_wait3A_108, %dma_wait3A_109] : memref<10000x128xf32, #tpu.memory_space<vmem_shared>> -> memref<10000x128xf32, #tpu.memory_space<vmem_shared>>
          tpu.wait_indirect_dma semaphore(%run_scoped3A : memref<!tpu.dma_semaphore, #tpu.memory_space<semaphore_mem>>) src(%arg13 : memref<128x128xf32, #tpu.memory_space<vmem>>) dst(%dma_wait3A_110 : memref<10000x128xf32, #tpu.memory_space<vmem_shared>>)
          tpu.yield
        }) : () -> ()
        %add3A_80 = arith.constant 2 : i32
        %add3A_81 = arith.addi %add3A_64, %add3A_80 : i32
        %dma_start3A_82 = arith.constant 0 : i32
        %dma_start3A_83 = tpu.memref_slice %arg9[%add3A_81, %dma_start3A_82] : memref<26x128xi32, #tpu.memory_space<vmem>> -> memref<1x128xi32, #tpu.memory_space<vmem>>
        %dma_start3A_84 = tpu.memref_squeeze %dma_start3A_83 : memref<1x128xi32, #tpu.memory_space<vmem>> -> memref<128xi32, #tpu.memory_space<vmem>>
        %dma_start3A_85 = arith.constant 0 : i32
        %dma_start3A_86 = arith.constant 0 : i32
        %dma_start3A_87 = tpu.memref_slice %arg2[%dma_start3A_85, %dma_start3A_86] : memref<10000x128xf32, #tpu.memory_space<hbm>> -> memref<10000x128xf32, #tpu.memory_space<hbm>>
        tpu.enqueue_indirect_dma source(%dma_start3A_87 : memref<10000x128xf32, #tpu.memory_space<hbm>>) target(%arg13 : memref<128x128xf32, #tpu.memory_space<vmem>>) offsets(%dma_start3A_84 : memref<128xi32, #tpu.memory_space<vmem>>) semaphore(%arg16 : memref<!tpu.dma_semaphore, #tpu.memory_space<semaphore_mem>>)
        %add3A_88 = arith.constant 1 : i32
        %add3A_89 = arith.addi %add3A_64, %add3A_88 : i32
        %dma_wait3A_90 = arith.constant 0 : i32
        %dma_wait3A_91 = tpu.memref_slice %arg9[%add3A_89, %dma_wait3A_90] : memref<26x128xi32, #tpu.memory_space<vmem>> -> memref<1x128xi32, #tpu.memory_space<vmem>>
        %dma_wait3A_92 = tpu.memref_squeeze %dma_wait3A_91 : memref<1x128xi32, #tpu.memory_space<vmem>> -> memref<128xi32, #tpu.memory_space<vmem>>
        %dma_wait3A_93 = arith.constant 0 : i32
        %dma_wait3A_94 = arith.constant 0 : i32
        %dma_wait3A_95 = tpu.memref_slice %arg2[%dma_wait3A_93, %dma_wait3A_94] : memref<10000x128xf32, #tpu.memory_space<hbm>> -> memref<10000x128xf32, #tpu.memory_space<hbm>>
        tpu.wait_indirect_dma semaphore(%arg17 : memref<!tpu.dma_semaphore, #tpu.memory_space<semaphore_mem>>) src(%dma_wait3A_95 : memref<10000x128xf32, #tpu.memory_space<hbm>>) dst(%arg14 : memref<128x128xf32, #tpu.memory_space<vmem>>)
        %add3A_96 = arith.addi %mul3A_21, %add3A_64 : i32
        %add3A_97 = arith.constant 1 : i32
        %add3A_98 = arith.addi %add3A_96, %add3A_97 : i32
        "tpu.region"() ({
          %run_scoped3A = tpu.sem_alloc : memref<!tpu.dma_semaphore, #tpu.memory_space<semaphore_mem>>
          %dma_start3A_99 = arith.constant 0 : i32
          %dma_start3A_100 = tpu.memref_slice %arg10[%add3A_98, %dma_start3A_99] : memref<78x128xi32, #tpu.memory_space<vmem>> -> memref<1x128xi32, #tpu.memory_space<vmem>>
          %dma_start3A_101 = tpu.memref_squeeze %dma_start3A_100 : memref<1x128xi32, #tpu.memory_space<vmem>> -> memref<128xi32, #tpu.memory_space<vmem>>
          %dma_start3A_102 = arith.constant 0 : i32
          %dma_start3A_103 = arith.constant 0 : i32
          %dma_start3A_104 = tpu.memref_slice %arg15[%dma_start3A_102, %dma_start3A_103] : memref<10000x128xf32, #tpu.memory_space<vmem_shared>> -> memref<10000x128xf32, #tpu.memory_space<vmem_shared>>
          tpu.enqueue_indirect_dma source(%arg14 : memref<128x128xf32, #tpu.memory_space<vmem>>) target(%dma_start3A_104 : memref<10000x128xf32, #tpu.memory_space<vmem_shared>>) offsets(%dma_start3A_101 : memref<128xi32, #tpu.memory_space<vmem>>) semaphore(%run_scoped3A : memref<!tpu.dma_semaphore, #tpu.memory_space<semaphore_mem>>) {add = true}
          %dma_wait3A_105 = arith.constant 0 : i32
          %dma_wait3A_106 = tpu.memref_slice %arg10[%add3A_98, %dma_wait3A_105] : memref<78x128xi32, #tpu.memory_space<vmem>> -> memref<1x128xi32, #tpu.memory_space<vmem>>
          %dma_wait3A_107 = tpu.memref_squeeze %dma_wait3A_106 : memref<1x128xi32, #tpu.memory_space<vmem>> -> memref<128xi32, #tpu.memory_space<vmem>>
          %dma_wait3A_108 = arith.constant 0 : i32
          %dma_wait3A_109 = arith.constant 0 : i32
          %dma_wait3A_110 = tpu.memref_slice %arg15[%dma_wait3A_108, %dma_wait3A_109] : memref<10000x128xf32, #tpu.memory_space<vmem_shared>> -> memref<10000x128xf32, #tpu.memory_space<vmem_shared>>
          tpu.wait_indirect_dma semaphore(%run_scoped3A : memref<!tpu.dma_semaphore, #tpu.memory_space<semaphore_mem>>) src(%arg14 : memref<128x128xf32, #tpu.memory_space<vmem>>) dst(%dma_wait3A_110 : memref<10000x128xf32, #tpu.memory_space<vmem_shared>>)
          tpu.yield
        }) : () -> ()
      }
      %scan3A_32 = arith.constant 12 : i32
      %dma_start3A_33 = arith.constant 25 : i32
      %dma_start3A_34 = arith.constant 0 : i32
      %dma_start3A_35 = tpu.memref_slice %arg9[%dma_start3A_33, %dma_start3A_34] : memref<26x128xi32, #tpu.memory_space<vmem>> -> memref<1x128xi32, #tpu.memory_space<vmem>>
      %dma_start3A_36 = tpu.memref_squeeze %dma_start3A_35 : memref<1x128xi32, #tpu.memory_space<vmem>> -> memref<128xi32, #tpu.memory_space<vmem>>
      %dma_start3A_37 = arith.constant 0 : i32
      %dma_start3A_38 = arith.constant 0 : i32
      %dma_start3A_39 = tpu.memref_slice %arg2[%dma_start3A_37, %dma_start3A_38] : memref<10000x128xf32, #tpu.memory_space<hbm>> -> memref<10000x128xf32, #tpu.memory_space<hbm>>
      tpu.enqueue_indirect_dma source(%dma_start3A_39 : memref<10000x128xf32, #tpu.memory_space<hbm>>) target(%arg14 : memref<128x128xf32, #tpu.memory_space<vmem>>) offsets(%dma_start3A_36 : memref<128xi32, #tpu.memory_space<vmem>>) semaphore(%arg17 : memref<!tpu.dma_semaphore, #tpu.memory_space<semaphore_mem>>)
      %dma_wait3A = arith.constant 24 : i32
      %dma_wait3A_40 = arith.constant 0 : i32
      %dma_wait3A_41 = tpu.memref_slice %arg9[%dma_wait3A, %dma_wait3A_40] : memref<26x128xi32, #tpu.memory_space<vmem>> -> memref<1x128xi32, #tpu.memory_space<vmem>>
      %dma_wait3A_42 = tpu.memref_squeeze %dma_wait3A_41 : memref<1x128xi32, #tpu.memory_space<vmem>> -> memref<128xi32, #tpu.memory_space<vmem>>
      %dma_wait3A_43 = arith.constant 0 : i32
      %dma_wait3A_44 = arith.constant 0 : i32
      %dma_wait3A_45 = tpu.memref_slice %arg2[%dma_wait3A_43, %dma_wait3A_44] : memref<10000x128xf32, #tpu.memory_space<hbm>> -> memref<10000x128xf32, #tpu.memory_space<hbm>>
      tpu.wait_indirect_dma semaphore(%arg16 : memref<!tpu.dma_semaphore, #tpu.memory_space<semaphore_mem>>) src(%dma_wait3A_45 : memref<10000x128xf32, #tpu.memory_space<hbm>>) dst(%arg13 : memref<128x128xf32, #tpu.memory_space<vmem>>)
      %add3A_46 = arith.constant 26 : i32
      %add3A_47 = arith.addi %mul3A_21, %add3A_46 : i32
      %sub3A = arith.constant 2 : i32
      %sub3A_48 = arith.subi %add3A_47, %sub3A : i32
      "tpu.region"() ({
        %run_scoped3A = tpu.sem_alloc : memref<!tpu.dma_semaphore, #tpu.memory_space<semaphore_mem>>
        %dma_start3A_60 = arith.constant 0 : i32
        %dma_start3A_61 = tpu.memref_slice %arg10[%sub3A_48, %dma_start3A_60] : memref<78x128xi32, #tpu.memory_space<vmem>> -> memref<1x128xi32, #tpu.memory_space<vmem>>
        %dma_start3A_62 = tpu.memref_squeeze %dma_start3A_61 : memref<1x128xi32, #tpu.memory_space<vmem>> -> memref<128xi32, #tpu.memory_space<vmem>>
        %dma_start3A_63 = arith.constant 0 : i32
        %dma_start3A_64 = arith.constant 0 : i32
        %dma_start3A_65 = tpu.memref_slice %arg15[%dma_start3A_63, %dma_start3A_64] : memref<10000x128xf32, #tpu.memory_space<vmem_shared>> -> memref<10000x128xf32, #tpu.memory_space<vmem_shared>>
        tpu.enqueue_indirect_dma source(%arg13 : memref<128x128xf32, #tpu.memory_space<vmem>>) target(%dma_start3A_65 : memref<10000x128xf32, #tpu.memory_space<vmem_shared>>) offsets(%dma_start3A_62 : memref<128xi32, #tpu.memory_space<vmem>>) semaphore(%run_scoped3A : memref<!tpu.dma_semaphore, #tpu.memory_space<semaphore_mem>>) {add = true}
        %dma_wait3A_66 = arith.constant 0 : i32
        %dma_wait3A_67 = tpu.memref_slice %arg10[%sub3A_48, %dma_wait3A_66] : memref<78x128xi32, #tpu.memory_space<vmem>> -> memref<1x128xi32, #tpu.memory_space<vmem>>
        %dma_wait3A_68 = tpu.memref_squeeze %dma_wait3A_67 : memref<1x128xi32, #tpu.memory_space<vmem>> -> memref<128xi32, #tpu.memory_space<vmem>>
        %dma_wait3A_69 = arith.constant 0 : i32
        %dma_wait3A_70 = arith.constant 0 : i32
        %dma_wait3A_71 = tpu.memref_slice %arg15[%dma_wait3A_69, %dma_wait3A_70] : memref<10000x128xf32, #tpu.memory_space<vmem_shared>> -> memref<10000x128xf32, #tpu.memory_space<vmem_shared>>
        tpu.wait_indirect_dma semaphore(%run_scoped3A : memref<!tpu.dma_semaphore, #tpu.memory_space<semaphore_mem>>) src(%arg13 : memref<128x128xf32, #tpu.memory_space<vmem>>) dst(%dma_wait3A_71 : memref<10000x128xf32, #tpu.memory_space<vmem_shared>>)
        tpu.yield
      }) : () -> ()
      %dma_wait3A_49 = arith.constant 25 : i32
      %dma_wait3A_50 = arith.constant 0 : i32
      %dma_wait3A_51 = tpu.memref_slice %arg9[%dma_wait3A_49, %dma_wait3A_50] : memref<26x128xi32, #tpu.memory_space<vmem>> -> memref<1x128xi32, #tpu.memory_space<vmem>>
      %dma_wait3A_52 = tpu.memref_squeeze %dma_wait3A_51 : memref<1x128xi32, #tpu.memory_space<vmem>> -> memref<128xi32, #tpu.memory_space<vmem>>
      %dma_wait3A_53 = arith.constant 0 : i32
      %dma_wait3A_54 = arith.constant 0 : i32
      %dma_wait3A_55 = tpu.memref_slice %arg2[%dma_wait3A_53, %dma_wait3A_54] : memref<10000x128xf32, #tpu.memory_space<hbm>> -> memref<10000x128xf32, #tpu.memory_space<hbm>>
      tpu.wait_indirect_dma semaphore(%arg17 : memref<!tpu.dma_semaphore, #tpu.memory_space<semaphore_mem>>) src(%dma_wait3A_55 : memref<10000x128xf32, #tpu.memory_space<hbm>>) dst(%arg14 : memref<128x128xf32, #tpu.memory_space<vmem>>)
      %add3A_56 = arith.constant 26 : i32
      %add3A_57 = arith.addi %mul3A_21, %add3A_56 : i32
      %sub3A_58 = arith.constant 1 : i32
      %sub3A_59 = arith.subi %add3A_57, %sub3A_58 : i32
      "tpu.region"() ({
        %run_scoped3A = tpu.sem_alloc : memref<!tpu.dma_semaphore, #tpu.memory_space<semaphore_mem>>
        %dma_start3A_60 = arith.constant 0 : i32
        %dma_start3A_61 = tpu.memref_slice %arg10[%sub3A_59, %dma_start3A_60] : memref<78x128xi32, #tpu.memory_space<vmem>> -> memref<1x128xi32, #tpu.memory_space<vmem>>
        %dma_start3A_62 = tpu.memref_squeeze %dma_start3A_61 : memref<1x128xi32, #tpu.memory_space<vmem>> -> memref<128xi32, #tpu.memory_space<vmem>>
        %dma_start3A_63 = arith.constant 0 : i32
        %dma_start3A_64 = arith.constant 0 : i32
        %dma_start3A_65 = tpu.memref_slice %arg15[%dma_start3A_63, %dma_start3A_64] : memref<10000x128xf32, #tpu.memory_space<vmem_shared>> -> memref<10000x128xf32, #tpu.memory_space<vmem_shared>>
        tpu.enqueue_indirect_dma source(%arg14 : memref<128x128xf32, #tpu.memory_space<vmem>>) target(%dma_start3A_65 : memref<10000x128xf32, #tpu.memory_space<vmem_shared>>) offsets(%dma_start3A_62 : memref<128xi32, #tpu.memory_space<vmem>>) semaphore(%run_scoped3A : memref<!tpu.dma_semaphore, #tpu.memory_space<semaphore_mem>>) {add = true}
        %dma_wait3A_66 = arith.constant 0 : i32
        %dma_wait3A_67 = tpu.memref_slice %arg10[%sub3A_59, %dma_wait3A_66] : memref<78x128xi32, #tpu.memory_space<vmem>> -> memref<1x128xi32, #tpu.memory_space<vmem>>
        %dma_wait3A_68 = tpu.memref_squeeze %dma_wait3A_67 : memref<1x128xi32, #tpu.memory_space<vmem>> -> memref<128xi32, #tpu.memory_space<vmem>>
        %dma_wait3A_69 = arith.constant 0 : i32
        %dma_wait3A_70 = arith.constant 0 : i32
        %dma_wait3A_71 = tpu.memref_slice %arg15[%dma_wait3A_69, %dma_wait3A_70] : memref<10000x128xf32, #tpu.memory_space<vmem_shared>> -> memref<10000x128xf32, #tpu.memory_space<vmem_shared>>
        tpu.wait_indirect_dma semaphore(%run_scoped3A : memref<!tpu.dma_semaphore, #tpu.memory_space<semaphore_mem>>) src(%arg14 : memref<128x128xf32, #tpu.memory_space<vmem>>) dst(%dma_wait3A_71 : memref<10000x128xf32, #tpu.memory_space<vmem_shared>>)
        tpu.yield
      }) : () -> ()
    }
    %scan3A_5 = arith.constant 3 : i32
    %lt3A_6 = arith.constant 2 : i32
    %lt3A_7 = arith.cmpi slt, %arg1, %lt3A_6 : i32
    %convert_element_type3A_8 = arith.extui %lt3A_7 : i1 to i32
    %cond3A_9 = arith.constant 0 : i32
    %cond3A_10 = arith.cmpi ne, %convert_element_type3A_8, %cond3A_9 : i32
    scf.if %cond3A_10 {
      "tpu.region"() ({
        %run_scoped3A_18 = tpu.sem_alloc : memref<!tpu.dma_semaphore, #tpu.memory_space<semaphore_mem>>
        %dma_start3A = arith.constant 0 : i32
        %dma_start3A_19 = tpu.memref_slice %arg5[%arg0, %arg1, %dma_start3A] : memref<2x2x128xi32, #tpu.memory_space<hbm>> -> memref<1x1x128xi32, #tpu.memory_space<hbm>>
        %dma_start3A_20 = tpu.memref_squeeze %dma_start3A_19 : memref<1x1x128xi32, #tpu.memory_space<hbm>> -> memref<1x128xi32, #tpu.memory_space<hbm>>
        %dma_start3A_21 = arith.constant 0 : i32
        %dma_start3A_22 = tpu.memref_slice %arg5[%arg0, %arg1, %dma_start3A_21] : memref<2x2x128xi32, #tpu.memory_space<hbm>> -> memref<1x1x128xi32, #tpu.memory_space<hbm>>
        %dma_start3A_23 = tpu.memref_squeeze %dma_start3A_22 : memref<1x1x128xi32, #tpu.memory_space<hbm>> -> memref<1x128xi32, #tpu.memory_space<hbm>>
        tpu.enqueue_dma source(%dma_start3A_23 : memref<1x128xi32, #tpu.memory_space<hbm>>) target(%arg11 : memref<1x128xi32, #tpu.memory_space<vmem>>) target_semaphore(%run_scoped3A_18 : memref<!tpu.dma_semaphore, #tpu.memory_space<semaphore_mem>>)
        %dma_wait3A = arith.constant 0 : i32
        %dma_wait3A_24 = tpu.memref_slice %arg5[%arg0, %arg1, %dma_wait3A] : memref<2x2x128xi32, #tpu.memory_space<hbm>> -> memref<1x1x128xi32, #tpu.memory_space<hbm>>
        %dma_wait3A_25 = tpu.memref_squeeze %dma_wait3A_24 : memref<1x1x128xi32, #tpu.memory_space<hbm>> -> memref<1x128xi32, #tpu.memory_space<hbm>>
        %dma_wait3A_26 = arith.constant 0 : i32
        %dma_wait3A_27 = tpu.memref_slice %arg5[%arg0, %arg1, %dma_wait3A_26] : memref<2x2x128xi32, #tpu.memory_space<hbm>> -> memref<1x1x128xi32, #tpu.memory_space<hbm>>
        %dma_wait3A_28 = tpu.memref_squeeze %dma_wait3A_27 : memref<1x1x128xi32, #tpu.memory_space<hbm>> -> memref<1x128xi32, #tpu.memory_space<hbm>>
        tpu.wait_dma2 semaphore(%run_scoped3A_18 : memref<!tpu.dma_semaphore, #tpu.memory_space<semaphore_mem>>) src(%dma_wait3A_28 : memref<1x128xi32, #tpu.memory_space<hbm>>) dst(%arg11 : memref<1x128xi32, #tpu.memory_space<vmem>>)
        tpu.yield
      }) : () -> ()
      "tpu.region"() ({
        %run_scoped3A_18 = tpu.sem_alloc : memref<!tpu.dma_semaphore, #tpu.memory_space<semaphore_mem>>
        %dma_start3A = arith.constant 0 : i32
        %dma_start3A_19 = tpu.memref_slice %arg6[%arg0, %arg1, %dma_start3A] : memref<2x2x128xi32, #tpu.memory_space<hbm>> -> memref<1x1x128xi32, #tpu.memory_space<hbm>>
        %dma_start3A_20 = tpu.memref_squeeze %dma_start3A_19 : memref<1x1x128xi32, #tpu.memory_space<hbm>> -> memref<1x128xi32, #tpu.memory_space<hbm>>
        %dma_start3A_21 = arith.constant 0 : i32
        %dma_start3A_22 = tpu.memref_slice %arg6[%arg0, %arg1, %dma_start3A_21] : memref<2x2x128xi32, #tpu.memory_space<hbm>> -> memref<1x1x128xi32, #tpu.memory_space<hbm>>
        %dma_start3A_23 = tpu.memref_squeeze %dma_start3A_22 : memref<1x1x128xi32, #tpu.memory_space<hbm>> -> memref<1x128xi32, #tpu.memory_space<hbm>>
        tpu.enqueue_dma source(%dma_start3A_23 : memref<1x128xi32, #tpu.memory_space<hbm>>) target(%arg12 : memref<1x128xi32, #tpu.memory_space<vmem>>) target_semaphore(%run_scoped3A_18 : memref<!tpu.dma_semaphore, #tpu.memory_space<semaphore_mem>>)
        %dma_wait3A = arith.constant 0 : i32
        %dma_wait3A_24 = tpu.memref_slice %arg6[%arg0, %arg1, %dma_wait3A] : memref<2x2x128xi32, #tpu.memory_space<hbm>> -> memref<1x1x128xi32, #tpu.memory_space<hbm>>
        %dma_wait3A_25 = tpu.memref_squeeze %dma_wait3A_24 : memref<1x1x128xi32, #tpu.memory_space<hbm>> -> memref<1x128xi32, #tpu.memory_space<hbm>>
        %dma_wait3A_26 = arith.constant 0 : i32
        %dma_wait3A_27 = tpu.memref_slice %arg6[%arg0, %arg1, %dma_wait3A_26] : memref<2x2x128xi32, #tpu.memory_space<hbm>> -> memref<1x1x128xi32, #tpu.memory_space<hbm>>
        %dma_wait3A_28 = tpu.memref_squeeze %dma_wait3A_27 : memref<1x1x128xi32, #tpu.memory_space<hbm>> -> memref<1x128xi32, #tpu.memory_space<hbm>>
        tpu.wait_dma2 semaphore(%run_scoped3A_18 : memref<!tpu.dma_semaphore, #tpu.memory_space<semaphore_mem>>) src(%dma_wait3A_28 : memref<1x128xi32, #tpu.memory_space<hbm>>) dst(%arg12 : memref<1x128xi32, #tpu.memory_space<vmem>>)
        tpu.yield
      }) : () -> ()
      %run_scoped3A = arith.constant 0 : i32
      "tpu.region"() ({
        %run_scoped3A_18 = tpu.sem_alloc : memref<!tpu.dma_semaphore, #tpu.memory_space<semaphore_mem>>
        %dma_start3A = arith.constant 0 : i32
        %dma_start3A_19 = tpu.memref_slice %arg11[%run_scoped3A, %dma_start3A] : memref<1x128xi32, #tpu.memory_space<vmem>> -> memref<1x128xi32, #tpu.memory_space<vmem>>
        %dma_start3A_20 = tpu.memref_squeeze %dma_start3A_19 : memref<1x128xi32, #tpu.memory_space<vmem>> -> memref<128xi32, #tpu.memory_space<vmem>>
        %dma_start3A_21 = arith.constant 0 : i32
        %dma_start3A_22 = arith.constant 0 : i32
        %dma_start3A_23 = tpu.memref_slice %arg2[%dma_start3A_21, %dma_start3A_22] : memref<10000x128xf32, #tpu.memory_space<hbm>> -> memref<10000x128xf32, #tpu.memory_space<hbm>>
        tpu.enqueue_indirect_dma source(%dma_start3A_23 : memref<10000x128xf32, #tpu.memory_space<hbm>>) target(%arg13 : memref<128x128xf32, #tpu.memory_space<vmem>>) offsets(%dma_start3A_20 : memref<128xi32, #tpu.memory_space<vmem>>) semaphore(%run_scoped3A_18 : memref<!tpu.dma_semaphore, #tpu.memory_space<semaphore_mem>>)
        %dma_wait3A = arith.constant 0 : i32
        %dma_wait3A_24 = tpu.memref_slice %arg11[%run_scoped3A, %dma_wait3A] : memref<1x128xi32, #tpu.memory_space<vmem>> -> memref<1x128xi32, #tpu.memory_space<vmem>>
        %dma_wait3A_25 = tpu.memref_squeeze %dma_wait3A_24 : memref<1x128xi32, #tpu.memory_space<vmem>> -> memref<128xi32, #tpu.memory_space<vmem>>
        %dma_wait3A_26 = arith.constant 0 : i32
        %dma_wait3A_27 = arith.constant 0 : i32
        %dma_wait3A_28 = tpu.memref_slice %arg2[%dma_wait3A_26, %dma_wait3A_27] : memref<10000x128xf32, #tpu.memory_space<hbm>> -> memref<10000x128xf32, #tpu.memory_space<hbm>>
        tpu.wait_indirect_dma semaphore(%run_scoped3A_18 : memref<!tpu.dma_semaphore, #tpu.memory_space<semaphore_mem>>) src(%dma_wait3A_28 : memref<10000x128xf32, #tpu.memory_space<hbm>>) dst(%arg13 : memref<128x128xf32, #tpu.memory_space<vmem>>)
        tpu.yield
      }) : () -> ()
      %run_scoped3A_17 = arith.constant 0 : i32
      "tpu.region"() ({
        %run_scoped3A_18 = tpu.sem_alloc : memref<!tpu.dma_semaphore, #tpu.memory_space<semaphore_mem>>
        %dma_start3A = arith.constant 0 : i32
        %dma_start3A_19 = tpu.memref_slice %arg12[%run_scoped3A_17, %dma_start3A] : memref<1x128xi32, #tpu.memory_space<vmem>> -> memref<1x128xi32, #tpu.memory_space<vmem>>
        %dma_start3A_20 = tpu.memref_squeeze %dma_start3A_19 : memref<1x128xi32, #tpu.memory_space<vmem>> -> memref<128xi32, #tpu.memory_space<vmem>>
        %dma_start3A_21 = arith.constant 0 : i32
        %dma_start3A_22 = arith.constant 0 : i32
        %dma_start3A_23 = tpu.memref_slice %arg15[%dma_start3A_21, %dma_start3A_22] : memref<10000x128xf32, #tpu.memory_space<vmem_shared>> -> memref<10000x128xf32, #tpu.memory_space<vmem_shared>>
        tpu.enqueue_indirect_dma source(%arg13 : memref<128x128xf32, #tpu.memory_space<vmem>>) target(%dma_start3A_23 : memref<10000x128xf32, #tpu.memory_space<vmem_shared>>) offsets(%dma_start3A_20 : memref<128xi32, #tpu.memory_space<vmem>>) semaphore(%run_scoped3A_18 : memref<!tpu.dma_semaphore, #tpu.memory_space<semaphore_mem>>) {add = true}
        %dma_wait3A = arith.constant 0 : i32
        %dma_wait3A_24 = tpu.memref_slice %arg12[%run_scoped3A_17, %dma_wait3A] : memref<1x128xi32, #tpu.memory_space<vmem>> -> memref<1x128xi32, #tpu.memory_space<vmem>>
        %dma_wait3A_25 = tpu.memref_squeeze %dma_wait3A_24 : memref<1x128xi32, #tpu.memory_space<vmem>> -> memref<128xi32, #tpu.memory_space<vmem>>
        %dma_wait3A_26 = arith.constant 0 : i32
        %dma_wait3A_27 = arith.constant 0 : i32
        %dma_wait3A_28 = tpu.memref_slice %arg15[%dma_wait3A_26, %dma_wait3A_27] : memref<10000x128xf32, #tpu.memory_space<vmem_shared>> -> memref<10000x128xf32, #tpu.memory_space<vmem_shared>>
        tpu.wait_indirect_dma semaphore(%run_scoped3A_18 : memref<!tpu.dma_semaphore, #tpu.memory_space<semaphore_mem>>) src(%arg13 : memref<128x128xf32, #tpu.memory_space<vmem>>) dst(%dma_wait3A_28 : memref<10000x128xf32, #tpu.memory_space<vmem_shared>>)
        tpu.yield
      }) : () -> ()
    } else {
    }
    %barrier3A_11 = arith.constant 0 : index
    tpu.barrier barrier_id(%barrier3A_11)
    %lt3A_12 = arith.constant 10 : i32
    %lt3A_13 = arith.cmpi slt, %arg1, %lt3A_12 : i32
    %convert_element_type3A_14 = arith.extui %lt3A_13 : i1 to i32
    %cond3A_15 = arith.constant 0 : i32
    %cond3A_16 = arith.cmpi ne, %convert_element_type3A_14, %cond3A_15 : i32
    scf.if %cond3A_16 {
      %mul3A = arith.constant 1000 : i32
      %mul3A_17 = arith.muli %arg1, %mul3A : i32
      "tpu.region"() ({
        %run_scoped3A = tpu.sem_alloc : memref<!tpu.dma_semaphore, #tpu.memory_space<semaphore_mem>>
        %dma_start3A = arith.constant 0 : i32
        %dma_start3A_18 = tpu.memref_slice %arg8[%arg0, %mul3A_17, %dma_start3A] : memref<2x10000x128xf32, #tpu.memory_space<hbm>> -> memref<1x1000x128xf32, #tpu.memory_space<hbm>>
        %dma_start3A_19 = tpu.memref_squeeze %dma_start3A_18 : memref<1x1000x128xf32, #tpu.memory_space<hbm>> -> memref<1000x128xf32, #tpu.memory_space<hbm>>
        %dma_start3A_20 = arith.constant 0 : i32
        %dma_start3A_21 = tpu.memref_slice %arg15[%mul3A_17, %dma_start3A_20] : memref<10000x128xf32, #tpu.memory_space<vmem_shared>> -> memref<1000x128xf32, #tpu.memory_space<vmem_shared>>
        tpu.enqueue_dma source(%dma_start3A_21 : memref<1000x128xf32, #tpu.memory_space<vmem_shared>>) target(%dma_start3A_19 : memref<1000x128xf32, #tpu.memory_space<hbm>>) target_semaphore(%run_scoped3A : memref<!tpu.dma_semaphore, #tpu.memory_space<semaphore_mem>>)
        %dma_wait3A = arith.constant 0 : i32
        %dma_wait3A_22 = tpu.memref_slice %arg8[%arg0, %mul3A_17, %dma_wait3A] : memref<2x10000x128xf32, #tpu.memory_space<hbm>> -> memref<1x1000x128xf32, #tpu.memory_space<hbm>>
        %dma_wait3A_23 = tpu.memref_squeeze %dma_wait3A_22 : memref<1x1000x128xf32, #tpu.memory_space<hbm>> -> memref<1000x128xf32, #tpu.memory_space<hbm>>
        %dma_wait3A_24 = arith.constant 0 : i32
        %dma_wait3A_25 = tpu.memref_slice %arg15[%mul3A_17, %dma_wait3A_24] : memref<10000x128xf32, #tpu.memory_space<vmem_shared>> -> memref<1000x128xf32, #tpu.memory_space<vmem_shared>>
        tpu.wait_dma2 semaphore(%run_scoped3A : memref<!tpu.dma_semaphore, #tpu.memory_space<semaphore_mem>>) src(%dma_wait3A_25 : memref<1000x128xf32, #tpu.memory_space<vmem_shared>>) dst(%dma_wait3A_23 : memref<1000x128xf32, #tpu.memory_space<hbm>>)
        tpu.yield
      }) : () -> ()
    } else {
    }
    return
  }
}

#map = affine_map<(d0, d1) -> (0, 0)>
#map1 = affine_map<(d0, d1) -> (0, 0, 0, 0, 0)>
#map2 = affine_map<(d0, d1) -> (0, 0, 0, 0)>
#map3 = affine_map<(d0, d1) -> (0, 0, 0)>
module attributes {stable_mosaic.version = 14 : i64} {
  func.func @_sc_aggregate(%arg0: i32, %arg1: i32, %arg2: memref<10000x128xf32, #tpu.memory_space<hbm>>, %arg3: memref<2x16x3x26x128xi32, #tpu.memory_space<hbm>>, %arg4: memref<2x16x78x128xi32, #tpu.memory_space<hbm>>, %arg5: memref<2x2x128xi32, #tpu.memory_space<hbm>>, %arg6: memref<2x2x128xi32, #tpu.memory_space<hbm>>, %arg7: memref<1000x128xf32, #tpu.memory_space<hbm>>, %arg8: memref<2x10000x128xf32, #tpu.memory_space<hbm>>, %arg9: memref<26x128xi32, #tpu.memory_space<vmem>>, %arg10: memref<78x128xi32, #tpu.memory_space<vmem>>, %arg11: memref<1x128xi32, #tpu.memory_space<vmem>>, %arg12: memref<1x128xi32, #tpu.memory_space<vmem>>, %arg13: memref<128x128xf32, #tpu.memory_space<vmem>>, %arg14: memref<128x128xf32, #tpu.memory_space<vmem>>, %arg15: memref<10000x128xf32, #tpu.memory_space<vmem_shared>>, %arg16: memref<!tpu.dma_semaphore, #tpu.memory_space<semaphore_mem>>, %arg17: memref<!tpu.dma_semaphore, #tpu.memory_space<semaphore_mem>>) attributes {dimension_semantics = [#tpu.dimension_semantics<core_parallel>, #tpu.dimension_semantics<subcore_parallel>], iteration_bounds = array<i64: 2, 16>, scalar_prefetch = 0 : i64, scratch_operands = 9 : i64, tpu.core_type = #tpu.core_type<sc_vector_subcore>, window_params = [{transform_indices = #map}, {transform_indices = #map1}, {transform_indices = #map2}, {transform_indices = #map3}, {transform_indices = #map3}, {transform_indices = #map}, {transform_indices = #map3}]} {
    "tpu.region"() ({
      %run_scoped3A = tpu.sem_alloc : memref<!tpu.dma_semaphore, #tpu.memory_space<semaphore_mem>>
      %dma_start3A = arith.constant 0 : i32
      %dma_start3A_17 = arith.constant 0 : i32
      %dma_start3A_18 = tpu.memref_slice %arg4[%arg0, %arg1, %dma_start3A, %dma_start3A_17] : memref<2x16x78x128xi32, #tpu.memory_space<hbm>> -> memref<1x1x78x128xi32, #tpu.memory_space<hbm>>
      %dma_start3A_19 = tpu.memref_squeeze %dma_start3A_18 : memref<1x1x78x128xi32, #tpu.memory_space<hbm>> -> memref<78x128xi32, #tpu.memory_space<hbm>>
      %dma_start3A_20 = arith.constant 0 : i32
      %dma_start3A_21 = arith.constant 0 : i32
      %dma_start3A_22 = tpu.memref_slice %arg4[%arg0, %arg1, %dma_start3A_20, %dma_start3A_21] : memref<2x16x78x128xi32, #tpu.memory_space<hbm>> -> memref<1x1x78x128xi32, #tpu.memory_space<hbm>>
      %dma_start3A_23 = tpu.memref_squeeze %dma_start3A_22 : memref<1x1x78x128xi32, #tpu.memory_space<hbm>> -> memref<78x128xi32, #tpu.memory_space<hbm>>
      tpu.enqueue_dma source(%dma_start3A_23 : memref<78x128xi32, #tpu.memory_space<hbm>>) target(%arg10 : memref<78x128xi32, #tpu.memory_space<vmem>>) target_semaphore(%run_scoped3A : memref<!tpu.dma_semaphore, #tpu.memory_space<semaphore_mem>>)
      %dma_wait3A = arith.constant 0 : i32
      %dma_wait3A_24 = arith.constant 0 : i32
      %dma_wait3A_25 = tpu.memref_slice %arg4[%arg0, %arg1, %dma_wait3A, %dma_wait3A_24] : memref<2x16x78x128xi32, #tpu.memory_space<hbm>> -> memref<1x1x78x128xi32, #tpu.memory_space<hbm>>
      %dma_wait3A_26 = tpu.memref_squeeze %dma_wait3A_25 : memref<1x1x78x128xi32, #tpu.memory_space<hbm>> -> memref<78x128xi32, #tpu.memory_space<hbm>>
      %dma_wait3A_27 = arith.constant 0 : i32
      %dma_wait3A_28 = arith.constant 0 : i32
      %dma_wait3A_29 = tpu.memref_slice %arg4[%arg0, %arg1, %dma_wait3A_27, %dma_wait3A_28] : memref<2x16x78x128xi32, #tpu.memory_space<hbm>> -> memref<1x1x78x128xi32, #tpu.memory_space<hbm>>
      %dma_wait3A_30 = tpu.memref_squeeze %dma_wait3A_29 : memref<1x1x78x128xi32, #tpu.memory_space<hbm>> -> memref<78x128xi32, #tpu.memory_space<hbm>>
      tpu.wait_dma2 semaphore(%run_scoped3A : memref<!tpu.dma_semaphore, #tpu.memory_space<semaphore_mem>>) src(%dma_wait3A_30 : memref<78x128xi32, #tpu.memory_space<hbm>>) dst(%arg10 : memref<78x128xi32, #tpu.memory_space<vmem>>)
      tpu.yield
    }) : () -> ()
    %lt3A = arith.constant 10 : i32
    %lt3A_0 = arith.cmpi slt, %arg1, %lt3A : i32
    %convert_element_type3A = arith.extui %lt3A_0 : i1 to i32
    %cond3A = arith.constant 0 : i32
    %cond3A_1 = arith.cmpi ne, %convert_element_type3A, %cond3A : i32
    scf.if %cond3A_1 {
      %mul3A = arith.constant 1000 : i32
      %mul3A_17 = arith.muli %arg1, %mul3A : i32
      "tpu.region"() ({
        %run_scoped3A = tpu.sem_alloc : memref<!tpu.dma_semaphore, #tpu.memory_space<semaphore_mem>>
        %dma_start3A = arith.constant 0 : i32
        %dma_start3A_18 = tpu.memref_slice %arg15[%mul3A_17, %dma_start3A] : memref<10000x128xf32, #tpu.memory_space<vmem_shared>> -> memref<1000x128xf32, #tpu.memory_space<vmem_shared>>
        tpu.enqueue_dma source(%arg7 : memref<1000x128xf32, #tpu.memory_space<hbm>>) target(%dma_start3A_18 : memref<1000x128xf32, #tpu.memory_space<vmem_shared>>) target_semaphore(%run_scoped3A : memref<!tpu.dma_semaphore, #tpu.memory_space<semaphore_mem>>)
        %dma_wait3A = arith.constant 0 : i32
        %dma_wait3A_19 = tpu.memref_slice %arg15[%mul3A_17, %dma_wait3A] : memref<10000x128xf32, #tpu.memory_space<vmem_shared>> -> memref<1000x128xf32, #tpu.memory_space<vmem_shared>>
        tpu.wait_dma2 semaphore(%run_scoped3A : memref<!tpu.dma_semaphore, #tpu.memory_space<semaphore_mem>>) src(%arg7 : memref<1000x128xf32, #tpu.memory_space<hbm>>) dst(%dma_wait3A_19 : memref<1000x128xf32, #tpu.memory_space<vmem_shared>>)
        tpu.yield
      }) : () -> ()
    } else {
    }
    %barrier3A = arith.constant 0 : index
    tpu.barrier barrier_id(%barrier3A)
    %scan3A = arith.constant 0 : i32
    %scan3A_2 = arith.constant 3 : i32
    %scan3A_3 = arith.addi %scan3A, %scan3A_2 : i32
    %scan3A_4 = arith.constant 1 : i32
    scf.for %scan3A_17 = %scan3A to %scan3A_3 step %scan3A_4  : i32 {
      %mul3A = arith.constant 1 : i32
      %mul3A_18 = arith.muli %scan3A_17, %mul3A : i32
      %add3A = arith.constant 0 : i32
      %add3A_19 = arith.addi %add3A, %mul3A_18 : i32
      %mul3A_20 = arith.constant 26 : i32
      %mul3A_21 = arith.muli %add3A_19, %mul3A_20 : i32
      "tpu.region"() ({
        %run_scoped3A = tpu.sem_alloc : memref<!tpu.dma_semaphore, #tpu.memory_space<semaphore_mem>>
        %dma_start3A_60 = arith.constant 0 : i32
        %dma_start3A_61 = arith.constant 0 : i32
        %dma_start3A_62 = tpu.memref_slice %arg3[%arg0, %arg1, %add3A_19, %dma_start3A_60, %dma_start3A_61] : memref<2x16x3x26x128xi32, #tpu.memory_space<hbm>> -> memref<1x1x1x26x128xi32, #tpu.memory_space<hbm>>
        %dma_start3A_63 = tpu.memref_squeeze %dma_start3A_62 : memref<1x1x1x26x128xi32, #tpu.memory_space<hbm>> -> memref<26x128xi32, #tpu.memory_space<hbm>>
        %dma_start3A_64 = arith.constant 0 : i32
        %dma_start3A_65 = arith.constant 0 : i32
        %dma_start3A_66 = tpu.memref_slice %arg3[%arg0, %arg1, %add3A_19, %dma_start3A_64, %dma_start3A_65] : memref<2x16x3x26x128xi32, #tpu.memory_space<hbm>> -> memref<1x1x1x26x128xi32, #tpu.memory_space<hbm>>
        %dma_start3A_67 = tpu.memref_squeeze %dma_start3A_66 : memref<1x1x1x26x128xi32, #tpu.memory_space<hbm>> -> memref<26x128xi32, #tpu.memory_space<hbm>>
        tpu.enqueue_dma source(%dma_start3A_67 : memref<26x128xi32, #tpu.memory_space<hbm>>) target(%arg9 : memref<26x128xi32, #tpu.memory_space<vmem>>) target_semaphore(%run_scoped3A : memref<!tpu.dma_semaphore, #tpu.memory_space<semaphore_mem>>)
        %dma_wait3A_68 = arith.constant 0 : i32
        %dma_wait3A_69 = arith.constant 0 : i32
        %dma_wait3A_70 = tpu.memref_slice %arg3[%arg0, %arg1, %add3A_19, %dma_wait3A_68, %dma_wait3A_69] : memref<2x16x3x26x128xi32, #tpu.memory_space<hbm>> -> memref<1x1x1x26x128xi32, #tpu.memory_space<hbm>>
        %dma_wait3A_71 = tpu.memref_squeeze %dma_wait3A_70 : memref<1x1x1x26x128xi32, #tpu.memory_space<hbm>> -> memref<26x128xi32, #tpu.memory_space<hbm>>
        %dma_wait3A_72 = arith.constant 0 : i32
        %dma_wait3A_73 = arith.constant 0 : i32
        %dma_wait3A_74 = tpu.memref_slice %arg3[%arg0, %arg1, %add3A_19, %dma_wait3A_72, %dma_wait3A_73] : memref<2x16x3x26x128xi32, #tpu.memory_space<hbm>> -> memref<1x1x1x26x128xi32, #tpu.memory_space<hbm>>
        %dma_wait3A_75 = tpu.memref_squeeze %dma_wait3A_74 : memref<1x1x1x26x128xi32, #tpu.memory_space<hbm>> -> memref<26x128xi32, #tpu.memory_space<hbm>>
        tpu.wait_dma2 semaphore(%run_scoped3A : memref<!tpu.dma_semaphore, #tpu.memory_space<semaphore_mem>>) src(%dma_wait3A_75 : memref<26x128xi32, #tpu.memory_space<hbm>>) dst(%arg9 : memref<26x128xi32, #tpu.memory_space<vmem>>)
        tpu.yield
      }) : () -> ()
      %dma_start3A = arith.constant 0 : i32
      %dma_start3A_22 = arith.constant 0 : i32
      %dma_start3A_23 = tpu.memref_slice %arg9[%dma_start3A, %dma_start3A_22] : memref<26x128xi32, #tpu.memory_space<vmem>> -> memref<1x128xi32, #tpu.memory_space<vmem>>
      %dma_start3A_24 = tpu.memref_squeeze %dma_start3A_23 : memref<1x128xi32, #tpu.memory_space<vmem>> -> memref<128xi32, #tpu.memory_space<vmem>>
      %dma_start3A_25 = arith.constant 0 : i32
      %dma_start3A_26 = arith.constant 0 : i32
      %dma_start3A_27 = tpu.memref_slice %arg2[%dma_start3A_25, %dma_start3A_26] : memref<10000x128xf32, #tpu.memory_space<hbm>> -> memref<10000x128xf32, #tpu.memory_space<hbm>>
      tpu.enqueue_indirect_dma source(%dma_start3A_27 : memref<10000x128xf32, #tpu.memory_space<hbm>>) target(%arg13 : memref<128x128xf32, #tpu.memory_space<vmem>>) offsets(%dma_start3A_24 : memref<128xi32, #tpu.memory_space<vmem>>) semaphore(%arg16 : memref<!tpu.dma_semaphore, #tpu.memory_space<semaphore_mem>>)
      %scan3A_28 = arith.constant 0 : i32
      %scan3A_29 = arith.constant 12 : i32
      %scan3A_30 = arith.addi %scan3A_28, %scan3A_29 : i32
      %scan3A_31 = arith.constant 1 : i32
      scf.for %scan3A_60 = %scan3A_28 to %scan3A_30 step %scan3A_31  : i32 {
        %mul3A_61 = arith.constant 2 : i32
        %mul3A_62 = arith.muli %scan3A_60, %mul3A_61 : i32
        %add3A_63 = arith.constant 0 : i32
        %add3A_64 = arith.addi %add3A_63, %mul3A_62 : i32
        %add3A_65 = arith.constant 1 : i32
        %add3A_66 = arith.addi %add3A_64, %add3A_65 : i32
        %dma_start3A_67 = arith.constant 0 : i32
        %dma_start3A_68 = tpu.memref_slice %arg9[%add3A_66, %dma_start3A_67] : memref<26x128xi32, #tpu.memory_space<vmem>> -> memref<1x128xi32, #tpu.memory_space<vmem>>
        %dma_start3A_69 = tpu.memref_squeeze %dma_start3A_68 : memref<1x128xi32, #tpu.memory_space<vmem>> -> memref<128xi32, #tpu.memory_space<vmem>>
        %dma_start3A_70 = arith.constant 0 : i32
        %dma_start3A_71 = arith.constant 0 : i32
        %dma_start3A_72 = tpu.memref_slice %arg2[%dma_start3A_70, %dma_start3A_71] : memref<10000x128xf32, #tpu.memory_space<hbm>> -> memref<10000x128xf32, #tpu.memory_space<hbm>>
        tpu.enqueue_indirect_dma source(%dma_start3A_72 : memref<10000x128xf32, #tpu.memory_space<hbm>>) target(%arg14 : memref<128x128xf32, #tpu.memory_space<vmem>>) offsets(%dma_start3A_69 : memref<128xi32, #tpu.memory_space<vmem>>) semaphore(%arg17 : memref<!tpu.dma_semaphore, #tpu.memory_space<semaphore_mem>>)
        %dma_wait3A_73 = arith.constant 0 : i32
        %dma_wait3A_74 = tpu.memref_slice %arg9[%add3A_64, %dma_wait3A_73] : memref<26x128xi32, #tpu.memory_space<vmem>> -> memref<1x128xi32, #tpu.memory_space<vmem>>
        %dma_wait3A_75 = tpu.memref_squeeze %dma_wait3A_74 : memref<1x128xi32, #tpu.memory_space<vmem>> -> memref<128xi32, #tpu.memory_space<vmem>>
        %dma_wait3A_76 = arith.constant 0 : i32
        %dma_wait3A_77 = arith.constant 0 : i32
        %dma_wait3A_78 = tpu.memref_slice %arg2[%dma_wait3A_76, %dma_wait3A_77] : memref<10000x128xf32, #tpu.memory_space<hbm>> -> memref<10000x128xf32, #tpu.memory_space<hbm>>
        tpu.wait_indirect_dma semaphore(%arg16 : memref<!tpu.dma_semaphore, #tpu.memory_space<semaphore_mem>>) src(%dma_wait3A_78 : memref<10000x128xf32, #tpu.memory_space<hbm>>) dst(%arg13 : memref<128x128xf32, #tpu.memory_space<vmem>>)
        %add3A_79 = arith.addi %mul3A_21, %add3A_64 : i32
        "tpu.region"() ({
          %run_scoped3A = tpu.sem_alloc : memref<!tpu.dma_semaphore, #tpu.memory_space<semaphore_mem>>
          %dma_start3A_99 = arith.constant 0 : i32
          %dma_start3A_100 = tpu.memref_slice %arg10[%add3A_79, %dma_start3A_99] : memref<78x128xi32, #tpu.memory_space<vmem>> -> memref<1x128xi32, #tpu.memory_space<vmem>>
          %dma_start3A_101 = tpu.memref_squeeze %dma_start3A_100 : memref<1x128xi32, #tpu.memory_space<vmem>> -> memref<128xi32, #tpu.memory_space<vmem>>
          %dma_start3A_102 = arith.constant 0 : i32
          %dma_start3A_103 = arith.constant 0 : i32
          %dma_start3A_104 = tpu.memref_slice %arg15[%dma_start3A_102, %dma_start3A_103] : memref<10000x128xf32, #tpu.memory_space<vmem_shared>> -> memref<10000x128xf32, #tpu.memory_space<vmem_shared>>
          tpu.enqueue_indirect_dma source(%arg13 : memref<128x128xf32, #tpu.memory_space<vmem>>) target(%dma_start3A_104 : memref<10000x128xf32, #tpu.memory_space<vmem_shared>>) offsets(%dma_start3A_101 : memref<128xi32, #tpu.memory_space<vmem>>) semaphore(%run_scoped3A : memref<!tpu.dma_semaphore, #tpu.memory_space<semaphore_mem>>) {add = true}
          %dma_wait3A_105 = arith.constant 0 : i32
          %dma_wait3A_106 = tpu.memref_slice %arg10[%add3A_79, %dma_wait3A_105] : memref<78x128xi32, #tpu.memory_space<vmem>> -> memref<1x128xi32, #tpu.memory_space<vmem>>
          %dma_wait3A_107 = tpu.memref_squeeze %dma_wait3A_106 : memref<1x128xi32, #tpu.memory_space<vmem>> -> memref<128xi32, #tpu.memory_space<vmem>>
          %dma_wait3A_108 = arith.constant 0 : i32
          %dma_wait3A_109 = arith.constant 0 : i32
          %dma_wait3A_110 = tpu.memref_slice %arg15[%dma_wait3A_108, %dma_wait3A_109] : memref<10000x128xf32, #tpu.memory_space<vmem_shared>> -> memref<10000x128xf32, #tpu.memory_space<vmem_shared>>
          tpu.wait_indirect_dma semaphore(%run_scoped3A : memref<!tpu.dma_semaphore, #tpu.memory_space<semaphore_mem>>) src(%arg13 : memref<128x128xf32, #tpu.memory_space<vmem>>) dst(%dma_wait3A_110 : memref<10000x128xf32, #tpu.memory_space<vmem_shared>>)
          tpu.yield
        }) : () -> ()
        %add3A_80 = arith.constant 2 : i32
        %add3A_81 = arith.addi %add3A_64, %add3A_80 : i32
        %dma_start3A_82 = arith.constant 0 : i32
        %dma_start3A_83 = tpu.memref_slice %arg9[%add3A_81, %dma_start3A_82] : memref<26x128xi32, #tpu.memory_space<vmem>> -> memref<1x128xi32, #tpu.memory_space<vmem>>
        %dma_start3A_84 = tpu.memref_squeeze %dma_start3A_83 : memref<1x128xi32, #tpu.memory_space<vmem>> -> memref<128xi32, #tpu.memory_space<vmem>>
        %dma_start3A_85 = arith.constant 0 : i32
        %dma_start3A_86 = arith.constant 0 : i32
        %dma_start3A_87 = tpu.memref_slice %arg2[%dma_start3A_85, %dma_start3A_86] : memref<10000x128xf32, #tpu.memory_space<hbm>> -> memref<10000x128xf32, #tpu.memory_space<hbm>>
        tpu.enqueue_indirect_dma source(%dma_start3A_87 : memref<10000x128xf32, #tpu.memory_space<hbm>>) target(%arg13 : memref<128x128xf32, #tpu.memory_space<vmem>>) offsets(%dma_start3A_84 : memref<128xi32, #tpu.memory_space<vmem>>) semaphore(%arg16 : memref<!tpu.dma_semaphore, #tpu.memory_space<semaphore_mem>>)
        %add3A_88 = arith.constant 1 : i32
        %add3A_89 = arith.addi %add3A_64, %add3A_88 : i32
        %dma_wait3A_90 = arith.constant 0 : i32
        %dma_wait3A_91 = tpu.memref_slice %arg9[%add3A_89, %dma_wait3A_90] : memref<26x128xi32, #tpu.memory_space<vmem>> -> memref<1x128xi32, #tpu.memory_space<vmem>>
        %dma_wait3A_92 = tpu.memref_squeeze %dma_wait3A_91 : memref<1x128xi32, #tpu.memory_space<vmem>> -> memref<128xi32, #tpu.memory_space<vmem>>
        %dma_wait3A_93 = arith.constant 0 : i32
        %dma_wait3A_94 = arith.constant 0 : i32
        %dma_wait3A_95 = tpu.memref_slice %arg2[%dma_wait3A_93, %dma_wait3A_94] : memref<10000x128xf32, #tpu.memory_space<hbm>> -> memref<10000x128xf32, #tpu.memory_space<hbm>>
        tpu.wait_indirect_dma semaphore(%arg17 : memref<!tpu.dma_semaphore, #tpu.memory_space<semaphore_mem>>) src(%dma_wait3A_95 : memref<10000x128xf32, #tpu.memory_space<hbm>>) dst(%arg14 : memref<128x128xf32, #tpu.memory_space<vmem>>)
        %add3A_96 = arith.addi %mul3A_21, %add3A_64 : i32
        %add3A_97 = arith.constant 1 : i32
        %add3A_98 = arith.addi %add3A_96, %add3A_97 : i32
        "tpu.region"() ({
          %run_scoped3A = tpu.sem_alloc : memref<!tpu.dma_semaphore, #tpu.memory_space<semaphore_mem>>
          %dma_start3A_99 = arith.constant 0 : i32
          %dma_start3A_100 = tpu.memref_slice %arg10[%add3A_98, %dma_start3A_99] : memref<78x128xi32, #tpu.memory_space<vmem>> -> memref<1x128xi32, #tpu.memory_space<vmem>>
          %dma_start3A_101 = tpu.memref_squeeze %dma_start3A_100 : memref<1x128xi32, #tpu.memory_space<vmem>> -> memref<128xi32, #tpu.memory_space<vmem>>
          %dma_start3A_102 = arith.constant 0 : i32
          %dma_start3A_103 = arith.constant 0 : i32
          %dma_start3A_104 = tpu.memref_slice %arg15[%dma_start3A_102, %dma_start3A_103] : memref<10000x128xf32, #tpu.memory_space<vmem_shared>> -> memref<10000x128xf32, #tpu.memory_space<vmem_shared>>
          tpu.enqueue_indirect_dma source(%arg14 : memref<128x128xf32, #tpu.memory_space<vmem>>) target(%dma_start3A_104 : memref<10000x128xf32, #tpu.memory_space<vmem_shared>>) offsets(%dma_start3A_101 : memref<128xi32, #tpu.memory_space<vmem>>) semaphore(%run_scoped3A : memref<!tpu.dma_semaphore, #tpu.memory_space<semaphore_mem>>) {add = true}
          %dma_wait3A_105 = arith.constant 0 : i32
          %dma_wait3A_106 = tpu.memref_slice %arg10[%add3A_98, %dma_wait3A_105] : memref<78x128xi32, #tpu.memory_space<vmem>> -> memref<1x128xi32, #tpu.memory_space<vmem>>
          %dma_wait3A_107 = tpu.memref_squeeze %dma_wait3A_106 : memref<1x128xi32, #tpu.memory_space<vmem>> -> memref<128xi32, #tpu.memory_space<vmem>>
          %dma_wait3A_108 = arith.constant 0 : i32
          %dma_wait3A_109 = arith.constant 0 : i32
          %dma_wait3A_110 = tpu.memref_slice %arg15[%dma_wait3A_108, %dma_wait3A_109] : memref<10000x128xf32, #tpu.memory_space<vmem_shared>> -> memref<10000x128xf32, #tpu.memory_space<vmem_shared>>
          tpu.wait_indirect_dma semaphore(%run_scoped3A : memref<!tpu.dma_semaphore, #tpu.memory_space<semaphore_mem>>) src(%arg14 : memref<128x128xf32, #tpu.memory_space<vmem>>) dst(%dma_wait3A_110 : memref<10000x128xf32, #tpu.memory_space<vmem_shared>>)
          tpu.yield
        }) : () -> ()
      }
      %scan3A_32 = arith.constant 12 : i32
      %dma_start3A_33 = arith.constant 25 : i32
      %dma_start3A_34 = arith.constant 0 : i32
      %dma_start3A_35 = tpu.memref_slice %arg9[%dma_start3A_33, %dma_start3A_34] : memref<26x128xi32, #tpu.memory_space<vmem>> -> memref<1x128xi32, #tpu.memory_space<vmem>>
      %dma_start3A_36 = tpu.memref_squeeze %dma_start3A_35 : memref<1x128xi32, #tpu.memory_space<vmem>> -> memref<128xi32, #tpu.memory_space<vmem>>
      %dma_start3A_37 = arith.constant 0 : i32
      %dma_start3A_38 = arith.constant 0 : i32
      %dma_start3A_39 = tpu.memref_slice %arg2[%dma_start3A_37, %dma_start3A_38] : memref<10000x128xf32, #tpu.memory_space<hbm>> -> memref<10000x128xf32, #tpu.memory_space<hbm>>
      tpu.enqueue_indirect_dma source(%dma_start3A_39 : memref<10000x128xf32, #tpu.memory_space<hbm>>) target(%arg14 : memref<128x128xf32, #tpu.memory_space<vmem>>) offsets(%dma_start3A_36 : memref<128xi32, #tpu.memory_space<vmem>>) semaphore(%arg17 : memref<!tpu.dma_semaphore, #tpu.memory_space<semaphore_mem>>)
      %dma_wait3A = arith.constant 24 : i32
      %dma_wait3A_40 = arith.constant 0 : i32
      %dma_wait3A_41 = tpu.memref_slice %arg9[%dma_wait3A, %dma_wait3A_40] : memref<26x128xi32, #tpu.memory_space<vmem>> -> memref<1x128xi32, #tpu.memory_space<vmem>>
      %dma_wait3A_42 = tpu.memref_squeeze %dma_wait3A_41 : memref<1x128xi32, #tpu.memory_space<vmem>> -> memref<128xi32, #tpu.memory_space<vmem>>
      %dma_wait3A_43 = arith.constant 0 : i32
      %dma_wait3A_44 = arith.constant 0 : i32
      %dma_wait3A_45 = tpu.memref_slice %arg2[%dma_wait3A_43, %dma_wait3A_44] : memref<10000x128xf32, #tpu.memory_space<hbm>> -> memref<10000x128xf32, #tpu.memory_space<hbm>>
      tpu.wait_indirect_dma semaphore(%arg16 : memref<!tpu.dma_semaphore, #tpu.memory_space<semaphore_mem>>) src(%dma_wait3A_45 : memref<10000x128xf32, #tpu.memory_space<hbm>>) dst(%arg13 : memref<128x128xf32, #tpu.memory_space<vmem>>)
      %add3A_46 = arith.constant 26 : i32
      %add3A_47 = arith.addi %mul3A_21, %add3A_46 : i32
      %sub3A = arith.constant 2 : i32
      %sub3A_48 = arith.subi %add3A_47, %sub3A : i32
      "tpu.region"() ({
        %run_scoped3A = tpu.sem_alloc : memref<!tpu.dma_semaphore, #tpu.memory_space<semaphore_mem>>
        %dma_start3A_60 = arith.constant 0 : i32
        %dma_start3A_61 = tpu.memref_slice %arg10[%sub3A_48, %dma_start3A_60] : memref<78x128xi32, #tpu.memory_space<vmem>> -> memref<1x128xi32, #tpu.memory_space<vmem>>
        %dma_start3A_62 = tpu.memref_squeeze %dma_start3A_61 : memref<1x128xi32, #tpu.memory_space<vmem>> -> memref<128xi32, #tpu.memory_space<vmem>>
        %dma_start3A_63 = arith.constant 0 : i32
        %dma_start3A_64 = arith.constant 0 : i32
        %dma_start3A_65 = tpu.memref_slice %arg15[%dma_start3A_63, %dma_start3A_64] : memref<10000x128xf32, #tpu.memory_space<vmem_shared>> -> memref<10000x128xf32, #tpu.memory_space<vmem_shared>>
        tpu.enqueue_indirect_dma source(%arg13 : memref<128x128xf32, #tpu.memory_space<vmem>>) target(%dma_start3A_65 : memref<10000x128xf32, #tpu.memory_space<vmem_shared>>) offsets(%dma_start3A_62 : memref<128xi32, #tpu.memory_space<vmem>>) semaphore(%run_scoped3A : memref<!tpu.dma_semaphore, #tpu.memory_space<semaphore_mem>>) {add = true}
        %dma_wait3A_66 = arith.constant 0 : i32
        %dma_wait3A_67 = tpu.memref_slice %arg10[%sub3A_48, %dma_wait3A_66] : memref<78x128xi32, #tpu.memory_space<vmem>> -> memref<1x128xi32, #tpu.memory_space<vmem>>
        %dma_wait3A_68 = tpu.memref_squeeze %dma_wait3A_67 : memref<1x128xi32, #tpu.memory_space<vmem>> -> memref<128xi32, #tpu.memory_space<vmem>>
        %dma_wait3A_69 = arith.constant 0 : i32
        %dma_wait3A_70 = arith.constant 0 : i32
        %dma_wait3A_71 = tpu.memref_slice %arg15[%dma_wait3A_69, %dma_wait3A_70] : memref<10000x128xf32, #tpu.memory_space<vmem_shared>> -> memref<10000x128xf32, #tpu.memory_space<vmem_shared>>
        tpu.wait_indirect_dma semaphore(%run_scoped3A : memref<!tpu.dma_semaphore, #tpu.memory_space<semaphore_mem>>) src(%arg13 : memref<128x128xf32, #tpu.memory_space<vmem>>) dst(%dma_wait3A_71 : memref<10000x128xf32, #tpu.memory_space<vmem_shared>>)
        tpu.yield
      }) : () -> ()
      %dma_wait3A_49 = arith.constant 25 : i32
      %dma_wait3A_50 = arith.constant 0 : i32
      %dma_wait3A_51 = tpu.memref_slice %arg9[%dma_wait3A_49, %dma_wait3A_50] : memref<26x128xi32, #tpu.memory_space<vmem>> -> memref<1x128xi32, #tpu.memory_space<vmem>>
      %dma_wait3A_52 = tpu.memref_squeeze %dma_wait3A_51 : memref<1x128xi32, #tpu.memory_space<vmem>> -> memref<128xi32, #tpu.memory_space<vmem>>
      %dma_wait3A_53 = arith.constant 0 : i32
      %dma_wait3A_54 = arith.constant 0 : i32
      %dma_wait3A_55 = tpu.memref_slice %arg2[%dma_wait3A_53, %dma_wait3A_54] : memref<10000x128xf32, #tpu.memory_space<hbm>> -> memref<10000x128xf32, #tpu.memory_space<hbm>>
      tpu.wait_indirect_dma semaphore(%arg17 : memref<!tpu.dma_semaphore, #tpu.memory_space<semaphore_mem>>) src(%dma_wait3A_55 : memref<10000x128xf32, #tpu.memory_space<hbm>>) dst(%arg14 : memref<128x128xf32, #tpu.memory_space<vmem>>)
      %add3A_56 = arith.constant 26 : i32
      %add3A_57 = arith.addi %mul3A_21, %add3A_56 : i32
      %sub3A_58 = arith.constant 1 : i32
      %sub3A_59 = arith.subi %add3A_57, %sub3A_58 : i32
      "tpu.region"() ({
        %run_scoped3A = tpu.sem_alloc : memref<!tpu.dma_semaphore, #tpu.memory_space<semaphore_mem>>
        %dma_start3A_60 = arith.constant 0 : i32
        %dma_start3A_61 = tpu.memref_slice %arg10[%sub3A_59, %dma_start3A_60] : memref<78x128xi32, #tpu.memory_space<vmem>> -> memref<1x128xi32, #tpu.memory_space<vmem>>
        %dma_start3A_62 = tpu.memref_squeeze %dma_start3A_61 : memref<1x128xi32, #tpu.memory_space<vmem>> -> memref<128xi32, #tpu.memory_space<vmem>>
        %dma_start3A_63 = arith.constant 0 : i32
        %dma_start3A_64 = arith.constant 0 : i32
        %dma_start3A_65 = tpu.memref_slice %arg15[%dma_start3A_63, %dma_start3A_64] : memref<10000x128xf32, #tpu.memory_space<vmem_shared>> -> memref<10000x128xf32, #tpu.memory_space<vmem_shared>>
        tpu.enqueue_indirect_dma source(%arg14 : memref<128x128xf32, #tpu.memory_space<vmem>>) target(%dma_start3A_65 : memref<10000x128xf32, #tpu.memory_space<vmem_shared>>) offsets(%dma_start3A_62 : memref<128xi32, #tpu.memory_space<vmem>>) semaphore(%run_scoped3A : memref<!tpu.dma_semaphore, #tpu.memory_space<semaphore_mem>>) {add = true}
        %dma_wait3A_66 = arith.constant 0 : i32
        %dma_wait3A_67 = tpu.memref_slice %arg10[%sub3A_59, %dma_wait3A_66] : memref<78x128xi32, #tpu.memory_space<vmem>> -> memref<1x128xi32, #tpu.memory_space<vmem>>
        %dma_wait3A_68 = tpu.memref_squeeze %dma_wait3A_67 : memref<1x128xi32, #tpu.memory_space<vmem>> -> memref<128xi32, #tpu.memory_space<vmem>>
        %dma_wait3A_69 = arith.constant 0 : i32
        %dma_wait3A_70 = arith.constant 0 : i32
        %dma_wait3A_71 = tpu.memref_slice %arg15[%dma_wait3A_69, %dma_wait3A_70] : memref<10000x128xf32, #tpu.memory_space<vmem_shared>> -> memref<10000x128xf32, #tpu.memory_space<vmem_shared>>
        tpu.wait_indirect_dma semaphore(%run_scoped3A : memref<!tpu.dma_semaphore, #tpu.memory_space<semaphore_mem>>) src(%arg14 : memref<128x128xf32, #tpu.memory_space<vmem>>) dst(%dma_wait3A_71 : memref<10000x128xf32, #tpu.memory_space<vmem_shared>>)
        tpu.yield
      }) : () -> ()
    }
    %scan3A_5 = arith.constant 3 : i32
    %lt3A_6 = arith.constant 2 : i32
    %lt3A_7 = arith.cmpi slt, %arg1, %lt3A_6 : i32
    %convert_element_type3A_8 = arith.extui %lt3A_7 : i1 to i32
    %cond3A_9 = arith.constant 0 : i32
    %cond3A_10 = arith.cmpi ne, %convert_element_type3A_8, %cond3A_9 : i32
    scf.if %cond3A_10 {
      "tpu.region"() ({
        %run_scoped3A_18 = tpu.sem_alloc : memref<!tpu.dma_semaphore, #tpu.memory_space<semaphore_mem>>
        %dma_start3A = arith.constant 0 : i32
        %dma_start3A_19 = tpu.memref_slice %arg5[%arg0, %arg1, %dma_start3A] : memref<2x2x128xi32, #tpu.memory_space<hbm>> -> memref<1x1x128xi32, #tpu.memory_space<hbm>>
        %dma_start3A_20 = tpu.memref_squeeze %dma_start3A_19 : memref<1x1x128xi32, #tpu.memory_space<hbm>> -> memref<1x128xi32, #tpu.memory_space<hbm>>
        %dma_start3A_21 = arith.constant 0 : i32
        %dma_start3A_22 = tpu.memref_slice %arg5[%arg0, %arg1, %dma_start3A_21] : memref<2x2x128xi32, #tpu.memory_space<hbm>> -> memref<1x1x128xi32, #tpu.memory_space<hbm>>
        %dma_start3A_23 = tpu.memref_squeeze %dma_start3A_22 : memref<1x1x128xi32, #tpu.memory_space<hbm>> -> memref<1x128xi32, #tpu.memory_space<hbm>>
        tpu.enqueue_dma source(%dma_start3A_23 : memref<1x128xi32, #tpu.memory_space<hbm>>) target(%arg11 : memref<1x128xi32, #tpu.memory_space<vmem>>) target_semaphore(%run_scoped3A_18 : memref<!tpu.dma_semaphore, #tpu.memory_space<semaphore_mem>>)
        %dma_wait3A = arith.constant 0 : i32
        %dma_wait3A_24 = tpu.memref_slice %arg5[%arg0, %arg1, %dma_wait3A] : memref<2x2x128xi32, #tpu.memory_space<hbm>> -> memref<1x1x128xi32, #tpu.memory_space<hbm>>
        %dma_wait3A_25 = tpu.memref_squeeze %dma_wait3A_24 : memref<1x1x128xi32, #tpu.memory_space<hbm>> -> memref<1x128xi32, #tpu.memory_space<hbm>>
        %dma_wait3A_26 = arith.constant 0 : i32
        %dma_wait3A_27 = tpu.memref_slice %arg5[%arg0, %arg1, %dma_wait3A_26] : memref<2x2x128xi32, #tpu.memory_space<hbm>> -> memref<1x1x128xi32, #tpu.memory_space<hbm>>
        %dma_wait3A_28 = tpu.memref_squeeze %dma_wait3A_27 : memref<1x1x128xi32, #tpu.memory_space<hbm>> -> memref<1x128xi32, #tpu.memory_space<hbm>>
        tpu.wait_dma2 semaphore(%run_scoped3A_18 : memref<!tpu.dma_semaphore, #tpu.memory_space<semaphore_mem>>) src(%dma_wait3A_28 : memref<1x128xi32, #tpu.memory_space<hbm>>) dst(%arg11 : memref<1x128xi32, #tpu.memory_space<vmem>>)
        tpu.yield
      }) : () -> ()
      "tpu.region"() ({
        %run_scoped3A_18 = tpu.sem_alloc : memref<!tpu.dma_semaphore, #tpu.memory_space<semaphore_mem>>
        %dma_start3A = arith.constant 0 : i32
        %dma_start3A_19 = tpu.memref_slice %arg6[%arg0, %arg1, %dma_start3A] : memref<2x2x128xi32, #tpu.memory_space<hbm>> -> memref<1x1x128xi32, #tpu.memory_space<hbm>>
        %dma_start3A_20 = tpu.memref_squeeze %dma_start3A_19 : memref<1x1x128xi32, #tpu.memory_space<hbm>> -> memref<1x128xi32, #tpu.memory_space<hbm>>
        %dma_start3A_21 = arith.constant 0 : i32
        %dma_start3A_22 = tpu.memref_slice %arg6[%arg0, %arg1, %dma_start3A_21] : memref<2x2x128xi32, #tpu.memory_space<hbm>> -> memref<1x1x128xi32, #tpu.memory_space<hbm>>
        %dma_start3A_23 = tpu.memref_squeeze %dma_start3A_22 : memref<1x1x128xi32, #tpu.memory_space<hbm>> -> memref<1x128xi32, #tpu.memory_space<hbm>>
        tpu.enqueue_dma source(%dma_start3A_23 : memref<1x128xi32, #tpu.memory_space<hbm>>) target(%arg12 : memref<1x128xi32, #tpu.memory_space<vmem>>) target_semaphore(%run_scoped3A_18 : memref<!tpu.dma_semaphore, #tpu.memory_space<semaphore_mem>>)
        %dma_wait3A = arith.constant 0 : i32
        %dma_wait3A_24 = tpu.memref_slice %arg6[%arg0, %arg1, %dma_wait3A] : memref<2x2x128xi32, #tpu.memory_space<hbm>> -> memref<1x1x128xi32, #tpu.memory_space<hbm>>
        %dma_wait3A_25 = tpu.memref_squeeze %dma_wait3A_24 : memref<1x1x128xi32, #tpu.memory_space<hbm>> -> memref<1x128xi32, #tpu.memory_space<hbm>>
        %dma_wait3A_26 = arith.constant 0 : i32
        %dma_wait3A_27 = tpu.memref_slice %arg6[%arg0, %arg1, %dma_wait3A_26] : memref<2x2x128xi32, #tpu.memory_space<hbm>> -> memref<1x1x128xi32, #tpu.memory_space<hbm>>
        %dma_wait3A_28 = tpu.memref_squeeze %dma_wait3A_27 : memref<1x1x128xi32, #tpu.memory_space<hbm>> -> memref<1x128xi32, #tpu.memory_space<hbm>>
        tpu.wait_dma2 semaphore(%run_scoped3A_18 : memref<!tpu.dma_semaphore, #tpu.memory_space<semaphore_mem>>) src(%dma_wait3A_28 : memref<1x128xi32, #tpu.memory_space<hbm>>) dst(%arg12 : memref<1x128xi32, #tpu.memory_space<vmem>>)
        tpu.yield
      }) : () -> ()
      %run_scoped3A = arith.constant 0 : i32
      "tpu.region"() ({
        %run_scoped3A_18 = tpu.sem_alloc : memref<!tpu.dma_semaphore, #tpu.memory_space<semaphore_mem>>
        %dma_start3A = arith.constant 0 : i32
        %dma_start3A_19 = tpu.memref_slice %arg11[%run_scoped3A, %dma_start3A] : memref<1x128xi32, #tpu.memory_space<vmem>> -> memref<1x128xi32, #tpu.memory_space<vmem>>
        %dma_start3A_20 = tpu.memref_squeeze %dma_start3A_19 : memref<1x128xi32, #tpu.memory_space<vmem>> -> memref<128xi32, #tpu.memory_space<vmem>>
        %dma_start3A_21 = arith.constant 0 : i32
        %dma_start3A_22 = arith.constant 0 : i32
        %dma_start3A_23 = tpu.memref_slice %arg2[%dma_start3A_21, %dma_start3A_22] : memref<10000x128xf32, #tpu.memory_space<hbm>> -> memref<10000x128xf32, #tpu.memory_space<hbm>>
        tpu.enqueue_indirect_dma source(%dma_start3A_23 : memref<10000x128xf32, #tpu.memory_space<hbm>>) target(%arg13 : memref<128x128xf32, #tpu.memory_space<vmem>>) offsets(%dma_start3A_20 : memref<128xi32, #tpu.memory_space<vmem>>) semaphore(%run_scoped3A_18 : memref<!tpu.dma_semaphore, #tpu.memory_space<semaphore_mem>>)
        %dma_wait3A = arith.constant 0 : i32
        %dma_wait3A_24 = tpu.memref_slice %arg11[%run_scoped3A, %dma_wait3A] : memref<1x128xi32, #tpu.memory_space<vmem>> -> memref<1x128xi32, #tpu.memory_space<vmem>>
        %dma_wait3A_25 = tpu.memref_squeeze %dma_wait3A_24 : memref<1x128xi32, #tpu.memory_space<vmem>> -> memref<128xi32, #tpu.memory_space<vmem>>
        %dma_wait3A_26 = arith.constant 0 : i32
        %dma_wait3A_27 = arith.constant 0 : i32
        %dma_wait3A_28 = tpu.memref_slice %arg2[%dma_wait3A_26, %dma_wait3A_27] : memref<10000x128xf32, #tpu.memory_space<hbm>> -> memref<10000x128xf32, #tpu.memory_space<hbm>>
        tpu.wait_indirect_dma semaphore(%run_scoped3A_18 : memref<!tpu.dma_semaphore, #tpu.memory_space<semaphore_mem>>) src(%dma_wait3A_28 : memref<10000x128xf32, #tpu.memory_space<hbm>>) dst(%arg13 : memref<128x128xf32, #tpu.memory_space<vmem>>)
        tpu.yield
      }) : () -> ()
      %run_scoped3A_17 = arith.constant 0 : i32
      "tpu.region"() ({
        %run_scoped3A_18 = tpu.sem_alloc : memref<!tpu.dma_semaphore, #tpu.memory_space<semaphore_mem>>
        %dma_start3A = arith.constant 0 : i32
        %dma_start3A_19 = tpu.memref_slice %arg12[%run_scoped3A_17, %dma_start3A] : memref<1x128xi32, #tpu.memory_space<vmem>> -> memref<1x128xi32, #tpu.memory_space<vmem>>
        %dma_start3A_20 = tpu.memref_squeeze %dma_start3A_19 : memref<1x128xi32, #tpu.memory_space<vmem>> -> memref<128xi32, #tpu.memory_space<vmem>>
        %dma_start3A_21 = arith.constant 0 : i32
        %dma_start3A_22 = arith.constant 0 : i32
        %dma_start3A_23 = tpu.memref_slice %arg15[%dma_start3A_21, %dma_start3A_22] : memref<10000x128xf32, #tpu.memory_space<vmem_shared>> -> memref<10000x128xf32, #tpu.memory_space<vmem_shared>>
        tpu.enqueue_indirect_dma source(%arg13 : memref<128x128xf32, #tpu.memory_space<vmem>>) target(%dma_start3A_23 : memref<10000x128xf32, #tpu.memory_space<vmem_shared>>) offsets(%dma_start3A_20 : memref<128xi32, #tpu.memory_space<vmem>>) semaphore(%run_scoped3A_18 : memref<!tpu.dma_semaphore, #tpu.memory_space<semaphore_mem>>) {add = true}
        %dma_wait3A = arith.constant 0 : i32
        %dma_wait3A_24 = tpu.memref_slice %arg12[%run_scoped3A_17, %dma_wait3A] : memref<1x128xi32, #tpu.memory_space<vmem>> -> memref<1x128xi32, #tpu.memory_space<vmem>>
        %dma_wait3A_25 = tpu.memref_squeeze %dma_wait3A_24 : memref<1x128xi32, #tpu.memory_space<vmem>> -> memref<128xi32, #tpu.memory_space<vmem>>
        %dma_wait3A_26 = arith.constant 0 : i32
        %dma_wait3A_27 = arith.constant 0 : i32
        %dma_wait3A_28 = tpu.memref_slice %arg15[%dma_wait3A_26, %dma_wait3A_27] : memref<10000x128xf32, #tpu.memory_space<vmem_shared>> -> memref<10000x128xf32, #tpu.memory_space<vmem_shared>>
        tpu.wait_indirect_dma semaphore(%run_scoped3A_18 : memref<!tpu.dma_semaphore, #tpu.memory_space<semaphore_mem>>) src(%arg13 : memref<128x128xf32, #tpu.memory_space<vmem>>) dst(%dma_wait3A_28 : memref<10000x128xf32, #tpu.memory_space<vmem_shared>>)
        tpu.yield
      }) : () -> ()
    } else {
    }
    %barrier3A_11 = arith.constant 0 : index
    tpu.barrier barrier_id(%barrier3A_11)
    %lt3A_12 = arith.constant 10 : i32
    %lt3A_13 = arith.cmpi slt, %arg1, %lt3A_12 : i32
    %convert_element_type3A_14 = arith.extui %lt3A_13 : i1 to i32
    %cond3A_15 = arith.constant 0 : i32
    %cond3A_16 = arith.cmpi ne, %convert_element_type3A_14, %cond3A_15 : i32
    scf.if %cond3A_16 {
      %mul3A = arith.constant 1000 : i32
      %mul3A_17 = arith.muli %arg1, %mul3A : i32
      "tpu.region"() ({
        %run_scoped3A = tpu.sem_alloc : memref<!tpu.dma_semaphore, #tpu.memory_space<semaphore_mem>>
        %dma_start3A = arith.constant 0 : i32
        %dma_start3A_18 = tpu.memref_slice %arg8[%arg0, %mul3A_17, %dma_start3A] : memref<2x10000x128xf32, #tpu.memory_space<hbm>> -> memref<1x1000x128xf32, #tpu.memory_space<hbm>>
        %dma_start3A_19 = tpu.memref_squeeze %dma_start3A_18 : memref<1x1000x128xf32, #tpu.memory_space<hbm>> -> memref<1000x128xf32, #tpu.memory_space<hbm>>
        %dma_start3A_20 = arith.constant 0 : i32
        %dma_start3A_21 = tpu.memref_slice %arg15[%mul3A_17, %dma_start3A_20] : memref<10000x128xf32, #tpu.memory_space<vmem_shared>> -> memref<1000x128xf32, #tpu.memory_space<vmem_shared>>
        tpu.enqueue_dma source(%dma_start3A_21 : memref<1000x128xf32, #tpu.memory_space<vmem_shared>>) target(%dma_start3A_19 : memref<1000x128xf32, #tpu.memory_space<hbm>>) target_semaphore(%run_scoped3A : memref<!tpu.dma_semaphore, #tpu.memory_space<semaphore_mem>>)
        %dma_wait3A = arith.constant 0 : i32
        %dma_wait3A_22 = tpu.memref_slice %arg8[%arg0, %mul3A_17, %dma_wait3A] : memref<2x10000x128xf32, #tpu.memory_space<hbm>> -> memref<1x1000x128xf32, #tpu.memory_space<hbm>>
        %dma_wait3A_23 = tpu.memref_squeeze %dma_wait3A_22 : memref<1x1000x128xf32, #tpu.memory_space<hbm>> -> memref<1000x128xf32, #tpu.memory_space<hbm>>
        %dma_wait3A_24 = arith.constant 0 : i32
        %dma_wait3A_25 = tpu.memref_slice %arg15[%mul3A_17, %dma_wait3A_24] : memref<10000x128xf32, #tpu.memory_space<vmem_shared>> -> memref<1000x128xf32, #tpu.memory_space<vmem_shared>>
        tpu.wait_dma2 semaphore(%run_scoped3A : memref<!tpu.dma_semaphore, #tpu.memory_space<semaphore_mem>>) src(%dma_wait3A_25 : memref<1000x128xf32, #tpu.memory_space<vmem_shared>>) dst(%dma_wait3A_23 : memref<1000x128xf32, #tpu.memory_space<hbm>>)
        tpu.yield
      }) : () -> ()
    } else {
    }
    return
  }
}

#map = affine_map<(d0, d1) -> (0, 0)>
#map1 = affine_map<(d0, d1) -> (0, 0, 0, 0, 0)>
#map2 = affine_map<(d0, d1) -> (0, 0, 0, 0)>
#map3 = affine_map<(d0, d1) -> (0, 0, 0)>
module attributes {stable_mosaic.version = 14 : i64} {
  func.func @_sc_aggregate(%arg0: i32, %arg1: i32, %arg2: memref<10000x128xf32, #tpu.memory_space<hbm>>, %arg3: memref<2x16x3x26x128xi32, #tpu.memory_space<hbm>>, %arg4: memref<2x16x78x128xi32, #tpu.memory_space<hbm>>, %arg5: memref<2x2x128xi32, #tpu.memory_space<hbm>>, %arg6: memref<2x2x128xi32, #tpu.memory_space<hbm>>, %arg7: memref<1000x128xf32, #tpu.memory_space<hbm>>, %arg8: memref<2x10000x128xf32, #tpu.memory_space<hbm>>, %arg9: memref<26x128xi32, #tpu.memory_space<vmem>>, %arg10: memref<78x128xi32, #tpu.memory_space<vmem>>, %arg11: memref<1x128xi32, #tpu.memory_space<vmem>>, %arg12: memref<1x128xi32, #tpu.memory_space<vmem>>, %arg13: memref<128x128xf32, #tpu.memory_space<vmem>>, %arg14: memref<128x128xf32, #tpu.memory_space<vmem>>, %arg15: memref<10000x128xf32, #tpu.memory_space<vmem_shared>>, %arg16: memref<!tpu.dma_semaphore, #tpu.memory_space<semaphore_mem>>, %arg17: memref<!tpu.dma_semaphore, #tpu.memory_space<semaphore_mem>>) attributes {dimension_semantics = [#tpu.dimension_semantics<core_parallel>, #tpu.dimension_semantics<subcore_parallel>], iteration_bounds = array<i64: 2, 16>, scalar_prefetch = 0 : i64, scratch_operands = 9 : i64, tpu.core_type = #tpu.core_type<sc_vector_subcore>, window_params = [{transform_indices = #map}, {transform_indices = #map1}, {transform_indices = #map2}, {transform_indices = #map3}, {transform_indices = #map3}, {transform_indices = #map}, {transform_indices = #map3}]} {
    "tpu.region"() ({
      %run_scoped3A = tpu.sem_alloc : memref<!tpu.dma_semaphore, #tpu.memory_space<semaphore_mem>>
      %dma_start3A = arith.constant 0 : i32
      %dma_start3A_17 = arith.constant 0 : i32
      %dma_start3A_18 = tpu.memref_slice %arg4[%arg0, %arg1, %dma_start3A, %dma_start3A_17] : memref<2x16x78x128xi32, #tpu.memory_space<hbm>> -> memref<1x1x78x128xi32, #tpu.memory_space<hbm>>
      %dma_start3A_19 = tpu.memref_squeeze %dma_start3A_18 : memref<1x1x78x128xi32, #tpu.memory_space<hbm>> -> memref<78x128xi32, #tpu.memory_space<hbm>>
      %dma_start3A_20 = arith.constant 0 : i32
      %dma_start3A_21 = arith.constant 0 : i32
      %dma_start3A_22 = tpu.memref_slice %arg4[%arg0, %arg1, %dma_start3A_20, %dma_start3A_21] : memref<2x16x78x128xi32, #tpu.memory_space<hbm>> -> memref<1x1x78x128xi32, #tpu.memory_space<hbm>>
      %dma_start3A_23 = tpu.memref_squeeze %dma_start3A_22 : memref<1x1x78x128xi32, #tpu.memory_space<hbm>> -> memref<78x128xi32, #tpu.memory_space<hbm>>
      tpu.enqueue_dma source(%dma_start3A_23 : memref<78x128xi32, #tpu.memory_space<hbm>>) target(%arg10 : memref<78x128xi32, #tpu.memory_space<vmem>>) target_semaphore(%run_scoped3A : memref<!tpu.dma_semaphore, #tpu.memory_space<semaphore_mem>>)
      %dma_wait3A = arith.constant 0 : i32
      %dma_wait3A_24 = arith.constant 0 : i32
      %dma_wait3A_25 = tpu.memref_slice %arg4[%arg0, %arg1, %dma_wait3A, %dma_wait3A_24] : memref<2x16x78x128xi32, #tpu.memory_space<hbm>> -> memref<1x1x78x128xi32, #tpu.memory_space<hbm>>
      %dma_wait3A_26 = tpu.memref_squeeze %dma_wait3A_25 : memref<1x1x78x128xi32, #tpu.memory_space<hbm>> -> memref<78x128xi32, #tpu.memory_space<hbm>>
      %dma_wait3A_27 = arith.constant 0 : i32
      %dma_wait3A_28 = arith.constant 0 : i32
      %dma_wait3A_29 = tpu.memref_slice %arg4[%arg0, %arg1, %dma_wait3A_27, %dma_wait3A_28] : memref<2x16x78x128xi32, #tpu.memory_space<hbm>> -> memref<1x1x78x128xi32, #tpu.memory_space<hbm>>
      %dma_wait3A_30 = tpu.memref_squeeze %dma_wait3A_29 : memref<1x1x78x128xi32, #tpu.memory_space<hbm>> -> memref<78x128xi32, #tpu.memory_space<hbm>>
      tpu.wait_dma2 semaphore(%run_scoped3A : memref<!tpu.dma_semaphore, #tpu.memory_space<semaphore_mem>>) src(%dma_wait3A_30 : memref<78x128xi32, #tpu.memory_space<hbm>>) dst(%arg10 : memref<78x128xi32, #tpu.memory_space<vmem>>)
      tpu.yield
    }) : () -> ()
    %lt3A = arith.constant 10 : i32
    %lt3A_0 = arith.cmpi slt, %arg1, %lt3A : i32
    %convert_element_type3A = arith.extui %lt3A_0 : i1 to i32
    %cond3A = arith.constant 0 : i32
    %cond3A_1 = arith.cmpi ne, %convert_element_type3A, %cond3A : i32
    scf.if %cond3A_1 {
      %mul3A = arith.constant 1000 : i32
      %mul3A_17 = arith.muli %arg1, %mul3A : i32
      "tpu.region"() ({
        %run_scoped3A = tpu.sem_alloc : memref<!tpu.dma_semaphore, #tpu.memory_space<semaphore_mem>>
        %dma_start3A = arith.constant 0 : i32
        %dma_start3A_18 = tpu.memref_slice %arg15[%mul3A_17, %dma_start3A] : memref<10000x128xf32, #tpu.memory_space<vmem_shared>> -> memref<1000x128xf32, #tpu.memory_space<vmem_shared>>
        tpu.enqueue_dma source(%arg7 : memref<1000x128xf32, #tpu.memory_space<hbm>>) target(%dma_start3A_18 : memref<1000x128xf32, #tpu.memory_space<vmem_shared>>) target_semaphore(%run_scoped3A : memref<!tpu.dma_semaphore, #tpu.memory_space<semaphore_mem>>)
        %dma_wait3A = arith.constant 0 : i32
        %dma_wait3A_19 = tpu.memref_slice %arg15[%mul3A_17, %dma_wait3A] : memref<10000x128xf32, #tpu.memory_space<vmem_shared>> -> memref<1000x128xf32, #tpu.memory_space<vmem_shared>>
        tpu.wait_dma2 semaphore(%run_scoped3A : memref<!tpu.dma_semaphore, #tpu.memory_space<semaphore_mem>>) src(%arg7 : memref<1000x128xf32, #tpu.memory_space<hbm>>) dst(%dma_wait3A_19 : memref<1000x128xf32, #tpu.memory_space<vmem_shared>>)
        tpu.yield
      }) : () -> ()
    } else {
    }
    %barrier3A = arith.constant 0 : index
    tpu.barrier barrier_id(%barrier3A)
    %scan3A = arith.constant 0 : i32
    %scan3A_2 = arith.constant 3 : i32
    %scan3A_3 = arith.addi %scan3A, %scan3A_2 : i32
    %scan3A_4 = arith.constant 1 : i32
    scf.for %scan3A_17 = %scan3A to %scan3A_3 step %scan3A_4  : i32 {
      %mul3A = arith.constant 1 : i32
      %mul3A_18 = arith.muli %scan3A_17, %mul3A : i32
      %add3A = arith.constant 0 : i32
      %add3A_19 = arith.addi %add3A, %mul3A_18 : i32
      %mul3A_20 = arith.constant 26 : i32
      %mul3A_21 = arith.muli %add3A_19, %mul3A_20 : i32
      "tpu.region"() ({
        %run_scoped3A = tpu.sem_alloc : memref<!tpu.dma_semaphore, #tpu.memory_space<semaphore_mem>>
        %dma_start3A_60 = arith.constant 0 : i32
        %dma_start3A_61 = arith.constant 0 : i32
        %dma_start3A_62 = tpu.memref_slice %arg3[%arg0, %arg1, %add3A_19, %dma_start3A_60, %dma_start3A_61] : memref<2x16x3x26x128xi32, #tpu.memory_space<hbm>> -> memref<1x1x1x26x128xi32, #tpu.memory_space<hbm>>
        %dma_start3A_63 = tpu.memref_squeeze %dma_start3A_62 : memref<1x1x1x26x128xi32, #tpu.memory_space<hbm>> -> memref<26x128xi32, #tpu.memory_space<hbm>>
        %dma_start3A_64 = arith.constant 0 : i32
        %dma_start3A_65 = arith.constant 0 : i32
        %dma_start3A_66 = tpu.memref_slice %arg3[%arg0, %arg1, %add3A_19, %dma_start3A_64, %dma_start3A_65] : memref<2x16x3x26x128xi32, #tpu.memory_space<hbm>> -> memref<1x1x1x26x128xi32, #tpu.memory_space<hbm>>
        %dma_start3A_67 = tpu.memref_squeeze %dma_start3A_66 : memref<1x1x1x26x128xi32, #tpu.memory_space<hbm>> -> memref<26x128xi32, #tpu.memory_space<hbm>>
        tpu.enqueue_dma source(%dma_start3A_67 : memref<26x128xi32, #tpu.memory_space<hbm>>) target(%arg9 : memref<26x128xi32, #tpu.memory_space<vmem>>) target_semaphore(%run_scoped3A : memref<!tpu.dma_semaphore, #tpu.memory_space<semaphore_mem>>)
        %dma_wait3A_68 = arith.constant 0 : i32
        %dma_wait3A_69 = arith.constant 0 : i32
        %dma_wait3A_70 = tpu.memref_slice %arg3[%arg0, %arg1, %add3A_19, %dma_wait3A_68, %dma_wait3A_69] : memref<2x16x3x26x128xi32, #tpu.memory_space<hbm>> -> memref<1x1x1x26x128xi32, #tpu.memory_space<hbm>>
        %dma_wait3A_71 = tpu.memref_squeeze %dma_wait3A_70 : memref<1x1x1x26x128xi32, #tpu.memory_space<hbm>> -> memref<26x128xi32, #tpu.memory_space<hbm>>
        %dma_wait3A_72 = arith.constant 0 : i32
        %dma_wait3A_73 = arith.constant 0 : i32
        %dma_wait3A_74 = tpu.memref_slice %arg3[%arg0, %arg1, %add3A_19, %dma_wait3A_72, %dma_wait3A_73] : memref<2x16x3x26x128xi32, #tpu.memory_space<hbm>> -> memref<1x1x1x26x128xi32, #tpu.memory_space<hbm>>
        %dma_wait3A_75 = tpu.memref_squeeze %dma_wait3A_74 : memref<1x1x1x26x128xi32, #tpu.memory_space<hbm>> -> memref<26x128xi32, #tpu.memory_space<hbm>>
        tpu.wait_dma2 semaphore(%run_scoped3A : memref<!tpu.dma_semaphore, #tpu.memory_space<semaphore_mem>>) src(%dma_wait3A_75 : memref<26x128xi32, #tpu.memory_space<hbm>>) dst(%arg9 : memref<26x128xi32, #tpu.memory_space<vmem>>)
        tpu.yield
      }) : () -> ()
      %dma_start3A = arith.constant 0 : i32
      %dma_start3A_22 = arith.constant 0 : i32
      %dma_start3A_23 = tpu.memref_slice %arg9[%dma_start3A, %dma_start3A_22] : memref<26x128xi32, #tpu.memory_space<vmem>> -> memref<1x128xi32, #tpu.memory_space<vmem>>
      %dma_start3A_24 = tpu.memref_squeeze %dma_start3A_23 : memref<1x128xi32, #tpu.memory_space<vmem>> -> memref<128xi32, #tpu.memory_space<vmem>>
      %dma_start3A_25 = arith.constant 0 : i32
      %dma_start3A_26 = arith.constant 0 : i32
      %dma_start3A_27 = tpu.memref_slice %arg2[%dma_start3A_25, %dma_start3A_26] : memref<10000x128xf32, #tpu.memory_space<hbm>> -> memref<10000x128xf32, #tpu.memory_space<hbm>>
      tpu.enqueue_indirect_dma source(%dma_start3A_27 : memref<10000x128xf32, #tpu.memory_space<hbm>>) target(%arg13 : memref<128x128xf32, #tpu.memory_space<vmem>>) offsets(%dma_start3A_24 : memref<128xi32, #tpu.memory_space<vmem>>) semaphore(%arg16 : memref<!tpu.dma_semaphore, #tpu.memory_space<semaphore_mem>>)
      %scan3A_28 = arith.constant 0 : i32
      %scan3A_29 = arith.constant 12 : i32
      %scan3A_30 = arith.addi %scan3A_28, %scan3A_29 : i32
      %scan3A_31 = arith.constant 1 : i32
      scf.for %scan3A_60 = %scan3A_28 to %scan3A_30 step %scan3A_31  : i32 {
        %mul3A_61 = arith.constant 2 : i32
        %mul3A_62 = arith.muli %scan3A_60, %mul3A_61 : i32
        %add3A_63 = arith.constant 0 : i32
        %add3A_64 = arith.addi %add3A_63, %mul3A_62 : i32
        %add3A_65 = arith.constant 1 : i32
        %add3A_66 = arith.addi %add3A_64, %add3A_65 : i32
        %dma_start3A_67 = arith.constant 0 : i32
        %dma_start3A_68 = tpu.memref_slice %arg9[%add3A_66, %dma_start3A_67] : memref<26x128xi32, #tpu.memory_space<vmem>> -> memref<1x128xi32, #tpu.memory_space<vmem>>
        %dma_start3A_69 = tpu.memref_squeeze %dma_start3A_68 : memref<1x128xi32, #tpu.memory_space<vmem>> -> memref<128xi32, #tpu.memory_space<vmem>>
        %dma_start3A_70 = arith.constant 0 : i32
        %dma_start3A_71 = arith.constant 0 : i32
        %dma_start3A_72 = tpu.memref_slice %arg2[%dma_start3A_70, %dma_start3A_71] : memref<10000x128xf32, #tpu.memory_space<hbm>> -> memref<10000x128xf32, #tpu.memory_space<hbm>>
        tpu.enqueue_indirect_dma source(%dma_start3A_72 : memref<10000x128xf32, #tpu.memory_space<hbm>>) target(%arg14 : memref<128x128xf32, #tpu.memory_space<vmem>>) offsets(%dma_start3A_69 : memref<128xi32, #tpu.memory_space<vmem>>) semaphore(%arg17 : memref<!tpu.dma_semaphore, #tpu.memory_space<semaphore_mem>>)
        %dma_wait3A_73 = arith.constant 0 : i32
        %dma_wait3A_74 = tpu.memref_slice %arg9[%add3A_64, %dma_wait3A_73] : memref<26x128xi32, #tpu.memory_space<vmem>> -> memref<1x128xi32, #tpu.memory_space<vmem>>
        %dma_wait3A_75 = tpu.memref_squeeze %dma_wait3A_74 : memref<1x128xi32, #tpu.memory_space<vmem>> -> memref<128xi32, #tpu.memory_space<vmem>>
        %dma_wait3A_76 = arith.constant 0 : i32
        %dma_wait3A_77 = arith.constant 0 : i32
        %dma_wait3A_78 = tpu.memref_slice %arg2[%dma_wait3A_76, %dma_wait3A_77] : memref<10000x128xf32, #tpu.memory_space<hbm>> -> memref<10000x128xf32, #tpu.memory_space<hbm>>
        tpu.wait_indirect_dma semaphore(%arg16 : memref<!tpu.dma_semaphore, #tpu.memory_space<semaphore_mem>>) src(%dma_wait3A_78 : memref<10000x128xf32, #tpu.memory_space<hbm>>) dst(%arg13 : memref<128x128xf32, #tpu.memory_space<vmem>>)
        %add3A_79 = arith.addi %mul3A_21, %add3A_64 : i32
        "tpu.region"() ({
          %run_scoped3A = tpu.sem_alloc : memref<!tpu.dma_semaphore, #tpu.memory_space<semaphore_mem>>
          %dma_start3A_99 = arith.constant 0 : i32
          %dma_start3A_100 = tpu.memref_slice %arg10[%add3A_79, %dma_start3A_99] : memref<78x128xi32, #tpu.memory_space<vmem>> -> memref<1x128xi32, #tpu.memory_space<vmem>>
          %dma_start3A_101 = tpu.memref_squeeze %dma_start3A_100 : memref<1x128xi32, #tpu.memory_space<vmem>> -> memref<128xi32, #tpu.memory_space<vmem>>
          %dma_start3A_102 = arith.constant 0 : i32
          %dma_start3A_103 = arith.constant 0 : i32
          %dma_start3A_104 = tpu.memref_slice %arg15[%dma_start3A_102, %dma_start3A_103] : memref<10000x128xf32, #tpu.memory_space<vmem_shared>> -> memref<10000x128xf32, #tpu.memory_space<vmem_shared>>
          tpu.enqueue_indirect_dma source(%arg13 : memref<128x128xf32, #tpu.memory_space<vmem>>) target(%dma_start3A_104 : memref<10000x128xf32, #tpu.memory_space<vmem_shared>>) offsets(%dma_start3A_101 : memref<128xi32, #tpu.memory_space<vmem>>) semaphore(%run_scoped3A : memref<!tpu.dma_semaphore, #tpu.memory_space<semaphore_mem>>) {add = true}
          %dma_wait3A_105 = arith.constant 0 : i32
          %dma_wait3A_106 = tpu.memref_slice %arg10[%add3A_79, %dma_wait3A_105] : memref<78x128xi32, #tpu.memory_space<vmem>> -> memref<1x128xi32, #tpu.memory_space<vmem>>
          %dma_wait3A_107 = tpu.memref_squeeze %dma_wait3A_106 : memref<1x128xi32, #tpu.memory_space<vmem>> -> memref<128xi32, #tpu.memory_space<vmem>>
          %dma_wait3A_108 = arith.constant 0 : i32
          %dma_wait3A_109 = arith.constant 0 : i32
          %dma_wait3A_110 = tpu.memref_slice %arg15[%dma_wait3A_108, %dma_wait3A_109] : memref<10000x128xf32, #tpu.memory_space<vmem_shared>> -> memref<10000x128xf32, #tpu.memory_space<vmem_shared>>
          tpu.wait_indirect_dma semaphore(%run_scoped3A : memref<!tpu.dma_semaphore, #tpu.memory_space<semaphore_mem>>) src(%arg13 : memref<128x128xf32, #tpu.memory_space<vmem>>) dst(%dma_wait3A_110 : memref<10000x128xf32, #tpu.memory_space<vmem_shared>>)
          tpu.yield
        }) : () -> ()
        %add3A_80 = arith.constant 2 : i32
        %add3A_81 = arith.addi %add3A_64, %add3A_80 : i32
        %dma_start3A_82 = arith.constant 0 : i32
        %dma_start3A_83 = tpu.memref_slice %arg9[%add3A_81, %dma_start3A_82] : memref<26x128xi32, #tpu.memory_space<vmem>> -> memref<1x128xi32, #tpu.memory_space<vmem>>
        %dma_start3A_84 = tpu.memref_squeeze %dma_start3A_83 : memref<1x128xi32, #tpu.memory_space<vmem>> -> memref<128xi32, #tpu.memory_space<vmem>>
        %dma_start3A_85 = arith.constant 0 : i32
        %dma_start3A_86 = arith.constant 0 : i32
        %dma_start3A_87 = tpu.memref_slice %arg2[%dma_start3A_85, %dma_start3A_86] : memref<10000x128xf32, #tpu.memory_space<hbm>> -> memref<10000x128xf32, #tpu.memory_space<hbm>>
        tpu.enqueue_indirect_dma source(%dma_start3A_87 : memref<10000x128xf32, #tpu.memory_space<hbm>>) target(%arg13 : memref<128x128xf32, #tpu.memory_space<vmem>>) offsets(%dma_start3A_84 : memref<128xi32, #tpu.memory_space<vmem>>) semaphore(%arg16 : memref<!tpu.dma_semaphore, #tpu.memory_space<semaphore_mem>>)
        %add3A_88 = arith.constant 1 : i32
        %add3A_89 = arith.addi %add3A_64, %add3A_88 : i32
        %dma_wait3A_90 = arith.constant 0 : i32
        %dma_wait3A_91 = tpu.memref_slice %arg9[%add3A_89, %dma_wait3A_90] : memref<26x128xi32, #tpu.memory_space<vmem>> -> memref<1x128xi32, #tpu.memory_space<vmem>>
        %dma_wait3A_92 = tpu.memref_squeeze %dma_wait3A_91 : memref<1x128xi32, #tpu.memory_space<vmem>> -> memref<128xi32, #tpu.memory_space<vmem>>
        %dma_wait3A_93 = arith.constant 0 : i32
        %dma_wait3A_94 = arith.constant 0 : i32
        %dma_wait3A_95 = tpu.memref_slice %arg2[%dma_wait3A_93, %dma_wait3A_94] : memref<10000x128xf32, #tpu.memory_space<hbm>> -> memref<10000x128xf32, #tpu.memory_space<hbm>>
        tpu.wait_indirect_dma semaphore(%arg17 : memref<!tpu.dma_semaphore, #tpu.memory_space<semaphore_mem>>) src(%dma_wait3A_95 : memref<10000x128xf32, #tpu.memory_space<hbm>>) dst(%arg14 : memref<128x128xf32, #tpu.memory_space<vmem>>)
        %add3A_96 = arith.addi %mul3A_21, %add3A_64 : i32
        %add3A_97 = arith.constant 1 : i32
        %add3A_98 = arith.addi %add3A_96, %add3A_97 : i32
        "tpu.region"() ({
          %run_scoped3A = tpu.sem_alloc : memref<!tpu.dma_semaphore, #tpu.memory_space<semaphore_mem>>
          %dma_start3A_99 = arith.constant 0 : i32
          %dma_start3A_100 = tpu.memref_slice %arg10[%add3A_98, %dma_start3A_99] : memref<78x128xi32, #tpu.memory_space<vmem>> -> memref<1x128xi32, #tpu.memory_space<vmem>>
          %dma_start3A_101 = tpu.memref_squeeze %dma_start3A_100 : memref<1x128xi32, #tpu.memory_space<vmem>> -> memref<128xi32, #tpu.memory_space<vmem>>
          %dma_start3A_102 = arith.constant 0 : i32
          %dma_start3A_103 = arith.constant 0 : i32
          %dma_start3A_104 = tpu.memref_slice %arg15[%dma_start3A_102, %dma_start3A_103] : memref<10000x128xf32, #tpu.memory_space<vmem_shared>> -> memref<10000x128xf32, #tpu.memory_space<vmem_shared>>
          tpu.enqueue_indirect_dma source(%arg14 : memref<128x128xf32, #tpu.memory_space<vmem>>) target(%dma_start3A_104 : memref<10000x128xf32, #tpu.memory_space<vmem_shared>>) offsets(%dma_start3A_101 : memref<128xi32, #tpu.memory_space<vmem>>) semaphore(%run_scoped3A : memref<!tpu.dma_semaphore, #tpu.memory_space<semaphore_mem>>) {add = true}
          %dma_wait3A_105 = arith.constant 0 : i32
          %dma_wait3A_106 = tpu.memref_slice %arg10[%add3A_98, %dma_wait3A_105] : memref<78x128xi32, #tpu.memory_space<vmem>> -> memref<1x128xi32, #tpu.memory_space<vmem>>
          %dma_wait3A_107 = tpu.memref_squeeze %dma_wait3A_106 : memref<1x128xi32, #tpu.memory_space<vmem>> -> memref<128xi32, #tpu.memory_space<vmem>>
          %dma_wait3A_108 = arith.constant 0 : i32
          %dma_wait3A_109 = arith.constant 0 : i32
          %dma_wait3A_110 = tpu.memref_slice %arg15[%dma_wait3A_108, %dma_wait3A_109] : memref<10000x128xf32, #tpu.memory_space<vmem_shared>> -> memref<10000x128xf32, #tpu.memory_space<vmem_shared>>
          tpu.wait_indirect_dma semaphore(%run_scoped3A : memref<!tpu.dma_semaphore, #tpu.memory_space<semaphore_mem>>) src(%arg14 : memref<128x128xf32, #tpu.memory_space<vmem>>) dst(%dma_wait3A_110 : memref<10000x128xf32, #tpu.memory_space<vmem_shared>>)
          tpu.yield
        }) : () -> ()
      }
      %scan3A_32 = arith.constant 12 : i32
      %dma_start3A_33 = arith.constant 25 : i32
      %dma_start3A_34 = arith.constant 0 : i32
      %dma_start3A_35 = tpu.memref_slice %arg9[%dma_start3A_33, %dma_start3A_34] : memref<26x128xi32, #tpu.memory_space<vmem>> -> memref<1x128xi32, #tpu.memory_space<vmem>>
      %dma_start3A_36 = tpu.memref_squeeze %dma_start3A_35 : memref<1x128xi32, #tpu.memory_space<vmem>> -> memref<128xi32, #tpu.memory_space<vmem>>
      %dma_start3A_37 = arith.constant 0 : i32
      %dma_start3A_38 = arith.constant 0 : i32
      %dma_start3A_39 = tpu.memref_slice %arg2[%dma_start3A_37, %dma_start3A_38] : memref<10000x128xf32, #tpu.memory_space<hbm>> -> memref<10000x128xf32, #tpu.memory_space<hbm>>
      tpu.enqueue_indirect_dma source(%dma_start3A_39 : memref<10000x128xf32, #tpu.memory_space<hbm>>) target(%arg14 : memref<128x128xf32, #tpu.memory_space<vmem>>) offsets(%dma_start3A_36 : memref<128xi32, #tpu.memory_space<vmem>>) semaphore(%arg17 : memref<!tpu.dma_semaphore, #tpu.memory_space<semaphore_mem>>)
      %dma_wait3A = arith.constant 24 : i32
      %dma_wait3A_40 = arith.constant 0 : i32
      %dma_wait3A_41 = tpu.memref_slice %arg9[%dma_wait3A, %dma_wait3A_40] : memref<26x128xi32, #tpu.memory_space<vmem>> -> memref<1x128xi32, #tpu.memory_space<vmem>>
      %dma_wait3A_42 = tpu.memref_squeeze %dma_wait3A_41 : memref<1x128xi32, #tpu.memory_space<vmem>> -> memref<128xi32, #tpu.memory_space<vmem>>
      %dma_wait3A_43 = arith.constant 0 : i32
      %dma_wait3A_44 = arith.constant 0 : i32
      %dma_wait3A_45 = tpu.memref_slice %arg2[%dma_wait3A_43, %dma_wait3A_44] : memref<10000x128xf32, #tpu.memory_space<hbm>> -> memref<10000x128xf32, #tpu.memory_space<hbm>>
      tpu.wait_indirect_dma semaphore(%arg16 : memref<!tpu.dma_semaphore, #tpu.memory_space<semaphore_mem>>) src(%dma_wait3A_45 : memref<10000x128xf32, #tpu.memory_space<hbm>>) dst(%arg13 : memref<128x128xf32, #tpu.memory_space<vmem>>)
      %add3A_46 = arith.constant 26 : i32
      %add3A_47 = arith.addi %mul3A_21, %add3A_46 : i32
      %sub3A = arith.constant 2 : i32
      %sub3A_48 = arith.subi %add3A_47, %sub3A : i32
      "tpu.region"() ({
        %run_scoped3A = tpu.sem_alloc : memref<!tpu.dma_semaphore, #tpu.memory_space<semaphore_mem>>
        %dma_start3A_60 = arith.constant 0 : i32
        %dma_start3A_61 = tpu.memref_slice %arg10[%sub3A_48, %dma_start3A_60] : memref<78x128xi32, #tpu.memory_space<vmem>> -> memref<1x128xi32, #tpu.memory_space<vmem>>
        %dma_start3A_62 = tpu.memref_squeeze %dma_start3A_61 : memref<1x128xi32, #tpu.memory_space<vmem>> -> memref<128xi32, #tpu.memory_space<vmem>>
        %dma_start3A_63 = arith.constant 0 : i32
        %dma_start3A_64 = arith.constant 0 : i32
        %dma_start3A_65 = tpu.memref_slice %arg15[%dma_start3A_63, %dma_start3A_64] : memref<10000x128xf32, #tpu.memory_space<vmem_shared>> -> memref<10000x128xf32, #tpu.memory_space<vmem_shared>>
        tpu.enqueue_indirect_dma source(%arg13 : memref<128x128xf32, #tpu.memory_space<vmem>>) target(%dma_start3A_65 : memref<10000x128xf32, #tpu.memory_space<vmem_shared>>) offsets(%dma_start3A_62 : memref<128xi32, #tpu.memory_space<vmem>>) semaphore(%run_scoped3A : memref<!tpu.dma_semaphore, #tpu.memory_space<semaphore_mem>>) {add = true}
        %dma_wait3A_66 = arith.constant 0 : i32
        %dma_wait3A_67 = tpu.memref_slice %arg10[%sub3A_48, %dma_wait3A_66] : memref<78x128xi32, #tpu.memory_space<vmem>> -> memref<1x128xi32, #tpu.memory_space<vmem>>
        %dma_wait3A_68 = tpu.memref_squeeze %dma_wait3A_67 : memref<1x128xi32, #tpu.memory_space<vmem>> -> memref<128xi32, #tpu.memory_space<vmem>>
        %dma_wait3A_69 = arith.constant 0 : i32
        %dma_wait3A_70 = arith.constant 0 : i32
        %dma_wait3A_71 = tpu.memref_slice %arg15[%dma_wait3A_69, %dma_wait3A_70] : memref<10000x128xf32, #tpu.memory_space<vmem_shared>> -> memref<10000x128xf32, #tpu.memory_space<vmem_shared>>
        tpu.wait_indirect_dma semaphore(%run_scoped3A : memref<!tpu.dma_semaphore, #tpu.memory_space<semaphore_mem>>) src(%arg13 : memref<128x128xf32, #tpu.memory_space<vmem>>) dst(%dma_wait3A_71 : memref<10000x128xf32, #tpu.memory_space<vmem_shared>>)
        tpu.yield
      }) : () -> ()
      %dma_wait3A_49 = arith.constant 25 : i32
      %dma_wait3A_50 = arith.constant 0 : i32
      %dma_wait3A_51 = tpu.memref_slice %arg9[%dma_wait3A_49, %dma_wait3A_50] : memref<26x128xi32, #tpu.memory_space<vmem>> -> memref<1x128xi32, #tpu.memory_space<vmem>>
      %dma_wait3A_52 = tpu.memref_squeeze %dma_wait3A_51 : memref<1x128xi32, #tpu.memory_space<vmem>> -> memref<128xi32, #tpu.memory_space<vmem>>
      %dma_wait3A_53 = arith.constant 0 : i32
      %dma_wait3A_54 = arith.constant 0 : i32
      %dma_wait3A_55 = tpu.memref_slice %arg2[%dma_wait3A_53, %dma_wait3A_54] : memref<10000x128xf32, #tpu.memory_space<hbm>> -> memref<10000x128xf32, #tpu.memory_space<hbm>>
      tpu.wait_indirect_dma semaphore(%arg17 : memref<!tpu.dma_semaphore, #tpu.memory_space<semaphore_mem>>) src(%dma_wait3A_55 : memref<10000x128xf32, #tpu.memory_space<hbm>>) dst(%arg14 : memref<128x128xf32, #tpu.memory_space<vmem>>)
      %add3A_56 = arith.constant 26 : i32
      %add3A_57 = arith.addi %mul3A_21, %add3A_56 : i32
      %sub3A_58 = arith.constant 1 : i32
      %sub3A_59 = arith.subi %add3A_57, %sub3A_58 : i32
      "tpu.region"() ({
        %run_scoped3A = tpu.sem_alloc : memref<!tpu.dma_semaphore, #tpu.memory_space<semaphore_mem>>
        %dma_start3A_60 = arith.constant 0 : i32
        %dma_start3A_61 = tpu.memref_slice %arg10[%sub3A_59, %dma_start3A_60] : memref<78x128xi32, #tpu.memory_space<vmem>> -> memref<1x128xi32, #tpu.memory_space<vmem>>
        %dma_start3A_62 = tpu.memref_squeeze %dma_start3A_61 : memref<1x128xi32, #tpu.memory_space<vmem>> -> memref<128xi32, #tpu.memory_space<vmem>>
        %dma_start3A_63 = arith.constant 0 : i32
        %dma_start3A_64 = arith.constant 0 : i32
        %dma_start3A_65 = tpu.memref_slice %arg15[%dma_start3A_63, %dma_start3A_64] : memref<10000x128xf32, #tpu.memory_space<vmem_shared>> -> memref<10000x128xf32, #tpu.memory_space<vmem_shared>>
        tpu.enqueue_indirect_dma source(%arg14 : memref<128x128xf32, #tpu.memory_space<vmem>>) target(%dma_start3A_65 : memref<10000x128xf32, #tpu.memory_space<vmem_shared>>) offsets(%dma_start3A_62 : memref<128xi32, #tpu.memory_space<vmem>>) semaphore(%run_scoped3A : memref<!tpu.dma_semaphore, #tpu.memory_space<semaphore_mem>>) {add = true}
        %dma_wait3A_66 = arith.constant 0 : i32
        %dma_wait3A_67 = tpu.memref_slice %arg10[%sub3A_59, %dma_wait3A_66] : memref<78x128xi32, #tpu.memory_space<vmem>> -> memref<1x128xi32, #tpu.memory_space<vmem>>
        %dma_wait3A_68 = tpu.memref_squeeze %dma_wait3A_67 : memref<1x128xi32, #tpu.memory_space<vmem>> -> memref<128xi32, #tpu.memory_space<vmem>>
        %dma_wait3A_69 = arith.constant 0 : i32
        %dma_wait3A_70 = arith.constant 0 : i32
        %dma_wait3A_71 = tpu.memref_slice %arg15[%dma_wait3A_69, %dma_wait3A_70] : memref<10000x128xf32, #tpu.memory_space<vmem_shared>> -> memref<10000x128xf32, #tpu.memory_space<vmem_shared>>
        tpu.wait_indirect_dma semaphore(%run_scoped3A : memref<!tpu.dma_semaphore, #tpu.memory_space<semaphore_mem>>) src(%arg14 : memref<128x128xf32, #tpu.memory_space<vmem>>) dst(%dma_wait3A_71 : memref<10000x128xf32, #tpu.memory_space<vmem_shared>>)
        tpu.yield
      }) : () -> ()
    }
    %scan3A_5 = arith.constant 3 : i32
    %lt3A_6 = arith.constant 2 : i32
    %lt3A_7 = arith.cmpi slt, %arg1, %lt3A_6 : i32
    %convert_element_type3A_8 = arith.extui %lt3A_7 : i1 to i32
    %cond3A_9 = arith.constant 0 : i32
    %cond3A_10 = arith.cmpi ne, %convert_element_type3A_8, %cond3A_9 : i32
    scf.if %cond3A_10 {
      "tpu.region"() ({
        %run_scoped3A_18 = tpu.sem_alloc : memref<!tpu.dma_semaphore, #tpu.memory_space<semaphore_mem>>
        %dma_start3A = arith.constant 0 : i32
        %dma_start3A_19 = tpu.memref_slice %arg5[%arg0, %arg1, %dma_start3A] : memref<2x2x128xi32, #tpu.memory_space<hbm>> -> memref<1x1x128xi32, #tpu.memory_space<hbm>>
        %dma_start3A_20 = tpu.memref_squeeze %dma_start3A_19 : memref<1x1x128xi32, #tpu.memory_space<hbm>> -> memref<1x128xi32, #tpu.memory_space<hbm>>
        %dma_start3A_21 = arith.constant 0 : i32
        %dma_start3A_22 = tpu.memref_slice %arg5[%arg0, %arg1, %dma_start3A_21] : memref<2x2x128xi32, #tpu.memory_space<hbm>> -> memref<1x1x128xi32, #tpu.memory_space<hbm>>
        %dma_start3A_23 = tpu.memref_squeeze %dma_start3A_22 : memref<1x1x128xi32, #tpu.memory_space<hbm>> -> memref<1x128xi32, #tpu.memory_space<hbm>>
        tpu.enqueue_dma source(%dma_start3A_23 : memref<1x128xi32, #tpu.memory_space<hbm>>) target(%arg11 : memref<1x128xi32, #tpu.memory_space<vmem>>) target_semaphore(%run_scoped3A_18 : memref<!tpu.dma_semaphore, #tpu.memory_space<semaphore_mem>>)
        %dma_wait3A = arith.constant 0 : i32
        %dma_wait3A_24 = tpu.memref_slice %arg5[%arg0, %arg1, %dma_wait3A] : memref<2x2x128xi32, #tpu.memory_space<hbm>> -> memref<1x1x128xi32, #tpu.memory_space<hbm>>
        %dma_wait3A_25 = tpu.memref_squeeze %dma_wait3A_24 : memref<1x1x128xi32, #tpu.memory_space<hbm>> -> memref<1x128xi32, #tpu.memory_space<hbm>>
        %dma_wait3A_26 = arith.constant 0 : i32
        %dma_wait3A_27 = tpu.memref_slice %arg5[%arg0, %arg1, %dma_wait3A_26] : memref<2x2x128xi32, #tpu.memory_space<hbm>> -> memref<1x1x128xi32, #tpu.memory_space<hbm>>
        %dma_wait3A_28 = tpu.memref_squeeze %dma_wait3A_27 : memref<1x1x128xi32, #tpu.memory_space<hbm>> -> memref<1x128xi32, #tpu.memory_space<hbm>>
        tpu.wait_dma2 semaphore(%run_scoped3A_18 : memref<!tpu.dma_semaphore, #tpu.memory_space<semaphore_mem>>) src(%dma_wait3A_28 : memref<1x128xi32, #tpu.memory_space<hbm>>) dst(%arg11 : memref<1x128xi32, #tpu.memory_space<vmem>>)
        tpu.yield
      }) : () -> ()
      "tpu.region"() ({
        %run_scoped3A_18 = tpu.sem_alloc : memref<!tpu.dma_semaphore, #tpu.memory_space<semaphore_mem>>
        %dma_start3A = arith.constant 0 : i32
        %dma_start3A_19 = tpu.memref_slice %arg6[%arg0, %arg1, %dma_start3A] : memref<2x2x128xi32, #tpu.memory_space<hbm>> -> memref<1x1x128xi32, #tpu.memory_space<hbm>>
        %dma_start3A_20 = tpu.memref_squeeze %dma_start3A_19 : memref<1x1x128xi32, #tpu.memory_space<hbm>> -> memref<1x128xi32, #tpu.memory_space<hbm>>
        %dma_start3A_21 = arith.constant 0 : i32
        %dma_start3A_22 = tpu.memref_slice %arg6[%arg0, %arg1, %dma_start3A_21] : memref<2x2x128xi32, #tpu.memory_space<hbm>> -> memref<1x1x128xi32, #tpu.memory_space<hbm>>
        %dma_start3A_23 = tpu.memref_squeeze %dma_start3A_22 : memref<1x1x128xi32, #tpu.memory_space<hbm>> -> memref<1x128xi32, #tpu.memory_space<hbm>>
        tpu.enqueue_dma source(%dma_start3A_23 : memref<1x128xi32, #tpu.memory_space<hbm>>) target(%arg12 : memref<1x128xi32, #tpu.memory_space<vmem>>) target_semaphore(%run_scoped3A_18 : memref<!tpu.dma_semaphore, #tpu.memory_space<semaphore_mem>>)
        %dma_wait3A = arith.constant 0 : i32
        %dma_wait3A_24 = tpu.memref_slice %arg6[%arg0, %arg1, %dma_wait3A] : memref<2x2x128xi32, #tpu.memory_space<hbm>> -> memref<1x1x128xi32, #tpu.memory_space<hbm>>
        %dma_wait3A_25 = tpu.memref_squeeze %dma_wait3A_24 : memref<1x1x128xi32, #tpu.memory_space<hbm>> -> memref<1x128xi32, #tpu.memory_space<hbm>>
        %dma_wait3A_26 = arith.constant 0 : i32
        %dma_wait3A_27 = tpu.memref_slice %arg6[%arg0, %arg1, %dma_wait3A_26] : memref<2x2x128xi32, #tpu.memory_space<hbm>> -> memref<1x1x128xi32, #tpu.memory_space<hbm>>
        %dma_wait3A_28 = tpu.memref_squeeze %dma_wait3A_27 : memref<1x1x128xi32, #tpu.memory_space<hbm>> -> memref<1x128xi32, #tpu.memory_space<hbm>>
        tpu.wait_dma2 semaphore(%run_scoped3A_18 : memref<!tpu.dma_semaphore, #tpu.memory_space<semaphore_mem>>) src(%dma_wait3A_28 : memref<1x128xi32, #tpu.memory_space<hbm>>) dst(%arg12 : memref<1x128xi32, #tpu.memory_space<vmem>>)
        tpu.yield
      }) : () -> ()
      %run_scoped3A = arith.constant 0 : i32
      "tpu.region"() ({
        %run_scoped3A_18 = tpu.sem_alloc : memref<!tpu.dma_semaphore, #tpu.memory_space<semaphore_mem>>
        %dma_start3A = arith.constant 0 : i32
        %dma_start3A_19 = tpu.memref_slice %arg11[%run_scoped3A, %dma_start3A] : memref<1x128xi32, #tpu.memory_space<vmem>> -> memref<1x128xi32, #tpu.memory_space<vmem>>
        %dma_start3A_20 = tpu.memref_squeeze %dma_start3A_19 : memref<1x128xi32, #tpu.memory_space<vmem>> -> memref<128xi32, #tpu.memory_space<vmem>>
        %dma_start3A_21 = arith.constant 0 : i32
        %dma_start3A_22 = arith.constant 0 : i32
        %dma_start3A_23 = tpu.memref_slice %arg2[%dma_start3A_21, %dma_start3A_22] : memref<10000x128xf32, #tpu.memory_space<hbm>> -> memref<10000x128xf32, #tpu.memory_space<hbm>>
        tpu.enqueue_indirect_dma source(%dma_start3A_23 : memref<10000x128xf32, #tpu.memory_space<hbm>>) target(%arg13 : memref<128x128xf32, #tpu.memory_space<vmem>>) offsets(%dma_start3A_20 : memref<128xi32, #tpu.memory_space<vmem>>) semaphore(%run_scoped3A_18 : memref<!tpu.dma_semaphore, #tpu.memory_space<semaphore_mem>>)
        %dma_wait3A = arith.constant 0 : i32
        %dma_wait3A_24 = tpu.memref_slice %arg11[%run_scoped3A, %dma_wait3A] : memref<1x128xi32, #tpu.memory_space<vmem>> -> memref<1x128xi32, #tpu.memory_space<vmem>>
        %dma_wait3A_25 = tpu.memref_squeeze %dma_wait3A_24 : memref<1x128xi32, #tpu.memory_space<vmem>> -> memref<128xi32, #tpu.memory_space<vmem>>
        %dma_wait3A_26 = arith.constant 0 : i32
        %dma_wait3A_27 = arith.constant 0 : i32
        %dma_wait3A_28 = tpu.memref_slice %arg2[%dma_wait3A_26, %dma_wait3A_27] : memref<10000x128xf32, #tpu.memory_space<hbm>> -> memref<10000x128xf32, #tpu.memory_space<hbm>>
        tpu.wait_indirect_dma semaphore(%run_scoped3A_18 : memref<!tpu.dma_semaphore, #tpu.memory_space<semaphore_mem>>) src(%dma_wait3A_28 : memref<10000x128xf32, #tpu.memory_space<hbm>>) dst(%arg13 : memref<128x128xf32, #tpu.memory_space<vmem>>)
        tpu.yield
      }) : () -> ()
      %run_scoped3A_17 = arith.constant 0 : i32
      "tpu.region"() ({
        %run_scoped3A_18 = tpu.sem_alloc : memref<!tpu.dma_semaphore, #tpu.memory_space<semaphore_mem>>
        %dma_start3A = arith.constant 0 : i32
        %dma_start3A_19 = tpu.memref_slice %arg12[%run_scoped3A_17, %dma_start3A] : memref<1x128xi32, #tpu.memory_space<vmem>> -> memref<1x128xi32, #tpu.memory_space<vmem>>
        %dma_start3A_20 = tpu.memref_squeeze %dma_start3A_19 : memref<1x128xi32, #tpu.memory_space<vmem>> -> memref<128xi32, #tpu.memory_space<vmem>>
        %dma_start3A_21 = arith.constant 0 : i32
        %dma_start3A_22 = arith.constant 0 : i32
        %dma_start3A_23 = tpu.memref_slice %arg15[%dma_start3A_21, %dma_start3A_22] : memref<10000x128xf32, #tpu.memory_space<vmem_shared>> -> memref<10000x128xf32, #tpu.memory_space<vmem_shared>>
        tpu.enqueue_indirect_dma source(%arg13 : memref<128x128xf32, #tpu.memory_space<vmem>>) target(%dma_start3A_23 : memref<10000x128xf32, #tpu.memory_space<vmem_shared>>) offsets(%dma_start3A_20 : memref<128xi32, #tpu.memory_space<vmem>>) semaphore(%run_scoped3A_18 : memref<!tpu.dma_semaphore, #tpu.memory_space<semaphore_mem>>) {add = true}
        %dma_wait3A = arith.constant 0 : i32
        %dma_wait3A_24 = tpu.memref_slice %arg12[%run_scoped3A_17, %dma_wait3A] : memref<1x128xi32, #tpu.memory_space<vmem>> -> memref<1x128xi32, #tpu.memory_space<vmem>>
        %dma_wait3A_25 = tpu.memref_squeeze %dma_wait3A_24 : memref<1x128xi32, #tpu.memory_space<vmem>> -> memref<128xi32, #tpu.memory_space<vmem>>
        %dma_wait3A_26 = arith.constant 0 : i32
        %dma_wait3A_27 = arith.constant 0 : i32
        %dma_wait3A_28 = tpu.memref_slice %arg15[%dma_wait3A_26, %dma_wait3A_27] : memref<10000x128xf32, #tpu.memory_space<vmem_shared>> -> memref<10000x128xf32, #tpu.memory_space<vmem_shared>>
        tpu.wait_indirect_dma semaphore(%run_scoped3A_18 : memref<!tpu.dma_semaphore, #tpu.memory_space<semaphore_mem>>) src(%arg13 : memref<128x128xf32, #tpu.memory_space<vmem>>) dst(%dma_wait3A_28 : memref<10000x128xf32, #tpu.memory_space<vmem_shared>>)
        tpu.yield
      }) : () -> ()
    } else {
    }
    %barrier3A_11 = arith.constant 0 : index
    tpu.barrier barrier_id(%barrier3A_11)
    %lt3A_12 = arith.constant 10 : i32
    %lt3A_13 = arith.cmpi slt, %arg1, %lt3A_12 : i32
    %convert_element_type3A_14 = arith.extui %lt3A_13 : i1 to i32
    %cond3A_15 = arith.constant 0 : i32
    %cond3A_16 = arith.cmpi ne, %convert_element_type3A_14, %cond3A_15 : i32
    scf.if %cond3A_16 {
      %mul3A = arith.constant 1000 : i32
      %mul3A_17 = arith.muli %arg1, %mul3A : i32
      "tpu.region"() ({
        %run_scoped3A = tpu.sem_alloc : memref<!tpu.dma_semaphore, #tpu.memory_space<semaphore_mem>>
        %dma_start3A = arith.constant 0 : i32
        %dma_start3A_18 = tpu.memref_slice %arg8[%arg0, %mul3A_17, %dma_start3A] : memref<2x10000x128xf32, #tpu.memory_space<hbm>> -> memref<1x1000x128xf32, #tpu.memory_space<hbm>>
        %dma_start3A_19 = tpu.memref_squeeze %dma_start3A_18 : memref<1x1000x128xf32, #tpu.memory_space<hbm>> -> memref<1000x128xf32, #tpu.memory_space<hbm>>
        %dma_start3A_20 = arith.constant 0 : i32
        %dma_start3A_21 = tpu.memref_slice %arg15[%mul3A_17, %dma_start3A_20] : memref<10000x128xf32, #tpu.memory_space<vmem_shared>> -> memref<1000x128xf32, #tpu.memory_space<vmem_shared>>
        tpu.enqueue_dma source(%dma_start3A_21 : memref<1000x128xf32, #tpu.memory_space<vmem_shared>>) target(%dma_start3A_19 : memref<1000x128xf32, #tpu.memory_space<hbm>>) target_semaphore(%run_scoped3A : memref<!tpu.dma_semaphore, #tpu.memory_space<semaphore_mem>>)
        %dma_wait3A = arith.constant 0 : i32
        %dma_wait3A_22 = tpu.memref_slice %arg8[%arg0, %mul3A_17, %dma_wait3A] : memref<2x10000x128xf32, #tpu.memory_space<hbm>> -> memref<1x1000x128xf32, #tpu.memory_space<hbm>>
        %dma_wait3A_23 = tpu.memref_squeeze %dma_wait3A_22 : memref<1x1000x128xf32, #tpu.memory_space<hbm>> -> memref<1000x128xf32, #tpu.memory_space<hbm>>
        %dma_wait3A_24 = arith.constant 0 : i32
        %dma_wait3A_25 = tpu.memref_slice %arg15[%mul3A_17, %dma_wait3A_24] : memref<10000x128xf32, #tpu.memory_space<vmem_shared>> -> memref<1000x128xf32, #tpu.memory_space<vmem_shared>>
        tpu.wait_dma2 semaphore(%run_scoped3A : memref<!tpu.dma_semaphore, #tpu.memory_space<semaphore_mem>>) src(%dma_wait3A_25 : memref<1000x128xf32, #tpu.memory_space<vmem_shared>>) dst(%dma_wait3A_23 : memref<1000x128xf32, #tpu.memory_space<hbm>>)
        tpu.yield
      }) : () -> ()
    } else {
    }
    return
  }
}

#map = affine_map<(d0, d1) -> (0, 0)>
#map1 = affine_map<(d0, d1) -> (0, 0, 0, 0, 0)>
#map2 = affine_map<(d0, d1) -> (0, 0, 0, 0)>
#map3 = affine_map<(d0, d1) -> (0, 0, 0)>
module attributes {stable_mosaic.version = 14 : i64} {
  func.func @_sc_aggregate(%arg0: i32, %arg1: i32, %arg2: memref<10000x128xf32, #tpu.memory_space<hbm>>, %arg3: memref<2x16x3x26x128xi32, #tpu.memory_space<hbm>>, %arg4: memref<2x16x78x128xi32, #tpu.memory_space<hbm>>, %arg5: memref<2x2x128xi32, #tpu.memory_space<hbm>>, %arg6: memref<2x2x128xi32, #tpu.memory_space<hbm>>, %arg7: memref<1000x128xf32, #tpu.memory_space<hbm>>, %arg8: memref<2x10000x128xf32, #tpu.memory_space<hbm>>, %arg9: memref<26x128xi32, #tpu.memory_space<vmem>>, %arg10: memref<78x128xi32, #tpu.memory_space<vmem>>, %arg11: memref<1x128xi32, #tpu.memory_space<vmem>>, %arg12: memref<1x128xi32, #tpu.memory_space<vmem>>, %arg13: memref<128x128xf32, #tpu.memory_space<vmem>>, %arg14: memref<128x128xf32, #tpu.memory_space<vmem>>, %arg15: memref<10000x128xf32, #tpu.memory_space<vmem_shared>>, %arg16: memref<!tpu.dma_semaphore, #tpu.memory_space<semaphore_mem>>, %arg17: memref<!tpu.dma_semaphore, #tpu.memory_space<semaphore_mem>>) attributes {dimension_semantics = [#tpu.dimension_semantics<core_parallel>, #tpu.dimension_semantics<subcore_parallel>], iteration_bounds = array<i64: 2, 16>, scalar_prefetch = 0 : i64, scratch_operands = 9 : i64, tpu.core_type = #tpu.core_type<sc_vector_subcore>, window_params = [{transform_indices = #map}, {transform_indices = #map1}, {transform_indices = #map2}, {transform_indices = #map3}, {transform_indices = #map3}, {transform_indices = #map}, {transform_indices = #map3}]} {
    "tpu.region"() ({
      %run_scoped3A = tpu.sem_alloc : memref<!tpu.dma_semaphore, #tpu.memory_space<semaphore_mem>>
      %dma_start3A = arith.constant 0 : i32
      %dma_start3A_17 = arith.constant 0 : i32
      %dma_start3A_18 = tpu.memref_slice %arg4[%arg0, %arg1, %dma_start3A, %dma_start3A_17] : memref<2x16x78x128xi32, #tpu.memory_space<hbm>> -> memref<1x1x78x128xi32, #tpu.memory_space<hbm>>
      %dma_start3A_19 = tpu.memref_squeeze %dma_start3A_18 : memref<1x1x78x128xi32, #tpu.memory_space<hbm>> -> memref<78x128xi32, #tpu.memory_space<hbm>>
      %dma_start3A_20 = arith.constant 0 : i32
      %dma_start3A_21 = arith.constant 0 : i32
      %dma_start3A_22 = tpu.memref_slice %arg4[%arg0, %arg1, %dma_start3A_20, %dma_start3A_21] : memref<2x16x78x128xi32, #tpu.memory_space<hbm>> -> memref<1x1x78x128xi32, #tpu.memory_space<hbm>>
      %dma_start3A_23 = tpu.memref_squeeze %dma_start3A_22 : memref<1x1x78x128xi32, #tpu.memory_space<hbm>> -> memref<78x128xi32, #tpu.memory_space<hbm>>
      tpu.enqueue_dma source(%dma_start3A_23 : memref<78x128xi32, #tpu.memory_space<hbm>>) target(%arg10 : memref<78x128xi32, #tpu.memory_space<vmem>>) target_semaphore(%run_scoped3A : memref<!tpu.dma_semaphore, #tpu.memory_space<semaphore_mem>>)
      %dma_wait3A = arith.constant 0 : i32
      %dma_wait3A_24 = arith.constant 0 : i32
      %dma_wait3A_25 = tpu.memref_slice %arg4[%arg0, %arg1, %dma_wait3A, %dma_wait3A_24] : memref<2x16x78x128xi32, #tpu.memory_space<hbm>> -> memref<1x1x78x128xi32, #tpu.memory_space<hbm>>
      %dma_wait3A_26 = tpu.memref_squeeze %dma_wait3A_25 : memref<1x1x78x128xi32, #tpu.memory_space<hbm>> -> memref<78x128xi32, #tpu.memory_space<hbm>>
      %dma_wait3A_27 = arith.constant 0 : i32
      %dma_wait3A_28 = arith.constant 0 : i32
      %dma_wait3A_29 = tpu.memref_slice %arg4[%arg0, %arg1, %dma_wait3A_27, %dma_wait3A_28] : memref<2x16x78x128xi32, #tpu.memory_space<hbm>> -> memref<1x1x78x128xi32, #tpu.memory_space<hbm>>
      %dma_wait3A_30 = tpu.memref_squeeze %dma_wait3A_29 : memref<1x1x78x128xi32, #tpu.memory_space<hbm>> -> memref<78x128xi32, #tpu.memory_space<hbm>>
      tpu.wait_dma2 semaphore(%run_scoped3A : memref<!tpu.dma_semaphore, #tpu.memory_space<semaphore_mem>>) src(%dma_wait3A_30 : memref<78x128xi32, #tpu.memory_space<hbm>>) dst(%arg10 : memref<78x128xi32, #tpu.memory_space<vmem>>)
      tpu.yield
    }) : () -> ()
    %lt3A = arith.constant 10 : i32
    %lt3A_0 = arith.cmpi slt, %arg1, %lt3A : i32
    %convert_element_type3A = arith.extui %lt3A_0 : i1 to i32
    %cond3A = arith.constant 0 : i32
    %cond3A_1 = arith.cmpi ne, %convert_element_type3A, %cond3A : i32
    scf.if %cond3A_1 {
      %mul3A = arith.constant 1000 : i32
      %mul3A_17 = arith.muli %arg1, %mul3A : i32
      "tpu.region"() ({
        %run_scoped3A = tpu.sem_alloc : memref<!tpu.dma_semaphore, #tpu.memory_space<semaphore_mem>>
        %dma_start3A = arith.constant 0 : i32
        %dma_start3A_18 = tpu.memref_slice %arg15[%mul3A_17, %dma_start3A] : memref<10000x128xf32, #tpu.memory_space<vmem_shared>> -> memref<1000x128xf32, #tpu.memory_space<vmem_shared>>
        tpu.enqueue_dma source(%arg7 : memref<1000x128xf32, #tpu.memory_space<hbm>>) target(%dma_start3A_18 : memref<1000x128xf32, #tpu.memory_space<vmem_shared>>) target_semaphore(%run_scoped3A : memref<!tpu.dma_semaphore, #tpu.memory_space<semaphore_mem>>)
        %dma_wait3A = arith.constant 0 : i32
        %dma_wait3A_19 = tpu.memref_slice %arg15[%mul3A_17, %dma_wait3A] : memref<10000x128xf32, #tpu.memory_space<vmem_shared>> -> memref<1000x128xf32, #tpu.memory_space<vmem_shared>>
        tpu.wait_dma2 semaphore(%run_scoped3A : memref<!tpu.dma_semaphore, #tpu.memory_space<semaphore_mem>>) src(%arg7 : memref<1000x128xf32, #tpu.memory_space<hbm>>) dst(%dma_wait3A_19 : memref<1000x128xf32, #tpu.memory_space<vmem_shared>>)
        tpu.yield
      }) : () -> ()
    } else {
    }
    %barrier3A = arith.constant 0 : index
    tpu.barrier barrier_id(%barrier3A)
    %scan3A = arith.constant 0 : i32
    %scan3A_2 = arith.constant 3 : i32
    %scan3A_3 = arith.addi %scan3A, %scan3A_2 : i32
    %scan3A_4 = arith.constant 1 : i32
    scf.for %scan3A_17 = %scan3A to %scan3A_3 step %scan3A_4  : i32 {
      %mul3A = arith.constant 1 : i32
      %mul3A_18 = arith.muli %scan3A_17, %mul3A : i32
      %add3A = arith.constant 0 : i32
      %add3A_19 = arith.addi %add3A, %mul3A_18 : i32
      %mul3A_20 = arith.constant 26 : i32
      %mul3A_21 = arith.muli %add3A_19, %mul3A_20 : i32
      "tpu.region"() ({
        %run_scoped3A = tpu.sem_alloc : memref<!tpu.dma_semaphore, #tpu.memory_space<semaphore_mem>>
        %dma_start3A_60 = arith.constant 0 : i32
        %dma_start3A_61 = arith.constant 0 : i32
        %dma_start3A_62 = tpu.memref_slice %arg3[%arg0, %arg1, %add3A_19, %dma_start3A_60, %dma_start3A_61] : memref<2x16x3x26x128xi32, #tpu.memory_space<hbm>> -> memref<1x1x1x26x128xi32, #tpu.memory_space<hbm>>
        %dma_start3A_63 = tpu.memref_squeeze %dma_start3A_62 : memref<1x1x1x26x128xi32, #tpu.memory_space<hbm>> -> memref<26x128xi32, #tpu.memory_space<hbm>>
        %dma_start3A_64 = arith.constant 0 : i32
        %dma_start3A_65 = arith.constant 0 : i32
        %dma_start3A_66 = tpu.memref_slice %arg3[%arg0, %arg1, %add3A_19, %dma_start3A_64, %dma_start3A_65] : memref<2x16x3x26x128xi32, #tpu.memory_space<hbm>> -> memref<1x1x1x26x128xi32, #tpu.memory_space<hbm>>
        %dma_start3A_67 = tpu.memref_squeeze %dma_start3A_66 : memref<1x1x1x26x128xi32, #tpu.memory_space<hbm>> -> memref<26x128xi32, #tpu.memory_space<hbm>>
        tpu.enqueue_dma source(%dma_start3A_67 : memref<26x128xi32, #tpu.memory_space<hbm>>) target(%arg9 : memref<26x128xi32, #tpu.memory_space<vmem>>) target_semaphore(%run_scoped3A : memref<!tpu.dma_semaphore, #tpu.memory_space<semaphore_mem>>)
        %dma_wait3A_68 = arith.constant 0 : i32
        %dma_wait3A_69 = arith.constant 0 : i32
        %dma_wait3A_70 = tpu.memref_slice %arg3[%arg0, %arg1, %add3A_19, %dma_wait3A_68, %dma_wait3A_69] : memref<2x16x3x26x128xi32, #tpu.memory_space<hbm>> -> memref<1x1x1x26x128xi32, #tpu.memory_space<hbm>>
        %dma_wait3A_71 = tpu.memref_squeeze %dma_wait3A_70 : memref<1x1x1x26x128xi32, #tpu.memory_space<hbm>> -> memref<26x128xi32, #tpu.memory_space<hbm>>
        %dma_wait3A_72 = arith.constant 0 : i32
        %dma_wait3A_73 = arith.constant 0 : i32
        %dma_wait3A_74 = tpu.memref_slice %arg3[%arg0, %arg1, %add3A_19, %dma_wait3A_72, %dma_wait3A_73] : memref<2x16x3x26x128xi32, #tpu.memory_space<hbm>> -> memref<1x1x1x26x128xi32, #tpu.memory_space<hbm>>
        %dma_wait3A_75 = tpu.memref_squeeze %dma_wait3A_74 : memref<1x1x1x26x128xi32, #tpu.memory_space<hbm>> -> memref<26x128xi32, #tpu.memory_space<hbm>>
        tpu.wait_dma2 semaphore(%run_scoped3A : memref<!tpu.dma_semaphore, #tpu.memory_space<semaphore_mem>>) src(%dma_wait3A_75 : memref<26x128xi32, #tpu.memory_space<hbm>>) dst(%arg9 : memref<26x128xi32, #tpu.memory_space<vmem>>)
        tpu.yield
      }) : () -> ()
      %dma_start3A = arith.constant 0 : i32
      %dma_start3A_22 = arith.constant 0 : i32
      %dma_start3A_23 = tpu.memref_slice %arg9[%dma_start3A, %dma_start3A_22] : memref<26x128xi32, #tpu.memory_space<vmem>> -> memref<1x128xi32, #tpu.memory_space<vmem>>
      %dma_start3A_24 = tpu.memref_squeeze %dma_start3A_23 : memref<1x128xi32, #tpu.memory_space<vmem>> -> memref<128xi32, #tpu.memory_space<vmem>>
      %dma_start3A_25 = arith.constant 0 : i32
      %dma_start3A_26 = arith.constant 0 : i32
      %dma_start3A_27 = tpu.memref_slice %arg2[%dma_start3A_25, %dma_start3A_26] : memref<10000x128xf32, #tpu.memory_space<hbm>> -> memref<10000x128xf32, #tpu.memory_space<hbm>>
      tpu.enqueue_indirect_dma source(%dma_start3A_27 : memref<10000x128xf32, #tpu.memory_space<hbm>>) target(%arg13 : memref<128x128xf32, #tpu.memory_space<vmem>>) offsets(%dma_start3A_24 : memref<128xi32, #tpu.memory_space<vmem>>) semaphore(%arg16 : memref<!tpu.dma_semaphore, #tpu.memory_space<semaphore_mem>>)
      %scan3A_28 = arith.constant 0 : i32
      %scan3A_29 = arith.constant 12 : i32
      %scan3A_30 = arith.addi %scan3A_28, %scan3A_29 : i32
      %scan3A_31 = arith.constant 1 : i32
      scf.for %scan3A_60 = %scan3A_28 to %scan3A_30 step %scan3A_31  : i32 {
        %mul3A_61 = arith.constant 2 : i32
        %mul3A_62 = arith.muli %scan3A_60, %mul3A_61 : i32
        %add3A_63 = arith.constant 0 : i32
        %add3A_64 = arith.addi %add3A_63, %mul3A_62 : i32
        %add3A_65 = arith.constant 1 : i32
        %add3A_66 = arith.addi %add3A_64, %add3A_65 : i32
        %dma_start3A_67 = arith.constant 0 : i32
        %dma_start3A_68 = tpu.memref_slice %arg9[%add3A_66, %dma_start3A_67] : memref<26x128xi32, #tpu.memory_space<vmem>> -> memref<1x128xi32, #tpu.memory_space<vmem>>
        %dma_start3A_69 = tpu.memref_squeeze %dma_start3A_68 : memref<1x128xi32, #tpu.memory_space<vmem>> -> memref<128xi32, #tpu.memory_space<vmem>>
        %dma_start3A_70 = arith.constant 0 : i32
        %dma_start3A_71 = arith.constant 0 : i32
        %dma_start3A_72 = tpu.memref_slice %arg2[%dma_start3A_70, %dma_start3A_71] : memref<10000x128xf32, #tpu.memory_space<hbm>> -> memref<10000x128xf32, #tpu.memory_space<hbm>>
        tpu.enqueue_indirect_dma source(%dma_start3A_72 : memref<10000x128xf32, #tpu.memory_space<hbm>>) target(%arg14 : memref<128x128xf32, #tpu.memory_space<vmem>>) offsets(%dma_start3A_69 : memref<128xi32, #tpu.memory_space<vmem>>) semaphore(%arg17 : memref<!tpu.dma_semaphore, #tpu.memory_space<semaphore_mem>>)
        %dma_wait3A_73 = arith.constant 0 : i32
        %dma_wait3A_74 = tpu.memref_slice %arg9[%add3A_64, %dma_wait3A_73] : memref<26x128xi32, #tpu.memory_space<vmem>> -> memref<1x128xi32, #tpu.memory_space<vmem>>
        %dma_wait3A_75 = tpu.memref_squeeze %dma_wait3A_74 : memref<1x128xi32, #tpu.memory_space<vmem>> -> memref<128xi32, #tpu.memory_space<vmem>>
        %dma_wait3A_76 = arith.constant 0 : i32
        %dma_wait3A_77 = arith.constant 0 : i32
        %dma_wait3A_78 = tpu.memref_slice %arg2[%dma_wait3A_76, %dma_wait3A_77] : memref<10000x128xf32, #tpu.memory_space<hbm>> -> memref<10000x128xf32, #tpu.memory_space<hbm>>
        tpu.wait_indirect_dma semaphore(%arg16 : memref<!tpu.dma_semaphore, #tpu.memory_space<semaphore_mem>>) src(%dma_wait3A_78 : memref<10000x128xf32, #tpu.memory_space<hbm>>) dst(%arg13 : memref<128x128xf32, #tpu.memory_space<vmem>>)
        %add3A_79 = arith.addi %mul3A_21, %add3A_64 : i32
        "tpu.region"() ({
          %run_scoped3A = tpu.sem_alloc : memref<!tpu.dma_semaphore, #tpu.memory_space<semaphore_mem>>
          %dma_start3A_99 = arith.constant 0 : i32
          %dma_start3A_100 = tpu.memref_slice %arg10[%add3A_79, %dma_start3A_99] : memref<78x128xi32, #tpu.memory_space<vmem>> -> memref<1x128xi32, #tpu.memory_space<vmem>>
          %dma_start3A_101 = tpu.memref_squeeze %dma_start3A_100 : memref<1x128xi32, #tpu.memory_space<vmem>> -> memref<128xi32, #tpu.memory_space<vmem>>
          %dma_start3A_102 = arith.constant 0 : i32
          %dma_start3A_103 = arith.constant 0 : i32
          %dma_start3A_104 = tpu.memref_slice %arg15[%dma_start3A_102, %dma_start3A_103] : memref<10000x128xf32, #tpu.memory_space<vmem_shared>> -> memref<10000x128xf32, #tpu.memory_space<vmem_shared>>
          tpu.enqueue_indirect_dma source(%arg13 : memref<128x128xf32, #tpu.memory_space<vmem>>) target(%dma_start3A_104 : memref<10000x128xf32, #tpu.memory_space<vmem_shared>>) offsets(%dma_start3A_101 : memref<128xi32, #tpu.memory_space<vmem>>) semaphore(%run_scoped3A : memref<!tpu.dma_semaphore, #tpu.memory_space<semaphore_mem>>) {add = true}
          %dma_wait3A_105 = arith.constant 0 : i32
          %dma_wait3A_106 = tpu.memref_slice %arg10[%add3A_79, %dma_wait3A_105] : memref<78x128xi32, #tpu.memory_space<vmem>> -> memref<1x128xi32, #tpu.memory_space<vmem>>
          %dma_wait3A_107 = tpu.memref_squeeze %dma_wait3A_106 : memref<1x128xi32, #tpu.memory_space<vmem>> -> memref<128xi32, #tpu.memory_space<vmem>>
          %dma_wait3A_108 = arith.constant 0 : i32
          %dma_wait3A_109 = arith.constant 0 : i32
          %dma_wait3A_110 = tpu.memref_slice %arg15[%dma_wait3A_108, %dma_wait3A_109] : memref<10000x128xf32, #tpu.memory_space<vmem_shared>> -> memref<10000x128xf32, #tpu.memory_space<vmem_shared>>
          tpu.wait_indirect_dma semaphore(%run_scoped3A : memref<!tpu.dma_semaphore, #tpu.memory_space<semaphore_mem>>) src(%arg13 : memref<128x128xf32, #tpu.memory_space<vmem>>) dst(%dma_wait3A_110 : memref<10000x128xf32, #tpu.memory_space<vmem_shared>>)
          tpu.yield
        }) : () -> ()
        %add3A_80 = arith.constant 2 : i32
        %add3A_81 = arith.addi %add3A_64, %add3A_80 : i32
        %dma_start3A_82 = arith.constant 0 : i32
        %dma_start3A_83 = tpu.memref_slice %arg9[%add3A_81, %dma_start3A_82] : memref<26x128xi32, #tpu.memory_space<vmem>> -> memref<1x128xi32, #tpu.memory_space<vmem>>
        %dma_start3A_84 = tpu.memref_squeeze %dma_start3A_83 : memref<1x128xi32, #tpu.memory_space<vmem>> -> memref<128xi32, #tpu.memory_space<vmem>>
        %dma_start3A_85 = arith.constant 0 : i32
        %dma_start3A_86 = arith.constant 0 : i32
        %dma_start3A_87 = tpu.memref_slice %arg2[%dma_start3A_85, %dma_start3A_86] : memref<10000x128xf32, #tpu.memory_space<hbm>> -> memref<10000x128xf32, #tpu.memory_space<hbm>>
        tpu.enqueue_indirect_dma source(%dma_start3A_87 : memref<10000x128xf32, #tpu.memory_space<hbm>>) target(%arg13 : memref<128x128xf32, #tpu.memory_space<vmem>>) offsets(%dma_start3A_84 : memref<128xi32, #tpu.memory_space<vmem>>) semaphore(%arg16 : memref<!tpu.dma_semaphore, #tpu.memory_space<semaphore_mem>>)
        %add3A_88 = arith.constant 1 : i32
        %add3A_89 = arith.addi %add3A_64, %add3A_88 : i32
        %dma_wait3A_90 = arith.constant 0 : i32
        %dma_wait3A_91 = tpu.memref_slice %arg9[%add3A_89, %dma_wait3A_90] : memref<26x128xi32, #tpu.memory_space<vmem>> -> memref<1x128xi32, #tpu.memory_space<vmem>>
        %dma_wait3A_92 = tpu.memref_squeeze %dma_wait3A_91 : memref<1x128xi32, #tpu.memory_space<vmem>> -> memref<128xi32, #tpu.memory_space<vmem>>
        %dma_wait3A_93 = arith.constant 0 : i32
        %dma_wait3A_94 = arith.constant 0 : i32
        %dma_wait3A_95 = tpu.memref_slice %arg2[%dma_wait3A_93, %dma_wait3A_94] : memref<10000x128xf32, #tpu.memory_space<hbm>> -> memref<10000x128xf32, #tpu.memory_space<hbm>>
        tpu.wait_indirect_dma semaphore(%arg17 : memref<!tpu.dma_semaphore, #tpu.memory_space<semaphore_mem>>) src(%dma_wait3A_95 : memref<10000x128xf32, #tpu.memory_space<hbm>>) dst(%arg14 : memref<128x128xf32, #tpu.memory_space<vmem>>)
        %add3A_96 = arith.addi %mul3A_21, %add3A_64 : i32
        %add3A_97 = arith.constant 1 : i32
        %add3A_98 = arith.addi %add3A_96, %add3A_97 : i32
        "tpu.region"() ({
          %run_scoped3A = tpu.sem_alloc : memref<!tpu.dma_semaphore, #tpu.memory_space<semaphore_mem>>
          %dma_start3A_99 = arith.constant 0 : i32
          %dma_start3A_100 = tpu.memref_slice %arg10[%add3A_98, %dma_start3A_99] : memref<78x128xi32, #tpu.memory_space<vmem>> -> memref<1x128xi32, #tpu.memory_space<vmem>>
          %dma_start3A_101 = tpu.memref_squeeze %dma_start3A_100 : memref<1x128xi32, #tpu.memory_space<vmem>> -> memref<128xi32, #tpu.memory_space<vmem>>
          %dma_start3A_102 = arith.constant 0 : i32
          %dma_start3A_103 = arith.constant 0 : i32
          %dma_start3A_104 = tpu.memref_slice %arg15[%dma_start3A_102, %dma_start3A_103] : memref<10000x128xf32, #tpu.memory_space<vmem_shared>> -> memref<10000x128xf32, #tpu.memory_space<vmem_shared>>
          tpu.enqueue_indirect_dma source(%arg14 : memref<128x128xf32, #tpu.memory_space<vmem>>) target(%dma_start3A_104 : memref<10000x128xf32, #tpu.memory_space<vmem_shared>>) offsets(%dma_start3A_101 : memref<128xi32, #tpu.memory_space<vmem>>) semaphore(%run_scoped3A : memref<!tpu.dma_semaphore, #tpu.memory_space<semaphore_mem>>) {add = true}
          %dma_wait3A_105 = arith.constant 0 : i32
          %dma_wait3A_106 = tpu.memref_slice %arg10[%add3A_98, %dma_wait3A_105] : memref<78x128xi32, #tpu.memory_space<vmem>> -> memref<1x128xi32, #tpu.memory_space<vmem>>
          %dma_wait3A_107 = tpu.memref_squeeze %dma_wait3A_106 : memref<1x128xi32, #tpu.memory_space<vmem>> -> memref<128xi32, #tpu.memory_space<vmem>>
          %dma_wait3A_108 = arith.constant 0 : i32
          %dma_wait3A_109 = arith.constant 0 : i32
          %dma_wait3A_110 = tpu.memref_slice %arg15[%dma_wait3A_108, %dma_wait3A_109] : memref<10000x128xf32, #tpu.memory_space<vmem_shared>> -> memref<10000x128xf32, #tpu.memory_space<vmem_shared>>
          tpu.wait_indirect_dma semaphore(%run_scoped3A : memref<!tpu.dma_semaphore, #tpu.memory_space<semaphore_mem>>) src(%arg14 : memref<128x128xf32, #tpu.memory_space<vmem>>) dst(%dma_wait3A_110 : memref<10000x128xf32, #tpu.memory_space<vmem_shared>>)
          tpu.yield
        }) : () -> ()
      }
      %scan3A_32 = arith.constant 12 : i32
      %dma_start3A_33 = arith.constant 25 : i32
      %dma_start3A_34 = arith.constant 0 : i32
      %dma_start3A_35 = tpu.memref_slice %arg9[%dma_start3A_33, %dma_start3A_34] : memref<26x128xi32, #tpu.memory_space<vmem>> -> memref<1x128xi32, #tpu.memory_space<vmem>>
      %dma_start3A_36 = tpu.memref_squeeze %dma_start3A_35 : memref<1x128xi32, #tpu.memory_space<vmem>> -> memref<128xi32, #tpu.memory_space<vmem>>
      %dma_start3A_37 = arith.constant 0 : i32
      %dma_start3A_38 = arith.constant 0 : i32
      %dma_start3A_39 = tpu.memref_slice %arg2[%dma_start3A_37, %dma_start3A_38] : memref<10000x128xf32, #tpu.memory_space<hbm>> -> memref<10000x128xf32, #tpu.memory_space<hbm>>
      tpu.enqueue_indirect_dma source(%dma_start3A_39 : memref<10000x128xf32, #tpu.memory_space<hbm>>) target(%arg14 : memref<128x128xf32, #tpu.memory_space<vmem>>) offsets(%dma_start3A_36 : memref<128xi32, #tpu.memory_space<vmem>>) semaphore(%arg17 : memref<!tpu.dma_semaphore, #tpu.memory_space<semaphore_mem>>)
      %dma_wait3A = arith.constant 24 : i32
      %dma_wait3A_40 = arith.constant 0 : i32
      %dma_wait3A_41 = tpu.memref_slice %arg9[%dma_wait3A, %dma_wait3A_40] : memref<26x128xi32, #tpu.memory_space<vmem>> -> memref<1x128xi32, #tpu.memory_space<vmem>>
      %dma_wait3A_42 = tpu.memref_squeeze %dma_wait3A_41 : memref<1x128xi32, #tpu.memory_space<vmem>> -> memref<128xi32, #tpu.memory_space<vmem>>
      %dma_wait3A_43 = arith.constant 0 : i32
      %dma_wait3A_44 = arith.constant 0 : i32
      %dma_wait3A_45 = tpu.memref_slice %arg2[%dma_wait3A_43, %dma_wait3A_44] : memref<10000x128xf32, #tpu.memory_space<hbm>> -> memref<10000x128xf32, #tpu.memory_space<hbm>>
      tpu.wait_indirect_dma semaphore(%arg16 : memref<!tpu.dma_semaphore, #tpu.memory_space<semaphore_mem>>) src(%dma_wait3A_45 : memref<10000x128xf32, #tpu.memory_space<hbm>>) dst(%arg13 : memref<128x128xf32, #tpu.memory_space<vmem>>)
      %add3A_46 = arith.constant 26 : i32
      %add3A_47 = arith.addi %mul3A_21, %add3A_46 : i32
      %sub3A = arith.constant 2 : i32
      %sub3A_48 = arith.subi %add3A_47, %sub3A : i32
      "tpu.region"() ({
        %run_scoped3A = tpu.sem_alloc : memref<!tpu.dma_semaphore, #tpu.memory_space<semaphore_mem>>
        %dma_start3A_60 = arith.constant 0 : i32
        %dma_start3A_61 = tpu.memref_slice %arg10[%sub3A_48, %dma_start3A_60] : memref<78x128xi32, #tpu.memory_space<vmem>> -> memref<1x128xi32, #tpu.memory_space<vmem>>
        %dma_start3A_62 = tpu.memref_squeeze %dma_start3A_61 : memref<1x128xi32, #tpu.memory_space<vmem>> -> memref<128xi32, #tpu.memory_space<vmem>>
        %dma_start3A_63 = arith.constant 0 : i32
        %dma_start3A_64 = arith.constant 0 : i32
        %dma_start3A_65 = tpu.memref_slice %arg15[%dma_start3A_63, %dma_start3A_64] : memref<10000x128xf32, #tpu.memory_space<vmem_shared>> -> memref<10000x128xf32, #tpu.memory_space<vmem_shared>>
        tpu.enqueue_indirect_dma source(%arg13 : memref<128x128xf32, #tpu.memory_space<vmem>>) target(%dma_start3A_65 : memref<10000x128xf32, #tpu.memory_space<vmem_shared>>) offsets(%dma_start3A_62 : memref<128xi32, #tpu.memory_space<vmem>>) semaphore(%run_scoped3A : memref<!tpu.dma_semaphore, #tpu.memory_space<semaphore_mem>>) {add = true}
        %dma_wait3A_66 = arith.constant 0 : i32
        %dma_wait3A_67 = tpu.memref_slice %arg10[%sub3A_48, %dma_wait3A_66] : memref<78x128xi32, #tpu.memory_space<vmem>> -> memref<1x128xi32, #tpu.memory_space<vmem>>
        %dma_wait3A_68 = tpu.memref_squeeze %dma_wait3A_67 : memref<1x128xi32, #tpu.memory_space<vmem>> -> memref<128xi32, #tpu.memory_space<vmem>>
        %dma_wait3A_69 = arith.constant 0 : i32
        %dma_wait3A_70 = arith.constant 0 : i32
        %dma_wait3A_71 = tpu.memref_slice %arg15[%dma_wait3A_69, %dma_wait3A_70] : memref<10000x128xf32, #tpu.memory_space<vmem_shared>> -> memref<10000x128xf32, #tpu.memory_space<vmem_shared>>
        tpu.wait_indirect_dma semaphore(%run_scoped3A : memref<!tpu.dma_semaphore, #tpu.memory_space<semaphore_mem>>) src(%arg13 : memref<128x128xf32, #tpu.memory_space<vmem>>) dst(%dma_wait3A_71 : memref<10000x128xf32, #tpu.memory_space<vmem_shared>>)
        tpu.yield
      }) : () -> ()
      %dma_wait3A_49 = arith.constant 25 : i32
      %dma_wait3A_50 = arith.constant 0 : i32
      %dma_wait3A_51 = tpu.memref_slice %arg9[%dma_wait3A_49, %dma_wait3A_50] : memref<26x128xi32, #tpu.memory_space<vmem>> -> memref<1x128xi32, #tpu.memory_space<vmem>>
      %dma_wait3A_52 = tpu.memref_squeeze %dma_wait3A_51 : memref<1x128xi32, #tpu.memory_space<vmem>> -> memref<128xi32, #tpu.memory_space<vmem>>
      %dma_wait3A_53 = arith.constant 0 : i32
      %dma_wait3A_54 = arith.constant 0 : i32
      %dma_wait3A_55 = tpu.memref_slice %arg2[%dma_wait3A_53, %dma_wait3A_54] : memref<10000x128xf32, #tpu.memory_space<hbm>> -> memref<10000x128xf32, #tpu.memory_space<hbm>>
      tpu.wait_indirect_dma semaphore(%arg17 : memref<!tpu.dma_semaphore, #tpu.memory_space<semaphore_mem>>) src(%dma_wait3A_55 : memref<10000x128xf32, #tpu.memory_space<hbm>>) dst(%arg14 : memref<128x128xf32, #tpu.memory_space<vmem>>)
      %add3A_56 = arith.constant 26 : i32
      %add3A_57 = arith.addi %mul3A_21, %add3A_56 : i32
      %sub3A_58 = arith.constant 1 : i32
      %sub3A_59 = arith.subi %add3A_57, %sub3A_58 : i32
      "tpu.region"() ({
        %run_scoped3A = tpu.sem_alloc : memref<!tpu.dma_semaphore, #tpu.memory_space<semaphore_mem>>
        %dma_start3A_60 = arith.constant 0 : i32
        %dma_start3A_61 = tpu.memref_slice %arg10[%sub3A_59, %dma_start3A_60] : memref<78x128xi32, #tpu.memory_space<vmem>> -> memref<1x128xi32, #tpu.memory_space<vmem>>
        %dma_start3A_62 = tpu.memref_squeeze %dma_start3A_61 : memref<1x128xi32, #tpu.memory_space<vmem>> -> memref<128xi32, #tpu.memory_space<vmem>>
        %dma_start3A_63 = arith.constant 0 : i32
        %dma_start3A_64 = arith.constant 0 : i32
        %dma_start3A_65 = tpu.memref_slice %arg15[%dma_start3A_63, %dma_start3A_64] : memref<10000x128xf32, #tpu.memory_space<vmem_shared>> -> memref<10000x128xf32, #tpu.memory_space<vmem_shared>>
        tpu.enqueue_indirect_dma source(%arg14 : memref<128x128xf32, #tpu.memory_space<vmem>>) target(%dma_start3A_65 : memref<10000x128xf32, #tpu.memory_space<vmem_shared>>) offsets(%dma_start3A_62 : memref<128xi32, #tpu.memory_space<vmem>>) semaphore(%run_scoped3A : memref<!tpu.dma_semaphore, #tpu.memory_space<semaphore_mem>>) {add = true}
        %dma_wait3A_66 = arith.constant 0 : i32
        %dma_wait3A_67 = tpu.memref_slice %arg10[%sub3A_59, %dma_wait3A_66] : memref<78x128xi32, #tpu.memory_space<vmem>> -> memref<1x128xi32, #tpu.memory_space<vmem>>
        %dma_wait3A_68 = tpu.memref_squeeze %dma_wait3A_67 : memref<1x128xi32, #tpu.memory_space<vmem>> -> memref<128xi32, #tpu.memory_space<vmem>>
        %dma_wait3A_69 = arith.constant 0 : i32
        %dma_wait3A_70 = arith.constant 0 : i32
        %dma_wait3A_71 = tpu.memref_slice %arg15[%dma_wait3A_69, %dma_wait3A_70] : memref<10000x128xf32, #tpu.memory_space<vmem_shared>> -> memref<10000x128xf32, #tpu.memory_space<vmem_shared>>
        tpu.wait_indirect_dma semaphore(%run_scoped3A : memref<!tpu.dma_semaphore, #tpu.memory_space<semaphore_mem>>) src(%arg14 : memref<128x128xf32, #tpu.memory_space<vmem>>) dst(%dma_wait3A_71 : memref<10000x128xf32, #tpu.memory_space<vmem_shared>>)
        tpu.yield
      }) : () -> ()
    }
    %scan3A_5 = arith.constant 3 : i32
    %lt3A_6 = arith.constant 2 : i32
    %lt3A_7 = arith.cmpi slt, %arg1, %lt3A_6 : i32
    %convert_element_type3A_8 = arith.extui %lt3A_7 : i1 to i32
    %cond3A_9 = arith.constant 0 : i32
    %cond3A_10 = arith.cmpi ne, %convert_element_type3A_8, %cond3A_9 : i32
    scf.if %cond3A_10 {
      "tpu.region"() ({
        %run_scoped3A_18 = tpu.sem_alloc : memref<!tpu.dma_semaphore, #tpu.memory_space<semaphore_mem>>
        %dma_start3A = arith.constant 0 : i32
        %dma_start3A_19 = tpu.memref_slice %arg5[%arg0, %arg1, %dma_start3A] : memref<2x2x128xi32, #tpu.memory_space<hbm>> -> memref<1x1x128xi32, #tpu.memory_space<hbm>>
        %dma_start3A_20 = tpu.memref_squeeze %dma_start3A_19 : memref<1x1x128xi32, #tpu.memory_space<hbm>> -> memref<1x128xi32, #tpu.memory_space<hbm>>
        %dma_start3A_21 = arith.constant 0 : i32
        %dma_start3A_22 = tpu.memref_slice %arg5[%arg0, %arg1, %dma_start3A_21] : memref<2x2x128xi32, #tpu.memory_space<hbm>> -> memref<1x1x128xi32, #tpu.memory_space<hbm>>
        %dma_start3A_23 = tpu.memref_squeeze %dma_start3A_22 : memref<1x1x128xi32, #tpu.memory_space<hbm>> -> memref<1x128xi32, #tpu.memory_space<hbm>>
        tpu.enqueue_dma source(%dma_start3A_23 : memref<1x128xi32, #tpu.memory_space<hbm>>) target(%arg11 : memref<1x128xi32, #tpu.memory_space<vmem>>) target_semaphore(%run_scoped3A_18 : memref<!tpu.dma_semaphore, #tpu.memory_space<semaphore_mem>>)
        %dma_wait3A = arith.constant 0 : i32
        %dma_wait3A_24 = tpu.memref_slice %arg5[%arg0, %arg1, %dma_wait3A] : memref<2x2x128xi32, #tpu.memory_space<hbm>> -> memref<1x1x128xi32, #tpu.memory_space<hbm>>
        %dma_wait3A_25 = tpu.memref_squeeze %dma_wait3A_24 : memref<1x1x128xi32, #tpu.memory_space<hbm>> -> memref<1x128xi32, #tpu.memory_space<hbm>>
        %dma_wait3A_26 = arith.constant 0 : i32
        %dma_wait3A_27 = tpu.memref_slice %arg5[%arg0, %arg1, %dma_wait3A_26] : memref<2x2x128xi32, #tpu.memory_space<hbm>> -> memref<1x1x128xi32, #tpu.memory_space<hbm>>
        %dma_wait3A_28 = tpu.memref_squeeze %dma_wait3A_27 : memref<1x1x128xi32, #tpu.memory_space<hbm>> -> memref<1x128xi32, #tpu.memory_space<hbm>>
        tpu.wait_dma2 semaphore(%run_scoped3A_18 : memref<!tpu.dma_semaphore, #tpu.memory_space<semaphore_mem>>) src(%dma_wait3A_28 : memref<1x128xi32, #tpu.memory_space<hbm>>) dst(%arg11 : memref<1x128xi32, #tpu.memory_space<vmem>>)
        tpu.yield
      }) : () -> ()
      "tpu.region"() ({
        %run_scoped3A_18 = tpu.sem_alloc : memref<!tpu.dma_semaphore, #tpu.memory_space<semaphore_mem>>
        %dma_start3A = arith.constant 0 : i32
        %dma_start3A_19 = tpu.memref_slice %arg6[%arg0, %arg1, %dma_start3A] : memref<2x2x128xi32, #tpu.memory_space<hbm>> -> memref<1x1x128xi32, #tpu.memory_space<hbm>>
        %dma_start3A_20 = tpu.memref_squeeze %dma_start3A_19 : memref<1x1x128xi32, #tpu.memory_space<hbm>> -> memref<1x128xi32, #tpu.memory_space<hbm>>
        %dma_start3A_21 = arith.constant 0 : i32
        %dma_start3A_22 = tpu.memref_slice %arg6[%arg0, %arg1, %dma_start3A_21] : memref<2x2x128xi32, #tpu.memory_space<hbm>> -> memref<1x1x128xi32, #tpu.memory_space<hbm>>
        %dma_start3A_23 = tpu.memref_squeeze %dma_start3A_22 : memref<1x1x128xi32, #tpu.memory_space<hbm>> -> memref<1x128xi32, #tpu.memory_space<hbm>>
        tpu.enqueue_dma source(%dma_start3A_23 : memref<1x128xi32, #tpu.memory_space<hbm>>) target(%arg12 : memref<1x128xi32, #tpu.memory_space<vmem>>) target_semaphore(%run_scoped3A_18 : memref<!tpu.dma_semaphore, #tpu.memory_space<semaphore_mem>>)
        %dma_wait3A = arith.constant 0 : i32
        %dma_wait3A_24 = tpu.memref_slice %arg6[%arg0, %arg1, %dma_wait3A] : memref<2x2x128xi32, #tpu.memory_space<hbm>> -> memref<1x1x128xi32, #tpu.memory_space<hbm>>
        %dma_wait3A_25 = tpu.memref_squeeze %dma_wait3A_24 : memref<1x1x128xi32, #tpu.memory_space<hbm>> -> memref<1x128xi32, #tpu.memory_space<hbm>>
        %dma_wait3A_26 = arith.constant 0 : i32
        %dma_wait3A_27 = tpu.memref_slice %arg6[%arg0, %arg1, %dma_wait3A_26] : memref<2x2x128xi32, #tpu.memory_space<hbm>> -> memref<1x1x128xi32, #tpu.memory_space<hbm>>
        %dma_wait3A_28 = tpu.memref_squeeze %dma_wait3A_27 : memref<1x1x128xi32, #tpu.memory_space<hbm>> -> memref<1x128xi32, #tpu.memory_space<hbm>>
        tpu.wait_dma2 semaphore(%run_scoped3A_18 : memref<!tpu.dma_semaphore, #tpu.memory_space<semaphore_mem>>) src(%dma_wait3A_28 : memref<1x128xi32, #tpu.memory_space<hbm>>) dst(%arg12 : memref<1x128xi32, #tpu.memory_space<vmem>>)
        tpu.yield
      }) : () -> ()
      %run_scoped3A = arith.constant 0 : i32
      "tpu.region"() ({
        %run_scoped3A_18 = tpu.sem_alloc : memref<!tpu.dma_semaphore, #tpu.memory_space<semaphore_mem>>
        %dma_start3A = arith.constant 0 : i32
        %dma_start3A_19 = tpu.memref_slice %arg11[%run_scoped3A, %dma_start3A] : memref<1x128xi32, #tpu.memory_space<vmem>> -> memref<1x128xi32, #tpu.memory_space<vmem>>
        %dma_start3A_20 = tpu.memref_squeeze %dma_start3A_19 : memref<1x128xi32, #tpu.memory_space<vmem>> -> memref<128xi32, #tpu.memory_space<vmem>>
        %dma_start3A_21 = arith.constant 0 : i32
        %dma_start3A_22 = arith.constant 0 : i32
        %dma_start3A_23 = tpu.memref_slice %arg2[%dma_start3A_21, %dma_start3A_22] : memref<10000x128xf32, #tpu.memory_space<hbm>> -> memref<10000x128xf32, #tpu.memory_space<hbm>>
        tpu.enqueue_indirect_dma source(%dma_start3A_23 : memref<10000x128xf32, #tpu.memory_space<hbm>>) target(%arg13 : memref<128x128xf32, #tpu.memory_space<vmem>>) offsets(%dma_start3A_20 : memref<128xi32, #tpu.memory_space<vmem>>) semaphore(%run_scoped3A_18 : memref<!tpu.dma_semaphore, #tpu.memory_space<semaphore_mem>>)
        %dma_wait3A = arith.constant 0 : i32
        %dma_wait3A_24 = tpu.memref_slice %arg11[%run_scoped3A, %dma_wait3A] : memref<1x128xi32, #tpu.memory_space<vmem>> -> memref<1x128xi32, #tpu.memory_space<vmem>>
        %dma_wait3A_25 = tpu.memref_squeeze %dma_wait3A_24 : memref<1x128xi32, #tpu.memory_space<vmem>> -> memref<128xi32, #tpu.memory_space<vmem>>
        %dma_wait3A_26 = arith.constant 0 : i32
        %dma_wait3A_27 = arith.constant 0 : i32
        %dma_wait3A_28 = tpu.memref_slice %arg2[%dma_wait3A_26, %dma_wait3A_27] : memref<10000x128xf32, #tpu.memory_space<hbm>> -> memref<10000x128xf32, #tpu.memory_space<hbm>>
        tpu.wait_indirect_dma semaphore(%run_scoped3A_18 : memref<!tpu.dma_semaphore, #tpu.memory_space<semaphore_mem>>) src(%dma_wait3A_28 : memref<10000x128xf32, #tpu.memory_space<hbm>>) dst(%arg13 : memref<128x128xf32, #tpu.memory_space<vmem>>)
        tpu.yield
      }) : () -> ()
      %run_scoped3A_17 = arith.constant 0 : i32
      "tpu.region"() ({
        %run_scoped3A_18 = tpu.sem_alloc : memref<!tpu.dma_semaphore, #tpu.memory_space<semaphore_mem>>
        %dma_start3A = arith.constant 0 : i32
        %dma_start3A_19 = tpu.memref_slice %arg12[%run_scoped3A_17, %dma_start3A] : memref<1x128xi32, #tpu.memory_space<vmem>> -> memref<1x128xi32, #tpu.memory_space<vmem>>
        %dma_start3A_20 = tpu.memref_squeeze %dma_start3A_19 : memref<1x128xi32, #tpu.memory_space<vmem>> -> memref<128xi32, #tpu.memory_space<vmem>>
        %dma_start3A_21 = arith.constant 0 : i32
        %dma_start3A_22 = arith.constant 0 : i32
        %dma_start3A_23 = tpu.memref_slice %arg15[%dma_start3A_21, %dma_start3A_22] : memref<10000x128xf32, #tpu.memory_space<vmem_shared>> -> memref<10000x128xf32, #tpu.memory_space<vmem_shared>>
        tpu.enqueue_indirect_dma source(%arg13 : memref<128x128xf32, #tpu.memory_space<vmem>>) target(%dma_start3A_23 : memref<10000x128xf32, #tpu.memory_space<vmem_shared>>) offsets(%dma_start3A_20 : memref<128xi32, #tpu.memory_space<vmem>>) semaphore(%run_scoped3A_18 : memref<!tpu.dma_semaphore, #tpu.memory_space<semaphore_mem>>) {add = true}
        %dma_wait3A = arith.constant 0 : i32
        %dma_wait3A_24 = tpu.memref_slice %arg12[%run_scoped3A_17, %dma_wait3A] : memref<1x128xi32, #tpu.memory_space<vmem>> -> memref<1x128xi32, #tpu.memory_space<vmem>>
        %dma_wait3A_25 = tpu.memref_squeeze %dma_wait3A_24 : memref<1x128xi32, #tpu.memory_space<vmem>> -> memref<128xi32, #tpu.memory_space<vmem>>
        %dma_wait3A_26 = arith.constant 0 : i32
        %dma_wait3A_27 = arith.constant 0 : i32
        %dma_wait3A_28 = tpu.memref_slice %arg15[%dma_wait3A_26, %dma_wait3A_27] : memref<10000x128xf32, #tpu.memory_space<vmem_shared>> -> memref<10000x128xf32, #tpu.memory_space<vmem_shared>>
        tpu.wait_indirect_dma semaphore(%run_scoped3A_18 : memref<!tpu.dma_semaphore, #tpu.memory_space<semaphore_mem>>) src(%arg13 : memref<128x128xf32, #tpu.memory_space<vmem>>) dst(%dma_wait3A_28 : memref<10000x128xf32, #tpu.memory_space<vmem_shared>>)
        tpu.yield
      }) : () -> ()
    } else {
    }
    %barrier3A_11 = arith.constant 0 : index
    tpu.barrier barrier_id(%barrier3A_11)
    %lt3A_12 = arith.constant 10 : i32
    %lt3A_13 = arith.cmpi slt, %arg1, %lt3A_12 : i32
    %convert_element_type3A_14 = arith.extui %lt3A_13 : i1 to i32
    %cond3A_15 = arith.constant 0 : i32
    %cond3A_16 = arith.cmpi ne, %convert_element_type3A_14, %cond3A_15 : i32
    scf.if %cond3A_16 {
      %mul3A = arith.constant 1000 : i32
      %mul3A_17 = arith.muli %arg1, %mul3A : i32
      "tpu.region"() ({
        %run_scoped3A = tpu.sem_alloc : memref<!tpu.dma_semaphore, #tpu.memory_space<semaphore_mem>>
        %dma_start3A = arith.constant 0 : i32
        %dma_start3A_18 = tpu.memref_slice %arg8[%arg0, %mul3A_17, %dma_start3A] : memref<2x10000x128xf32, #tpu.memory_space<hbm>> -> memref<1x1000x128xf32, #tpu.memory_space<hbm>>
        %dma_start3A_19 = tpu.memref_squeeze %dma_start3A_18 : memref<1x1000x128xf32, #tpu.memory_space<hbm>> -> memref<1000x128xf32, #tpu.memory_space<hbm>>
        %dma_start3A_20 = arith.constant 0 : i32
        %dma_start3A_21 = tpu.memref_slice %arg15[%mul3A_17, %dma_start3A_20] : memref<10000x128xf32, #tpu.memory_space<vmem_shared>> -> memref<1000x128xf32, #tpu.memory_space<vmem_shared>>
        tpu.enqueue_dma source(%dma_start3A_21 : memref<1000x128xf32, #tpu.memory_space<vmem_shared>>) target(%dma_start3A_19 : memref<1000x128xf32, #tpu.memory_space<hbm>>) target_semaphore(%run_scoped3A : memref<!tpu.dma_semaphore, #tpu.memory_space<semaphore_mem>>)
        %dma_wait3A = arith.constant 0 : i32
        %dma_wait3A_22 = tpu.memref_slice %arg8[%arg0, %mul3A_17, %dma_wait3A] : memref<2x10000x128xf32, #tpu.memory_space<hbm>> -> memref<1x1000x128xf32, #tpu.memory_space<hbm>>
        %dma_wait3A_23 = tpu.memref_squeeze %dma_wait3A_22 : memref<1x1000x128xf32, #tpu.memory_space<hbm>> -> memref<1000x128xf32, #tpu.memory_space<hbm>>
        %dma_wait3A_24 = arith.constant 0 : i32
        %dma_wait3A_25 = tpu.memref_slice %arg15[%mul3A_17, %dma_wait3A_24] : memref<10000x128xf32, #tpu.memory_space<vmem_shared>> -> memref<1000x128xf32, #tpu.memory_space<vmem_shared>>
        tpu.wait_dma2 semaphore(%run_scoped3A : memref<!tpu.dma_semaphore, #tpu.memory_space<semaphore_mem>>) src(%dma_wait3A_25 : memref<1000x128xf32, #tpu.memory_space<vmem_shared>>) dst(%dma_wait3A_23 : memref<1000x128xf32, #tpu.memory_space<hbm>>)
        tpu.yield
      }) : () -> ()
    } else {
    }
    return
  }
}

#map = affine_map<(d0, d1) -> (0, 0)>
#map1 = affine_map<(d0, d1) -> (0, 0, 0, 0, 0)>
#map2 = affine_map<(d0, d1) -> (0, 0, 0, 0)>
#map3 = affine_map<(d0, d1) -> (0, 0, 0)>
module attributes {stable_mosaic.version = 14 : i64} {
  func.func @_sc_aggregate(%arg0: i32, %arg1: i32, %arg2: memref<10000x128xf32, #tpu.memory_space<hbm>>, %arg3: memref<2x16x3x26x128xi32, #tpu.memory_space<hbm>>, %arg4: memref<2x16x78x128xi32, #tpu.memory_space<hbm>>, %arg5: memref<2x2x128xi32, #tpu.memory_space<hbm>>, %arg6: memref<2x2x128xi32, #tpu.memory_space<hbm>>, %arg7: memref<1000x128xf32, #tpu.memory_space<hbm>>, %arg8: memref<2x10000x128xf32, #tpu.memory_space<hbm>>, %arg9: memref<26x128xi32, #tpu.memory_space<vmem>>, %arg10: memref<78x128xi32, #tpu.memory_space<vmem>>, %arg11: memref<1x128xi32, #tpu.memory_space<vmem>>, %arg12: memref<1x128xi32, #tpu.memory_space<vmem>>, %arg13: memref<128x128xf32, #tpu.memory_space<vmem>>, %arg14: memref<128x128xf32, #tpu.memory_space<vmem>>, %arg15: memref<10000x128xf32, #tpu.memory_space<vmem_shared>>, %arg16: memref<!tpu.dma_semaphore, #tpu.memory_space<semaphore_mem>>, %arg17: memref<!tpu.dma_semaphore, #tpu.memory_space<semaphore_mem>>) attributes {dimension_semantics = [#tpu.dimension_semantics<core_parallel>, #tpu.dimension_semantics<subcore_parallel>], iteration_bounds = array<i64: 2, 16>, scalar_prefetch = 0 : i64, scratch_operands = 9 : i64, tpu.core_type = #tpu.core_type<sc_vector_subcore>, window_params = [{transform_indices = #map}, {transform_indices = #map1}, {transform_indices = #map2}, {transform_indices = #map3}, {transform_indices = #map3}, {transform_indices = #map}, {transform_indices = #map3}]} {
    "tpu.region"() ({
      %run_scoped3A = tpu.sem_alloc : memref<!tpu.dma_semaphore, #tpu.memory_space<semaphore_mem>>
      %dma_start3A = arith.constant 0 : i32
      %dma_start3A_17 = arith.constant 0 : i32
      %dma_start3A_18 = tpu.memref_slice %arg4[%arg0, %arg1, %dma_start3A, %dma_start3A_17] : memref<2x16x78x128xi32, #tpu.memory_space<hbm>> -> memref<1x1x78x128xi32, #tpu.memory_space<hbm>>
      %dma_start3A_19 = tpu.memref_squeeze %dma_start3A_18 : memref<1x1x78x128xi32, #tpu.memory_space<hbm>> -> memref<78x128xi32, #tpu.memory_space<hbm>>
      %dma_start3A_20 = arith.constant 0 : i32
      %dma_start3A_21 = arith.constant 0 : i32
      %dma_start3A_22 = tpu.memref_slice %arg4[%arg0, %arg1, %dma_start3A_20, %dma_start3A_21] : memref<2x16x78x128xi32, #tpu.memory_space<hbm>> -> memref<1x1x78x128xi32, #tpu.memory_space<hbm>>
      %dma_start3A_23 = tpu.memref_squeeze %dma_start3A_22 : memref<1x1x78x128xi32, #tpu.memory_space<hbm>> -> memref<78x128xi32, #tpu.memory_space<hbm>>
      tpu.enqueue_dma source(%dma_start3A_23 : memref<78x128xi32, #tpu.memory_space<hbm>>) target(%arg10 : memref<78x128xi32, #tpu.memory_space<vmem>>) target_semaphore(%run_scoped3A : memref<!tpu.dma_semaphore, #tpu.memory_space<semaphore_mem>>)
      %dma_wait3A = arith.constant 0 : i32
      %dma_wait3A_24 = arith.constant 0 : i32
      %dma_wait3A_25 = tpu.memref_slice %arg4[%arg0, %arg1, %dma_wait3A, %dma_wait3A_24] : memref<2x16x78x128xi32, #tpu.memory_space<hbm>> -> memref<1x1x78x128xi32, #tpu.memory_space<hbm>>
      %dma_wait3A_26 = tpu.memref_squeeze %dma_wait3A_25 : memref<1x1x78x128xi32, #tpu.memory_space<hbm>> -> memref<78x128xi32, #tpu.memory_space<hbm>>
      %dma_wait3A_27 = arith.constant 0 : i32
      %dma_wait3A_28 = arith.constant 0 : i32
      %dma_wait3A_29 = tpu.memref_slice %arg4[%arg0, %arg1, %dma_wait3A_27, %dma_wait3A_28] : memref<2x16x78x128xi32, #tpu.memory_space<hbm>> -> memref<1x1x78x128xi32, #tpu.memory_space<hbm>>
      %dma_wait3A_30 = tpu.memref_squeeze %dma_wait3A_29 : memref<1x1x78x128xi32, #tpu.memory_space<hbm>> -> memref<78x128xi32, #tpu.memory_space<hbm>>
      tpu.wait_dma2 semaphore(%run_scoped3A : memref<!tpu.dma_semaphore, #tpu.memory_space<semaphore_mem>>) src(%dma_wait3A_30 : memref<78x128xi32, #tpu.memory_space<hbm>>) dst(%arg10 : memref<78x128xi32, #tpu.memory_space<vmem>>)
      tpu.yield
    }) : () -> ()
    %lt3A = arith.constant 10 : i32
    %lt3A_0 = arith.cmpi slt, %arg1, %lt3A : i32
    %convert_element_type3A = arith.extui %lt3A_0 : i1 to i32
    %cond3A = arith.constant 0 : i32
    %cond3A_1 = arith.cmpi ne, %convert_element_type3A, %cond3A : i32
    scf.if %cond3A_1 {
      %mul3A = arith.constant 1000 : i32
      %mul3A_17 = arith.muli %arg1, %mul3A : i32
      "tpu.region"() ({
        %run_scoped3A = tpu.sem_alloc : memref<!tpu.dma_semaphore, #tpu.memory_space<semaphore_mem>>
        %dma_start3A = arith.constant 0 : i32
        %dma_start3A_18 = tpu.memref_slice %arg15[%mul3A_17, %dma_start3A] : memref<10000x128xf32, #tpu.memory_space<vmem_shared>> -> memref<1000x128xf32, #tpu.memory_space<vmem_shared>>
        tpu.enqueue_dma source(%arg7 : memref<1000x128xf32, #tpu.memory_space<hbm>>) target(%dma_start3A_18 : memref<1000x128xf32, #tpu.memory_space<vmem_shared>>) target_semaphore(%run_scoped3A : memref<!tpu.dma_semaphore, #tpu.memory_space<semaphore_mem>>)
        %dma_wait3A = arith.constant 0 : i32
        %dma_wait3A_19 = tpu.memref_slice %arg15[%mul3A_17, %dma_wait3A] : memref<10000x128xf32, #tpu.memory_space<vmem_shared>> -> memref<1000x128xf32, #tpu.memory_space<vmem_shared>>
        tpu.wait_dma2 semaphore(%run_scoped3A : memref<!tpu.dma_semaphore, #tpu.memory_space<semaphore_mem>>) src(%arg7 : memref<1000x128xf32, #tpu.memory_space<hbm>>) dst(%dma_wait3A_19 : memref<1000x128xf32, #tpu.memory_space<vmem_shared>>)
        tpu.yield
      }) : () -> ()
    } else {
    }
    %barrier3A = arith.constant 0 : index
    tpu.barrier barrier_id(%barrier3A)
    %scan3A = arith.constant 0 : i32
    %scan3A_2 = arith.constant 3 : i32
    %scan3A_3 = arith.addi %scan3A, %scan3A_2 : i32
    %scan3A_4 = arith.constant 1 : i32
    scf.for %scan3A_17 = %scan3A to %scan3A_3 step %scan3A_4  : i32 {
      %mul3A = arith.constant 1 : i32
      %mul3A_18 = arith.muli %scan3A_17, %mul3A : i32
      %add3A = arith.constant 0 : i32
      %add3A_19 = arith.addi %add3A, %mul3A_18 : i32
      %mul3A_20 = arith.constant 26 : i32
      %mul3A_21 = arith.muli %add3A_19, %mul3A_20 : i32
      "tpu.region"() ({
        %run_scoped3A = tpu.sem_alloc : memref<!tpu.dma_semaphore, #tpu.memory_space<semaphore_mem>>
        %dma_start3A_60 = arith.constant 0 : i32
        %dma_start3A_61 = arith.constant 0 : i32
        %dma_start3A_62 = tpu.memref_slice %arg3[%arg0, %arg1, %add3A_19, %dma_start3A_60, %dma_start3A_61] : memref<2x16x3x26x128xi32, #tpu.memory_space<hbm>> -> memref<1x1x1x26x128xi32, #tpu.memory_space<hbm>>
        %dma_start3A_63 = tpu.memref_squeeze %dma_start3A_62 : memref<1x1x1x26x128xi32, #tpu.memory_space<hbm>> -> memref<26x128xi32, #tpu.memory_space<hbm>>
        %dma_start3A_64 = arith.constant 0 : i32
        %dma_start3A_65 = arith.constant 0 : i32
        %dma_start3A_66 = tpu.memref_slice %arg3[%arg0, %arg1, %add3A_19, %dma_start3A_64, %dma_start3A_65] : memref<2x16x3x26x128xi32, #tpu.memory_space<hbm>> -> memref<1x1x1x26x128xi32, #tpu.memory_space<hbm>>
        %dma_start3A_67 = tpu.memref_squeeze %dma_start3A_66 : memref<1x1x1x26x128xi32, #tpu.memory_space<hbm>> -> memref<26x128xi32, #tpu.memory_space<hbm>>
        tpu.enqueue_dma source(%dma_start3A_67 : memref<26x128xi32, #tpu.memory_space<hbm>>) target(%arg9 : memref<26x128xi32, #tpu.memory_space<vmem>>) target_semaphore(%run_scoped3A : memref<!tpu.dma_semaphore, #tpu.memory_space<semaphore_mem>>)
        %dma_wait3A_68 = arith.constant 0 : i32
        %dma_wait3A_69 = arith.constant 0 : i32
        %dma_wait3A_70 = tpu.memref_slice %arg3[%arg0, %arg1, %add3A_19, %dma_wait3A_68, %dma_wait3A_69] : memref<2x16x3x26x128xi32, #tpu.memory_space<hbm>> -> memref<1x1x1x26x128xi32, #tpu.memory_space<hbm>>
        %dma_wait3A_71 = tpu.memref_squeeze %dma_wait3A_70 : memref<1x1x1x26x128xi32, #tpu.memory_space<hbm>> -> memref<26x128xi32, #tpu.memory_space<hbm>>
        %dma_wait3A_72 = arith.constant 0 : i32
        %dma_wait3A_73 = arith.constant 0 : i32
        %dma_wait3A_74 = tpu.memref_slice %arg3[%arg0, %arg1, %add3A_19, %dma_wait3A_72, %dma_wait3A_73] : memref<2x16x3x26x128xi32, #tpu.memory_space<hbm>> -> memref<1x1x1x26x128xi32, #tpu.memory_space<hbm>>
        %dma_wait3A_75 = tpu.memref_squeeze %dma_wait3A_74 : memref<1x1x1x26x128xi32, #tpu.memory_space<hbm>> -> memref<26x128xi32, #tpu.memory_space<hbm>>
        tpu.wait_dma2 semaphore(%run_scoped3A : memref<!tpu.dma_semaphore, #tpu.memory_space<semaphore_mem>>) src(%dma_wait3A_75 : memref<26x128xi32, #tpu.memory_space<hbm>>) dst(%arg9 : memref<26x128xi32, #tpu.memory_space<vmem>>)
        tpu.yield
      }) : () -> ()
      %dma_start3A = arith.constant 0 : i32
      %dma_start3A_22 = arith.constant 0 : i32
      %dma_start3A_23 = tpu.memref_slice %arg9[%dma_start3A, %dma_start3A_22] : memref<26x128xi32, #tpu.memory_space<vmem>> -> memref<1x128xi32, #tpu.memory_space<vmem>>
      %dma_start3A_24 = tpu.memref_squeeze %dma_start3A_23 : memref<1x128xi32, #tpu.memory_space<vmem>> -> memref<128xi32, #tpu.memory_space<vmem>>
      %dma_start3A_25 = arith.constant 0 : i32
      %dma_start3A_26 = arith.constant 0 : i32
      %dma_start3A_27 = tpu.memref_slice %arg2[%dma_start3A_25, %dma_start3A_26] : memref<10000x128xf32, #tpu.memory_space<hbm>> -> memref<10000x128xf32, #tpu.memory_space<hbm>>
      tpu.enqueue_indirect_dma source(%dma_start3A_27 : memref<10000x128xf32, #tpu.memory_space<hbm>>) target(%arg13 : memref<128x128xf32, #tpu.memory_space<vmem>>) offsets(%dma_start3A_24 : memref<128xi32, #tpu.memory_space<vmem>>) semaphore(%arg16 : memref<!tpu.dma_semaphore, #tpu.memory_space<semaphore_mem>>)
      %scan3A_28 = arith.constant 0 : i32
      %scan3A_29 = arith.constant 12 : i32
      %scan3A_30 = arith.addi %scan3A_28, %scan3A_29 : i32
      %scan3A_31 = arith.constant 1 : i32
      scf.for %scan3A_60 = %scan3A_28 to %scan3A_30 step %scan3A_31  : i32 {
        %mul3A_61 = arith.constant 2 : i32
        %mul3A_62 = arith.muli %scan3A_60, %mul3A_61 : i32
        %add3A_63 = arith.constant 0 : i32
        %add3A_64 = arith.addi %add3A_63, %mul3A_62 : i32
        %add3A_65 = arith.constant 1 : i32
        %add3A_66 = arith.addi %add3A_64, %add3A_65 : i32
        %dma_start3A_67 = arith.constant 0 : i32
        %dma_start3A_68 = tpu.memref_slice %arg9[%add3A_66, %dma_start3A_67] : memref<26x128xi32, #tpu.memory_space<vmem>> -> memref<1x128xi32, #tpu.memory_space<vmem>>
        %dma_start3A_69 = tpu.memref_squeeze %dma_start3A_68 : memref<1x128xi32, #tpu.memory_space<vmem>> -> memref<128xi32, #tpu.memory_space<vmem>>
        %dma_start3A_70 = arith.constant 0 : i32
        %dma_start3A_71 = arith.constant 0 : i32
        %dma_start3A_72 = tpu.memref_slice %arg2[%dma_start3A_70, %dma_start3A_71] : memref<10000x128xf32, #tpu.memory_space<hbm>> -> memref<10000x128xf32, #tpu.memory_space<hbm>>
        tpu.enqueue_indirect_dma source(%dma_start3A_72 : memref<10000x128xf32, #tpu.memory_space<hbm>>) target(%arg14 : memref<128x128xf32, #tpu.memory_space<vmem>>) offsets(%dma_start3A_69 : memref<128xi32, #tpu.memory_space<vmem>>) semaphore(%arg17 : memref<!tpu.dma_semaphore, #tpu.memory_space<semaphore_mem>>)
        %dma_wait3A_73 = arith.constant 0 : i32
        %dma_wait3A_74 = tpu.memref_slice %arg9[%add3A_64, %dma_wait3A_73] : memref<26x128xi32, #tpu.memory_space<vmem>> -> memref<1x128xi32, #tpu.memory_space<vmem>>
        %dma_wait3A_75 = tpu.memref_squeeze %dma_wait3A_74 : memref<1x128xi32, #tpu.memory_space<vmem>> -> memref<128xi32, #tpu.memory_space<vmem>>
        %dma_wait3A_76 = arith.constant 0 : i32
        %dma_wait3A_77 = arith.constant 0 : i32
        %dma_wait3A_78 = tpu.memref_slice %arg2[%dma_wait3A_76, %dma_wait3A_77] : memref<10000x128xf32, #tpu.memory_space<hbm>> -> memref<10000x128xf32, #tpu.memory_space<hbm>>
        tpu.wait_indirect_dma semaphore(%arg16 : memref<!tpu.dma_semaphore, #tpu.memory_space<semaphore_mem>>) src(%dma_wait3A_78 : memref<10000x128xf32, #tpu.memory_space<hbm>>) dst(%arg13 : memref<128x128xf32, #tpu.memory_space<vmem>>)
        %add3A_79 = arith.addi %mul3A_21, %add3A_64 : i32
        "tpu.region"() ({
          %run_scoped3A = tpu.sem_alloc : memref<!tpu.dma_semaphore, #tpu.memory_space<semaphore_mem>>
          %dma_start3A_99 = arith.constant 0 : i32
          %dma_start3A_100 = tpu.memref_slice %arg10[%add3A_79, %dma_start3A_99] : memref<78x128xi32, #tpu.memory_space<vmem>> -> memref<1x128xi32, #tpu.memory_space<vmem>>
          %dma_start3A_101 = tpu.memref_squeeze %dma_start3A_100 : memref<1x128xi32, #tpu.memory_space<vmem>> -> memref<128xi32, #tpu.memory_space<vmem>>
          %dma_start3A_102 = arith.constant 0 : i32
          %dma_start3A_103 = arith.constant 0 : i32
          %dma_start3A_104 = tpu.memref_slice %arg15[%dma_start3A_102, %dma_start3A_103] : memref<10000x128xf32, #tpu.memory_space<vmem_shared>> -> memref<10000x128xf32, #tpu.memory_space<vmem_shared>>
          tpu.enqueue_indirect_dma source(%arg13 : memref<128x128xf32, #tpu.memory_space<vmem>>) target(%dma_start3A_104 : memref<10000x128xf32, #tpu.memory_space<vmem_shared>>) offsets(%dma_start3A_101 : memref<128xi32, #tpu.memory_space<vmem>>) semaphore(%run_scoped3A : memref<!tpu.dma_semaphore, #tpu.memory_space<semaphore_mem>>) {add = true}
          %dma_wait3A_105 = arith.constant 0 : i32
          %dma_wait3A_106 = tpu.memref_slice %arg10[%add3A_79, %dma_wait3A_105] : memref<78x128xi32, #tpu.memory_space<vmem>> -> memref<1x128xi32, #tpu.memory_space<vmem>>
          %dma_wait3A_107 = tpu.memref_squeeze %dma_wait3A_106 : memref<1x128xi32, #tpu.memory_space<vmem>> -> memref<128xi32, #tpu.memory_space<vmem>>
          %dma_wait3A_108 = arith.constant 0 : i32
          %dma_wait3A_109 = arith.constant 0 : i32
          %dma_wait3A_110 = tpu.memref_slice %arg15[%dma_wait3A_108, %dma_wait3A_109] : memref<10000x128xf32, #tpu.memory_space<vmem_shared>> -> memref<10000x128xf32, #tpu.memory_space<vmem_shared>>
          tpu.wait_indirect_dma semaphore(%run_scoped3A : memref<!tpu.dma_semaphore, #tpu.memory_space<semaphore_mem>>) src(%arg13 : memref<128x128xf32, #tpu.memory_space<vmem>>) dst(%dma_wait3A_110 : memref<10000x128xf32, #tpu.memory_space<vmem_shared>>)
          tpu.yield
        }) : () -> ()
        %add3A_80 = arith.constant 2 : i32
        %add3A_81 = arith.addi %add3A_64, %add3A_80 : i32
        %dma_start3A_82 = arith.constant 0 : i32
        %dma_start3A_83 = tpu.memref_slice %arg9[%add3A_81, %dma_start3A_82] : memref<26x128xi32, #tpu.memory_space<vmem>> -> memref<1x128xi32, #tpu.memory_space<vmem>>
        %dma_start3A_84 = tpu.memref_squeeze %dma_start3A_83 : memref<1x128xi32, #tpu.memory_space<vmem>> -> memref<128xi32, #tpu.memory_space<vmem>>
        %dma_start3A_85 = arith.constant 0 : i32
        %dma_start3A_86 = arith.constant 0 : i32
        %dma_start3A_87 = tpu.memref_slice %arg2[%dma_start3A_85, %dma_start3A_86] : memref<10000x128xf32, #tpu.memory_space<hbm>> -> memref<10000x128xf32, #tpu.memory_space<hbm>>
        tpu.enqueue_indirect_dma source(%dma_start3A_87 : memref<10000x128xf32, #tpu.memory_space<hbm>>) target(%arg13 : memref<128x128xf32, #tpu.memory_space<vmem>>) offsets(%dma_start3A_84 : memref<128xi32, #tpu.memory_space<vmem>>) semaphore(%arg16 : memref<!tpu.dma_semaphore, #tpu.memory_space<semaphore_mem>>)
        %add3A_88 = arith.constant 1 : i32
        %add3A_89 = arith.addi %add3A_64, %add3A_88 : i32
        %dma_wait3A_90 = arith.constant 0 : i32
        %dma_wait3A_91 = tpu.memref_slice %arg9[%add3A_89, %dma_wait3A_90] : memref<26x128xi32, #tpu.memory_space<vmem>> -> memref<1x128xi32, #tpu.memory_space<vmem>>
        %dma_wait3A_92 = tpu.memref_squeeze %dma_wait3A_91 : memref<1x128xi32, #tpu.memory_space<vmem>> -> memref<128xi32, #tpu.memory_space<vmem>>
        %dma_wait3A_93 = arith.constant 0 : i32
        %dma_wait3A_94 = arith.constant 0 : i32
        %dma_wait3A_95 = tpu.memref_slice %arg2[%dma_wait3A_93, %dma_wait3A_94] : memref<10000x128xf32, #tpu.memory_space<hbm>> -> memref<10000x128xf32, #tpu.memory_space<hbm>>
        tpu.wait_indirect_dma semaphore(%arg17 : memref<!tpu.dma_semaphore, #tpu.memory_space<semaphore_mem>>) src(%dma_wait3A_95 : memref<10000x128xf32, #tpu.memory_space<hbm>>) dst(%arg14 : memref<128x128xf32, #tpu.memory_space<vmem>>)
        %add3A_96 = arith.addi %mul3A_21, %add3A_64 : i32
        %add3A_97 = arith.constant 1 : i32
        %add3A_98 = arith.addi %add3A_96, %add3A_97 : i32
        "tpu.region"() ({
          %run_scoped3A = tpu.sem_alloc : memref<!tpu.dma_semaphore, #tpu.memory_space<semaphore_mem>>
          %dma_start3A_99 = arith.constant 0 : i32
          %dma_start3A_100 = tpu.memref_slice %arg10[%add3A_98, %dma_start3A_99] : memref<78x128xi32, #tpu.memory_space<vmem>> -> memref<1x128xi32, #tpu.memory_space<vmem>>
          %dma_start3A_101 = tpu.memref_squeeze %dma_start3A_100 : memref<1x128xi32, #tpu.memory_space<vmem>> -> memref<128xi32, #tpu.memory_space<vmem>>
          %dma_start3A_102 = arith.constant 0 : i32
          %dma_start3A_103 = arith.constant 0 : i32
          %dma_start3A_104 = tpu.memref_slice %arg15[%dma_start3A_102, %dma_start3A_103] : memref<10000x128xf32, #tpu.memory_space<vmem_shared>> -> memref<10000x128xf32, #tpu.memory_space<vmem_shared>>
          tpu.enqueue_indirect_dma source(%arg14 : memref<128x128xf32, #tpu.memory_space<vmem>>) target(%dma_start3A_104 : memref<10000x128xf32, #tpu.memory_space<vmem_shared>>) offsets(%dma_start3A_101 : memref<128xi32, #tpu.memory_space<vmem>>) semaphore(%run_scoped3A : memref<!tpu.dma_semaphore, #tpu.memory_space<semaphore_mem>>) {add = true}
          %dma_wait3A_105 = arith.constant 0 : i32
          %dma_wait3A_106 = tpu.memref_slice %arg10[%add3A_98, %dma_wait3A_105] : memref<78x128xi32, #tpu.memory_space<vmem>> -> memref<1x128xi32, #tpu.memory_space<vmem>>
          %dma_wait3A_107 = tpu.memref_squeeze %dma_wait3A_106 : memref<1x128xi32, #tpu.memory_space<vmem>> -> memref<128xi32, #tpu.memory_space<vmem>>
          %dma_wait3A_108 = arith.constant 0 : i32
          %dma_wait3A_109 = arith.constant 0 : i32
          %dma_wait3A_110 = tpu.memref_slice %arg15[%dma_wait3A_108, %dma_wait3A_109] : memref<10000x128xf32, #tpu.memory_space<vmem_shared>> -> memref<10000x128xf32, #tpu.memory_space<vmem_shared>>
          tpu.wait_indirect_dma semaphore(%run_scoped3A : memref<!tpu.dma_semaphore, #tpu.memory_space<semaphore_mem>>) src(%arg14 : memref<128x128xf32, #tpu.memory_space<vmem>>) dst(%dma_wait3A_110 : memref<10000x128xf32, #tpu.memory_space<vmem_shared>>)
          tpu.yield
        }) : () -> ()
      }
      %scan3A_32 = arith.constant 12 : i32
      %dma_start3A_33 = arith.constant 25 : i32
      %dma_start3A_34 = arith.constant 0 : i32
      %dma_start3A_35 = tpu.memref_slice %arg9[%dma_start3A_33, %dma_start3A_34] : memref<26x128xi32, #tpu.memory_space<vmem>> -> memref<1x128xi32, #tpu.memory_space<vmem>>
      %dma_start3A_36 = tpu.memref_squeeze %dma_start3A_35 : memref<1x128xi32, #tpu.memory_space<vmem>> -> memref<128xi32, #tpu.memory_space<vmem>>
      %dma_start3A_37 = arith.constant 0 : i32
      %dma_start3A_38 = arith.constant 0 : i32
      %dma_start3A_39 = tpu.memref_slice %arg2[%dma_start3A_37, %dma_start3A_38] : memref<10000x128xf32, #tpu.memory_space<hbm>> -> memref<10000x128xf32, #tpu.memory_space<hbm>>
      tpu.enqueue_indirect_dma source(%dma_start3A_39 : memref<10000x128xf32, #tpu.memory_space<hbm>>) target(%arg14 : memref<128x128xf32, #tpu.memory_space<vmem>>) offsets(%dma_start3A_36 : memref<128xi32, #tpu.memory_space<vmem>>) semaphore(%arg17 : memref<!tpu.dma_semaphore, #tpu.memory_space<semaphore_mem>>)
      %dma_wait3A = arith.constant 24 : i32
      %dma_wait3A_40 = arith.constant 0 : i32
      %dma_wait3A_41 = tpu.memref_slice %arg9[%dma_wait3A, %dma_wait3A_40] : memref<26x128xi32, #tpu.memory_space<vmem>> -> memref<1x128xi32, #tpu.memory_space<vmem>>
      %dma_wait3A_42 = tpu.memref_squeeze %dma_wait3A_41 : memref<1x128xi32, #tpu.memory_space<vmem>> -> memref<128xi32, #tpu.memory_space<vmem>>
      %dma_wait3A_43 = arith.constant 0 : i32
      %dma_wait3A_44 = arith.constant 0 : i32
      %dma_wait3A_45 = tpu.memref_slice %arg2[%dma_wait3A_43, %dma_wait3A_44] : memref<10000x128xf32, #tpu.memory_space<hbm>> -> memref<10000x128xf32, #tpu.memory_space<hbm>>
      tpu.wait_indirect_dma semaphore(%arg16 : memref<!tpu.dma_semaphore, #tpu.memory_space<semaphore_mem>>) src(%dma_wait3A_45 : memref<10000x128xf32, #tpu.memory_space<hbm>>) dst(%arg13 : memref<128x128xf32, #tpu.memory_space<vmem>>)
      %add3A_46 = arith.constant 26 : i32
      %add3A_47 = arith.addi %mul3A_21, %add3A_46 : i32
      %sub3A = arith.constant 2 : i32
      %sub3A_48 = arith.subi %add3A_47, %sub3A : i32
      "tpu.region"() ({
        %run_scoped3A = tpu.sem_alloc : memref<!tpu.dma_semaphore, #tpu.memory_space<semaphore_mem>>
        %dma_start3A_60 = arith.constant 0 : i32
        %dma_start3A_61 = tpu.memref_slice %arg10[%sub3A_48, %dma_start3A_60] : memref<78x128xi32, #tpu.memory_space<vmem>> -> memref<1x128xi32, #tpu.memory_space<vmem>>
        %dma_start3A_62 = tpu.memref_squeeze %dma_start3A_61 : memref<1x128xi32, #tpu.memory_space<vmem>> -> memref<128xi32, #tpu.memory_space<vmem>>
        %dma_start3A_63 = arith.constant 0 : i32
        %dma_start3A_64 = arith.constant 0 : i32
        %dma_start3A_65 = tpu.memref_slice %arg15[%dma_start3A_63, %dma_start3A_64] : memref<10000x128xf32, #tpu.memory_space<vmem_shared>> -> memref<10000x128xf32, #tpu.memory_space<vmem_shared>>
        tpu.enqueue_indirect_dma source(%arg13 : memref<128x128xf32, #tpu.memory_space<vmem>>) target(%dma_start3A_65 : memref<10000x128xf32, #tpu.memory_space<vmem_shared>>) offsets(%dma_start3A_62 : memref<128xi32, #tpu.memory_space<vmem>>) semaphore(%run_scoped3A : memref<!tpu.dma_semaphore, #tpu.memory_space<semaphore_mem>>) {add = true}
        %dma_wait3A_66 = arith.constant 0 : i32
        %dma_wait3A_67 = tpu.memref_slice %arg10[%sub3A_48, %dma_wait3A_66] : memref<78x128xi32, #tpu.memory_space<vmem>> -> memref<1x128xi32, #tpu.memory_space<vmem>>
        %dma_wait3A_68 = tpu.memref_squeeze %dma_wait3A_67 : memref<1x128xi32, #tpu.memory_space<vmem>> -> memref<128xi32, #tpu.memory_space<vmem>>
        %dma_wait3A_69 = arith.constant 0 : i32
        %dma_wait3A_70 = arith.constant 0 : i32
        %dma_wait3A_71 = tpu.memref_slice %arg15[%dma_wait3A_69, %dma_wait3A_70] : memref<10000x128xf32, #tpu.memory_space<vmem_shared>> -> memref<10000x128xf32, #tpu.memory_space<vmem_shared>>
        tpu.wait_indirect_dma semaphore(%run_scoped3A : memref<!tpu.dma_semaphore, #tpu.memory_space<semaphore_mem>>) src(%arg13 : memref<128x128xf32, #tpu.memory_space<vmem>>) dst(%dma_wait3A_71 : memref<10000x128xf32, #tpu.memory_space<vmem_shared>>)
        tpu.yield
      }) : () -> ()
      %dma_wait3A_49 = arith.constant 25 : i32
      %dma_wait3A_50 = arith.constant 0 : i32
      %dma_wait3A_51 = tpu.memref_slice %arg9[%dma_wait3A_49, %dma_wait3A_50] : memref<26x128xi32, #tpu.memory_space<vmem>> -> memref<1x128xi32, #tpu.memory_space<vmem>>
      %dma_wait3A_52 = tpu.memref_squeeze %dma_wait3A_51 : memref<1x128xi32, #tpu.memory_space<vmem>> -> memref<128xi32, #tpu.memory_space<vmem>>
      %dma_wait3A_53 = arith.constant 0 : i32
      %dma_wait3A_54 = arith.constant 0 : i32
      %dma_wait3A_55 = tpu.memref_slice %arg2[%dma_wait3A_53, %dma_wait3A_54] : memref<10000x128xf32, #tpu.memory_space<hbm>> -> memref<10000x128xf32, #tpu.memory_space<hbm>>
      tpu.wait_indirect_dma semaphore(%arg17 : memref<!tpu.dma_semaphore, #tpu.memory_space<semaphore_mem>>) src(%dma_wait3A_55 : memref<10000x128xf32, #tpu.memory_space<hbm>>) dst(%arg14 : memref<128x128xf32, #tpu.memory_space<vmem>>)
      %add3A_56 = arith.constant 26 : i32
      %add3A_57 = arith.addi %mul3A_21, %add3A_56 : i32
      %sub3A_58 = arith.constant 1 : i32
      %sub3A_59 = arith.subi %add3A_57, %sub3A_58 : i32
      "tpu.region"() ({
        %run_scoped3A = tpu.sem_alloc : memref<!tpu.dma_semaphore, #tpu.memory_space<semaphore_mem>>
        %dma_start3A_60 = arith.constant 0 : i32
        %dma_start3A_61 = tpu.memref_slice %arg10[%sub3A_59, %dma_start3A_60] : memref<78x128xi32, #tpu.memory_space<vmem>> -> memref<1x128xi32, #tpu.memory_space<vmem>>
        %dma_start3A_62 = tpu.memref_squeeze %dma_start3A_61 : memref<1x128xi32, #tpu.memory_space<vmem>> -> memref<128xi32, #tpu.memory_space<vmem>>
        %dma_start3A_63 = arith.constant 0 : i32
        %dma_start3A_64 = arith.constant 0 : i32
        %dma_start3A_65 = tpu.memref_slice %arg15[%dma_start3A_63, %dma_start3A_64] : memref<10000x128xf32, #tpu.memory_space<vmem_shared>> -> memref<10000x128xf32, #tpu.memory_space<vmem_shared>>
        tpu.enqueue_indirect_dma source(%arg14 : memref<128x128xf32, #tpu.memory_space<vmem>>) target(%dma_start3A_65 : memref<10000x128xf32, #tpu.memory_space<vmem_shared>>) offsets(%dma_start3A_62 : memref<128xi32, #tpu.memory_space<vmem>>) semaphore(%run_scoped3A : memref<!tpu.dma_semaphore, #tpu.memory_space<semaphore_mem>>) {add = true}
        %dma_wait3A_66 = arith.constant 0 : i32
        %dma_wait3A_67 = tpu.memref_slice %arg10[%sub3A_59, %dma_wait3A_66] : memref<78x128xi32, #tpu.memory_space<vmem>> -> memref<1x128xi32, #tpu.memory_space<vmem>>
        %dma_wait3A_68 = tpu.memref_squeeze %dma_wait3A_67 : memref<1x128xi32, #tpu.memory_space<vmem>> -> memref<128xi32, #tpu.memory_space<vmem>>
        %dma_wait3A_69 = arith.constant 0 : i32
        %dma_wait3A_70 = arith.constant 0 : i32
        %dma_wait3A_71 = tpu.memref_slice %arg15[%dma_wait3A_69, %dma_wait3A_70] : memref<10000x128xf32, #tpu.memory_space<vmem_shared>> -> memref<10000x128xf32, #tpu.memory_space<vmem_shared>>
        tpu.wait_indirect_dma semaphore(%run_scoped3A : memref<!tpu.dma_semaphore, #tpu.memory_space<semaphore_mem>>) src(%arg14 : memref<128x128xf32, #tpu.memory_space<vmem>>) dst(%dma_wait3A_71 : memref<10000x128xf32, #tpu.memory_space<vmem_shared>>)
        tpu.yield
      }) : () -> ()
    }
    %scan3A_5 = arith.constant 3 : i32
    %lt3A_6 = arith.constant 2 : i32
    %lt3A_7 = arith.cmpi slt, %arg1, %lt3A_6 : i32
    %convert_element_type3A_8 = arith.extui %lt3A_7 : i1 to i32
    %cond3A_9 = arith.constant 0 : i32
    %cond3A_10 = arith.cmpi ne, %convert_element_type3A_8, %cond3A_9 : i32
    scf.if %cond3A_10 {
      "tpu.region"() ({
        %run_scoped3A_18 = tpu.sem_alloc : memref<!tpu.dma_semaphore, #tpu.memory_space<semaphore_mem>>
        %dma_start3A = arith.constant 0 : i32
        %dma_start3A_19 = tpu.memref_slice %arg5[%arg0, %arg1, %dma_start3A] : memref<2x2x128xi32, #tpu.memory_space<hbm>> -> memref<1x1x128xi32, #tpu.memory_space<hbm>>
        %dma_start3A_20 = tpu.memref_squeeze %dma_start3A_19 : memref<1x1x128xi32, #tpu.memory_space<hbm>> -> memref<1x128xi32, #tpu.memory_space<hbm>>
        %dma_start3A_21 = arith.constant 0 : i32
        %dma_start3A_22 = tpu.memref_slice %arg5[%arg0, %arg1, %dma_start3A_21] : memref<2x2x128xi32, #tpu.memory_space<hbm>> -> memref<1x1x128xi32, #tpu.memory_space<hbm>>
        %dma_start3A_23 = tpu.memref_squeeze %dma_start3A_22 : memref<1x1x128xi32, #tpu.memory_space<hbm>> -> memref<1x128xi32, #tpu.memory_space<hbm>>
        tpu.enqueue_dma source(%dma_start3A_23 : memref<1x128xi32, #tpu.memory_space<hbm>>) target(%arg11 : memref<1x128xi32, #tpu.memory_space<vmem>>) target_semaphore(%run_scoped3A_18 : memref<!tpu.dma_semaphore, #tpu.memory_space<semaphore_mem>>)
        %dma_wait3A = arith.constant 0 : i32
        %dma_wait3A_24 = tpu.memref_slice %arg5[%arg0, %arg1, %dma_wait3A] : memref<2x2x128xi32, #tpu.memory_space<hbm>> -> memref<1x1x128xi32, #tpu.memory_space<hbm>>
        %dma_wait3A_25 = tpu.memref_squeeze %dma_wait3A_24 : memref<1x1x128xi32, #tpu.memory_space<hbm>> -> memref<1x128xi32, #tpu.memory_space<hbm>>
        %dma_wait3A_26 = arith.constant 0 : i32
        %dma_wait3A_27 = tpu.memref_slice %arg5[%arg0, %arg1, %dma_wait3A_26] : memref<2x2x128xi32, #tpu.memory_space<hbm>> -> memref<1x1x128xi32, #tpu.memory_space<hbm>>
        %dma_wait3A_28 = tpu.memref_squeeze %dma_wait3A_27 : memref<1x1x128xi32, #tpu.memory_space<hbm>> -> memref<1x128xi32, #tpu.memory_space<hbm>>
        tpu.wait_dma2 semaphore(%run_scoped3A_18 : memref<!tpu.dma_semaphore, #tpu.memory_space<semaphore_mem>>) src(%dma_wait3A_28 : memref<1x128xi32, #tpu.memory_space<hbm>>) dst(%arg11 : memref<1x128xi32, #tpu.memory_space<vmem>>)
        tpu.yield
      }) : () -> ()
      "tpu.region"() ({
        %run_scoped3A_18 = tpu.sem_alloc : memref<!tpu.dma_semaphore, #tpu.memory_space<semaphore_mem>>
        %dma_start3A = arith.constant 0 : i32
        %dma_start3A_19 = tpu.memref_slice %arg6[%arg0, %arg1, %dma_start3A] : memref<2x2x128xi32, #tpu.memory_space<hbm>> -> memref<1x1x128xi32, #tpu.memory_space<hbm>>
        %dma_start3A_20 = tpu.memref_squeeze %dma_start3A_19 : memref<1x1x128xi32, #tpu.memory_space<hbm>> -> memref<1x128xi32, #tpu.memory_space<hbm>>
        %dma_start3A_21 = arith.constant 0 : i32
        %dma_start3A_22 = tpu.memref_slice %arg6[%arg0, %arg1, %dma_start3A_21] : memref<2x2x128xi32, #tpu.memory_space<hbm>> -> memref<1x1x128xi32, #tpu.memory_space<hbm>>
        %dma_start3A_23 = tpu.memref_squeeze %dma_start3A_22 : memref<1x1x128xi32, #tpu.memory_space<hbm>> -> memref<1x128xi32, #tpu.memory_space<hbm>>
        tpu.enqueue_dma source(%dma_start3A_23 : memref<1x128xi32, #tpu.memory_space<hbm>>) target(%arg12 : memref<1x128xi32, #tpu.memory_space<vmem>>) target_semaphore(%run_scoped3A_18 : memref<!tpu.dma_semaphore, #tpu.memory_space<semaphore_mem>>)
        %dma_wait3A = arith.constant 0 : i32
        %dma_wait3A_24 = tpu.memref_slice %arg6[%arg0, %arg1, %dma_wait3A] : memref<2x2x128xi32, #tpu.memory_space<hbm>> -> memref<1x1x128xi32, #tpu.memory_space<hbm>>
        %dma_wait3A_25 = tpu.memref_squeeze %dma_wait3A_24 : memref<1x1x128xi32, #tpu.memory_space<hbm>> -> memref<1x128xi32, #tpu.memory_space<hbm>>
        %dma_wait3A_26 = arith.constant 0 : i32
        %dma_wait3A_27 = tpu.memref_slice %arg6[%arg0, %arg1, %dma_wait3A_26] : memref<2x2x128xi32, #tpu.memory_space<hbm>> -> memref<1x1x128xi32, #tpu.memory_space<hbm>>
        %dma_wait3A_28 = tpu.memref_squeeze %dma_wait3A_27 : memref<1x1x128xi32, #tpu.memory_space<hbm>> -> memref<1x128xi32, #tpu.memory_space<hbm>>
        tpu.wait_dma2 semaphore(%run_scoped3A_18 : memref<!tpu.dma_semaphore, #tpu.memory_space<semaphore_mem>>) src(%dma_wait3A_28 : memref<1x128xi32, #tpu.memory_space<hbm>>) dst(%arg12 : memref<1x128xi32, #tpu.memory_space<vmem>>)
        tpu.yield
      }) : () -> ()
      %run_scoped3A = arith.constant 0 : i32
      "tpu.region"() ({
        %run_scoped3A_18 = tpu.sem_alloc : memref<!tpu.dma_semaphore, #tpu.memory_space<semaphore_mem>>
        %dma_start3A = arith.constant 0 : i32
        %dma_start3A_19 = tpu.memref_slice %arg11[%run_scoped3A, %dma_start3A] : memref<1x128xi32, #tpu.memory_space<vmem>> -> memref<1x128xi32, #tpu.memory_space<vmem>>
        %dma_start3A_20 = tpu.memref_squeeze %dma_start3A_19 : memref<1x128xi32, #tpu.memory_space<vmem>> -> memref<128xi32, #tpu.memory_space<vmem>>
        %dma_start3A_21 = arith.constant 0 : i32
        %dma_start3A_22 = arith.constant 0 : i32
        %dma_start3A_23 = tpu.memref_slice %arg2[%dma_start3A_21, %dma_start3A_22] : memref<10000x128xf32, #tpu.memory_space<hbm>> -> memref<10000x128xf32, #tpu.memory_space<hbm>>
        tpu.enqueue_indirect_dma source(%dma_start3A_23 : memref<10000x128xf32, #tpu.memory_space<hbm>>) target(%arg13 : memref<128x128xf32, #tpu.memory_space<vmem>>) offsets(%dma_start3A_20 : memref<128xi32, #tpu.memory_space<vmem>>) semaphore(%run_scoped3A_18 : memref<!tpu.dma_semaphore, #tpu.memory_space<semaphore_mem>>)
        %dma_wait3A = arith.constant 0 : i32
        %dma_wait3A_24 = tpu.memref_slice %arg11[%run_scoped3A, %dma_wait3A] : memref<1x128xi32, #tpu.memory_space<vmem>> -> memref<1x128xi32, #tpu.memory_space<vmem>>
        %dma_wait3A_25 = tpu.memref_squeeze %dma_wait3A_24 : memref<1x128xi32, #tpu.memory_space<vmem>> -> memref<128xi32, #tpu.memory_space<vmem>>
        %dma_wait3A_26 = arith.constant 0 : i32
        %dma_wait3A_27 = arith.constant 0 : i32
        %dma_wait3A_28 = tpu.memref_slice %arg2[%dma_wait3A_26, %dma_wait3A_27] : memref<10000x128xf32, #tpu.memory_space<hbm>> -> memref<10000x128xf32, #tpu.memory_space<hbm>>
        tpu.wait_indirect_dma semaphore(%run_scoped3A_18 : memref<!tpu.dma_semaphore, #tpu.memory_space<semaphore_mem>>) src(%dma_wait3A_28 : memref<10000x128xf32, #tpu.memory_space<hbm>>) dst(%arg13 : memref<128x128xf32, #tpu.memory_space<vmem>>)
        tpu.yield
      }) : () -> ()
      %run_scoped3A_17 = arith.constant 0 : i32
      "tpu.region"() ({
        %run_scoped3A_18 = tpu.sem_alloc : memref<!tpu.dma_semaphore, #tpu.memory_space<semaphore_mem>>
        %dma_start3A = arith.constant 0 : i32
        %dma_start3A_19 = tpu.memref_slice %arg12[%run_scoped3A_17, %dma_start3A] : memref<1x128xi32, #tpu.memory_space<vmem>> -> memref<1x128xi32, #tpu.memory_space<vmem>>
        %dma_start3A_20 = tpu.memref_squeeze %dma_start3A_19 : memref<1x128xi32, #tpu.memory_space<vmem>> -> memref<128xi32, #tpu.memory_space<vmem>>
        %dma_start3A_21 = arith.constant 0 : i32
        %dma_start3A_22 = arith.constant 0 : i32
        %dma_start3A_23 = tpu.memref_slice %arg15[%dma_start3A_21, %dma_start3A_22] : memref<10000x128xf32, #tpu.memory_space<vmem_shared>> -> memref<10000x128xf32, #tpu.memory_space<vmem_shared>>
        tpu.enqueue_indirect_dma source(%arg13 : memref<128x128xf32, #tpu.memory_space<vmem>>) target(%dma_start3A_23 : memref<10000x128xf32, #tpu.memory_space<vmem_shared>>) offsets(%dma_start3A_20 : memref<128xi32, #tpu.memory_space<vmem>>) semaphore(%run_scoped3A_18 : memref<!tpu.dma_semaphore, #tpu.memory_space<semaphore_mem>>) {add = true}
        %dma_wait3A = arith.constant 0 : i32
        %dma_wait3A_24 = tpu.memref_slice %arg12[%run_scoped3A_17, %dma_wait3A] : memref<1x128xi32, #tpu.memory_space<vmem>> -> memref<1x128xi32, #tpu.memory_space<vmem>>
        %dma_wait3A_25 = tpu.memref_squeeze %dma_wait3A_24 : memref<1x128xi32, #tpu.memory_space<vmem>> -> memref<128xi32, #tpu.memory_space<vmem>>
        %dma_wait3A_26 = arith.constant 0 : i32
        %dma_wait3A_27 = arith.constant 0 : i32
        %dma_wait3A_28 = tpu.memref_slice %arg15[%dma_wait3A_26, %dma_wait3A_27] : memref<10000x128xf32, #tpu.memory_space<vmem_shared>> -> memref<10000x128xf32, #tpu.memory_space<vmem_shared>>
        tpu.wait_indirect_dma semaphore(%run_scoped3A_18 : memref<!tpu.dma_semaphore, #tpu.memory_space<semaphore_mem>>) src(%arg13 : memref<128x128xf32, #tpu.memory_space<vmem>>) dst(%dma_wait3A_28 : memref<10000x128xf32, #tpu.memory_space<vmem_shared>>)
        tpu.yield
      }) : () -> ()
    } else {
    }
    %barrier3A_11 = arith.constant 0 : index
    tpu.barrier barrier_id(%barrier3A_11)
    %lt3A_12 = arith.constant 10 : i32
    %lt3A_13 = arith.cmpi slt, %arg1, %lt3A_12 : i32
    %convert_element_type3A_14 = arith.extui %lt3A_13 : i1 to i32
    %cond3A_15 = arith.constant 0 : i32
    %cond3A_16 = arith.cmpi ne, %convert_element_type3A_14, %cond3A_15 : i32
    scf.if %cond3A_16 {
      %mul3A = arith.constant 1000 : i32
      %mul3A_17 = arith.muli %arg1, %mul3A : i32
      "tpu.region"() ({
        %run_scoped3A = tpu.sem_alloc : memref<!tpu.dma_semaphore, #tpu.memory_space<semaphore_mem>>
        %dma_start3A = arith.constant 0 : i32
        %dma_start3A_18 = tpu.memref_slice %arg8[%arg0, %mul3A_17, %dma_start3A] : memref<2x10000x128xf32, #tpu.memory_space<hbm>> -> memref<1x1000x128xf32, #tpu.memory_space<hbm>>
        %dma_start3A_19 = tpu.memref_squeeze %dma_start3A_18 : memref<1x1000x128xf32, #tpu.memory_space<hbm>> -> memref<1000x128xf32, #tpu.memory_space<hbm>>
        %dma_start3A_20 = arith.constant 0 : i32
        %dma_start3A_21 = tpu.memref_slice %arg15[%mul3A_17, %dma_start3A_20] : memref<10000x128xf32, #tpu.memory_space<vmem_shared>> -> memref<1000x128xf32, #tpu.memory_space<vmem_shared>>
        tpu.enqueue_dma source(%dma_start3A_21 : memref<1000x128xf32, #tpu.memory_space<vmem_shared>>) target(%dma_start3A_19 : memref<1000x128xf32, #tpu.memory_space<hbm>>) target_semaphore(%run_scoped3A : memref<!tpu.dma_semaphore, #tpu.memory_space<semaphore_mem>>)
        %dma_wait3A = arith.constant 0 : i32
        %dma_wait3A_22 = tpu.memref_slice %arg8[%arg0, %mul3A_17, %dma_wait3A] : memref<2x10000x128xf32, #tpu.memory_space<hbm>> -> memref<1x1000x128xf32, #tpu.memory_space<hbm>>
        %dma_wait3A_23 = tpu.memref_squeeze %dma_wait3A_22 : memref<1x1000x128xf32, #tpu.memory_space<hbm>> -> memref<1000x128xf32, #tpu.memory_space<hbm>>
        %dma_wait3A_24 = arith.constant 0 : i32
        %dma_wait3A_25 = tpu.memref_slice %arg15[%mul3A_17, %dma_wait3A_24] : memref<10000x128xf32, #tpu.memory_space<vmem_shared>> -> memref<1000x128xf32, #tpu.memory_space<vmem_shared>>
        tpu.wait_dma2 semaphore(%run_scoped3A : memref<!tpu.dma_semaphore, #tpu.memory_space<semaphore_mem>>) src(%dma_wait3A_25 : memref<1000x128xf32, #tpu.memory_space<vmem_shared>>) dst(%dma_wait3A_23 : memref<1000x128xf32, #tpu.memory_space<hbm>>)
        tpu.yield
      }) : () -> ()
    } else {
    }
    return
  }
}

#map = affine_map<(d0, d1) -> (0, 0)>
#map1 = affine_map<(d0, d1) -> (0, 0, 0, 0, 0)>
#map2 = affine_map<(d0, d1) -> (0, 0, 0, 0)>
#map3 = affine_map<(d0, d1) -> (0, 0, 0)>
module attributes {stable_mosaic.version = 14 : i64} {
  func.func @_sc_aggregate(%arg0: i32, %arg1: i32, %arg2: memref<10000x128xf32, #tpu.memory_space<hbm>>, %arg3: memref<2x16x3x26x128xi32, #tpu.memory_space<hbm>>, %arg4: memref<2x16x78x128xi32, #tpu.memory_space<hbm>>, %arg5: memref<2x2x128xi32, #tpu.memory_space<hbm>>, %arg6: memref<2x2x128xi32, #tpu.memory_space<hbm>>, %arg7: memref<1000x128xf32, #tpu.memory_space<hbm>>, %arg8: memref<2x10000x128xf32, #tpu.memory_space<hbm>>, %arg9: memref<26x128xi32, #tpu.memory_space<vmem>>, %arg10: memref<78x128xi32, #tpu.memory_space<vmem>>, %arg11: memref<1x128xi32, #tpu.memory_space<vmem>>, %arg12: memref<1x128xi32, #tpu.memory_space<vmem>>, %arg13: memref<128x128xf32, #tpu.memory_space<vmem>>, %arg14: memref<128x128xf32, #tpu.memory_space<vmem>>, %arg15: memref<10000x128xf32, #tpu.memory_space<vmem_shared>>, %arg16: memref<!tpu.dma_semaphore, #tpu.memory_space<semaphore_mem>>, %arg17: memref<!tpu.dma_semaphore, #tpu.memory_space<semaphore_mem>>) attributes {dimension_semantics = [#tpu.dimension_semantics<core_parallel>, #tpu.dimension_semantics<subcore_parallel>], iteration_bounds = array<i64: 2, 16>, scalar_prefetch = 0 : i64, scratch_operands = 9 : i64, tpu.core_type = #tpu.core_type<sc_vector_subcore>, window_params = [{transform_indices = #map}, {transform_indices = #map1}, {transform_indices = #map2}, {transform_indices = #map3}, {transform_indices = #map3}, {transform_indices = #map}, {transform_indices = #map3}]} {
    "tpu.region"() ({
      %run_scoped3A = tpu.sem_alloc : memref<!tpu.dma_semaphore, #tpu.memory_space<semaphore_mem>>
      %dma_start3A = arith.constant 0 : i32
      %dma_start3A_17 = arith.constant 0 : i32
      %dma_start3A_18 = tpu.memref_slice %arg4[%arg0, %arg1, %dma_start3A, %dma_start3A_17] : memref<2x16x78x128xi32, #tpu.memory_space<hbm>> -> memref<1x1x78x128xi32, #tpu.memory_space<hbm>>
      %dma_start3A_19 = tpu.memref_squeeze %dma_start3A_18 : memref<1x1x78x128xi32, #tpu.memory_space<hbm>> -> memref<78x128xi32, #tpu.memory_space<hbm>>
      %dma_start3A_20 = arith.constant 0 : i32
      %dma_start3A_21 = arith.constant 0 : i32
      %dma_start3A_22 = tpu.memref_slice %arg4[%arg0, %arg1, %dma_start3A_20, %dma_start3A_21] : memref<2x16x78x128xi32, #tpu.memory_space<hbm>> -> memref<1x1x78x128xi32, #tpu.memory_space<hbm>>
      %dma_start3A_23 = tpu.memref_squeeze %dma_start3A_22 : memref<1x1x78x128xi32, #tpu.memory_space<hbm>> -> memref<78x128xi32, #tpu.memory_space<hbm>>
      tpu.enqueue_dma source(%dma_start3A_23 : memref<78x128xi32, #tpu.memory_space<hbm>>) target(%arg10 : memref<78x128xi32, #tpu.memory_space<vmem>>) target_semaphore(%run_scoped3A : memref<!tpu.dma_semaphore, #tpu.memory_space<semaphore_mem>>)
      %dma_wait3A = arith.constant 0 : i32
      %dma_wait3A_24 = arith.constant 0 : i32
      %dma_wait3A_25 = tpu.memref_slice %arg4[%arg0, %arg1, %dma_wait3A, %dma_wait3A_24] : memref<2x16x78x128xi32, #tpu.memory_space<hbm>> -> memref<1x1x78x128xi32, #tpu.memory_space<hbm>>
      %dma_wait3A_26 = tpu.memref_squeeze %dma_wait3A_25 : memref<1x1x78x128xi32, #tpu.memory_space<hbm>> -> memref<78x128xi32, #tpu.memory_space<hbm>>
      %dma_wait3A_27 = arith.constant 0 : i32
      %dma_wait3A_28 = arith.constant 0 : i32
      %dma_wait3A_29 = tpu.memref_slice %arg4[%arg0, %arg1, %dma_wait3A_27, %dma_wait3A_28] : memref<2x16x78x128xi32, #tpu.memory_space<hbm>> -> memref<1x1x78x128xi32, #tpu.memory_space<hbm>>
      %dma_wait3A_30 = tpu.memref_squeeze %dma_wait3A_29 : memref<1x1x78x128xi32, #tpu.memory_space<hbm>> -> memref<78x128xi32, #tpu.memory_space<hbm>>
      tpu.wait_dma2 semaphore(%run_scoped3A : memref<!tpu.dma_semaphore, #tpu.memory_space<semaphore_mem>>) src(%dma_wait3A_30 : memref<78x128xi32, #tpu.memory_space<hbm>>) dst(%arg10 : memref<78x128xi32, #tpu.memory_space<vmem>>)
      tpu.yield
    }) : () -> ()
    %lt3A = arith.constant 10 : i32
    %lt3A_0 = arith.cmpi slt, %arg1, %lt3A : i32
    %convert_element_type3A = arith.extui %lt3A_0 : i1 to i32
    %cond3A = arith.constant 0 : i32
    %cond3A_1 = arith.cmpi ne, %convert_element_type3A, %cond3A : i32
    scf.if %cond3A_1 {
      %mul3A = arith.constant 1000 : i32
      %mul3A_17 = arith.muli %arg1, %mul3A : i32
      "tpu.region"() ({
        %run_scoped3A = tpu.sem_alloc : memref<!tpu.dma_semaphore, #tpu.memory_space<semaphore_mem>>
        %dma_start3A = arith.constant 0 : i32
        %dma_start3A_18 = tpu.memref_slice %arg15[%mul3A_17, %dma_start3A] : memref<10000x128xf32, #tpu.memory_space<vmem_shared>> -> memref<1000x128xf32, #tpu.memory_space<vmem_shared>>
        tpu.enqueue_dma source(%arg7 : memref<1000x128xf32, #tpu.memory_space<hbm>>) target(%dma_start3A_18 : memref<1000x128xf32, #tpu.memory_space<vmem_shared>>) target_semaphore(%run_scoped3A : memref<!tpu.dma_semaphore, #tpu.memory_space<semaphore_mem>>)
        %dma_wait3A = arith.constant 0 : i32
        %dma_wait3A_19 = tpu.memref_slice %arg15[%mul3A_17, %dma_wait3A] : memref<10000x128xf32, #tpu.memory_space<vmem_shared>> -> memref<1000x128xf32, #tpu.memory_space<vmem_shared>>
        tpu.wait_dma2 semaphore(%run_scoped3A : memref<!tpu.dma_semaphore, #tpu.memory_space<semaphore_mem>>) src(%arg7 : memref<1000x128xf32, #tpu.memory_space<hbm>>) dst(%dma_wait3A_19 : memref<1000x128xf32, #tpu.memory_space<vmem_shared>>)
        tpu.yield
      }) : () -> ()
    } else {
    }
    %barrier3A = arith.constant 0 : index
    tpu.barrier barrier_id(%barrier3A)
    %scan3A = arith.constant 0 : i32
    %scan3A_2 = arith.constant 3 : i32
    %scan3A_3 = arith.addi %scan3A, %scan3A_2 : i32
    %scan3A_4 = arith.constant 1 : i32
    scf.for %scan3A_17 = %scan3A to %scan3A_3 step %scan3A_4  : i32 {
      %mul3A = arith.constant 1 : i32
      %mul3A_18 = arith.muli %scan3A_17, %mul3A : i32
      %add3A = arith.constant 0 : i32
      %add3A_19 = arith.addi %add3A, %mul3A_18 : i32
      %mul3A_20 = arith.constant 26 : i32
      %mul3A_21 = arith.muli %add3A_19, %mul3A_20 : i32
      "tpu.region"() ({
        %run_scoped3A = tpu.sem_alloc : memref<!tpu.dma_semaphore, #tpu.memory_space<semaphore_mem>>
        %dma_start3A_60 = arith.constant 0 : i32
        %dma_start3A_61 = arith.constant 0 : i32
        %dma_start3A_62 = tpu.memref_slice %arg3[%arg0, %arg1, %add3A_19, %dma_start3A_60, %dma_start3A_61] : memref<2x16x3x26x128xi32, #tpu.memory_space<hbm>> -> memref<1x1x1x26x128xi32, #tpu.memory_space<hbm>>
        %dma_start3A_63 = tpu.memref_squeeze %dma_start3A_62 : memref<1x1x1x26x128xi32, #tpu.memory_space<hbm>> -> memref<26x128xi32, #tpu.memory_space<hbm>>
        %dma_start3A_64 = arith.constant 0 : i32
        %dma_start3A_65 = arith.constant 0 : i32
        %dma_start3A_66 = tpu.memref_slice %arg3[%arg0, %arg1, %add3A_19, %dma_start3A_64, %dma_start3A_65] : memref<2x16x3x26x128xi32, #tpu.memory_space<hbm>> -> memref<1x1x1x26x128xi32, #tpu.memory_space<hbm>>
        %dma_start3A_67 = tpu.memref_squeeze %dma_start3A_66 : memref<1x1x1x26x128xi32, #tpu.memory_space<hbm>> -> memref<26x128xi32, #tpu.memory_space<hbm>>
        tpu.enqueue_dma source(%dma_start3A_67 : memref<26x128xi32, #tpu.memory_space<hbm>>) target(%arg9 : memref<26x128xi32, #tpu.memory_space<vmem>>) target_semaphore(%run_scoped3A : memref<!tpu.dma_semaphore, #tpu.memory_space<semaphore_mem>>)
        %dma_wait3A_68 = arith.constant 0 : i32
        %dma_wait3A_69 = arith.constant 0 : i32
        %dma_wait3A_70 = tpu.memref_slice %arg3[%arg0, %arg1, %add3A_19, %dma_wait3A_68, %dma_wait3A_69] : memref<2x16x3x26x128xi32, #tpu.memory_space<hbm>> -> memref<1x1x1x26x128xi32, #tpu.memory_space<hbm>>
        %dma_wait3A_71 = tpu.memref_squeeze %dma_wait3A_70 : memref<1x1x1x26x128xi32, #tpu.memory_space<hbm>> -> memref<26x128xi32, #tpu.memory_space<hbm>>
        %dma_wait3A_72 = arith.constant 0 : i32
        %dma_wait3A_73 = arith.constant 0 : i32
        %dma_wait3A_74 = tpu.memref_slice %arg3[%arg0, %arg1, %add3A_19, %dma_wait3A_72, %dma_wait3A_73] : memref<2x16x3x26x128xi32, #tpu.memory_space<hbm>> -> memref<1x1x1x26x128xi32, #tpu.memory_space<hbm>>
        %dma_wait3A_75 = tpu.memref_squeeze %dma_wait3A_74 : memref<1x1x1x26x128xi32, #tpu.memory_space<hbm>> -> memref<26x128xi32, #tpu.memory_space<hbm>>
        tpu.wait_dma2 semaphore(%run_scoped3A : memref<!tpu.dma_semaphore, #tpu.memory_space<semaphore_mem>>) src(%dma_wait3A_75 : memref<26x128xi32, #tpu.memory_space<hbm>>) dst(%arg9 : memref<26x128xi32, #tpu.memory_space<vmem>>)
        tpu.yield
      }) : () -> ()
      %dma_start3A = arith.constant 0 : i32
      %dma_start3A_22 = arith.constant 0 : i32
      %dma_start3A_23 = tpu.memref_slice %arg9[%dma_start3A, %dma_start3A_22] : memref<26x128xi32, #tpu.memory_space<vmem>> -> memref<1x128xi32, #tpu.memory_space<vmem>>
      %dma_start3A_24 = tpu.memref_squeeze %dma_start3A_23 : memref<1x128xi32, #tpu.memory_space<vmem>> -> memref<128xi32, #tpu.memory_space<vmem>>
      %dma_start3A_25 = arith.constant 0 : i32
      %dma_start3A_26 = arith.constant 0 : i32
      %dma_start3A_27 = tpu.memref_slice %arg2[%dma_start3A_25, %dma_start3A_26] : memref<10000x128xf32, #tpu.memory_space<hbm>> -> memref<10000x128xf32, #tpu.memory_space<hbm>>
      tpu.enqueue_indirect_dma source(%dma_start3A_27 : memref<10000x128xf32, #tpu.memory_space<hbm>>) target(%arg13 : memref<128x128xf32, #tpu.memory_space<vmem>>) offsets(%dma_start3A_24 : memref<128xi32, #tpu.memory_space<vmem>>) semaphore(%arg16 : memref<!tpu.dma_semaphore, #tpu.memory_space<semaphore_mem>>)
      %scan3A_28 = arith.constant 0 : i32
      %scan3A_29 = arith.constant 12 : i32
      %scan3A_30 = arith.addi %scan3A_28, %scan3A_29 : i32
      %scan3A_31 = arith.constant 1 : i32
      scf.for %scan3A_60 = %scan3A_28 to %scan3A_30 step %scan3A_31  : i32 {
        %mul3A_61 = arith.constant 2 : i32
        %mul3A_62 = arith.muli %scan3A_60, %mul3A_61 : i32
        %add3A_63 = arith.constant 0 : i32
        %add3A_64 = arith.addi %add3A_63, %mul3A_62 : i32
        %add3A_65 = arith.constant 1 : i32
        %add3A_66 = arith.addi %add3A_64, %add3A_65 : i32
        %dma_start3A_67 = arith.constant 0 : i32
        %dma_start3A_68 = tpu.memref_slice %arg9[%add3A_66, %dma_start3A_67] : memref<26x128xi32, #tpu.memory_space<vmem>> -> memref<1x128xi32, #tpu.memory_space<vmem>>
        %dma_start3A_69 = tpu.memref_squeeze %dma_start3A_68 : memref<1x128xi32, #tpu.memory_space<vmem>> -> memref<128xi32, #tpu.memory_space<vmem>>
        %dma_start3A_70 = arith.constant 0 : i32
        %dma_start3A_71 = arith.constant 0 : i32
        %dma_start3A_72 = tpu.memref_slice %arg2[%dma_start3A_70, %dma_start3A_71] : memref<10000x128xf32, #tpu.memory_space<hbm>> -> memref<10000x128xf32, #tpu.memory_space<hbm>>
        tpu.enqueue_indirect_dma source(%dma_start3A_72 : memref<10000x128xf32, #tpu.memory_space<hbm>>) target(%arg14 : memref<128x128xf32, #tpu.memory_space<vmem>>) offsets(%dma_start3A_69 : memref<128xi32, #tpu.memory_space<vmem>>) semaphore(%arg17 : memref<!tpu.dma_semaphore, #tpu.memory_space<semaphore_mem>>)
        %dma_wait3A_73 = arith.constant 0 : i32
        %dma_wait3A_74 = tpu.memref_slice %arg9[%add3A_64, %dma_wait3A_73] : memref<26x128xi32, #tpu.memory_space<vmem>> -> memref<1x128xi32, #tpu.memory_space<vmem>>
        %dma_wait3A_75 = tpu.memref_squeeze %dma_wait3A_74 : memref<1x128xi32, #tpu.memory_space<vmem>> -> memref<128xi32, #tpu.memory_space<vmem>>
        %dma_wait3A_76 = arith.constant 0 : i32
        %dma_wait3A_77 = arith.constant 0 : i32
        %dma_wait3A_78 = tpu.memref_slice %arg2[%dma_wait3A_76, %dma_wait3A_77] : memref<10000x128xf32, #tpu.memory_space<hbm>> -> memref<10000x128xf32, #tpu.memory_space<hbm>>
        tpu.wait_indirect_dma semaphore(%arg16 : memref<!tpu.dma_semaphore, #tpu.memory_space<semaphore_mem>>) src(%dma_wait3A_78 : memref<10000x128xf32, #tpu.memory_space<hbm>>) dst(%arg13 : memref<128x128xf32, #tpu.memory_space<vmem>>)
        %add3A_79 = arith.addi %mul3A_21, %add3A_64 : i32
        "tpu.region"() ({
          %run_scoped3A = tpu.sem_alloc : memref<!tpu.dma_semaphore, #tpu.memory_space<semaphore_mem>>
          %dma_start3A_99 = arith.constant 0 : i32
          %dma_start3A_100 = tpu.memref_slice %arg10[%add3A_79, %dma_start3A_99] : memref<78x128xi32, #tpu.memory_space<vmem>> -> memref<1x128xi32, #tpu.memory_space<vmem>>
          %dma_start3A_101 = tpu.memref_squeeze %dma_start3A_100 : memref<1x128xi32, #tpu.memory_space<vmem>> -> memref<128xi32, #tpu.memory_space<vmem>>
          %dma_start3A_102 = arith.constant 0 : i32
          %dma_start3A_103 = arith.constant 0 : i32
          %dma_start3A_104 = tpu.memref_slice %arg15[%dma_start3A_102, %dma_start3A_103] : memref<10000x128xf32, #tpu.memory_space<vmem_shared>> -> memref<10000x128xf32, #tpu.memory_space<vmem_shared>>
          tpu.enqueue_indirect_dma source(%arg13 : memref<128x128xf32, #tpu.memory_space<vmem>>) target(%dma_start3A_104 : memref<10000x128xf32, #tpu.memory_space<vmem_shared>>) offsets(%dma_start3A_101 : memref<128xi32, #tpu.memory_space<vmem>>) semaphore(%run_scoped3A : memref<!tpu.dma_semaphore, #tpu.memory_space<semaphore_mem>>) {add = true}
          %dma_wait3A_105 = arith.constant 0 : i32
          %dma_wait3A_106 = tpu.memref_slice %arg10[%add3A_79, %dma_wait3A_105] : memref<78x128xi32, #tpu.memory_space<vmem>> -> memref<1x128xi32, #tpu.memory_space<vmem>>
          %dma_wait3A_107 = tpu.memref_squeeze %dma_wait3A_106 : memref<1x128xi32, #tpu.memory_space<vmem>> -> memref<128xi32, #tpu.memory_space<vmem>>
          %dma_wait3A_108 = arith.constant 0 : i32
          %dma_wait3A_109 = arith.constant 0 : i32
          %dma_wait3A_110 = tpu.memref_slice %arg15[%dma_wait3A_108, %dma_wait3A_109] : memref<10000x128xf32, #tpu.memory_space<vmem_shared>> -> memref<10000x128xf32, #tpu.memory_space<vmem_shared>>
          tpu.wait_indirect_dma semaphore(%run_scoped3A : memref<!tpu.dma_semaphore, #tpu.memory_space<semaphore_mem>>) src(%arg13 : memref<128x128xf32, #tpu.memory_space<vmem>>) dst(%dma_wait3A_110 : memref<10000x128xf32, #tpu.memory_space<vmem_shared>>)
          tpu.yield
        }) : () -> ()
        %add3A_80 = arith.constant 2 : i32
        %add3A_81 = arith.addi %add3A_64, %add3A_80 : i32
        %dma_start3A_82 = arith.constant 0 : i32
        %dma_start3A_83 = tpu.memref_slice %arg9[%add3A_81, %dma_start3A_82] : memref<26x128xi32, #tpu.memory_space<vmem>> -> memref<1x128xi32, #tpu.memory_space<vmem>>
        %dma_start3A_84 = tpu.memref_squeeze %dma_start3A_83 : memref<1x128xi32, #tpu.memory_space<vmem>> -> memref<128xi32, #tpu.memory_space<vmem>>
        %dma_start3A_85 = arith.constant 0 : i32
        %dma_start3A_86 = arith.constant 0 : i32
        %dma_start3A_87 = tpu.memref_slice %arg2[%dma_start3A_85, %dma_start3A_86] : memref<10000x128xf32, #tpu.memory_space<hbm>> -> memref<10000x128xf32, #tpu.memory_space<hbm>>
        tpu.enqueue_indirect_dma source(%dma_start3A_87 : memref<10000x128xf32, #tpu.memory_space<hbm>>) target(%arg13 : memref<128x128xf32, #tpu.memory_space<vmem>>) offsets(%dma_start3A_84 : memref<128xi32, #tpu.memory_space<vmem>>) semaphore(%arg16 : memref<!tpu.dma_semaphore, #tpu.memory_space<semaphore_mem>>)
        %add3A_88 = arith.constant 1 : i32
        %add3A_89 = arith.addi %add3A_64, %add3A_88 : i32
        %dma_wait3A_90 = arith.constant 0 : i32
        %dma_wait3A_91 = tpu.memref_slice %arg9[%add3A_89, %dma_wait3A_90] : memref<26x128xi32, #tpu.memory_space<vmem>> -> memref<1x128xi32, #tpu.memory_space<vmem>>
        %dma_wait3A_92 = tpu.memref_squeeze %dma_wait3A_91 : memref<1x128xi32, #tpu.memory_space<vmem>> -> memref<128xi32, #tpu.memory_space<vmem>>
        %dma_wait3A_93 = arith.constant 0 : i32
        %dma_wait3A_94 = arith.constant 0 : i32
        %dma_wait3A_95 = tpu.memref_slice %arg2[%dma_wait3A_93, %dma_wait3A_94] : memref<10000x128xf32, #tpu.memory_space<hbm>> -> memref<10000x128xf32, #tpu.memory_space<hbm>>
        tpu.wait_indirect_dma semaphore(%arg17 : memref<!tpu.dma_semaphore, #tpu.memory_space<semaphore_mem>>) src(%dma_wait3A_95 : memref<10000x128xf32, #tpu.memory_space<hbm>>) dst(%arg14 : memref<128x128xf32, #tpu.memory_space<vmem>>)
        %add3A_96 = arith.addi %mul3A_21, %add3A_64 : i32
        %add3A_97 = arith.constant 1 : i32
        %add3A_98 = arith.addi %add3A_96, %add3A_97 : i32
        "tpu.region"() ({
          %run_scoped3A = tpu.sem_alloc : memref<!tpu.dma_semaphore, #tpu.memory_space<semaphore_mem>>
          %dma_start3A_99 = arith.constant 0 : i32
          %dma_start3A_100 = tpu.memref_slice %arg10[%add3A_98, %dma_start3A_99] : memref<78x128xi32, #tpu.memory_space<vmem>> -> memref<1x128xi32, #tpu.memory_space<vmem>>
          %dma_start3A_101 = tpu.memref_squeeze %dma_start3A_100 : memref<1x128xi32, #tpu.memory_space<vmem>> -> memref<128xi32, #tpu.memory_space<vmem>>
          %dma_start3A_102 = arith.constant 0 : i32
          %dma_start3A_103 = arith.constant 0 : i32
          %dma_start3A_104 = tpu.memref_slice %arg15[%dma_start3A_102, %dma_start3A_103] : memref<10000x128xf32, #tpu.memory_space<vmem_shared>> -> memref<10000x128xf32, #tpu.memory_space<vmem_shared>>
          tpu.enqueue_indirect_dma source(%arg14 : memref<128x128xf32, #tpu.memory_space<vmem>>) target(%dma_start3A_104 : memref<10000x128xf32, #tpu.memory_space<vmem_shared>>) offsets(%dma_start3A_101 : memref<128xi32, #tpu.memory_space<vmem>>) semaphore(%run_scoped3A : memref<!tpu.dma_semaphore, #tpu.memory_space<semaphore_mem>>) {add = true}
          %dma_wait3A_105 = arith.constant 0 : i32
          %dma_wait3A_106 = tpu.memref_slice %arg10[%add3A_98, %dma_wait3A_105] : memref<78x128xi32, #tpu.memory_space<vmem>> -> memref<1x128xi32, #tpu.memory_space<vmem>>
          %dma_wait3A_107 = tpu.memref_squeeze %dma_wait3A_106 : memref<1x128xi32, #tpu.memory_space<vmem>> -> memref<128xi32, #tpu.memory_space<vmem>>
          %dma_wait3A_108 = arith.constant 0 : i32
          %dma_wait3A_109 = arith.constant 0 : i32
          %dma_wait3A_110 = tpu.memref_slice %arg15[%dma_wait3A_108, %dma_wait3A_109] : memref<10000x128xf32, #tpu.memory_space<vmem_shared>> -> memref<10000x128xf32, #tpu.memory_space<vmem_shared>>
          tpu.wait_indirect_dma semaphore(%run_scoped3A : memref<!tpu.dma_semaphore, #tpu.memory_space<semaphore_mem>>) src(%arg14 : memref<128x128xf32, #tpu.memory_space<vmem>>) dst(%dma_wait3A_110 : memref<10000x128xf32, #tpu.memory_space<vmem_shared>>)
          tpu.yield
        }) : () -> ()
      }
      %scan3A_32 = arith.constant 12 : i32
      %dma_start3A_33 = arith.constant 25 : i32
      %dma_start3A_34 = arith.constant 0 : i32
      %dma_start3A_35 = tpu.memref_slice %arg9[%dma_start3A_33, %dma_start3A_34] : memref<26x128xi32, #tpu.memory_space<vmem>> -> memref<1x128xi32, #tpu.memory_space<vmem>>
      %dma_start3A_36 = tpu.memref_squeeze %dma_start3A_35 : memref<1x128xi32, #tpu.memory_space<vmem>> -> memref<128xi32, #tpu.memory_space<vmem>>
      %dma_start3A_37 = arith.constant 0 : i32
      %dma_start3A_38 = arith.constant 0 : i32
      %dma_start3A_39 = tpu.memref_slice %arg2[%dma_start3A_37, %dma_start3A_38] : memref<10000x128xf32, #tpu.memory_space<hbm>> -> memref<10000x128xf32, #tpu.memory_space<hbm>>
      tpu.enqueue_indirect_dma source(%dma_start3A_39 : memref<10000x128xf32, #tpu.memory_space<hbm>>) target(%arg14 : memref<128x128xf32, #tpu.memory_space<vmem>>) offsets(%dma_start3A_36 : memref<128xi32, #tpu.memory_space<vmem>>) semaphore(%arg17 : memref<!tpu.dma_semaphore, #tpu.memory_space<semaphore_mem>>)
      %dma_wait3A = arith.constant 24 : i32
      %dma_wait3A_40 = arith.constant 0 : i32
      %dma_wait3A_41 = tpu.memref_slice %arg9[%dma_wait3A, %dma_wait3A_40] : memref<26x128xi32, #tpu.memory_space<vmem>> -> memref<1x128xi32, #tpu.memory_space<vmem>>
      %dma_wait3A_42 = tpu.memref_squeeze %dma_wait3A_41 : memref<1x128xi32, #tpu.memory_space<vmem>> -> memref<128xi32, #tpu.memory_space<vmem>>
      %dma_wait3A_43 = arith.constant 0 : i32
      %dma_wait3A_44 = arith.constant 0 : i32
      %dma_wait3A_45 = tpu.memref_slice %arg2[%dma_wait3A_43, %dma_wait3A_44] : memref<10000x128xf32, #tpu.memory_space<hbm>> -> memref<10000x128xf32, #tpu.memory_space<hbm>>
      tpu.wait_indirect_dma semaphore(%arg16 : memref<!tpu.dma_semaphore, #tpu.memory_space<semaphore_mem>>) src(%dma_wait3A_45 : memref<10000x128xf32, #tpu.memory_space<hbm>>) dst(%arg13 : memref<128x128xf32, #tpu.memory_space<vmem>>)
      %add3A_46 = arith.constant 26 : i32
      %add3A_47 = arith.addi %mul3A_21, %add3A_46 : i32
      %sub3A = arith.constant 2 : i32
      %sub3A_48 = arith.subi %add3A_47, %sub3A : i32
      "tpu.region"() ({
        %run_scoped3A = tpu.sem_alloc : memref<!tpu.dma_semaphore, #tpu.memory_space<semaphore_mem>>
        %dma_start3A_60 = arith.constant 0 : i32
        %dma_start3A_61 = tpu.memref_slice %arg10[%sub3A_48, %dma_start3A_60] : memref<78x128xi32, #tpu.memory_space<vmem>> -> memref<1x128xi32, #tpu.memory_space<vmem>>
        %dma_start3A_62 = tpu.memref_squeeze %dma_start3A_61 : memref<1x128xi32, #tpu.memory_space<vmem>> -> memref<128xi32, #tpu.memory_space<vmem>>
        %dma_start3A_63 = arith.constant 0 : i32
        %dma_start3A_64 = arith.constant 0 : i32
        %dma_start3A_65 = tpu.memref_slice %arg15[%dma_start3A_63, %dma_start3A_64] : memref<10000x128xf32, #tpu.memory_space<vmem_shared>> -> memref<10000x128xf32, #tpu.memory_space<vmem_shared>>
        tpu.enqueue_indirect_dma source(%arg13 : memref<128x128xf32, #tpu.memory_space<vmem>>) target(%dma_start3A_65 : memref<10000x128xf32, #tpu.memory_space<vmem_shared>>) offsets(%dma_start3A_62 : memref<128xi32, #tpu.memory_space<vmem>>) semaphore(%run_scoped3A : memref<!tpu.dma_semaphore, #tpu.memory_space<semaphore_mem>>) {add = true}
        %dma_wait3A_66 = arith.constant 0 : i32
        %dma_wait3A_67 = tpu.memref_slice %arg10[%sub3A_48, %dma_wait3A_66] : memref<78x128xi32, #tpu.memory_space<vmem>> -> memref<1x128xi32, #tpu.memory_space<vmem>>
        %dma_wait3A_68 = tpu.memref_squeeze %dma_wait3A_67 : memref<1x128xi32, #tpu.memory_space<vmem>> -> memref<128xi32, #tpu.memory_space<vmem>>
        %dma_wait3A_69 = arith.constant 0 : i32
        %dma_wait3A_70 = arith.constant 0 : i32
        %dma_wait3A_71 = tpu.memref_slice %arg15[%dma_wait3A_69, %dma_wait3A_70] : memref<10000x128xf32, #tpu.memory_space<vmem_shared>> -> memref<10000x128xf32, #tpu.memory_space<vmem_shared>>
        tpu.wait_indirect_dma semaphore(%run_scoped3A : memref<!tpu.dma_semaphore, #tpu.memory_space<semaphore_mem>>) src(%arg13 : memref<128x128xf32, #tpu.memory_space<vmem>>) dst(%dma_wait3A_71 : memref<10000x128xf32, #tpu.memory_space<vmem_shared>>)
        tpu.yield
      }) : () -> ()
      %dma_wait3A_49 = arith.constant 25 : i32
      %dma_wait3A_50 = arith.constant 0 : i32
      %dma_wait3A_51 = tpu.memref_slice %arg9[%dma_wait3A_49, %dma_wait3A_50] : memref<26x128xi32, #tpu.memory_space<vmem>> -> memref<1x128xi32, #tpu.memory_space<vmem>>
      %dma_wait3A_52 = tpu.memref_squeeze %dma_wait3A_51 : memref<1x128xi32, #tpu.memory_space<vmem>> -> memref<128xi32, #tpu.memory_space<vmem>>
      %dma_wait3A_53 = arith.constant 0 : i32
      %dma_wait3A_54 = arith.constant 0 : i32
      %dma_wait3A_55 = tpu.memref_slice %arg2[%dma_wait3A_53, %dma_wait3A_54] : memref<10000x128xf32, #tpu.memory_space<hbm>> -> memref<10000x128xf32, #tpu.memory_space<hbm>>
      tpu.wait_indirect_dma semaphore(%arg17 : memref<!tpu.dma_semaphore, #tpu.memory_space<semaphore_mem>>) src(%dma_wait3A_55 : memref<10000x128xf32, #tpu.memory_space<hbm>>) dst(%arg14 : memref<128x128xf32, #tpu.memory_space<vmem>>)
      %add3A_56 = arith.constant 26 : i32
      %add3A_57 = arith.addi %mul3A_21, %add3A_56 : i32
      %sub3A_58 = arith.constant 1 : i32
      %sub3A_59 = arith.subi %add3A_57, %sub3A_58 : i32
      "tpu.region"() ({
        %run_scoped3A = tpu.sem_alloc : memref<!tpu.dma_semaphore, #tpu.memory_space<semaphore_mem>>
        %dma_start3A_60 = arith.constant 0 : i32
        %dma_start3A_61 = tpu.memref_slice %arg10[%sub3A_59, %dma_start3A_60] : memref<78x128xi32, #tpu.memory_space<vmem>> -> memref<1x128xi32, #tpu.memory_space<vmem>>
        %dma_start3A_62 = tpu.memref_squeeze %dma_start3A_61 : memref<1x128xi32, #tpu.memory_space<vmem>> -> memref<128xi32, #tpu.memory_space<vmem>>
        %dma_start3A_63 = arith.constant 0 : i32
        %dma_start3A_64 = arith.constant 0 : i32
        %dma_start3A_65 = tpu.memref_slice %arg15[%dma_start3A_63, %dma_start3A_64] : memref<10000x128xf32, #tpu.memory_space<vmem_shared>> -> memref<10000x128xf32, #tpu.memory_space<vmem_shared>>
        tpu.enqueue_indirect_dma source(%arg14 : memref<128x128xf32, #tpu.memory_space<vmem>>) target(%dma_start3A_65 : memref<10000x128xf32, #tpu.memory_space<vmem_shared>>) offsets(%dma_start3A_62 : memref<128xi32, #tpu.memory_space<vmem>>) semaphore(%run_scoped3A : memref<!tpu.dma_semaphore, #tpu.memory_space<semaphore_mem>>) {add = true}
        %dma_wait3A_66 = arith.constant 0 : i32
        %dma_wait3A_67 = tpu.memref_slice %arg10[%sub3A_59, %dma_wait3A_66] : memref<78x128xi32, #tpu.memory_space<vmem>> -> memref<1x128xi32, #tpu.memory_space<vmem>>
        %dma_wait3A_68 = tpu.memref_squeeze %dma_wait3A_67 : memref<1x128xi32, #tpu.memory_space<vmem>> -> memref<128xi32, #tpu.memory_space<vmem>>
        %dma_wait3A_69 = arith.constant 0 : i32
        %dma_wait3A_70 = arith.constant 0 : i32
        %dma_wait3A_71 = tpu.memref_slice %arg15[%dma_wait3A_69, %dma_wait3A_70] : memref<10000x128xf32, #tpu.memory_space<vmem_shared>> -> memref<10000x128xf32, #tpu.memory_space<vmem_shared>>
        tpu.wait_indirect_dma semaphore(%run_scoped3A : memref<!tpu.dma_semaphore, #tpu.memory_space<semaphore_mem>>) src(%arg14 : memref<128x128xf32, #tpu.memory_space<vmem>>) dst(%dma_wait3A_71 : memref<10000x128xf32, #tpu.memory_space<vmem_shared>>)
        tpu.yield
      }) : () -> ()
    }
    %scan3A_5 = arith.constant 3 : i32
    %lt3A_6 = arith.constant 2 : i32
    %lt3A_7 = arith.cmpi slt, %arg1, %lt3A_6 : i32
    %convert_element_type3A_8 = arith.extui %lt3A_7 : i1 to i32
    %cond3A_9 = arith.constant 0 : i32
    %cond3A_10 = arith.cmpi ne, %convert_element_type3A_8, %cond3A_9 : i32
    scf.if %cond3A_10 {
      "tpu.region"() ({
        %run_scoped3A_18 = tpu.sem_alloc : memref<!tpu.dma_semaphore, #tpu.memory_space<semaphore_mem>>
        %dma_start3A = arith.constant 0 : i32
        %dma_start3A_19 = tpu.memref_slice %arg5[%arg0, %arg1, %dma_start3A] : memref<2x2x128xi32, #tpu.memory_space<hbm>> -> memref<1x1x128xi32, #tpu.memory_space<hbm>>
        %dma_start3A_20 = tpu.memref_squeeze %dma_start3A_19 : memref<1x1x128xi32, #tpu.memory_space<hbm>> -> memref<1x128xi32, #tpu.memory_space<hbm>>
        %dma_start3A_21 = arith.constant 0 : i32
        %dma_start3A_22 = tpu.memref_slice %arg5[%arg0, %arg1, %dma_start3A_21] : memref<2x2x128xi32, #tpu.memory_space<hbm>> -> memref<1x1x128xi32, #tpu.memory_space<hbm>>
        %dma_start3A_23 = tpu.memref_squeeze %dma_start3A_22 : memref<1x1x128xi32, #tpu.memory_space<hbm>> -> memref<1x128xi32, #tpu.memory_space<hbm>>
        tpu.enqueue_dma source(%dma_start3A_23 : memref<1x128xi32, #tpu.memory_space<hbm>>) target(%arg11 : memref<1x128xi32, #tpu.memory_space<vmem>>) target_semaphore(%run_scoped3A_18 : memref<!tpu.dma_semaphore, #tpu.memory_space<semaphore_mem>>)
        %dma_wait3A = arith.constant 0 : i32
        %dma_wait3A_24 = tpu.memref_slice %arg5[%arg0, %arg1, %dma_wait3A] : memref<2x2x128xi32, #tpu.memory_space<hbm>> -> memref<1x1x128xi32, #tpu.memory_space<hbm>>
        %dma_wait3A_25 = tpu.memref_squeeze %dma_wait3A_24 : memref<1x1x128xi32, #tpu.memory_space<hbm>> -> memref<1x128xi32, #tpu.memory_space<hbm>>
        %dma_wait3A_26 = arith.constant 0 : i32
        %dma_wait3A_27 = tpu.memref_slice %arg5[%arg0, %arg1, %dma_wait3A_26] : memref<2x2x128xi32, #tpu.memory_space<hbm>> -> memref<1x1x128xi32, #tpu.memory_space<hbm>>
        %dma_wait3A_28 = tpu.memref_squeeze %dma_wait3A_27 : memref<1x1x128xi32, #tpu.memory_space<hbm>> -> memref<1x128xi32, #tpu.memory_space<hbm>>
        tpu.wait_dma2 semaphore(%run_scoped3A_18 : memref<!tpu.dma_semaphore, #tpu.memory_space<semaphore_mem>>) src(%dma_wait3A_28 : memref<1x128xi32, #tpu.memory_space<hbm>>) dst(%arg11 : memref<1x128xi32, #tpu.memory_space<vmem>>)
        tpu.yield
      }) : () -> ()
      "tpu.region"() ({
        %run_scoped3A_18 = tpu.sem_alloc : memref<!tpu.dma_semaphore, #tpu.memory_space<semaphore_mem>>
        %dma_start3A = arith.constant 0 : i32
        %dma_start3A_19 = tpu.memref_slice %arg6[%arg0, %arg1, %dma_start3A] : memref<2x2x128xi32, #tpu.memory_space<hbm>> -> memref<1x1x128xi32, #tpu.memory_space<hbm>>
        %dma_start3A_20 = tpu.memref_squeeze %dma_start3A_19 : memref<1x1x128xi32, #tpu.memory_space<hbm>> -> memref<1x128xi32, #tpu.memory_space<hbm>>
        %dma_start3A_21 = arith.constant 0 : i32
        %dma_start3A_22 = tpu.memref_slice %arg6[%arg0, %arg1, %dma_start3A_21] : memref<2x2x128xi32, #tpu.memory_space<hbm>> -> memref<1x1x128xi32, #tpu.memory_space<hbm>>
        %dma_start3A_23 = tpu.memref_squeeze %dma_start3A_22 : memref<1x1x128xi32, #tpu.memory_space<hbm>> -> memref<1x128xi32, #tpu.memory_space<hbm>>
        tpu.enqueue_dma source(%dma_start3A_23 : memref<1x128xi32, #tpu.memory_space<hbm>>) target(%arg12 : memref<1x128xi32, #tpu.memory_space<vmem>>) target_semaphore(%run_scoped3A_18 : memref<!tpu.dma_semaphore, #tpu.memory_space<semaphore_mem>>)
        %dma_wait3A = arith.constant 0 : i32
        %dma_wait3A_24 = tpu.memref_slice %arg6[%arg0, %arg1, %dma_wait3A] : memref<2x2x128xi32, #tpu.memory_space<hbm>> -> memref<1x1x128xi32, #tpu.memory_space<hbm>>
        %dma_wait3A_25 = tpu.memref_squeeze %dma_wait3A_24 : memref<1x1x128xi32, #tpu.memory_space<hbm>> -> memref<1x128xi32, #tpu.memory_space<hbm>>
        %dma_wait3A_26 = arith.constant 0 : i32
        %dma_wait3A_27 = tpu.memref_slice %arg6[%arg0, %arg1, %dma_wait3A_26] : memref<2x2x128xi32, #tpu.memory_space<hbm>> -> memref<1x1x128xi32, #tpu.memory_space<hbm>>
        %dma_wait3A_28 = tpu.memref_squeeze %dma_wait3A_27 : memref<1x1x128xi32, #tpu.memory_space<hbm>> -> memref<1x128xi32, #tpu.memory_space<hbm>>
        tpu.wait_dma2 semaphore(%run_scoped3A_18 : memref<!tpu.dma_semaphore, #tpu.memory_space<semaphore_mem>>) src(%dma_wait3A_28 : memref<1x128xi32, #tpu.memory_space<hbm>>) dst(%arg12 : memref<1x128xi32, #tpu.memory_space<vmem>>)
        tpu.yield
      }) : () -> ()
      %run_scoped3A = arith.constant 0 : i32
      "tpu.region"() ({
        %run_scoped3A_18 = tpu.sem_alloc : memref<!tpu.dma_semaphore, #tpu.memory_space<semaphore_mem>>
        %dma_start3A = arith.constant 0 : i32
        %dma_start3A_19 = tpu.memref_slice %arg11[%run_scoped3A, %dma_start3A] : memref<1x128xi32, #tpu.memory_space<vmem>> -> memref<1x128xi32, #tpu.memory_space<vmem>>
        %dma_start3A_20 = tpu.memref_squeeze %dma_start3A_19 : memref<1x128xi32, #tpu.memory_space<vmem>> -> memref<128xi32, #tpu.memory_space<vmem>>
        %dma_start3A_21 = arith.constant 0 : i32
        %dma_start3A_22 = arith.constant 0 : i32
        %dma_start3A_23 = tpu.memref_slice %arg2[%dma_start3A_21, %dma_start3A_22] : memref<10000x128xf32, #tpu.memory_space<hbm>> -> memref<10000x128xf32, #tpu.memory_space<hbm>>
        tpu.enqueue_indirect_dma source(%dma_start3A_23 : memref<10000x128xf32, #tpu.memory_space<hbm>>) target(%arg13 : memref<128x128xf32, #tpu.memory_space<vmem>>) offsets(%dma_start3A_20 : memref<128xi32, #tpu.memory_space<vmem>>) semaphore(%run_scoped3A_18 : memref<!tpu.dma_semaphore, #tpu.memory_space<semaphore_mem>>)
        %dma_wait3A = arith.constant 0 : i32
        %dma_wait3A_24 = tpu.memref_slice %arg11[%run_scoped3A, %dma_wait3A] : memref<1x128xi32, #tpu.memory_space<vmem>> -> memref<1x128xi32, #tpu.memory_space<vmem>>
        %dma_wait3A_25 = tpu.memref_squeeze %dma_wait3A_24 : memref<1x128xi32, #tpu.memory_space<vmem>> -> memref<128xi32, #tpu.memory_space<vmem>>
        %dma_wait3A_26 = arith.constant 0 : i32
        %dma_wait3A_27 = arith.constant 0 : i32
        %dma_wait3A_28 = tpu.memref_slice %arg2[%dma_wait3A_26, %dma_wait3A_27] : memref<10000x128xf32, #tpu.memory_space<hbm>> -> memref<10000x128xf32, #tpu.memory_space<hbm>>
        tpu.wait_indirect_dma semaphore(%run_scoped3A_18 : memref<!tpu.dma_semaphore, #tpu.memory_space<semaphore_mem>>) src(%dma_wait3A_28 : memref<10000x128xf32, #tpu.memory_space<hbm>>) dst(%arg13 : memref<128x128xf32, #tpu.memory_space<vmem>>)
        tpu.yield
      }) : () -> ()
      %run_scoped3A_17 = arith.constant 0 : i32
      "tpu.region"() ({
        %run_scoped3A_18 = tpu.sem_alloc : memref<!tpu.dma_semaphore, #tpu.memory_space<semaphore_mem>>
        %dma_start3A = arith.constant 0 : i32
        %dma_start3A_19 = tpu.memref_slice %arg12[%run_scoped3A_17, %dma_start3A] : memref<1x128xi32, #tpu.memory_space<vmem>> -> memref<1x128xi32, #tpu.memory_space<vmem>>
        %dma_start3A_20 = tpu.memref_squeeze %dma_start3A_19 : memref<1x128xi32, #tpu.memory_space<vmem>> -> memref<128xi32, #tpu.memory_space<vmem>>
        %dma_start3A_21 = arith.constant 0 : i32
        %dma_start3A_22 = arith.constant 0 : i32
        %dma_start3A_23 = tpu.memref_slice %arg15[%dma_start3A_21, %dma_start3A_22] : memref<10000x128xf32, #tpu.memory_space<vmem_shared>> -> memref<10000x128xf32, #tpu.memory_space<vmem_shared>>
        tpu.enqueue_indirect_dma source(%arg13 : memref<128x128xf32, #tpu.memory_space<vmem>>) target(%dma_start3A_23 : memref<10000x128xf32, #tpu.memory_space<vmem_shared>>) offsets(%dma_start3A_20 : memref<128xi32, #tpu.memory_space<vmem>>) semaphore(%run_scoped3A_18 : memref<!tpu.dma_semaphore, #tpu.memory_space<semaphore_mem>>) {add = true}
        %dma_wait3A = arith.constant 0 : i32
        %dma_wait3A_24 = tpu.memref_slice %arg12[%run_scoped3A_17, %dma_wait3A] : memref<1x128xi32, #tpu.memory_space<vmem>> -> memref<1x128xi32, #tpu.memory_space<vmem>>
        %dma_wait3A_25 = tpu.memref_squeeze %dma_wait3A_24 : memref<1x128xi32, #tpu.memory_space<vmem>> -> memref<128xi32, #tpu.memory_space<vmem>>
        %dma_wait3A_26 = arith.constant 0 : i32
        %dma_wait3A_27 = arith.constant 0 : i32
        %dma_wait3A_28 = tpu.memref_slice %arg15[%dma_wait3A_26, %dma_wait3A_27] : memref<10000x128xf32, #tpu.memory_space<vmem_shared>> -> memref<10000x128xf32, #tpu.memory_space<vmem_shared>>
        tpu.wait_indirect_dma semaphore(%run_scoped3A_18 : memref<!tpu.dma_semaphore, #tpu.memory_space<semaphore_mem>>) src(%arg13 : memref<128x128xf32, #tpu.memory_space<vmem>>) dst(%dma_wait3A_28 : memref<10000x128xf32, #tpu.memory_space<vmem_shared>>)
        tpu.yield
      }) : () -> ()
    } else {
    }
    %barrier3A_11 = arith.constant 0 : index
    tpu.barrier barrier_id(%barrier3A_11)
    %lt3A_12 = arith.constant 10 : i32
    %lt3A_13 = arith.cmpi slt, %arg1, %lt3A_12 : i32
    %convert_element_type3A_14 = arith.extui %lt3A_13 : i1 to i32
    %cond3A_15 = arith.constant 0 : i32
    %cond3A_16 = arith.cmpi ne, %convert_element_type3A_14, %cond3A_15 : i32
    scf.if %cond3A_16 {
      %mul3A = arith.constant 1000 : i32
      %mul3A_17 = arith.muli %arg1, %mul3A : i32
      "tpu.region"() ({
        %run_scoped3A = tpu.sem_alloc : memref<!tpu.dma_semaphore, #tpu.memory_space<semaphore_mem>>
        %dma_start3A = arith.constant 0 : i32
        %dma_start3A_18 = tpu.memref_slice %arg8[%arg0, %mul3A_17, %dma_start3A] : memref<2x10000x128xf32, #tpu.memory_space<hbm>> -> memref<1x1000x128xf32, #tpu.memory_space<hbm>>
        %dma_start3A_19 = tpu.memref_squeeze %dma_start3A_18 : memref<1x1000x128xf32, #tpu.memory_space<hbm>> -> memref<1000x128xf32, #tpu.memory_space<hbm>>
        %dma_start3A_20 = arith.constant 0 : i32
        %dma_start3A_21 = tpu.memref_slice %arg15[%mul3A_17, %dma_start3A_20] : memref<10000x128xf32, #tpu.memory_space<vmem_shared>> -> memref<1000x128xf32, #tpu.memory_space<vmem_shared>>
        tpu.enqueue_dma source(%dma_start3A_21 : memref<1000x128xf32, #tpu.memory_space<vmem_shared>>) target(%dma_start3A_19 : memref<1000x128xf32, #tpu.memory_space<hbm>>) target_semaphore(%run_scoped3A : memref<!tpu.dma_semaphore, #tpu.memory_space<semaphore_mem>>)
        %dma_wait3A = arith.constant 0 : i32
        %dma_wait3A_22 = tpu.memref_slice %arg8[%arg0, %mul3A_17, %dma_wait3A] : memref<2x10000x128xf32, #tpu.memory_space<hbm>> -> memref<1x1000x128xf32, #tpu.memory_space<hbm>>
        %dma_wait3A_23 = tpu.memref_squeeze %dma_wait3A_22 : memref<1x1000x128xf32, #tpu.memory_space<hbm>> -> memref<1000x128xf32, #tpu.memory_space<hbm>>
        %dma_wait3A_24 = arith.constant 0 : i32
        %dma_wait3A_25 = tpu.memref_slice %arg15[%mul3A_17, %dma_wait3A_24] : memref<10000x128xf32, #tpu.memory_space<vmem_shared>> -> memref<1000x128xf32, #tpu.memory_space<vmem_shared>>
        tpu.wait_dma2 semaphore(%run_scoped3A : memref<!tpu.dma_semaphore, #tpu.memory_space<semaphore_mem>>) src(%dma_wait3A_25 : memref<1000x128xf32, #tpu.memory_space<vmem_shared>>) dst(%dma_wait3A_23 : memref<1000x128xf32, #tpu.memory_space<hbm>>)
        tpu.yield
      }) : () -> ()
    } else {
    }
    return
  }
}

module attributes {stable_mosaic.version = 14 : i64} {
  func.func @_tc_pre_body(%arg0: i32, %arg1: memref<2000x128xf32, #tpu.memory_space<vmem>>, %arg2: memref<128x128xf32, #tpu.memory_space<vmem>>, %arg3: memref<2x2000x128xf32, #tpu.memory_space<vmem>>, %arg4: memref<2000x128xf32, #tpu.memory_space<vmem>>, %arg5: memref<2000x128xf32, #tpu.memory_space<vmem>>, %arg6: memref<2000x1xf32, #tpu.memory_space<vmem>>) attributes {dimension_semantics = [#tpu.dimension_semantics<arbitrary>], iteration_bounds = array<i64: 5>, scalar_prefetch = 0 : i64, scratch_operands = 0 : i64, tpu.core_type = #tpu.core_type<tc>, window_params = [{transform_indices = @transform_0, window_bounds = array<i64: 2000, 128>}, {pipeline_mode = #tpu.pipeline_mode<synchronous>, transform_indices = @transform_1, window_bounds = array<i64: 128, 128>}, {transform_indices = @transform_2, window_bounds = array<i64: 2, 2000, 128>}, {transform_indices = @transform_3, window_bounds = array<i64: 2000, 128>}, {transform_indices = @transform_4, window_bounds = array<i64: 2000, 128>}, {transform_indices = @transform_5, window_bounds = array<i64: 2000, 1>}]} {
    %get3A = arith.constant 0 : index
    %get3A_0 = arith.constant 0 : index
    %get3A_1 = vector.load %arg1[%get3A, %get3A_0] : memref<2000x128xf32, #tpu.memory_space<vmem>>, vector<2000x128xf32>
    %get3A_2 = arith.constant 0 : index
    %get3A_3 = arith.constant 0 : index
    %get3A_4 = vector.load %arg2[%get3A_2, %get3A_3] : memref<128x128xf32, #tpu.memory_space<vmem>>, vector<128x128xf32>
    %dot_general3A = arith.constant dense<0.000000e+00> : vector<2000x128xf32>
    %dot_general3A_5 = tpu.matmul %get3A_1, %get3A_4, %dot_general3A {dimension_numbers = #tpu.dot_dimension_numbers<[1], [0], [0], [1], [0, 0, 1, 1], [], []>, transpose_lhs_hint = false} : vector<2000x128xf32>, vector<128x128xf32>, vector<2000x128xf32> -> vector<2000x128xf32>
    %get3A_6 = arith.constant 0 : index
    %get3A_7 = arith.constant 0 : index
    %get3A_8 = arith.constant 0 : index
    %get3A_9 = vector.load %arg3[%get3A_6, %get3A_7, %get3A_8] : memref<2x2000x128xf32, #tpu.memory_space<vmem>>, vector<2x2000x128xf32>
    %slice3A = vector.extract_strided_slice %get3A_9 {offsets = [0, 0, 0], sizes = [1, 2000, 1], strides = [1, 1, 1]} : vector<2x2000x128xf32> to vector<1x2000x1xf32>
    %squeeze3A = vector.shape_cast %slice3A : vector<1x2000x1xf32> to vector<2000xf32>
    %add3A = arith.constant 1.000000e+00 : f32
    %add3A_10 = vector.broadcast %add3A : f32 to vector<2000xf32>
    %add3A_11 = arith.addf %add3A_10, %squeeze3A : vector<2000xf32>
    %get3A_12 = arith.constant 0 : index
    %get3A_13 = arith.constant 0 : index
    %get3A_14 = arith.constant 0 : index
    %get3A_15 = vector.load %arg3[%get3A_12, %get3A_13, %get3A_14] : memref<2x2000x128xf32, #tpu.memory_space<vmem>>, vector<2x2000x128xf32>
    %slice3A_16 = vector.extract_strided_slice %get3A_15 {offsets = [1, 0, 0], sizes = [1, 2000, 1], strides = [1, 1, 1]} : vector<2x2000x128xf32> to vector<1x2000x1xf32>
    %squeeze3A_17 = vector.shape_cast %slice3A_16 : vector<1x2000x1xf32> to vector<2000xf32>
    %add3A_18 = arith.addf %add3A_11, %squeeze3A_17 : vector<2000xf32>
    %rsqrt3A = math.rsqrt %add3A_18 : vector<2000xf32>
    %broadcast_in_dim3A = vector.shape_cast %rsqrt3A : vector<2000xf32> to vector<2000x1xf32>
    %swap3A = arith.constant 0 : index
    %swap3A_19 = arith.constant 0 : index
    %swap3A_20 = vector.load %arg4[%swap3A, %swap3A_19] : memref<2000x128xf32, #tpu.memory_space<vmem>>, vector<2000x128xf32>
    tpu.vector_store %arg4[%swap3A, %swap3A_19], %dot_general3A_5 {strides = array<i32>} : memref<2000x128xf32, #tpu.memory_space<vmem>>, vector<2000x128xf32>,
    %mul3A = vector.broadcast %broadcast_in_dim3A : vector<2000x1xf32> to vector<2000x128xf32>
    %mul3A_21 = arith.mulf %dot_general3A_5, %mul3A : vector<2000x128xf32>
    %swap3A_22 = arith.constant 0 : index
    %swap3A_23 = arith.constant 0 : index
    %swap3A_24 = vector.load %arg5[%swap3A_22, %swap3A_23] : memref<2000x128xf32, #tpu.memory_space<vmem>>, vector<2000x128xf32>
    tpu.vector_store %arg5[%swap3A_22, %swap3A_23], %mul3A_21 {strides = array<i32>} : memref<2000x128xf32, #tpu.memory_space<vmem>>, vector<2000x128xf32>,
    %swap3A_25 = arith.constant 0 : index
    %swap3A_26 = arith.constant 0 : index
    %swap3A_27 = vector.load %arg6[%swap3A_25, %swap3A_26] : memref<2000x1xf32, #tpu.memory_space<vmem>>, vector<2000x1xf32>
    tpu.vector_store %arg6[%swap3A_25, %swap3A_26], %broadcast_in_dim3A {strides = array<i32>} : memref<2000x1xf32, #tpu.memory_space<vmem>>, vector<2000x1xf32>,
    return
  }
  func.func @transform_0(%arg0: i32) -> (i32, i32) {
    %c0_i32 = arith.constant 0 : i32
    %c0_i32_0 = arith.constant 0 : i32
    return %arg0, %c0_i32 : i32, i32
  }
  func.func @transform_1(%arg0: i32) -> (i32, i32) {
    %c0_i32 = arith.constant 0 : i32
    %c0_i32_0 = arith.constant 0 : i32
    %c0_i32_1 = arith.constant 0 : i32
    return %c0_i32, %c0_i32_0 : i32, i32
  }
  func.func @transform_2(%arg0: i32) -> (i32, i32, i32) {
    %c0_i32 = arith.constant 0 : i32
    %c0_i32_0 = arith.constant 0 : i32
    %c0_i32_1 = arith.constant 0 : i32
    return %c0_i32, %arg0, %c0_i32_0 : i32, i32, i32
  }
  func.func @transform_3(%arg0: i32) -> (i32, i32) {
    %c0_i32 = arith.constant 0 : i32
    %c0_i32_0 = arith.constant 0 : i32
    return %arg0, %c0_i32 : i32, i32
  }
  func.func @transform_4(%arg0: i32) -> (i32, i32) {
    %c0_i32 = arith.constant 0 : i32
    %c0_i32_0 = arith.constant 0 : i32
    return %arg0, %c0_i32 : i32, i32
  }
  func.func @transform_5(%arg0: i32) -> (i32, i32) {
    %c0_i32 = arith.constant 0 : i32
    %c0_i32_0 = arith.constant 0 : i32
    return %arg0, %c0_i32 : i32, i32
  }
}

module attributes {stable_mosaic.version = 14 : i64} {
  func.func @_tc_layer_body(%arg0: i32, %arg1: memref<2x2000x128xf32, #tpu.memory_space<vmem>>, %arg2: memref<2000x128xf32, #tpu.memory_space<vmem>>, %arg3: memref<2000x1xf32, #tpu.memory_space<vmem>>, %arg4: memref<1x128xf32, #tpu.memory_space<vmem>>, %arg5: memref<1x128xf32, #tpu.memory_space<vmem>>, %arg6: memref<1x128xf32, #tpu.memory_space<vmem>>, %arg7: memref<128x128xf32, #tpu.memory_space<vmem>>, %arg8: memref<2000x128xf32, #tpu.memory_space<vmem>>, %arg9: memref<2000x128xf32, #tpu.memory_space<vmem>>, %arg10: memref<10000x128xf32, #tpu.memory_space<vmem>>, %arg11: memref<8x128xf32, #tpu.memory_space<vmem>>) attributes {dimension_semantics = [#tpu.dimension_semantics<arbitrary>], iteration_bounds = array<i64: 15>, scalar_prefetch = 0 : i64, scratch_operands = 2 : i64, tpu.core_type = #tpu.core_type<tc>, window_params = [{transform_indices = @transform_0, window_bounds = array<i64: 2, 2000, 128>}, {transform_indices = @transform_1, window_bounds = array<i64: 2000, 128>}, {transform_indices = @transform_2, window_bounds = array<i64: 2000, 1>}, {pipeline_mode = #tpu.pipeline_mode<synchronous>, transform_indices = @transform_3, window_bounds = array<i64: 1, 128>}, {pipeline_mode = #tpu.pipeline_mode<synchronous>, transform_indices = @transform_4, window_bounds = array<i64: 1, 128>}, {pipeline_mode = #tpu.pipeline_mode<synchronous>, transform_indices = @transform_5, window_bounds = array<i64: 1, 128>}, {pipeline_mode = #tpu.pipeline_mode<synchronous>, transform_indices = @transform_6, window_bounds = array<i64: 128, 128>}, {transform_indices = @transform_7, window_bounds = array<i64: 2000, 128>}, {transform_indices = @transform_8, window_bounds = array<i64: 2000, 128>}]} {
    %rem3A = arith.constant 5 : i32
    %rem3A_0 = arith.remsi %arg0, %rem3A : i32
    %eq3A = arith.constant 0 : i32
    %eq3A_1 = arith.cmpi eq, %arg0, %eq3A : i32
    %convert_element_type3A = arith.extui %eq3A_1 : i1 to i32
    %cond3A = arith.constant 0 : i32
    %cond3A_2 = arith.cmpi ne, %convert_element_type3A, %cond3A : i32
    scf.if %cond3A_2 {
      %broadcast_in_dim3A = arith.constant 0.000000e+00 : f32
      %broadcast_in_dim3A_18 = vector.broadcast %broadcast_in_dim3A : f32 to vector<8x128xf32>
      %swap3A = arith.constant 0 : index
      %swap3A_19 = arith.constant 0 : index
      %swap3A_20 = vector.load %arg11[%swap3A, %swap3A_19] : memref<8x128xf32, #tpu.memory_space<vmem>>, vector<8x128xf32>
      tpu.vector_store %arg11[%swap3A, %swap3A_19], %broadcast_in_dim3A_18 {strides = array<i32>} : memref<8x128xf32, #tpu.memory_space<vmem>>, vector<8x128xf32>,
    } else {
    }
    %lt3A = arith.constant 5 : i32
    %lt3A_3 = arith.cmpi slt, %arg0, %lt3A : i32
    %convert_element_type3A_4 = arith.extui %lt3A_3 : i1 to i32
    %cond3A_5 = arith.constant 0 : i32
    %cond3A_6 = arith.cmpi ne, %convert_element_type3A_4, %cond3A_5 : i32
    scf.if %cond3A_6 {
      %get3A = arith.constant 0 : index
      %get3A_18 = arith.constant 0 : index
      %get3A_19 = vector.load %arg3[%get3A, %get3A_18] : memref<2000x1xf32, #tpu.memory_space<vmem>>, vector<2000x1xf32>
      %get3A_20 = arith.constant 0 : index
      %get3A_21 = arith.constant 0 : index
      %get3A_22 = arith.constant 0 : index
      %get3A_23 = vector.load %arg1[%get3A_20, %get3A_21, %get3A_22] : memref<2x2000x128xf32, #tpu.memory_space<vmem>>, vector<2x2000x128xf32>
      %slice3A = vector.extract_strided_slice %get3A_23 {offsets = [0, 0, 0], sizes = [1, 2000, 128], strides = [1, 1, 1]} : vector<2x2000x128xf32> to vector<1x2000x128xf32>
      %squeeze3A = vector.shape_cast %slice3A : vector<1x2000x128xf32> to vector<2000x128xf32>
      %slice3A_24 = vector.extract_strided_slice %get3A_23 {offsets = [1, 0, 0], sizes = [1, 2000, 128], strides = [1, 1, 1]} : vector<2x2000x128xf32> to vector<1x2000x128xf32>
      %squeeze3A_25 = vector.shape_cast %slice3A_24 : vector<1x2000x128xf32> to vector<2000x128xf32>
      %add3A = arith.addf %squeeze3A, %squeeze3A_25 : vector<2000x128xf32>
      %mul3A = vector.broadcast %get3A_19 : vector<2000x1xf32> to vector<2000x128xf32>
      %mul3A_26 = arith.mulf %mul3A, %add3A : vector<2000x128xf32>
      %get3A_27 = arith.constant 0 : index
      %get3A_28 = arith.constant 0 : index
      %get3A_29 = vector.load %arg2[%get3A_27, %get3A_28] : memref<2000x128xf32, #tpu.memory_space<vmem>>, vector<2000x128xf32>
      %mul3A_30 = arith.mulf %get3A_19, %get3A_19 : vector<2000x1xf32>
      %mul3A_31 = vector.broadcast %mul3A_30 : vector<2000x1xf32> to vector<2000x128xf32>
      %mul3A_32 = arith.mulf %get3A_29, %mul3A_31 : vector<2000x128xf32>
      %add3A_33 = arith.addf %mul3A_26, %mul3A_32 : vector<2000x128xf32>
      %get3A_34 = arith.constant 0 : index
      %get3A_35 = arith.constant 0 : index
      %get3A_36 = vector.load %arg4[%get3A_34, %get3A_35] : memref<1x128xf32, #tpu.memory_space<vmem>>, vector<1x128xf32>
      %add3A_37 = vector.broadcast %get3A_36 : vector<1x128xf32> to vector<2000x128xf32>
      %add3A_38 = arith.addf %add3A_33, %add3A_37 : vector<2000x128xf32>
      %mul3A_39 = arith.constant 2000 : i32
      %mul3A_40 = arith.muli %rem3A_0, %mul3A_39 : i32
      %swap3A = arith.index_cast %mul3A_40 : i32 to index
      %swap3A_41 = arith.constant 0 : index
      %swap3A_42 = vector.load %arg10[%swap3A, %swap3A_41] : memref<10000x128xf32, #tpu.memory_space<vmem>>, vector<2000x128xf32>
      tpu.vector_store %arg10[%swap3A, %swap3A_41], %add3A_38 {strides = array<i32>} : memref<10000x128xf32, #tpu.memory_space<vmem>>, vector<2000x128xf32>,
      %reduce_sum3A = arith.constant dense<0.000000e+00> : vector<128xf32>
      %reduce_sum3A_43 = vector.multi_reduction <add>, %add3A_38, %reduce_sum3A [0] : vector<2000x128xf32> to vector<128xf32>
      %get3A_44 = arith.constant 0 : index
      %get3A_45 = arith.constant 0 : index
      %get3A_46 = vector.load %arg11[%get3A_44, %get3A_45] : memref<8x128xf32, #tpu.memory_space<vmem>>, vector<8x128xf32>
      %broadcast_in_dim3A = vector.shape_cast %reduce_sum3A_43 : vector<128xf32> to vector<1x128xf32>
      %broadcast_in_dim3A_47 = arith.constant 0.000000e+00 : f32
      %broadcast_in_dim3A_48 = vector.broadcast %broadcast_in_dim3A_47 : f32 to vector<7x128xf32>
      %concatenate3A = tpu.concatenate %broadcast_in_dim3A, %broadcast_in_dim3A_48 in 0 : vector<1x128xf32>, vector<7x128xf32> -> vector<8x128xf32>
      %add3A_49 = arith.addf %get3A_46, %concatenate3A : vector<8x128xf32>
      %swap3A_50 = arith.constant 0 : index
      %swap3A_51 = arith.constant 0 : index
      %swap3A_52 = vector.load %arg11[%swap3A_50, %swap3A_51] : memref<8x128xf32, #tpu.memory_space<vmem>>, vector<8x128xf32>
      tpu.vector_store %arg11[%swap3A_50, %swap3A_51], %add3A_49 {strides = array<i32>} : memref<8x128xf32, #tpu.memory_space<vmem>>, vector<8x128xf32>,
    } else {
    }
    %ge3A = arith.constant 5 : i32
    %ge3A_7 = arith.cmpi sge, %arg0, %ge3A : i32
    %lt3A_8 = arith.constant 10 : i32
    %lt3A_9 = arith.cmpi slt, %arg0, %lt3A_8 : i32
    %and3A = arith.andi %ge3A_7, %lt3A_9 : i1
    %convert_element_type3A_10 = arith.extui %and3A : i1 to i32
    %cond3A_11 = arith.constant 0 : i32
    %cond3A_12 = arith.cmpi ne, %convert_element_type3A_10, %cond3A_11 : i32
    scf.if %cond3A_12 {
      %get3A = arith.constant 0 : index
      %get3A_18 = arith.constant 0 : index
      %get3A_19 = vector.load %arg11[%get3A, %get3A_18] : memref<8x128xf32, #tpu.memory_space<vmem>>, vector<8x128xf32>
      %slice3A = vector.extract_strided_slice %get3A_19 {offsets = [0, 0], sizes = [1, 128], strides = [1, 1]} : vector<8x128xf32> to vector<1x128xf32>
      %squeeze3A = vector.shape_cast %slice3A : vector<1x128xf32> to vector<128xf32>
      %div3A = arith.constant 1.000000e+04 : f32
      %div3A_20 = vector.broadcast %div3A : f32 to vector<128xf32>
      %div3A_21 = arith.divf %squeeze3A, %div3A_20 : vector<128xf32>
      %mul3A = arith.constant 2000 : i32
      %mul3A_22 = arith.muli %rem3A_0, %mul3A : i32
      %get3A_23 = arith.index_cast %mul3A_22 : i32 to index
      %get3A_24 = arith.constant 0 : index
      %get3A_25 = vector.load %arg10[%get3A_23, %get3A_24] : memref<10000x128xf32, #tpu.memory_space<vmem>>, vector<2000x128xf32>
      %broadcast_in_dim3A = vector.shape_cast %div3A_21 : vector<128xf32> to vector<1x128xf32>
      %sub3A = vector.broadcast %broadcast_in_dim3A : vector<1x128xf32> to vector<2000x128xf32>
      %sub3A_26 = arith.subf %get3A_25, %sub3A : vector<2000x128xf32>
      %mul3A_27 = arith.mulf %sub3A_26, %sub3A_26 : vector<2000x128xf32>
      %reduce_sum3A = arith.constant dense<0.000000e+00> : vector<128xf32>
      %reduce_sum3A_28 = vector.multi_reduction <add>, %mul3A_27, %reduce_sum3A [0] : vector<2000x128xf32> to vector<128xf32>
      %get3A_29 = arith.constant 0 : index
      %get3A_30 = arith.constant 0 : index
      %get3A_31 = vector.load %arg11[%get3A_29, %get3A_30] : memref<8x128xf32, #tpu.memory_space<vmem>>, vector<8x128xf32>
      %broadcast_in_dim3A_32 = arith.constant 0.000000e+00 : f32
      %broadcast_in_dim3A_33 = vector.broadcast %broadcast_in_dim3A_32 : f32 to vector<1x128xf32>
      %broadcast_in_dim3A_34 = vector.shape_cast %reduce_sum3A_28 : vector<128xf32> to vector<1x128xf32>
      %broadcast_in_dim3A_35 = arith.constant 0.000000e+00 : f32
      %broadcast_in_dim3A_36 = vector.broadcast %broadcast_in_dim3A_35 : f32 to vector<6x128xf32>
      %concatenate3A = tpu.concatenate %broadcast_in_dim3A_33, %broadcast_in_dim3A_34, %broadcast_in_dim3A_36 in 0 : vector<1x128xf32>, vector<1x128xf32>, vector<6x128xf32> -> vector<8x128xf32>
      %add3A = arith.addf %get3A_31, %concatenate3A : vector<8x128xf32>
      %swap3A = arith.constant 0 : index
      %swap3A_37 = arith.constant 0 : index
      %swap3A_38 = vector.load %arg11[%swap3A, %swap3A_37] : memref<8x128xf32, #tpu.memory_space<vmem>>, vector<8x128xf32>
      tpu.vector_store %arg11[%swap3A, %swap3A_37], %add3A {strides = array<i32>} : memref<8x128xf32, #tpu.memory_space<vmem>>, vector<8x128xf32>,
    } else {
    }
    %ge3A_13 = arith.constant 10 : i32
    %ge3A_14 = arith.cmpi sge, %arg0, %ge3A_13 : i32
    %convert_element_type3A_15 = arith.extui %ge3A_14 : i1 to i32
    %cond3A_16 = arith.constant 0 : i32
    %cond3A_17 = arith.cmpi ne, %convert_element_type3A_15, %cond3A_16 : i32
    scf.if %cond3A_17 {
      %get3A = arith.constant 0 : index
      %get3A_18 = arith.constant 0 : index
      %get3A_19 = vector.load %arg11[%get3A, %get3A_18] : memref<8x128xf32, #tpu.memory_space<vmem>>, vector<8x128xf32>
      %slice3A = vector.extract_strided_slice %get3A_19 {offsets = [0, 0], sizes = [1, 128], strides = [1, 1]} : vector<8x128xf32> to vector<1x128xf32>
      %squeeze3A = vector.shape_cast %slice3A : vector<1x128xf32> to vector<128xf32>
      %div3A = arith.constant 1.000000e+04 : f32
      %div3A_20 = vector.broadcast %div3A : f32 to vector<128xf32>
      %div3A_21 = arith.divf %squeeze3A, %div3A_20 : vector<128xf32>
      %slice3A_22 = vector.extract_strided_slice %get3A_19 {offsets = [1, 0], sizes = [1, 128], strides = [1, 1]} : vector<8x128xf32> to vector<1x128xf32>
      %squeeze3A_23 = vector.shape_cast %slice3A_22 : vector<1x128xf32> to vector<128xf32>
      %div3A_24 = arith.constant 1.000000e+04 : f32
      %div3A_25 = vector.broadcast %div3A_24 : f32 to vector<128xf32>
      %div3A_26 = arith.divf %squeeze3A_23, %div3A_25 : vector<128xf32>
      %mul3A = arith.constant 2000 : i32
      %mul3A_27 = arith.muli %rem3A_0, %mul3A : i32
      %get3A_28 = arith.index_cast %mul3A_27 : i32 to index
      %get3A_29 = arith.constant 0 : index
      %get3A_30 = vector.load %arg10[%get3A_28, %get3A_29] : memref<10000x128xf32, #tpu.memory_space<vmem>>, vector<2000x128xf32>
      %broadcast_in_dim3A = vector.shape_cast %div3A_21 : vector<128xf32> to vector<1x128xf32>
      %sub3A = vector.broadcast %broadcast_in_dim3A : vector<1x128xf32> to vector<2000x128xf32>
      %sub3A_31 = arith.subf %get3A_30, %sub3A : vector<2000x128xf32>
      %add3A = arith.constant 9.99999974E-6 : f32
      %add3A_32 = vector.broadcast %add3A : f32 to vector<128xf32>
      %add3A_33 = arith.addf %div3A_26, %add3A_32 : vector<128xf32>
      %rsqrt3A = math.rsqrt %add3A_33 : vector<128xf32>
      %get3A_34 = arith.constant 0 : index
      %get3A_35 = arith.constant 0 : index
      %get3A_36 = vector.load %arg5[%get3A_34, %get3A_35] : memref<1x128xf32, #tpu.memory_space<vmem>>, vector<1x128xf32>
      %broadcast_in_dim3A_37 = vector.shape_cast %rsqrt3A : vector<128xf32> to vector<1x128xf32>
      %mul3A_38 = arith.mulf %broadcast_in_dim3A_37, %get3A_36 : vector<1x128xf32>
      %mul3A_39 = vector.broadcast %mul3A_38 : vector<1x128xf32> to vector<2000x128xf32>
      %mul3A_40 = arith.mulf %sub3A_31, %mul3A_39 : vector<2000x128xf32>
      %get3A_41 = arith.constant 0 : index
      %get3A_42 = arith.constant 0 : index
      %get3A_43 = vector.load %arg6[%get3A_41, %get3A_42] : memref<1x128xf32, #tpu.memory_space<vmem>>, vector<1x128xf32>
      %add3A_44 = vector.broadcast %get3A_43 : vector<1x128xf32> to vector<2000x128xf32>
      %add3A_45 = arith.addf %mul3A_40, %add3A_44 : vector<2000x128xf32>
      %max3A = arith.constant 0.000000e+00 : f32
      %max3A_46 = vector.broadcast %max3A : f32 to vector<2000x128xf32>
      %max3A_47 = arith.maximumf %add3A_45, %max3A_46 : vector<2000x128xf32>
      %get3A_48 = arith.constant 0 : index
      %get3A_49 = arith.constant 0 : index
      %get3A_50 = vector.load %arg7[%get3A_48, %get3A_49] : memref<128x128xf32, #tpu.memory_space<vmem>>, vector<128x128xf32>
      %dot_general3A = arith.constant dense<0.000000e+00> : vector<2000x128xf32>
      %dot_general3A_51 = tpu.matmul %max3A_47, %get3A_50, %dot_general3A {dimension_numbers = #tpu.dot_dimension_numbers<[1], [0], [0], [1], [0, 0, 1, 1], [], []>, transpose_lhs_hint = false} : vector<2000x128xf32>, vector<128x128xf32>, vector<2000x128xf32> -> vector<2000x128xf32>
      %swap3A = arith.constant 0 : index
      %swap3A_52 = arith.constant 0 : index
      %swap3A_53 = vector.load %arg8[%swap3A, %swap3A_52] : memref<2000x128xf32, #tpu.memory_space<vmem>>, vector<2000x128xf32>
      tpu.vector_store %arg8[%swap3A, %swap3A_52], %dot_general3A_51 {strides = array<i32>} : memref<2000x128xf32, #tpu.memory_space<vmem>>, vector<2000x128xf32>,
      %get3A_54 = arith.constant 0 : index
      %get3A_55 = arith.constant 0 : index
      %get3A_56 = vector.load %arg3[%get3A_54, %get3A_55] : memref<2000x1xf32, #tpu.memory_space<vmem>>, vector<2000x1xf32>
      %mul3A_57 = vector.broadcast %get3A_56 : vector<2000x1xf32> to vector<2000x128xf32>
      %mul3A_58 = arith.mulf %dot_general3A_51, %mul3A_57 : vector<2000x128xf32>
      %swap3A_59 = arith.constant 0 : index
      %swap3A_60 = arith.constant 0 : index
      %swap3A_61 = vector.load %arg9[%swap3A_59, %swap3A_60] : memref<2000x128xf32, #tpu.memory_space<vmem>>, vector<2000x128xf32>
      tpu.vector_store %arg9[%swap3A_59, %swap3A_60], %mul3A_58 {strides = array<i32>} : memref<2000x128xf32, #tpu.memory_space<vmem>>, vector<2000x128xf32>,
    } else {
    }
    return
  }
  func.func @transform_0(%arg0: i32) -> (i32, i32, i32) {
    %min3A = arith.constant 4 : i32
    %min3A_0 = arith.minsi %arg0, %min3A : i32
    %c0_i32 = arith.constant 0 : i32
    %c0_i32_1 = arith.constant 0 : i32
    %c0_i32_2 = arith.constant 0 : i32
    return %c0_i32, %min3A_0, %c0_i32_1 : i32, i32, i32
  }
  func.func @transform_1(%arg0: i32) -> (i32, i32) {
    %min3A = arith.constant 4 : i32
    %min3A_0 = arith.minsi %arg0, %min3A : i32
    %c0_i32 = arith.constant 0 : i32
    %c0_i32_1 = arith.constant 0 : i32
    return %min3A_0, %c0_i32 : i32, i32
  }
  func.func @transform_2(%arg0: i32) -> (i32, i32) {
    %rem3A = arith.constant 5 : i32
    %rem3A_0 = arith.remsi %arg0, %rem3A : i32
    %c0_i32 = arith.constant 0 : i32
    %c0_i32_1 = arith.constant 0 : i32
    return %rem3A_0, %c0_i32 : i32, i32
  }
  func.func @transform_3(%arg0: i32) -> (i32, i32) {
    %c0_i32 = arith.constant 0 : i32
    %c0_i32_0 = arith.constant 0 : i32
    %c0_i32_1 = arith.constant 0 : i32
    return %c0_i32, %c0_i32_0 : i32, i32
  }
  func.func @transform_4(%arg0: i32) -> (i32, i32) {
    %c0_i32 = arith.constant 0 : i32
    %c0_i32_0 = arith.constant 0 : i32
    %c0_i32_1 = arith.constant 0 : i32
    return %c0_i32, %c0_i32_0 : i32, i32
  }
  func.func @transform_5(%arg0: i32) -> (i32, i32) {
    %c0_i32 = arith.constant 0 : i32
    %c0_i32_0 = arith.constant 0 : i32
    %c0_i32_1 = arith.constant 0 : i32
    return %c0_i32, %c0_i32_0 : i32, i32
  }
  func.func @transform_6(%arg0: i32) -> (i32, i32) {
    %c0_i32 = arith.constant 0 : i32
    %c0_i32_0 = arith.constant 0 : i32
    %c0_i32_1 = arith.constant 0 : i32
    return %c0_i32, %c0_i32_0 : i32, i32
  }
  func.func @transform_7(%arg0: i32) -> (i32, i32) {
    %rem3A = arith.constant 5 : i32
    %rem3A_0 = arith.remsi %arg0, %rem3A : i32
    %c0_i32 = arith.constant 0 : i32
    %c0_i32_1 = arith.constant 0 : i32
    return %rem3A_0, %c0_i32 : i32, i32
  }
  func.func @transform_8(%arg0: i32) -> (i32, i32) {
    %rem3A = arith.constant 5 : i32
    %rem3A_0 = arith.remsi %arg0, %rem3A : i32
    %c0_i32 = arith.constant 0 : i32
    %c0_i32_1 = arith.constant 0 : i32
    return %rem3A_0, %c0_i32 : i32, i32
  }
}

module attributes {stable_mosaic.version = 14 : i64} {
  func.func @_tc_final_body(%arg0: i32, %arg1: memref<2x2000x128xf32, #tpu.memory_space<vmem>>, %arg2: memref<2000x128xf32, #tpu.memory_space<vmem>>, %arg3: memref<2000x1xf32, #tpu.memory_space<vmem>>, %arg4: memref<1x128xf32, #tpu.memory_space<vmem>>, %arg5: memref<1x8x250xi32, #tpu.memory_space<vmem>>, %arg6: memref<128x128xf32, #tpu.memory_space<vmem>>, %arg7: memref<1x128xf32, #tpu.memory_space<vmem>>, %arg8: memref<1x128xf32, #tpu.memory_space<vmem>>, %arg9: memref<1x128xf32, #tpu.memory_space<vmem>>, %arg10: memref<128x128xf32, #tpu.memory_space<vmem>>, %arg11: memref<1x128xf32, #tpu.memory_space<vmem>>, %arg12: memref<128x11xf32, #tpu.memory_space<vmem>>, %arg13: memref<1x11xf32, #tpu.memory_space<vmem>>, %arg14: memref<64x11xf32, #tpu.memory_space<vmem>>, %arg15: memref<64x128xf32, #tpu.memory_space<vmem>>, %arg16: memref<64x128xf32, #tpu.memory_space<vmem>>) attributes {dimension_semantics = [#tpu.dimension_semantics<arbitrary>], iteration_bounds = array<i64: 5>, scalar_prefetch = 0 : i64, scratch_operands = 2 : i64, tpu.core_type = #tpu.core_type<tc>, window_params = [{transform_indices = @transform_0, window_bounds = array<i64: 2, 2000, 128>}, {transform_indices = @transform_1, window_bounds = array<i64: 2000, 128>}, {transform_indices = @transform_2, window_bounds = array<i64: 2000, 1>}, {pipeline_mode = #tpu.pipeline_mode<synchronous>, transform_indices = @transform_3, window_bounds = array<i64: 1, 128>}, {transform_indices = @transform_4, window_bounds = array<i64: 1, 8, 250>}, {pipeline_mode = #tpu.pipeline_mode<synchronous>, transform_indices = @transform_5, window_bounds = array<i64: 128, 128>}, {pipeline_mode = #tpu.pipeline_mode<synchronous>, transform_indices = @transform_6, window_bounds = array<i64: 1, 128>}, {pipeline_mode = #tpu.pipeline_mode<synchronous>, transform_indices = @transform_7, window_bounds = array<i64: 1, 128>}, {pipeline_mode = #tpu.pipeline_mode<synchronous>, transform_indices = @transform_8, window_bounds = array<i64: 1, 128>}, {pipeline_mode = #tpu.pipeline_mode<synchronous>, transform_indices = @transform_9, window_bounds = array<i64: 128, 128>}, {pipeline_mode = #tpu.pipeline_mode<synchronous>, transform_indices = @transform_10, window_bounds = array<i64: 1, 128>}, {pipeline_mode = #tpu.pipeline_mode<synchronous>, transform_indices = @transform_11, window_bounds = array<i64: 128, 11>}, {pipeline_mode = #tpu.pipeline_mode<synchronous>, transform_indices = @transform_12, window_bounds = array<i64: 1, 11>}, {pipeline_mode = #tpu.pipeline_mode<synchronous>, transform_indices = @transform_13, window_bounds = array<i64: 64, 11>}]} {
    %eq3A = arith.constant 0 : i32
    %eq3A_0 = arith.cmpi eq, %arg0, %eq3A : i32
    %convert_element_type3A = arith.extui %eq3A_0 : i1 to i32
    %cond3A = arith.constant 0 : i32
    %cond3A_1 = arith.cmpi ne, %convert_element_type3A, %cond3A : i32
    scf.if %cond3A_1 {
      %broadcast_in_dim3A_64 = arith.constant 0.000000e+00 : f32
      %broadcast_in_dim3A_65 = vector.broadcast %broadcast_in_dim3A_64 : f32 to vector<64x128xf32>
      %swap3A_66 = arith.constant 0 : index
      %swap3A_67 = arith.constant 0 : index
      %swap3A_68 = vector.load %arg15[%swap3A_66, %swap3A_67] : memref<64x128xf32, #tpu.memory_space<vmem>>, vector<64x128xf32>
      tpu.vector_store %arg15[%swap3A_66, %swap3A_67], %broadcast_in_dim3A_65 {strides = array<i32>} : memref<64x128xf32, #tpu.memory_space<vmem>>, vector<64x128xf32>,
      %broadcast_in_dim3A_69 = arith.constant 0.000000e+00 : f32
      %broadcast_in_dim3A_70 = vector.broadcast %broadcast_in_dim3A_69 : f32 to vector<64x128xf32>
      %swap3A_71 = arith.constant 0 : index
      %swap3A_72 = arith.constant 0 : index
      %swap3A_73 = vector.load %arg16[%swap3A_71, %swap3A_72] : memref<64x128xf32, #tpu.memory_space<vmem>>, vector<64x128xf32>
      tpu.vector_store %arg16[%swap3A_71, %swap3A_72], %broadcast_in_dim3A_70 {strides = array<i32>} : memref<64x128xf32, #tpu.memory_space<vmem>>, vector<64x128xf32>,
    } else {
    }
    %get3A = arith.constant 0 : index
    %get3A_2 = arith.constant 0 : index
    %get3A_3 = vector.load %arg3[%get3A, %get3A_2] : memref<2000x1xf32, #tpu.memory_space<vmem>>, vector<2000x1xf32>
    %get3A_4 = arith.constant 0 : index
    %get3A_5 = arith.constant 0 : index
    %get3A_6 = arith.constant 0 : index
    %get3A_7 = vector.load %arg1[%get3A_4, %get3A_5, %get3A_6] : memref<2x2000x128xf32, #tpu.memory_space<vmem>>, vector<2x2000x128xf32>
    %slice3A = vector.extract_strided_slice %get3A_7 {offsets = [0, 0, 0], sizes = [1, 2000, 128], strides = [1, 1, 1]} : vector<2x2000x128xf32> to vector<1x2000x128xf32>
    %squeeze3A = vector.shape_cast %slice3A : vector<1x2000x128xf32> to vector<2000x128xf32>
    %slice3A_8 = vector.extract_strided_slice %get3A_7 {offsets = [1, 0, 0], sizes = [1, 2000, 128], strides = [1, 1, 1]} : vector<2x2000x128xf32> to vector<1x2000x128xf32>
    %squeeze3A_9 = vector.shape_cast %slice3A_8 : vector<1x2000x128xf32> to vector<2000x128xf32>
    %add3A = arith.addf %squeeze3A, %squeeze3A_9 : vector<2000x128xf32>
    %mul3A = vector.broadcast %get3A_3 : vector<2000x1xf32> to vector<2000x128xf32>
    %mul3A_10 = arith.mulf %mul3A, %add3A : vector<2000x128xf32>
    %get3A_11 = arith.constant 0 : index
    %get3A_12 = arith.constant 0 : index
    %get3A_13 = vector.load %arg2[%get3A_11, %get3A_12] : memref<2000x128xf32, #tpu.memory_space<vmem>>, vector<2000x128xf32>
    %mul3A_14 = arith.mulf %get3A_3, %get3A_3 : vector<2000x1xf32>
    %mul3A_15 = vector.broadcast %mul3A_14 : vector<2000x1xf32> to vector<2000x128xf32>
    %mul3A_16 = arith.mulf %get3A_13, %mul3A_15 : vector<2000x128xf32>
    %add3A_17 = arith.addf %mul3A_10, %mul3A_16 : vector<2000x128xf32>
    %get3A_18 = arith.constant 0 : index
    %get3A_19 = arith.constant 0 : index
    %get3A_20 = vector.load %arg4[%get3A_18, %get3A_19] : memref<1x128xf32, #tpu.memory_space<vmem>>, vector<1x128xf32>
    %add3A_21 = vector.broadcast %get3A_20 : vector<1x128xf32> to vector<2000x128xf32>
    %add3A_22 = arith.addf %add3A_17, %add3A_21 : vector<2000x128xf32>
    %iota3A = tpu.iota {dimensions = array<i32: 0>} : vector<64x2000xi32>
    %get3A_23 = arith.constant 0 : index
    %get3A_24 = arith.constant 0 : index
    %get3A_25 = arith.constant 0 : index
    %get3A_26 = vector.load %arg5[%get3A_23, %get3A_24, %get3A_25] : memref<1x8x250xi32, #tpu.memory_space<vmem>>, vector<1x8x250xi32>
    %reshape3A = vector.shape_cast %get3A_26 : vector<1x8x250xi32> to vector<1x2000xi32>
    %eq3A_27 = vector.broadcast %reshape3A : vector<1x2000xi32> to vector<64x2000xi32>
    %eq3A_28 = arith.cmpi eq, %eq3A_27, %iota3A : vector<64x2000xi32>
    %convert_element_type3A_29 = arith.extui %eq3A_28 : vector<64x2000xi1> to vector<64x2000xi32>
    %convert_element_type3A_30 = arith.sitofp %convert_element_type3A_29 : vector<64x2000xi32> to vector<64x2000xf32>
    %get3A_31 = arith.constant 0 : index
    %get3A_32 = arith.constant 0 : index
    %get3A_33 = vector.load %arg15[%get3A_31, %get3A_32] : memref<64x128xf32, #tpu.memory_space<vmem>>, vector<64x128xf32>
    %convert_element_type3A_34 = arith.truncf %convert_element_type3A_30 : vector<64x2000xf32> to vector<64x2000xbf16>
    %convert_element_type3A_35 = arith.extf %convert_element_type3A_34 : vector<64x2000xbf16> to vector<64x2000xf32>
    %sub3A = arith.subf %convert_element_type3A_30, %convert_element_type3A_35 : vector<64x2000xf32>
    %convert_element_type3A_36 = arith.truncf %add3A_22 : vector<2000x128xf32> to vector<2000x128xbf16>
    %convert_element_type3A_37 = arith.extf %convert_element_type3A_36 : vector<2000x128xbf16> to vector<2000x128xf32>
    %sub3A_38 = arith.subf %add3A_22, %convert_element_type3A_37 : vector<2000x128xf32>
    %dot_general3A = arith.constant dense<0.000000e+00> : vector<64x128xf32>
    %dot_general3A_39 = tpu.matmul %convert_element_type3A_35, %convert_element_type3A_37, %dot_general3A {dimension_numbers = #tpu.dot_dimension_numbers<[1], [0], [0], [1], [0, 0, 1, 1], [], []>, transpose_lhs_hint = false} : vector<64x2000xf32>, vector<2000x128xf32>, vector<64x128xf32> -> vector<64x128xf32>
    %dot_general3A_40 = arith.constant dense<0.000000e+00> : vector<64x128xf32>
    %dot_general3A_41 = tpu.matmul %convert_element_type3A_35, %sub3A_38, %dot_general3A_40 {dimension_numbers = #tpu.dot_dimension_numbers<[1], [0], [0], [1], [0, 0, 1, 1], [], []>, transpose_lhs_hint = false} : vector<64x2000xf32>, vector<2000x128xf32>, vector<64x128xf32> -> vector<64x128xf32>
    %dot_general3A_42 = arith.constant dense<0.000000e+00> : vector<64x128xf32>
    %dot_general3A_43 = tpu.matmul %sub3A, %convert_element_type3A_37, %dot_general3A_42 {dimension_numbers = #tpu.dot_dimension_numbers<[1], [0], [0], [1], [0, 0, 1, 1], [], []>, transpose_lhs_hint = false} : vector<64x2000xf32>, vector<2000x128xf32>, vector<64x128xf32> -> vector<64x128xf32>
    %add3A_44 = arith.addf %dot_general3A_41, %dot_general3A_43 : vector<64x128xf32>
    %add3A_45 = arith.addf %dot_general3A_39, %add3A_44 : vector<64x128xf32>
    %add3A_46 = arith.addf %get3A_33, %add3A_45 : vector<64x128xf32>
    %swap3A = arith.constant 0 : index
    %swap3A_47 = arith.constant 0 : index
    %swap3A_48 = vector.load %arg15[%swap3A, %swap3A_47] : memref<64x128xf32, #tpu.memory_space<vmem>>, vector<64x128xf32>
    tpu.vector_store %arg15[%swap3A, %swap3A_47], %add3A_46 {strides = array<i32>} : memref<64x128xf32, #tpu.memory_space<vmem>>, vector<64x128xf32>,
    %reduce_sum3A = arith.constant dense<0.000000e+00> : vector<64xf32>
    %reduce_sum3A_49 = vector.multi_reduction <add>, %convert_element_type3A_30, %reduce_sum3A [1] : vector<64x2000xf32> to vector<64xf32>
    %broadcast_in_dim3A = vector.shape_cast %reduce_sum3A_49 : vector<64xf32> to vector<64x1xf32>
    %get3A_50 = arith.constant 0 : index
    %get3A_51 = arith.constant 0 : index
    %get3A_52 = vector.load %arg16[%get3A_50, %get3A_51] : memref<64x128xf32, #tpu.memory_space<vmem>>, vector<64x128xf32>
    %broadcast_in_dim3A_53 = vector.shape_cast %broadcast_in_dim3A : vector<64x1xf32> to vector<64x1xf32>
    %broadcast_in_dim3A_54 = vector.broadcast %broadcast_in_dim3A_53 : vector<64x1xf32> to vector<64x128xf32>
    %add3A_55 = arith.addf %get3A_52, %broadcast_in_dim3A_54 : vector<64x128xf32>
    %swap3A_56 = arith.constant 0 : index
    %swap3A_57 = arith.constant 0 : index
    %swap3A_58 = vector.load %arg16[%swap3A_56, %swap3A_57] : memref<64x128xf32, #tpu.memory_space<vmem>>, vector<64x128xf32>
    tpu.vector_store %arg16[%swap3A_56, %swap3A_57], %add3A_55 {strides = array<i32>} : memref<64x128xf32, #tpu.memory_space<vmem>>, vector<64x128xf32>,
    %eq3A_59 = arith.constant 4 : i32
    %eq3A_60 = arith.cmpi eq, %arg0, %eq3A_59 : i32
    %convert_element_type3A_61 = arith.extui %eq3A_60 : i1 to i32
    %cond3A_62 = arith.constant 0 : i32
    %cond3A_63 = arith.cmpi ne, %convert_element_type3A_61, %cond3A_62 : i32
    scf.if %cond3A_63 {
      %get3A_64 = arith.constant 0 : index
      %get3A_65 = arith.constant 0 : index
      %get3A_66 = vector.load %arg15[%get3A_64, %get3A_65] : memref<64x128xf32, #tpu.memory_space<vmem>>, vector<64x128xf32>
      %get3A_67 = arith.constant 0 : index
      %get3A_68 = arith.constant 0 : index
      %get3A_69 = vector.load %arg16[%get3A_67, %get3A_68] : memref<64x128xf32, #tpu.memory_space<vmem>>, vector<64x128xf32>
      %slice3A_70 = vector.extract_strided_slice %get3A_69 {offsets = [0, 0], sizes = [64, 1], strides = [1, 1]} : vector<64x128xf32> to vector<64x1xf32>
      %max3A = arith.constant 1.000000e+00 : f32
      %max3A_71 = vector.broadcast %max3A : f32 to vector<64x1xf32>
      %max3A_72 = arith.maximumf %slice3A_70, %max3A_71 : vector<64x1xf32>
      %div3A = vector.broadcast %max3A_72 : vector<64x1xf32> to vector<64x128xf32>
      %div3A_73 = arith.divf %get3A_66, %div3A : vector<64x128xf32>
      %get3A_74 = arith.constant 0 : index
      %get3A_75 = arith.constant 0 : index
      %get3A_76 = vector.load %arg6[%get3A_74, %get3A_75] : memref<128x128xf32, #tpu.memory_space<vmem>>, vector<128x128xf32>
      %dot_general3A_77 = arith.constant dense<0.000000e+00> : vector<64x128xf32>
      %dot_general3A_78 = tpu.matmul %div3A_73, %get3A_76, %dot_general3A_77 {dimension_numbers = #tpu.dot_dimension_numbers<[1], [0], [0], [1], [0, 0, 1, 1], [], []>, transpose_lhs_hint = false} : vector<64x128xf32>, vector<128x128xf32>, vector<64x128xf32> -> vector<64x128xf32>
      %get3A_79 = arith.constant 0 : index
      %get3A_80 = arith.constant 0 : index
      %get3A_81 = vector.load %arg7[%get3A_79, %get3A_80] : memref<1x128xf32, #tpu.memory_space<vmem>>, vector<1x128xf32>
      %add3A_82 = vector.broadcast %get3A_81 : vector<1x128xf32> to vector<64x128xf32>
      %add3A_83 = arith.addf %dot_general3A_78, %add3A_82 : vector<64x128xf32>
      %reduce_sum3A_84 = arith.constant dense<0.000000e+00> : vector<128xf32>
      %reduce_sum3A_85 = vector.multi_reduction <add>, %add3A_83, %reduce_sum3A_84 [0] : vector<64x128xf32> to vector<128xf32>
      %div3A_86 = arith.constant 6.400000e+01 : f32
      %div3A_87 = vector.broadcast %div3A_86 : f32 to vector<128xf32>
      %div3A_88 = arith.divf %reduce_sum3A_85, %div3A_87 : vector<128xf32>
      %broadcast_in_dim3A_89 = vector.shape_cast %div3A_88 : vector<128xf32> to vector<1x128xf32>
      %sub3A_90 = vector.broadcast %broadcast_in_dim3A_89 : vector<1x128xf32> to vector<64x128xf32>
      %sub3A_91 = arith.subf %add3A_83, %sub3A_90 : vector<64x128xf32>
      %integer_pow3A = arith.mulf %sub3A_91, %sub3A_91 : vector<64x128xf32>
      %reduce_sum3A_92 = arith.constant dense<0.000000e+00> : vector<128xf32>
      %reduce_sum3A_93 = vector.multi_reduction <add>, %integer_pow3A, %reduce_sum3A_92 [0] : vector<64x128xf32> to vector<128xf32>
      %div3A_94 = arith.constant 6.400000e+01 : f32
      %div3A_95 = vector.broadcast %div3A_94 : f32 to vector<128xf32>
      %div3A_96 = arith.divf %reduce_sum3A_93, %div3A_95 : vector<128xf32>
      %broadcast_in_dim3A_97 = vector.shape_cast %div3A_88 : vector<128xf32> to vector<1x128xf32>
      %sub3A_98 = vector.broadcast %broadcast_in_dim3A_97 : vector<1x128xf32> to vector<64x128xf32>
      %sub3A_99 = arith.subf %add3A_83, %sub3A_98 : vector<64x128xf32>
      %add3A_100 = arith.constant 9.99999974E-6 : f32
      %add3A_101 = vector.broadcast %add3A_100 : f32 to vector<128xf32>
      %add3A_102 = arith.addf %div3A_96, %add3A_101 : vector<128xf32>
      %rsqrt3A = math.rsqrt %add3A_102 : vector<128xf32>
      %broadcast_in_dim3A_103 = vector.shape_cast %rsqrt3A : vector<128xf32> to vector<1x128xf32>
      %mul3A_104 = vector.broadcast %broadcast_in_dim3A_103 : vector<1x128xf32> to vector<64x128xf32>
      %mul3A_105 = arith.mulf %sub3A_99, %mul3A_104 : vector<64x128xf32>
      %get3A_106 = arith.constant 0 : index
      %get3A_107 = arith.constant 0 : index
      %get3A_108 = vector.load %arg8[%get3A_106, %get3A_107] : memref<1x128xf32, #tpu.memory_space<vmem>>, vector<1x128xf32>
      %mul3A_109 = vector.broadcast %get3A_108 : vector<1x128xf32> to vector<64x128xf32>
      %mul3A_110 = arith.mulf %mul3A_105, %mul3A_109 : vector<64x128xf32>
      %get3A_111 = arith.constant 0 : index
      %get3A_112 = arith.constant 0 : index
      %get3A_113 = vector.load %arg9[%get3A_111, %get3A_112] : memref<1x128xf32, #tpu.memory_space<vmem>>, vector<1x128xf32>
      %add3A_114 = vector.broadcast %get3A_113 : vector<1x128xf32> to vector<64x128xf32>
      %add3A_115 = arith.addf %mul3A_110, %add3A_114 : vector<64x128xf32>
      %max3A_116 = arith.constant 0.000000e+00 : f32
      %max3A_117 = vector.broadcast %max3A_116 : f32 to vector<64x128xf32>
      %max3A_118 = arith.maximumf %add3A_115, %max3A_117 : vector<64x128xf32>
      %get3A_119 = arith.constant 0 : index
      %get3A_120 = arith.constant 0 : index
      %get3A_121 = vector.load %arg10[%get3A_119, %get3A_120] : memref<128x128xf32, #tpu.memory_space<vmem>>, vector<128x128xf32>
      %dot_general3A_122 = arith.constant dense<0.000000e+00> : vector<64x128xf32>
      %dot_general3A_123 = tpu.matmul %max3A_118, %get3A_121, %dot_general3A_122 {dimension_numbers = #tpu.dot_dimension_numbers<[1], [0], [0], [1], [0, 0, 1, 1], [], []>, transpose_lhs_hint = false} : vector<64x128xf32>, vector<128x128xf32>, vector<64x128xf32> -> vector<64x128xf32>
      %get3A_124 = arith.constant 0 : index
      %get3A_125 = arith.constant 0 : index
      %get3A_126 = vector.load %arg11[%get3A_124, %get3A_125] : memref<1x128xf32, #tpu.memory_space<vmem>>, vector<1x128xf32>
      %add3A_127 = vector.broadcast %get3A_126 : vector<1x128xf32> to vector<64x128xf32>
      %add3A_128 = arith.addf %dot_general3A_123, %add3A_127 : vector<64x128xf32>
      %max3A_129 = arith.constant 0.000000e+00 : f32
      %max3A_130 = vector.broadcast %max3A_129 : f32 to vector<64x128xf32>
      %max3A_131 = arith.maximumf %add3A_128, %max3A_130 : vector<64x128xf32>
      %get3A_132 = arith.constant 0 : index
      %get3A_133 = arith.constant 0 : index
      %get3A_134 = vector.load %arg12[%get3A_132, %get3A_133] : memref<128x11xf32, #tpu.memory_space<vmem>>, vector<128x11xf32>
      %dot_general3A_135 = arith.constant dense<0.000000e+00> : vector<64x11xf32>
      %dot_general3A_136 = tpu.matmul %max3A_131, %get3A_134, %dot_general3A_135 {dimension_numbers = #tpu.dot_dimension_numbers<[1], [0], [0], [1], [0, 0, 1, 1], [], []>, transpose_lhs_hint = false} : vector<64x128xf32>, vector<128x11xf32>, vector<64x11xf32> -> vector<64x11xf32>
      %get3A_137 = arith.constant 0 : index
      %get3A_138 = arith.constant 0 : index
      %get3A_139 = vector.load %arg13[%get3A_137, %get3A_138] : memref<1x11xf32, #tpu.memory_space<vmem>>, vector<1x11xf32>
      %add3A_140 = vector.broadcast %get3A_139 : vector<1x11xf32> to vector<64x11xf32>
      %add3A_141 = arith.addf %dot_general3A_136, %add3A_140 : vector<64x11xf32>
      %swap3A_142 = arith.constant 0 : index
      %swap3A_143 = arith.constant 0 : index
      %swap3A_144 = vector.load %arg14[%swap3A_142, %swap3A_143] : memref<64x11xf32, #tpu.memory_space<vmem>>, vector<64x11xf32>
      tpu.vector_store %arg14[%swap3A_142, %swap3A_143], %add3A_141 {strides = array<i32>} : memref<64x11xf32, #tpu.memory_space<vmem>>, vector<64x11xf32>,
    } else {
    }
    return
  }
  func.func @transform_0(%arg0: i32) -> (i32, i32, i32) {
    %c0_i32 = arith.constant 0 : i32
    %c0_i32_0 = arith.constant 0 : i32
    %c0_i32_1 = arith.constant 0 : i32
    return %c0_i32, %arg0, %c0_i32_0 : i32, i32, i32
  }
  func.func @transform_1(%arg0: i32) -> (i32, i32) {
    %c0_i32 = arith.constant 0 : i32
    %c0_i32_0 = arith.constant 0 : i32
    return %arg0, %c0_i32 : i32, i32
  }
  func.func @transform_2(%arg0: i32) -> (i32, i32) {
    %c0_i32 = arith.constant 0 : i32
    %c0_i32_0 = arith.constant 0 : i32
    return %arg0, %c0_i32 : i32, i32
  }
  func.func @transform_3(%arg0: i32) -> (i32, i32) {
    %c0_i32 = arith.constant 0 : i32
    %c0_i32_0 = arith.constant 0 : i32
    %c0_i32_1 = arith.constant 0 : i32
    return %c0_i32, %c0_i32_0 : i32, i32
  }
  func.func @transform_4(%arg0: i32) -> (i32, i32, i32) {
    %c0_i32 = arith.constant 0 : i32
    %c0_i32_0 = arith.constant 0 : i32
    %c0_i32_1 = arith.constant 0 : i32
    return %arg0, %c0_i32, %c0_i32_0 : i32, i32, i32
  }
  func.func @transform_5(%arg0: i32) -> (i32, i32) {
    %c0_i32 = arith.constant 0 : i32
    %c0_i32_0 = arith.constant 0 : i32
    %c0_i32_1 = arith.constant 0 : i32
    return %c0_i32, %c0_i32_0 : i32, i32
  }
  func.func @transform_6(%arg0: i32) -> (i32, i32) {
    %c0_i32 = arith.constant 0 : i32
    %c0_i32_0 = arith.constant 0 : i32
    %c0_i32_1 = arith.constant 0 : i32
    return %c0_i32, %c0_i32_0 : i32, i32
  }
  func.func @transform_7(%arg0: i32) -> (i32, i32) {
    %c0_i32 = arith.constant 0 : i32
    %c0_i32_0 = arith.constant 0 : i32
    %c0_i32_1 = arith.constant 0 : i32
    return %c0_i32, %c0_i32_0 : i32, i32
  }
  func.func @transform_8(%arg0: i32) -> (i32, i32) {
    %c0_i32 = arith.constant 0 : i32
    %c0_i32_0 = arith.constant 0 : i32
    %c0_i32_1 = arith.constant 0 : i32
    return %c0_i32, %c0_i32_0 : i32, i32
  }
  func.func @transform_9(%arg0: i32) -> (i32, i32) {
    %c0_i32 = arith.constant 0 : i32
    %c0_i32_0 = arith.constant 0 : i32
    %c0_i32_1 = arith.constant 0 : i32
    return %c0_i32, %c0_i32_0 : i32, i32
  }
  func.func @transform_10(%arg0: i32) -> (i32, i32) {
    %c0_i32 = arith.constant 0 : i32
    %c0_i32_0 = arith.constant 0 : i32
    %c0_i32_1 = arith.constant 0 : i32
    return %c0_i32, %c0_i32_0 : i32, i32
  }
  func.func @transform_11(%arg0: i32) -> (i32, i32) {
    %c0_i32 = arith.constant 0 : i32
    %c0_i32_0 = arith.constant 0 : i32
    %c0_i32_1 = arith.constant 0 : i32
    return %c0_i32, %c0_i32_0 : i32, i32
  }
  func.func @transform_12(%arg0: i32) -> (i32, i32) {
    %c0_i32 = arith.constant 0 : i32
    %c0_i32_0 = arith.constant 0 : i32
    %c0_i32_1 = arith.constant 0 : i32
    return %c0_i32, %c0_i32_0 : i32, i32
  }
  func.func @transform_13(%arg0: i32) -> (i32, i32) {
    %c0_i32 = arith.constant 0 : i32
    %c0_i32_0 = arith.constant 0 : i32
    %c0_i32_1 = arith.constant 0 : i32
    return %c0_i32, %c0_i32_0 : i32, i32
  }
}

</mosaic_0001>

<sc_bundles>
// kernel: kernel.16.cloned.1.call-start
scs
__scs_entry_jumppad:
0x0: {  	(pc) =	sbr.rel $0x88, $3  }
0x1: {  	(tag) =	ssettag $0x0;
	lr =	simm.s32 $0x1  }
0x2: {  	[smem:$0x3F91] =	sst lr;
	_ =	strace $0xD0000000  }
0x3: {  	_ = 	snop  }
0x4: {  	_ = 	snop  }
0x5: {  	_ = 	snop  }
0x6: {  	_ = 	snop  }
0x7: {  	_ = 	snop  }
__scs_overlays_trampoline_lowered:
0x8: {  	[smem:$0x3FA0] =	sst s0  }
0x9: {  	[smem:$0x3FA1] =	sst s1  }
0xa: {  	[smem:$0x3FA2] =	sst s2  }
0xb: {  	[smem:$0x3FA3] =	sst s3  }
0xc: {  	[smem:$0x3FA4] =	sst s4  }
0xd: {  	[smem:$0x3FA5] =	sst s5  }
0xe: {  	[smem:$0x3FA6] =	sst s6  }
0xf: {  	[smem:$0x3FA7] =	sst s7  }
0x10: {  	[smem:$0x3FA8] =	sst s8  }
0x11: {  	[smem:$0x3FA9] =	sst s9;
	s0 =	simm.s32 @!p0 $0x0  }
0x12: {  	s1 =	sld [smem:$0x3F8F];
	s0 =	simm.s32 @p0 $0x1  }
0x13: {  	[smem:$0x3FAA] =	sst s0;
	s0 =	simm.s32 @!p1 $0x0  }
0x14: {  	s2 =	sld [smem:$0x3F8E];
	s0 =	simm.s32 @p1 $0x1  }
0x15: {  	[smem:$0x3FAB] =	sst s0;
	s0 =	simm.s32 @!p2 $0x0  }
0x16: {  	s3 =	sld [smem:$0x3FDB];
	s0 =	simm.s32 @p2 $0x1  }
0x17: {  	s4 =	simm.s32 $0x1BF5;
	[smem:$0x3FAD] =	sst s0  }
0x18: {  	s0 =	sld [smem:$0x3F90];
	_ =	swait.ge [sflag:s4], $0x0  }
0x19: {  	s7 =	sld [smem:$0x3F91]  }
0x1a: {  	s8 =	sadd.s32 $0xFFFFE003, lr  }
0x1b: {  	s9 =	sadd.s32 $0xFFFFFEF7, lr;
	s5 =	simm.s32 $0xFFFFFFFF;
	p2 =	slt.u32 s8, $0xFFFFF086  }
0x1c: {  	p1 =	slt.u32 s9, $0xF7A;
	s5 =	simm.s32 @!p2 $0x0  }
0x1d: {  	s5 =	simm.s32 @p1 $0x1;
	p0 =	seq.s32 s7, s2  }
0x1e: {  	s7 =	smul.u32 @!p0 $0xF7A, s2;
	p2 =	seq.s32 @!p0 s5, $0x0  }
0x1f: {  	s9 =	smul.u32 $0xF7A, s1;
	s8 =	simm.s32 @!p0 $0x1BF5;
	p2 =	por !p2, p0  }
0x20: {  	[sflag:s8] =	ssyncset.s32 @!p0 $0xFFFFF086;
	s6 =	sadd.s32 @!p0 s3, s7;
	s7 =	simm.s32 @!p0 $0x108  }
0x21: {  	s3 =	sadd.s32 s3, s9;
	s6 =	sadd.s32 @!p0 $0x88, s6;
	s7 =	simm.s32 @p2 $0x1082  }
0x22: {  	[simem:s7], [sflag:s8] =	dma.local @!p0 [hbm:s6], $0xF7A  }
0x23: {  	s9 =	sor.u32 $0xD0000000, s2;
	s6 =	simm.s32 $0x108;
	_ =	swait.ge @!p0 [sflag:s8], $0x0  }
0x24: {  	s3 =	sadd.s32 $0x88, s3;
	s6 =	simm.s32 @!p1 $0x1082;
	[sflag:s4] =	ssyncset.s32 $0xFFFFF086  }
0x25: {  	[simem:s6], [sflag:s4] =	dma.local [hbm:s3], $0xF7A  }
0x26: {  	[smem:$0x3F91] =	sst s1;
	(tag) =	ssettag s2;
	_ =	strace s9  }
0x27: {  	s1 =	sld [smem:$0x3FA1]  }
0x28: {  	s2 =	sld [smem:$0x3FA2]  }
0x29: {  	s4 =	sld [smem:$0x3FA4]  }
0x2a: {  	p0 =	seq.s32 s5, $0x0;
	s5 =	sld [smem:$0x3FA5]  }
0x2b: {  	s6 =	sld [smem:$0x3FA6]  }
0x2c: {  	s7 =	sld [smem:$0x3FA7]  }
0x2d: {  	s3 =	simm.s32 $0x108;
	s8 =	sld [smem:$0x3FA8]  }
0x2e: {  	s3 =	simm.s32 @!p0 $0x1082;
	s9 =	sld [smem:$0x3FA9]  }
0x2f: {  	lr =	sadd.s32 s0, s3;
	s0 =	sld [smem:$0x3FA0]  }
0x30: {  	s3 =	sld [smem:$0x3FA3]  }
0x31: {  	[smem:$0x3FAC] =	sst s10  }
0x32: {  	s10 =	sld [smem:$0x3FAA];
	_ =	sdelay $0x3  }
0x33: {  	p0 =	seq.s32 s10, $0x1;
	s10 =	sld [smem:$0x3FAC];
	_ =	sdelay $0x3  }
0x34: {  	[smem:$0x3FAC] =	sst s10  }
0x35: {  	s10 =	sld [smem:$0x3FAB];
	_ =	sdelay $0x3  }
0x36: {  	p1 =	seq.s32 s10, $0x1;
	s10 =	sld [smem:$0x3FAC];
	_ =	sdelay $0x3  }
0x37: {  	[smem:$0x3FAC] =	sst s10  }
0x38: {  	s10 =	sld [smem:$0x3FAD]  }
0x39: {  	_ = 	snop;
	(pc) =	sbr.ind lr, $3  }
0x3a: {  	_ = 	snop  }
0x3b: {  	_ = 	snop  }
0x3c: {  	p2 =	seq.s32 s10, $0x1;
	s10 =	sld [smem:$0x3FAC]  }
0x3d: {  	_ =	shalt  }
0x3e: {  	_ =	shalt  }
0x3f: {  	_ =	shalt  }
0x40: {  	_ =	shalt  }
0x41: {  	_ =	shalt  }
0x42: {  	_ =	shalt  }
0x43: {  	_ =	shalt  }
0x44: {  	_ =	shalt  }
0x45: {  	_ =	shalt  }
0x46: {  	_ =	shalt  }
0x47: {  	_ =	shalt  }
0x48: {  	_ =	shalt  }
0x49: {  	_ =	shalt  }
0x4a: {  	_ =	shalt  }
0x4b: {  	_ =	shalt  }
0x4c: {  	_ =	shalt  }
0x4d: {  	_ =	shalt  }
0x4e: {  	_ =	shalt  }
0x4f: {  	_ =	shalt  }
0x50: {  	_ =	shalt  }
0x51: {  	_ =	shalt  }
0x52: {  	_ =	shalt  }
0x53: {  	_ =	shalt  }
0x54: {  	_ =	shalt  }
0x55: {  	_ =	shalt  }
0x56: {  	_ =	shalt  }
0x57: {  	_ =	shalt  }
0x58: {  	_ =	shalt  }
0x59: {  	_ =	shalt  }
0x5a: {  	_ =	shalt  }
0x5b: {  	_ =	shalt  }
0x5c: {  	_ =	shalt  }
0x5d: {  	_ =	shalt  }
0x5e: {  	_ =	shalt  }
0x5f: {  	_ =	shalt  }
0x60: {  	_ =	shalt  }
0x61: {  	_ =	shalt  }
0x62: {  	_ =	shalt  }
0x63: {  	_ =	shalt  }
0x64: {  	_ =	shalt  }
0x65: {  	_ =	shalt  }
0x66: {  	_ =	shalt  }
0x67: {  	_ =	shalt  }
0x68: {  	_ =	shalt  }
0x69: {  	_ =	shalt  }
0x6a: {  	_ =	shalt  }
0x6b: {  	_ =	shalt  }
0x6c: {  	_ =	shalt  }
0x6d: {  	_ =	shalt  }
0x6e: {  	_ =	shalt  }
0x6f: {  	_ =	shalt  }
0x70: {  	_ =	shalt  }
0x71: {  	_ =	shalt  }
0x72: {  	_ =	shalt  }
0x73: {  	_ =	shalt  }
0x74: {  	_ =	shalt  }
0x75: {  	_ =	shalt  }
0x76: {  	_ =	shalt  }
0x77: {  	_ =	shalt  }
0x78: {  	_ =	shalt  }
0x79: {  	_ =	shalt  }
0x7a: {  	_ =	shalt  }
0x7b: {  	_ =	shalt  }
0x7c: {  	_ =	shalt  }
0x7d: {  	_ =	shalt  }
0x7e: {  	_ =	shalt  }
0x7f: {  	_ =	shalt  }
0x80: {  	_ =	shalt  }
0x81: {  	_ =	shalt  }
0x82: {  	_ =	shalt  }
0x83: {  	_ =	shalt  }
0x84: {  	_ =	shalt  }
0x85: {  	_ =	shalt  }
0x86: {  	_ =	shalt  }
0x87: {  	_ =	shalt  }
.Lfunc_end0:
.L_simem_size_0:
called_computation_lowered:
.L_overlay_start_0:
0x88: {  	s2 =	sld [smem:$0x3FD9]  }
0x89: {  	s3 =	sld [smem:$0x3FFE];
	_ =	sdelay $0x1  }
0x8a: {  	s1 =	srdreg.scid  }
0x8b: {  	s0 =	sand.u32 $0x1, s1  }
0x8c: {  	s17 =	sshll.u32 s0, $0xA;
	s2 =	sadd.s32 s3, s2  }
0x8d: {  	s2 =	sadd.s32 s2, s17  }
0x8e: {  	[smem:$0x3FB8] =	sst s2  }
0x8f: {  	_ = 	snop  }
0x90: {  	s2 =	sld [smem:$0x3FD0];
	(tm) =	ssettm $0x1  }
0x91: {  	s18 =	sld [smem:$0x3FFB];
	_ =	sdelay $0x3  }
0x92: {  	_ =	strace s18  }
0x93: {  	s3 =	sld [smem:$0x3FFC];
	_ =	sdelay $0x3  }
0x94: {  	_ =	strace s3  }
0x95: {  	s3 =	sld [smem:$0x3FFD];
	_ =	sdelay $0x3  }
0x96: {  	_ =	strace s3  }
0x97: {  	_ =	strace $0x8FFFFFFF  }
0x98: {  	s19 =	sld [smem:$0x3FDB];
	_ =	sdelay $0x1  }
0x99: {  	s4 =	simm.s32 $_scs_section_size  }
0x9a: {  	s5 =	simm.s32 $_size__tile_overlayer_lowered;
	s6 =	simm.s32 $_tile_overlayer_lowered  }
0x9b: {  	s22 =	simm.s32 $0x1BFF;
	s21 =	sshll.u32 s6, $0x1;
	s3 =	sadd.s32 s4, s19  }
0x9c: {  	s7 =	simm.s32 $0x0;
	s20 =	sshll.u32 s5, $0x1;
	s5 =	sadd.s32 s21, s3  }
0x9d: {  	[timem:s7], [sflag:s22] =	dma.local [hbm:s5], s20  }
0x9e: {  	_ =	swait.ge [sflag:s22], s20  }
0x9f: {  	s4 =	ssub.s32 $0x0, s20;
	[sflag:s22] =	ssyncset.done $0x0  }
0xa0: {  	[sflag:s22] =	ssyncadd.s32 s4;
	_ =	sdelay $0x1  }
0xa1: {  	s23 =	simm.s32 $0x1B8B  }
0xa2: {  	_ =	swait.ge [sflag:s23], $0x1  }
0xa3: {  	[sflag:s23] =	ssyncset.done $0x0  }
0xa4: {  	s25 =	simm.s32 $0x1B8E;
	s24 =	sld [smem:$0x3FFE];
	[sflag:s23] =	ssyncadd.s32 $0xFFFFFFFF  }
0xa5: {  	s26 =	simm.s32 $execute0_lowered;
	[smem:$0x3FD2] =	sst s25  }
0xa6: {  	s5 =	sshll.u32 s26, $0x1;
	_ =	strace $0x80000046;
	[dreg:$0x1] =	wrdreg $0xFFFFFFFF  }
0xa7: {  	s28 =	simm.s32 $_size_execute0_lowered;
	s3 =	sadd.s32 s3, s5;
	[dreg:$0x0] =	wrdreg $0x0  }
0xa8: {  	s5 =	sshll.u32 s28, $0x1;
	[dreg:$0x2] =	wrdreg s3  }
0xa9: {  	[dreg:$0x3] =	wrdreg s5  }
0xaa: {  	[dreg:$0x4] =	wrdreg $0xC0  }
0xab: {  	_ =	task [dreg:s7], $0x5FFFF  }
0xac: {  	[dreg:$0x1] =	wrdreg $0xFFFFFFFF  }
0xad: {  	[dreg:$0x0] =	wrdreg $0x60  }
0xae: {  	[dreg:$0x2] =	wrdreg s24  }
0xaf: {  	[dreg:$0x3] =	wrdreg s2  }
0xb0: {  	[dreg:$0x4] =	wrdreg $0x68800  }
0xb1: {  	[dreg:$0x5] =	wrdreg $0x9  }
0xb2: {  	_ =	task.clear_ibuf [dreg:s7], $0x6FFFF;
	_ =	strace $0x90000046  }
0xb3: {  	s29 =	simm.s32 $0x9;
	_ =	strace $0x80000048  }
0xb4: {  	_ =	swait.ge [sflag:s29], $0x1  }
0xb5: {  	[sflag:s29] =	ssyncadd.s32 $0xFFFFFFFF  }
0xb6: {  	_ =	strace $0x90000048  }
0xb7: {  	_ =	sfence  }
0xb8: {  	s30 =	sld [smem:$0x0];
	_ =	sdelay $0x2  }
0xb9: {  	s31 =	sshll.u32 s1, $0xD;
	s1 =	sshrl.u32 s1, $0x2  }
0xba: {  	s3 =	sand.u32 $0x4000, s31;
	s1 =	sadd.s32 s1, s30  }
0xbb: {  	s0 =	sor.u32 s3, s0;
	s1 =	sshll.u32 s1, $0x11  }
0xbc: {  	s0 =	sor.u32 s1, s0  }
0xbd: {  	s0 =	sadd.s32 $0x8F2B, s0  }
0xbe: {  	[sflag:s0] =	ssyncadd.remote.s32 $0x1  }
0xbf: {  	_ =	sfence.sel $0xFFFF  }
0xc0: {  	[dreg:$0x0] =	wrdreg $0xFFFFFFFF;
	(pc) =	sbr.abs _section_cstart, $3  }
0xc1: {  	[dreg:$0x1] =	wrdreg $0xFFFFFFFF  }
0xc2: {  	_ =	task.clear_ibuf [dreg:s7], $0x2FFFF;
	_ =	strace $0x9FFFFFFF  }
0xc3: {  	(tm) =	ssettm $0x7FFFFFFF  }
tec
execute0_lowered:
.L_overlay_start_1:
0x0: {  	(tag) =	ssettag $0x1  }
0x1: {  	s6 =	rddreg [dreg:$0x0]  }
0x2: {  	s0 =	srdreg.scid;
	s7 =	rddreg [dreg:$0x1]  }
0x3: {  	s2 =	rddreg [dreg:$0x2];
	s8 =	sand.u32 $0x1, s0  }
0x4: {  	s0 =	stileid.u32;
	s4 =	smul.u32 $0x28000, s8  }
0x5: {  	s1 =	rddreg [dreg:$0x3];
	s3 =	simm.s32 $0x0;
	s5 =	smul.u32 $0x2800, s0  }
0x6: {  	s14 =	simm.s32 $0x80;
	s15 =	simm.s32 $0x2800;
	s9 =	smul.u32 $0x138800, s8  }
0x7: {  	s18 =	simm.s32 $0x0;
	[smem:$0x7FF] =	sst s3;
	s10 =	smul.u32 $0x1F400, s0  }
0x8: {  	_ =	strace $0x80000047;
	s29 =	ssub.s32 $0x2, s8;
	s13 =	smul.u32 $0x7D000, s0  }
0x9: {  	s30 =	sshll.u32 s0, $0x4;
	s8 =	sshll.u32 s8, $0x5;
	p0 =	sgt.u32 s0, $0x9  }
0xa: {  	p1 =	sgt.u32 s0, $0x1;
	s16 =	sshll.u32 s0, $0x6;
	s12 =	sshrl.u32 s29, $0x1  }
0xb: {  	s7 =	sadd.s32 s7, s30;
	s16 =	sor.u32 $0x1C01, s16;
	s4 =	sadd.s32 s5, s4  }
0xc: {  	s5 =	sadd.s32 $0xF800, s6;
	s9 =	sadd.s32 s10, s9;
	s10 =	ssub.s32 s29, s12  }
0xd: {  	s31 =	sshrl.u32 s13, $0x2;
	s7 =	sadd.s32 s8, s7;
	s12 =	sshll.u32 @!p0 s0, $0x6  }
.Ltmp0:
0xe: {  	s4 =	sshrl.u32 s4, $0x3;
	s9 =	sshrl.u32 s9, $0x3;
	(pc) =	sbr.rel .LBB2_1-.Ltmp0, $4  }
0xf: {  	s17 =	sadd.s32 s31, s2;
	s12 =	sor.u32 @!p0 $0x1C01, s12;
	s11 =	sadd.s32 s4, s6  }
0x10: {  	s4 =	sadd.s32 $0x13800, s6;
	s9 =	sadd.s32 s9, s6;
	s13 =	sshrl.u32 @!p0 s17, $0x3  }
0x11: {  	s17 =	sshrl.u32 s17, $0x3;
	s6 =	sadd.s32 $0x5800, s11;
	s8 =	sadd.s32 $0x14000, s9  }
0x12: {  	s9 =	smax.u32 s10, $0x1;
	s10 =	simm.s32 $0x1;
	s11 =	simm.s32 $0x2880  }
.LBB2_4:
0x13: {  	[tilespmem:s15], [sflag:$0x1] =	stream.linear.gather [hbm4b:s7+s3], $0x80, $0x38;
	[tilespmem:$0x1A100] =	vst v63  }
0x14: {  	_ =	swait.ge [sflag:s10], $0x80  }
0x15: {  	[sflag:s10] =	ssyncset.done $0x0  }
0x16: {  	[sflag:s10] =	ssyncadd.s32 $0xFFFFFF80  }
0x17: {  	[spmem:s2] =	stream.indirect.scatter.add.f32 [tilespmem:s11], [sflag:$0x1], $0x80, s15, s14, $0xb8;
	[tilespmem:$0x1A100] =	vst v63  }
0x18: {  	_ =	swait.ge [sflag:s10], $0x4000  }
0x19: {  	[sflag:s10] =	ssyncset.done $0x0  }
0x1a: {  	[sflag:s10] =	ssyncadd.s32 $0xFFFFC000  }
0x1b: {  	[bflag:$0x0] =	sbarrier.arrive $0xFFFF  }
.LBB2_6:
0x1c: {  	[hbm:s8], [sflag:s16] =	dma.local [spmem:s17], $0x3E80  }
0x1d: {  	_ =	swait.ge [sflag:s10], $0x3E80  }
0x1e: {  	[sflag:s10] =	ssyncset.done $0x0  }
0x1f: {  	[sflag:s10] =	ssyncadd.s32 $0xFFFFC180  }
.LBB2_7:
0x20: {  	s18 =	sadd.s32 $0x1, s18  }
0x21: {  	p2 =	sne.s32 s18, s9  }
.Ltmp1:
0x22: {  	_ = 	snop;
	(pc) =	sbr.rel @!p2 .LBB2_8-.Ltmp1, $1  }
0x23: {  	_ =	sdelay $0x3  }
.LBB2_1:
0x24: {  	[tilespmem:s3], [sflag:$0x1] =	stream.linear.gather [hbm4b:s6+s3], $0x2700, $0x38;
	[tilespmem:$0x1A100] =	vst v63  }
0x25: {  	_ =	swait.ge [sflag:s10], $0x2700  }
0x26: {  	[sflag:s10] =	ssyncset.done $0x0  }
0x27: {  	[sflag:s10] =	ssyncadd.s32 $0xFFFFD900  }
0x28: {  	[tilespmem:s11], [sflag:$0x1] =	stream.linear.gather [hbm4b:s4+s3], $0x4000, $0x38;
	[tilespmem:$0x1A100] =	vst v63  }
0x29: {  	_ =	swait.ge [sflag:s10], $0x4000  }
0x2a: {  	[sflag:s10] =	ssyncset.done $0x0  }
0x2b: {  	s19 =	simm.s32 @!p0 $0x1;
	[sflag:s10] =	ssyncadd.s32 $0xFFFFC000  }
0x2c: {  	[spmem:s13], [sflag:s12] =	dma.local @!p0 [hbm:s5], $0x3E80  }
0x2d: {  	_ =	swait.ge @!p0 [sflag:s19], $0x3E80  }
0x2e: {  	[sflag:s19] =	ssyncset.done @!p0 $0x0  }
0x2f: {  	[sflag:s19] =	ssyncadd.s32 @!p0 $0xFFFFC180  }
0x30: {  	s31 =	simm.s32 $0x0;
	[bflag:$0x0] =	sbarrier.arrive $0xFFFF  }
0x31: {  	[spmem:s2] =	stream.indirect.scatter.add.f32 [tilespmem:s11], [sflag:$0x1], $0x80, s31, s14, $0xb8;
	[tilespmem:$0x1A100] =	vst v63  }
0x32: {  	_ =	swait.ge [sflag:s10], $0x4000  }
0x33: {  	s19 =	simm.s32 $0x200;
	[sflag:s10] =	ssyncset.done $0x0  }
.LBB2_2:
0x34: {  	s20 =	sshra.s32 s19, $0x2;
	[sflag:s10] =	ssyncadd.s32 $0xFFFFC000;
	p2 =	sne.s32 s19, $0x9A00  }
0x35: {  	[spmem:s2] =	stream.indirect.scatter.add.f32 [tilespmem:s11], [sflag:$0x1], $0x80, s20, s14, $0xb8;
	[tilespmem:$0x1A100] =	vst v63  }
.Ltmp2:
0x36: {  	_ = 	snop;
	(pc) =	sbr.rel @p2 .LBB2_2-.Ltmp2, $4  }
0x37: {  	_ = 	snop  }
0x38: {  	s19 =	sadd.s32 $0x200, s19  }
0x39: {  	_ =	swait.ge [sflag:s10], $0x4000  }
0x3a: {  	[sflag:s10] =	ssyncset.done $0x0  }
.Ltmp3:
0x3b: {  	(pc) =	sbr.rel @!p1 .LBB2_4-.Ltmp3, $2  }
0x3c: {  	_ =	sdelay $0x2  }
0x3d: {  	[sflag:s10] =	ssyncadd.s32 $0xFFFFC000  }
.Ltmp4:
0x3e: {  	(pc) =	sbr.rel @p0 .LBB2_7-.Ltmp4, $4  }
.Ltmp5:
0x3f: {  	(pc) =	sbr.rel @!p0 .LBB2_6-.Ltmp5, $4  }
0x40: {  	_ = 	snop  }
0x41: {  	[bflag:$0x0] =	sbarrier.arrive $0xFFFF  }
0x42: {  	_ = 	snop  }
0x43: {  	_ = 	snop  }
.LBB2_8:
0x44: {  	_ =	sfence.sel $0x180000  }
0x45: {  	[bflag:$0x0] =	sbarrier.arrive $0xFFFF  }
0x46: {  	p0 =	sne.s32 s0, $0x0;
	_ =	strace $0x90000047  }
0x47: {  	s0 =	sadd.s32 @!p0 $0x100000, s1;
	[bflag:$0x2] =	sbarrier.arrive $0xFFFF  }
0x48: {  	[sflag:s0] =	ssyncadd.tile.s32 @!p0 $0x1;
	_ =	shalt  }
.Lfunc_end2:
_tile_overlayer_lowered:
.L_overlay_start_2:
0x49: {  	(tag) =	ssettag $0x2  }
0x4a: {  	s0 =	rddreg [dreg:$0x0];
	s2 =	stileid.u32  }
0x4b: {  	s1 =	rddreg [dreg:$0x1];
	p0 =	sne.s32 s2, $0x0  }
0x4c: {  	s3 =	rddreg [dreg:$0x2];
	[bflag:$0x3] =	sbarrier.arrive $0xFFFF;
	s2 =	simm.s32 @!p0 $0x1C01  }
0x4d: {  	[timem:s3], [sflag:s2] =	dma.local @!p0 [hbm:s0], s1  }
0x4e: {  	s0 =	simm.s32 @!p0 $0x1  }
0x4f: {  	_ =	swait.ge @!p0 [sflag:s0], s1  }
0x50: {  	s1 =	ssub.s32 @!p0 $0x0, s1;
	[sflag:s0] =	ssyncset.done @!p0 $0x0  }
0x51: {  	[sflag:s0] =	ssyncadd.s32 @!p0 s1  }
0x52: {  	[bflag:$0x3] =	sbarrier.arrive $0xFFFF  }
0x53: {  	_ =	shalt  }

// kernel: kernel.19.cloned.1.call-start
scs
__scs_entry_jumppad:
0x0: {  	(pc) =	sbr.rel $0x88, $3  }
0x1: {  	(tag) =	ssettag $0x0;
	lr =	simm.s32 $0x1  }
0x2: {  	[smem:$0x3F91] =	sst lr;
	_ =	strace $0xD0000000  }
0x3: {  	_ = 	snop  }
0x4: {  	_ = 	snop  }
0x5: {  	_ = 	snop  }
0x6: {  	_ = 	snop  }
0x7: {  	_ = 	snop  }
__scs_overlays_trampoline_lowered:
0x8: {  	[smem:$0x3FA0] =	sst s0  }
0x9: {  	[smem:$0x3FA1] =	sst s1  }
0xa: {  	[smem:$0x3FA2] =	sst s2  }
0xb: {  	[smem:$0x3FA3] =	sst s3  }
0xc: {  	[smem:$0x3FA4] =	sst s4  }
0xd: {  	[smem:$0x3FA5] =	sst s5  }
0xe: {  	[smem:$0x3FA6] =	sst s6  }
0xf: {  	[smem:$0x3FA7] =	sst s7  }
0x10: {  	[smem:$0x3FA8] =	sst s8  }
0x11: {  	[smem:$0x3FA9] =	sst s9;
	s0 =	simm.s32 @!p0 $0x0  }
0x12: {  	s1 =	sld [smem:$0x3F8F];
	s0 =	simm.s32 @p0 $0x1  }
0x13: {  	[smem:$0x3FAA] =	sst s0;
	s0 =	simm.s32 @!p1 $0x0  }
0x14: {  	s2 =	sld [smem:$0x3F8E];
	s0 =	simm.s32 @p1 $0x1  }
0x15: {  	[smem:$0x3FAB] =	sst s0;
	s0 =	simm.s32 @!p2 $0x0  }
0x16: {  	s3 =	sld [smem:$0x3FDB];
	s0 =	simm.s32 @p2 $0x1  }
0x17: {  	s4 =	simm.s32 $0x1BF5;
	[smem:$0x3FAD] =	sst s0  }
0x18: {  	s0 =	sld [smem:$0x3F90];
	_ =	swait.ge [sflag:s4], $0x0  }
0x19: {  	s7 =	sld [smem:$0x3F91]  }
0x1a: {  	s8 =	sadd.s32 $0xFFFFE003, lr  }
0x1b: {  	s9 =	sadd.s32 $0xFFFFFEF7, lr;
	s5 =	simm.s32 $0xFFFFFFFF;
	p2 =	slt.u32 s8, $0xFFFFF086  }
0x1c: {  	p1 =	slt.u32 s9, $0xF7A;
	s5 =	simm.s32 @!p2 $0x0  }
0x1d: {  	s5 =	simm.s32 @p1 $0x1;
	p0 =	seq.s32 s7, s2  }
0x1e: {  	s7 =	smul.u32 @!p0 $0xF7A, s2;
	p2 =	seq.s32 @!p0 s5, $0x0  }
0x1f: {  	s9 =	smul.u32 $0xF7A, s1;
	s8 =	simm.s32 @!p0 $0x1BF5;
	p2 =	por !p2, p0  }
0x20: {  	[sflag:s8] =	ssyncset.s32 @!p0 $0xFFFFF086;
	s6 =	sadd.s32 @!p0 s3, s7;
	s7 =	simm.s32 @!p0 $0x108  }
0x21: {  	s3 =	sadd.s32 s3, s9;
	s6 =	sadd.s32 @!p0 $0x88, s6;
	s7 =	simm.s32 @p2 $0x1082  }
0x22: {  	[simem:s7], [sflag:s8] =	dma.local @!p0 [hbm:s6], $0xF7A  }
0x23: {  	s9 =	sor.u32 $0xD0000000, s2;
	s6 =	simm.s32 $0x108;
	_ =	swait.ge @!p0 [sflag:s8], $0x0  }
0x24: {  	s3 =	sadd.s32 $0x88, s3;
	s6 =	simm.s32 @!p1 $0x1082;
	[sflag:s4] =	ssyncset.s32 $0xFFFFF086  }
0x25: {  	[simem:s6], [sflag:s4] =	dma.local [hbm:s3], $0xF7A  }
0x26: {  	[smem:$0x3F91] =	sst s1;
	(tag) =	ssettag s2;
	_ =	strace s9  }
0x27: {  	s1 =	sld [smem:$0x3FA1]  }
0x28: {  	s2 =	sld [smem:$0x3FA2]  }
0x29: {  	s4 =	sld [smem:$0x3FA4]  }
0x2a: {  	p0 =	seq.s32 s5, $0x0;
	s5 =	sld [smem:$0x3FA5]  }
0x2b: {  	s6 =	sld [smem:$0x3FA6]  }
0x2c: {  	s7 =	sld [smem:$0x3FA7]  }
0x2d: {  	s3 =	simm.s32 $0x108;
	s8 =	sld [smem:$0x3FA8]  }
0x2e: {  	s3 =	simm.s32 @!p0 $0x1082;
	s9 =	sld [smem:$0x3FA9]  }
0x2f: {  	lr =	sadd.s32 s0, s3;
	s0 =	sld [smem:$0x3FA0]  }
0x30: {  	s3 =	sld [smem:$0x3FA3]  }
0x31: {  	[smem:$0x3FAC] =	sst s10  }
0x32: {  	s10 =	sld [smem:$0x3FAA];
	_ =	sdelay $0x3  }
0x33: {  	p0 =	seq.s32 s10, $0x1;
	s10 =	sld [smem:$0x3FAC];
	_ =	sdelay $0x3  }
0x34: {  	[smem:$0x3FAC] =	sst s10  }
0x35: {  	s10 =	sld [smem:$0x3FAB];
	_ =	sdelay $0x3  }
0x36: {  	p1 =	seq.s32 s10, $0x1;
	s10 =	sld [smem:$0x3FAC];
	_ =	sdelay $0x3  }
0x37: {  	[smem:$0x3FAC] =	sst s10  }
0x38: {  	s10 =	sld [smem:$0x3FAD]  }
0x39: {  	_ = 	snop;
	(pc) =	sbr.ind lr, $3  }
0x3a: {  	_ = 	snop  }
0x3b: {  	_ = 	snop  }
0x3c: {  	p2 =	seq.s32 s10, $0x1;
	s10 =	sld [smem:$0x3FAC]  }
0x3d: {  	_ =	shalt  }
0x3e: {  	_ =	shalt  }
0x3f: {  	_ =	shalt  }
0x40: {  	_ =	shalt  }
0x41: {  	_ =	shalt  }
0x42: {  	_ =	shalt  }
0x43: {  	_ =	shalt  }
0x44: {  	_ =	shalt  }
0x45: {  	_ =	shalt  }
0x46: {  	_ =	shalt  }
0x47: {  	_ =	shalt  }
0x48: {  	_ =	shalt  }
0x49: {  	_ =	shalt  }
0x4a: {  	_ =	shalt  }
0x4b: {  	_ =	shalt  }
0x4c: {  	_ =	shalt  }
0x4d: {  	_ =	shalt  }
0x4e: {  	_ =	shalt  }
0x4f: {  	_ =	shalt  }
0x50: {  	_ =	shalt  }
0x51: {  	_ =	shalt  }
0x52: {  	_ =	shalt  }
0x53: {  	_ =	shalt  }
0x54: {  	_ =	shalt  }
0x55: {  	_ =	shalt  }
0x56: {  	_ =	shalt  }
0x57: {  	_ =	shalt  }
0x58: {  	_ =	shalt  }
0x59: {  	_ =	shalt  }
0x5a: {  	_ =	shalt  }
0x5b: {  	_ =	shalt  }
0x5c: {  	_ =	shalt  }
0x5d: {  	_ =	shalt  }
0x5e: {  	_ =	shalt  }
0x5f: {  	_ =	shalt  }
0x60: {  	_ =	shalt  }
0x61: {  	_ =	shalt  }
0x62: {  	_ =	shalt  }
0x63: {  	_ =	shalt  }
0x64: {  	_ =	shalt  }
0x65: {  	_ =	shalt  }
0x66: {  	_ =	shalt  }
0x67: {  	_ =	shalt  }
0x68: {  	_ =	shalt  }
0x69: {  	_ =	shalt  }
0x6a: {  	_ =	shalt  }
0x6b: {  	_ =	shalt  }
0x6c: {  	_ =	shalt  }
0x6d: {  	_ =	shalt  }
0x6e: {  	_ =	shalt  }
0x6f: {  	_ =	shalt  }
0x70: {  	_ =	shalt  }
0x71: {  	_ =	shalt  }
0x72: {  	_ =	shalt  }
0x73: {  	_ =	shalt  }
0x74: {  	_ =	shalt  }
0x75: {  	_ =	shalt  }
0x76: {  	_ =	shalt  }
0x77: {  	_ =	shalt  }
0x78: {  	_ =	shalt  }
0x79: {  	_ =	shalt  }
0x7a: {  	_ =	shalt  }
0x7b: {  	_ =	shalt  }
0x7c: {  	_ =	shalt  }
0x7d: {  	_ =	shalt  }
0x7e: {  	_ =	shalt  }
0x7f: {  	_ =	shalt  }
0x80: {  	_ =	shalt  }
0x81: {  	_ =	shalt  }
0x82: {  	_ =	shalt  }
0x83: {  	_ =	shalt  }
0x84: {  	_ =	shalt  }
0x85: {  	_ =	shalt  }
0x86: {  	_ =	shalt  }
0x87: {  	_ =	shalt  }
.Lfunc_end0:
.L_simem_size_0:
called_computation.1_lowered:
.L_overlay_start_0:
0x88: {  	s2 =	sld [smem:$0x3FD9]  }
0x89: {  	s3 =	sld [smem:$0x3FFE];
	_ =	sdelay $0x1  }
0x8a: {  	s1 =	srdreg.scid  }
0x8b: {  	s0 =	sand.u32 $0x1, s1  }
0x8c: {  	s17 =	sshll.u32 s0, $0xA;
	s2 =	sadd.s32 s3, s2  }
0x8d: {  	s2 =	sadd.s32 s2, s17  }
0x8e: {  	[smem:$0x3FB8] =	sst s2  }
0x8f: {  	_ = 	snop  }
0x90: {  	s2 =	sld [smem:$0x3FD0];
	(tm) =	ssettm $0x1  }
0x91: {  	s18 =	sld [smem:$0x3FFB];
	_ =	sdelay $0x3  }
0x92: {  	_ =	strace s18  }
0x93: {  	s3 =	sld [smem:$0x3FFC];
	_ =	sdelay $0x3  }
0x94: {  	_ =	strace s3  }
0x95: {  	s3 =	sld [smem:$0x3FFD];
	_ =	sdelay $0x3  }
0x96: {  	_ =	strace s3  }
0x97: {  	_ =	strace $0x8FFFFFFF  }
0x98: {  	s19 =	sld [smem:$0x3FDB];
	_ =	sdelay $0x1  }
0x99: {  	s4 =	simm.s32 $_scs_section_size  }
0x9a: {  	s5 =	simm.s32 $_size__tile_overlayer_lowered;
	s6 =	simm.s32 $_tile_overlayer_lowered  }
0x9b: {  	s22 =	simm.s32 $0x1BFF;
	s21 =	sshll.u32 s6, $0x1;
	s3 =	sadd.s32 s4, s19  }
0x9c: {  	s7 =	simm.s32 $0x0;
	s20 =	sshll.u32 s5, $0x1;
	s5 =	sadd.s32 s21, s3  }
0x9d: {  	[timem:s7], [sflag:s22] =	dma.local [hbm:s5], s20  }
0x9e: {  	_ =	swait.ge [sflag:s22], s20  }
0x9f: {  	s4 =	ssub.s32 $0x0, s20;
	[sflag:s22] =	ssyncset.done $0x0  }
0xa0: {  	[sflag:s22] =	ssyncadd.s32 s4;
	_ =	sdelay $0x1  }
0xa1: {  	s23 =	simm.s32 $0x1B8B  }
0xa2: {  	_ =	swait.ge [sflag:s23], $0x1  }
0xa3: {  	[sflag:s23] =	ssyncset.done $0x0  }
0xa4: {  	s25 =	simm.s32 $0x1B8E;
	s24 =	sld [smem:$0x3FFE];
	[sflag:s23] =	ssyncadd.s32 $0xFFFFFFFF  }
0xa5: {  	s26 =	simm.s32 $execute0_lowered;
	[smem:$0x3FD2] =	sst s25  }
0xa6: {  	s5 =	sshll.u32 s26, $0x1;
	_ =	strace $0x80000049;
	[dreg:$0x1] =	wrdreg $0xFFFFFFFF  }
0xa7: {  	s28 =	simm.s32 $_size_execute0_lowered;
	s3 =	sadd.s32 s3, s5;
	[dreg:$0x0] =	wrdreg $0x0  }
0xa8: {  	s5 =	sshll.u32 s28, $0x1;
	[dreg:$0x2] =	wrdreg s3  }
0xa9: {  	[dreg:$0x3] =	wrdreg s5  }
0xaa: {  	[dreg:$0x4] =	wrdreg $0xC0  }
0xab: {  	_ =	task [dreg:s7], $0x5FFFF  }
0xac: {  	[dreg:$0x1] =	wrdreg $0xFFFFFFFF  }
0xad: {  	[dreg:$0x0] =	wrdreg $0x60  }
0xae: {  	[dreg:$0x2] =	wrdreg s24  }
0xaf: {  	[dreg:$0x3] =	wrdreg s2  }
0xb0: {  	[dreg:$0x4] =	wrdreg $0xB9000  }
0xb1: {  	[dreg:$0x5] =	wrdreg $0x9  }
0xb2: {  	_ =	task.clear_ibuf [dreg:s7], $0x6FFFF;
	_ =	strace $0x90000049  }
0xb3: {  	s29 =	simm.s32 $0x9;
	_ =	strace $0x8000004B  }
0xb4: {  	_ =	swait.ge [sflag:s29], $0x1  }
0xb5: {  	[sflag:s29] =	ssyncadd.s32 $0xFFFFFFFF  }
0xb6: {  	_ =	strace $0x9000004B  }
0xb7: {  	_ =	sfence  }
0xb8: {  	s30 =	sld [smem:$0x0];
	_ =	sdelay $0x2  }
0xb9: {  	s31 =	sshll.u32 s1, $0xD;
	s1 =	sshrl.u32 s1, $0x2  }
0xba: {  	s3 =	sand.u32 $0x4000, s31;
	s1 =	sadd.s32 s1, s30  }
0xbb: {  	s0 =	sor.u32 s3, s0;
	s1 =	sshll.u32 s1, $0x11  }
0xbc: {  	s0 =	sor.u32 s1, s0  }
0xbd: {  	s0 =	sadd.s32 $0x8F2B, s0  }
0xbe: {  	[sflag:s0] =	ssyncadd.remote.s32 $0x1  }
0xbf: {  	_ =	sfence.sel $0xFFFF  }
0xc0: {  	[dreg:$0x0] =	wrdreg $0xFFFFFFFF;
	(pc) =	sbr.abs _section_cstart, $3  }
0xc1: {  	[dreg:$0x1] =	wrdreg $0xFFFFFFFF  }
0xc2: {  	_ =	task.clear_ibuf [dreg:s7], $0x2FFFF;
	_ =	strace $0x9FFFFFFF  }
0xc3: {  	(tm) =	ssettm $0x7FFFFFFF  }
tec
execute0_lowered:
.L_overlay_start_1:
0x0: {  	(tag) =	ssettag $0x1  }
0x1: {  	s0 =	rddreg [dreg:$0x0]  }
0x2: {  	s11 =	rddreg [dreg:$0x1]  }
0x3: {  	s1 =	rddreg [dreg:$0x2]  }
0x4: {  	s2 =	srdreg.scid;
	s3 =	simm.s32 $0x0;
	s18 =	simm.s32 $0x80  }
0x5: {  	s19 =	simm.s32 $0x3900;
	s20 =	simm.s32 $0x7900;
	s7 =	sand.u32 $0x1, s2  }
0x6: {  	s21 =	simm.s32 $0x1;
	s2 =	stileid.u32;
	s5 =	smul.u32 $0x28000, s7  }
0x7: {  	s22 =	simm.s32 $0x2;
	s23 =	simm.s32 $0xC80;
	s6 =	smul.u32 $0x2800, s2  }
0x8: {  	s24 =	simm.s32 $0x3800;
	s25 =	simm.s32 $0x3880;
	s8 =	smul.u32 $0x138800, s7  }
0x9: {  	s26 =	simm.s32 $0x0;
	[smem:$0x7FF] =	sst s3;
	s12 =	smul.u32 $0x1F400, s2  }
0xa: {  	s4 =	sadd.s32 $0x13800, s0;
	_ =	strace $0x8000004A;
	s29 =	smul.u32 $0x7D000, s2  }
0xb: {  	s9 =	sshll.u32 s7, $0x5;
	s10 =	sshll.u32 s2, $0x4;
	s14 =	smul.u32 $0x30000, s7  }
0xc: {  	s30 =	ssub.s32 $0x2, s7;
	s15 =	smul.u32 $0x3000, s2;
	p0 =	sgt.u32 s2, $0x9  }
0xd: {  	p1 =	sgt.u32 s2, $0x1;
	s13 =	sadd.s32 s10, s9;
	s31 =	sshrl.u32 s30, $0x1  }
0xe: {  	s6 =	sadd.s32 s6, s5;
	s5 =	sadd.s32 $0x62400, s0;
	s10 =	sadd.s32 s13, s0  }
0xf: {  	s8 =	sadd.s32 s12, s8;
	s12 =	sshrl.u32 s29, $0x2;
	s16 =	ssub.s32 s30, s31  }
0x10: {  	s9 =	sadd.s32 s15, s14;
	s11 =	sadd.s32 s11, s13;
	s15 =	simm.s32 $0x3  }
.Ltmp0:
0x11: {  	s6 =	sshrl.u32 s6, $0x3;
	s8 =	sshrl.u32 s8, $0x3;
	(pc) =	sbr.rel .LBB2_1-.Ltmp0, $4  }
0x12: {  	s10 =	sadd.s32 $0x62200, s10;
	s13 =	smax.u32 s16, $0x1;
	s28 =	sadd.s32 s6, s0  }
0x13: {  	s6 =	sadd.s32 $0xF800, s0;
	s0 =	sadd.s32 s8, s0;
	s8 =	sadd.s32 s12, s1  }
0x14: {  	[dreg:$0x4] =	wrdreg s10;
	s12 =	sadd.s32 $0x6E400, s0;
	s0 =	sshll.u32 @!p0 s2, $0x6  }
0x15: {  	s7 =	sadd.s32 $0x5800, s28;
	s17 =	sshrl.u32 @!p0 s8, $0x3;
	s16 =	sor.u32 @!p0 $0x1C03, s0  }
.LBB2_6:
0x16: {  	s0 =	rddreg [dreg:$0x4]  }
0x17: {  	[tilespmem:s24], [sflag:$0x3] =	stream.linear.gather [hbm4b:s0+s3], $0x80, $0x38;
	[tilespmem:$0x1F180] =	vst v63  }
0x18: {  	_ =	swait.ge [sflag:s15], $0x80  }
0x19: {  	[sflag:s15] =	ssyncset.done $0x0  }
0x1a: {  	[sflag:s15] =	ssyncadd.s32 $0xFFFFFF80  }
0x1b: {  	[tilespmem:s25], [sflag:$0x3] =	stream.linear.gather [hbm4b:s11+s3], $0x80, $0x38;
	[tilespmem:$0x1F180] =	vst v63  }
0x1c: {  	_ =	swait.ge [sflag:s15], $0x80  }
0x1d: {  	[sflag:s15] =	ssyncset.done $0x0  }
0x1e: {  	[sflag:s15] =	ssyncadd.s32 $0xFFFFFF80  }
0x1f: {  	[tilespmem:s19], [sflag:$0x3] =	stream.indirect.gather [hbm4b:s4+s18], $0x80, s24, s18, $0xb8;
	[tilespmem:$0x1F180] =	vst v63  }
0x20: {  	_ =	swait.ge [sflag:s15], $0x4000  }
0x21: {  	[sflag:s15] =	ssyncset.done $0x0  }
0x22: {  	[sflag:s15] =	ssyncadd.s32 $0xFFFFC000  }
0x23: {  	[spmem:s1] =	stream.indirect.scatter.add.f32 [tilespmem:s19], [sflag:$0x3], $0x80, s25, s18, $0xb8;
	[tilespmem:$0x1F180] =	vst v63  }
0x24: {  	_ =	swait.ge [sflag:s15], $0x4000  }
0x25: {  	[sflag:s15] =	ssyncset.done $0x0  }
0x26: {  	[sflag:s15] =	ssyncadd.s32 $0xFFFFC000  }
0x27: {  	[bflag:$0x0] =	sbarrier.arrive $0xFFFF  }
.LBB2_8:
0x28: {  	s0 =	stileid.u32  }
0x29: {  	s0 =	sshll.u32 s0, $0x6  }
0x2a: {  	s2 =	sshrl.u32 s8, $0x3;
	s0 =	sor.u32 $0x1C03, s0  }
0x2b: {  	[hbm:s12], [sflag:s0] =	dma.local [spmem:s2], $0x3E80  }
0x2c: {  	_ =	swait.ge [sflag:s15], $0x3E80  }
0x2d: {  	[sflag:s15] =	ssyncset.done $0x0  }
0x2e: {  	[sflag:s15] =	ssyncadd.s32 $0xFFFFC180  }
.LBB2_9:
0x2f: {  	s26 =	sadd.s32 $0x1, s26  }
0x30: {  	p2 =	sne.s32 s26, s13  }
.Ltmp1:
0x31: {  	_ = 	snop;
	(pc) =	sbr.rel @!p2 .LBB2_10-.Ltmp1, $1  }
0x32: {  	_ =	sdelay $0x3  }
.LBB2_1:
0x33: {  	s0 =	simm.s32 $0x1000  }
0x34: {  	[tilespmem:s0], [sflag:$0x3] =	stream.linear.gather [hbm4b:s7+s3], $0x2700, $0x38;
	[tilespmem:$0x1F180] =	vst v63  }
0x35: {  	_ =	swait.ge [sflag:s15], $0x2700  }
0x36: {  	[sflag:s15] =	ssyncset.done $0x0  }
0x37: {  	s0 =	simm.s32 @!p0 $0x3;
	[sflag:s15] =	ssyncadd.s32 $0xFFFFD900  }
0x38: {  	[spmem:s17], [sflag:s16] =	dma.local @!p0 [hbm:s6], $0x3E80  }
0x39: {  	_ =	swait.ge @!p0 [sflag:s0], $0x3E80  }
0x3a: {  	[sflag:s0] =	ssyncset.done @!p0 $0x0  }
0x3b: {  	[sflag:s0] =	ssyncadd.s32 @!p0 $0xFFFFC180  }
0x3c: {  	s28 =	simm.s32 $0x1000;
	s29 =	simm.s32 $0x0;
	[bflag:$0x0] =	sbarrier.arrive $0xFFFF  }
.LBB2_2:
0x3d: {  	s0 =	sshll.u32 s29, $0xC  }
0x3e: {  	s0 =	sadd.s32 s0, s9  }
0x3f: {  	s0 =	sshrl.u32 s0, $0x3  }
0x40: {  	s30 =	simm.s32 $0x0;
	s0 =	sadd.s32 s5, s0  }
0x41: {  	[tilespmem:s30], [sflag:$0x3] =	stream.linear.gather [hbm4b:s0+s30], $0xD00, $0x38;
	[tilespmem:$0x1F180] =	vst v63  }
0x42: {  	_ =	swait.ge [sflag:s15], $0xD00  }
0x43: {  	[sflag:s15] =	ssyncset.done $0x0  }
0x44: {  	[sflag:s15] =	ssyncadd.s32 $0xFFFFF300  }
0x45: {  	[tilespmem:s19], [sflag:$0x1] =	stream.indirect.gather [hbm4b:s4+s18], $0x80, s30, s18, $0xb8;
	[tilespmem:$0x1F180] =	vst v63  }
0x46: {  	s10 =	simm.s32 $0x80  }
0x47: {  	[tilespmem:s20], [sflag:$0x2] =	stream.indirect.gather [hbm4b:s4+s18], $0x80, s10, s18, $0xb8;
	[tilespmem:$0x1F180] =	vst v63  }
0x48: {  	_ =	swait.ge [sflag:s21], $0x4000  }
0x49: {  	[sflag:s21] =	ssyncset.done $0x0  }
0x4a: {  	s14 =	sadd.s32 $0x0, s28;
	[sflag:s21] =	ssyncadd.s32 $0xFFFFC000  }
0x4b: {  	[spmem:s1] =	stream.indirect.scatter.add.f32 [tilespmem:s19], [sflag:$0x3], $0x80, s14, s18, $0xb8;
	[tilespmem:$0x1F180] =	vst v63  }
0x4c: {  	_ =	swait.ge [sflag:s15], $0x4000  }
0x4d: {  	[sflag:s15] =	ssyncset.done $0x0  }
0x4e: {  	s30 =	simm.s32 $0x100;
	[sflag:s15] =	ssyncadd.s32 $0xFFFFC000  }
0x4f: {  	[tilespmem:s19], [sflag:$0x1] =	stream.indirect.gather [hbm4b:s4+s18], $0x80, s30, s18, $0xb8;
	[tilespmem:$0x1F180] =	vst v63  }
0x50: {  	_ =	swait.ge [sflag:s22], $0x4000  }
0x51: {  	[sflag:s22] =	ssyncset.done $0x0  }
0x52: {  	s0 =	sadd.s32 $0x80, s14;
	s30 =	smul.u32 $0x3400, s29;
	[sflag:s22] =	ssyncadd.s32 $0xFFFFC000  }
0x53: {  	[spmem:s1] =	stream.indirect.scatter.add.f32 [tilespmem:s20], [sflag:$0x3], $0x80, s0, s18, $0xb8;
	[tilespmem:$0x1F180] =	vst v63  }
0x54: {  	s31 =	simm.s32 $0x100;
	_ =	swait.ge [sflag:s15], $0x4000  }
0x55: {  	s30 =	sshra.s32 s30, $0x2;
	s0 =	simm.s32 $0x800;
	[sflag:s15] =	ssyncset.done $0x0  }
.LBB2_3:
0x56: {  	s2 =	sadd.s32 $0x80, s31  }
0x57: {  	[sflag:s15] =	ssyncadd.s32 $0xFFFFC000;
	s14 =	smov.u32 s0;
	s10 =	sadd.s32 $0x400, s0  }
0x58: {  	[tilespmem:s20], [sflag:$0x2] =	stream.indirect.gather [hbm4b:s4+s18], $0x80, s2, s18, $0xb8;
	[tilespmem:$0x1F180] =	vst v63  }
0x59: {  	p2 =	sne.s32 s0, $0x2C00;
	_ =	swait.ge [sflag:s21], $0x4000  }
0x5a: {  	[sflag:s21] =	ssyncset.done $0x0  }
0x5b: {  	s0 =	sadd.s32 s31, s28;
	[sflag:s21] =	ssyncadd.s32 $0xFFFFC000  }
0x5c: {  	[spmem:s1] =	stream.indirect.scatter.add.f32 [tilespmem:s19], [sflag:$0x3], $0x80, s0, s18, $0xb8;
	[tilespmem:$0x1F180] =	vst v63  }
0x5d: {  	_ =	swait.ge [sflag:s15], $0x4000  }
0x5e: {  	[sflag:s15] =	ssyncset.done $0x0  }
0x5f: {  	s2 =	sadd.s32 $0x100, s31;
	[sflag:s15] =	ssyncadd.s32 $0xFFFFC000  }
0x60: {  	[tilespmem:s19], [sflag:$0x1] =	stream.indirect.gather [hbm4b:s4+s18], $0x80, s2, s18, $0xb8;
	[tilespmem:$0x1F180] =	vst v63  }
0x61: {  	_ =	swait.ge [sflag:s22], $0x4000  }
.Ltmp2:
0x62: {  	[sflag:s22] =	ssyncset.done $0x0;
	(pc) =	sbr.rel @p2 .LBB2_3-.Ltmp2, $4  }
0x63: {  	s0 =	sadd.s32 $0x80, s0;
	[sflag:s22] =	ssyncadd.s32 $0xFFFFC000  }
0x64: {  	[spmem:s1] =	stream.indirect.scatter.add.f32 [tilespmem:s20], [sflag:$0x3], $0x80, s0, s18, $0xb8;
	[tilespmem:$0x1F180] =	vst v63  }
0x65: {  	_ =	swait.ge [sflag:s15], $0x4000  }
0x66: {  	s31 =	sshra.s32 s14, $0x2;
	s0 =	smov.u32 s10;
	[sflag:s15] =	ssyncset.done $0x0  }
0x67: {  	s0 =	sadd.s32 $0x80, s31;
	[sflag:s15] =	ssyncadd.s32 $0xFFFFC000  }
0x68: {  	[tilespmem:s20], [sflag:$0x2] =	stream.indirect.gather [hbm4b:s4+s18], $0x80, s0, s18, $0xb8;
	[tilespmem:$0x1F180] =	vst v63  }
0x69: {  	_ =	swait.ge [sflag:s21], $0x4000  }
0x6a: {  	[sflag:s21] =	ssyncset.done $0x0  }
0x6b: {  	s10 =	sadd.s32 s31, s28;
	[sflag:s21] =	ssyncadd.s32 $0xFFFFC000  }
0x6c: {  	[spmem:s1] =	stream.indirect.scatter.add.f32 [tilespmem:s19], [sflag:$0x3], $0x80, s10, s18, $0xb8;
	[tilespmem:$0x1F180] =	vst v63  }
0x6d: {  	_ =	swait.ge [sflag:s15], $0x4000  }
0x6e: {  	[sflag:s15] =	ssyncset.done $0x0  }
0x6f: {  	s2 =	sadd.s32 $0x100, s31;
	[sflag:s15] =	ssyncadd.s32 $0xFFFFC000  }
0x70: {  	[tilespmem:s19], [sflag:$0x1] =	stream.indirect.gather [hbm4b:s4+s18], $0x80, s2, s18, $0xb8;
	[tilespmem:$0x1F180] =	vst v63  }
0x71: {  	_ =	swait.ge [sflag:s22], $0x4000  }
0x72: {  	[sflag:s22] =	ssyncset.done $0x0  }
0x73: {  	s0 =	sadd.s32 $0x80, s10;
	[sflag:s22] =	ssyncadd.s32 $0xFFFFC000  }
0x74: {  	[spmem:s1] =	stream.indirect.scatter.add.f32 [tilespmem:s20], [sflag:$0x3], $0x80, s0, s18, $0xb8;
	[tilespmem:$0x1F180] =	vst v63  }
0x75: {  	_ =	swait.ge [sflag:s15], $0x4000  }
0x76: {  	[sflag:s15] =	ssyncset.done $0x0  }
0x77: {  	[sflag:s15] =	ssyncadd.s32 $0xFFFFC000  }
0x78: {  	[tilespmem:s20], [sflag:$0x2] =	stream.indirect.gather [hbm4b:s4+s18], $0x80, s23, s18, $0xb8;
	[tilespmem:$0x1F180] =	vst v63  }
0x79: {  	_ =	swait.ge [sflag:s21], $0x4000  }
0x7a: {  	[sflag:s21] =	ssyncset.done $0x0  }
0x7b: {  	s14 =	sadd.s32 $0x1C00, s30;
	[sflag:s21] =	ssyncadd.s32 $0xFFFFC000  }
0x7c: {  	[spmem:s1] =	stream.indirect.scatter.add.f32 [tilespmem:s19], [sflag:$0x3], $0x80, s14, s18, $0xb8;
	[tilespmem:$0x1F180] =	vst v63  }
0x7d: {  	_ =	swait.ge [sflag:s15], $0x4000  }
0x7e: {  	[sflag:s15] =	ssyncset.done $0x0  }
0x7f: {  	[sflag:s15] =	ssyncadd.s32 $0xFFFFC000  }
0x80: {  	s29 =	sadd.s32 $0x1, s29;
	_ =	swait.ge [sflag:s22], $0x4000  }
0x81: {  	p2 =	sne.s32 s29, $0x3;
	[sflag:s22] =	ssyncset.done $0x0  }
.Ltmp3:
0x82: {  	s31 =	sadd.s32 $0x1C80, s30;
	[sflag:s22] =	ssyncadd.s32 $0xFFFFC000;
	(pc) =	sbr.rel @p2 .LBB2_2-.Ltmp3, $4  }
0x83: {  	[spmem:s1] =	stream.indirect.scatter.add.f32 [tilespmem:s20], [sflag:$0x3], $0x80, s31, s18, $0xb8;
	[tilespmem:$0x1F180] =	vst v63  }
0x84: {  	_ =	swait.ge [sflag:s15], $0x4000  }
0x85: {  	[sflag:s15] =	ssyncset.done $0x0  }
0x86: {  	s28 =	sadd.s32 $0xD00, s28;
	[sflag:s15] =	ssyncadd.s32 $0xFFFFC000  }
.Ltmp4:
0x87: {  	(pc) =	sbr.rel @!p1 .LBB2_6-.Ltmp4, $1  }
0x88: {  	_ =	sdelay $0x3  }
.Ltmp5:
0x89: {  	(pc) =	sbr.rel @p0 .LBB2_9-.Ltmp5, $4  }
.Ltmp6:
0x8a: {  	(pc) =	sbr.rel @!p0 .LBB2_8-.Ltmp6, $4  }
0x8b: {  	_ = 	snop  }
0x8c: {  	[bflag:$0x0] =	sbarrier.arrive $0xFFFF  }
0x8d: {  	_ = 	snop  }
0x8e: {  	_ = 	snop  }
.LBB2_10:
0x8f: {  	_ =	sfence.sel $0x180000  }
0x90: {  	[bflag:$0x0] =	sbarrier.arrive $0xFFFF  }
0x91: {  	_ =	strace $0x9000004A  }
0x92: {  	s0 =	stileid.u32;
	[bflag:$0x2] =	sbarrier.arrive $0xFFFF  }
0x93: {  	p0 =	sne.s32 s0, $0x0;
	s0 =	rddreg [dreg:$0x3]  }
0x94: {  	s0 =	sadd.s32 @!p0 $0x100000, s0  }
0x95: {  	[sflag:s0] =	ssyncadd.tile.s32 @!p0 $0x1;
	_ =	shalt  }
.Lfunc_end2:
_tile_overlayer_lowered:
.L_overlay_start_2:
0x96: {  	(tag) =	ssettag $0x2  }
0x97: {  	s0 =	rddreg [dreg:$0x0];
	s2 =	stileid.u32  }
0x98: {  	s1 =	rddreg [dreg:$0x1];
	p0 =	sne.s32 s2, $0x0  }
0x99: {  	s3 =	rddreg [dreg:$0x2];
	[bflag:$0x3] =	sbarrier.arrive $0xFFFF;
	s2 =	simm.s32 @!p0 $0x1C03  }
0x9a: {  	[timem:s3], [sflag:s2] =	dma.local @!p0 [hbm:s0], s1  }
0x9b: {  	s0 =	simm.s32 @!p0 $0x3  }
0x9c: {  	_ =	swait.ge @!p0 [sflag:s0], s1  }
0x9d: {  	s1 =	ssub.s32 @!p0 $0x0, s1;
	[sflag:s0] =	ssyncset.done @!p0 $0x0  }
0x9e: {  	[sflag:s0] =	ssyncadd.s32 @!p0 s1  }
0x9f: {  	[bflag:$0x3] =	sbarrier.arrive $0xFFFF  }
0xa0: {  	_ =	shalt  }

// kernel: kernel.22.cloned.1.call-start
scs
__scs_entry_jumppad:
0x0: {  	(pc) =	sbr.rel $0x88, $3  }
0x1: {  	(tag) =	ssettag $0x0;
	lr =	simm.s32 $0x1  }
0x2: {  	[smem:$0x3F91] =	sst lr;
	_ =	strace $0xD0000000  }
0x3: {  	_ = 	snop  }
0x4: {  	_ = 	snop  }
0x5: {  	_ = 	snop  }
0x6: {  	_ = 	snop  }
0x7: {  	_ = 	snop  }
__scs_overlays_trampoline_lowered:
0x8: {  	[smem:$0x3FA0] =	sst s0  }
0x9: {  	[smem:$0x3FA1] =	sst s1  }
0xa: {  	[smem:$0x3FA2] =	sst s2  }
0xb: {  	[smem:$0x3FA3] =	sst s3  }
0xc: {  	[smem:$0x3FA4] =	sst s4  }
0xd: {  	[smem:$0x3FA5] =	sst s5  }
0xe: {  	[smem:$0x3FA6] =	sst s6  }
0xf: {  	[smem:$0x3FA7] =	sst s7  }
0x10: {  	[smem:$0x3FA8] =	sst s8  }
0x11: {  	[smem:$0x3FA9] =	sst s9;
	s0 =	simm.s32 @!p0 $0x0  }
0x12: {  	s1 =	sld [smem:$0x3F8F];
	s0 =	simm.s32 @p0 $0x1  }
0x13: {  	[smem:$0x3FAA] =	sst s0;
	s0 =	simm.s32 @!p1 $0x0  }
0x14: {  	s2 =	sld [smem:$0x3F8E];
	s0 =	simm.s32 @p1 $0x1  }
0x15: {  	[smem:$0x3FAB] =	sst s0;
	s0 =	simm.s32 @!p2 $0x0  }
0x16: {  	s3 =	sld [smem:$0x3FDB];
	s0 =	simm.s32 @p2 $0x1  }
0x17: {  	s4 =	simm.s32 $0x1BF5;
	[smem:$0x3FAD] =	sst s0  }
0x18: {  	s0 =	sld [smem:$0x3F90];
	_ =	swait.ge [sflag:s4], $0x0  }
0x19: {  	s7 =	sld [smem:$0x3F91]  }
0x1a: {  	s8 =	sadd.s32 $0xFFFFE003, lr  }
0x1b: {  	s9 =	sadd.s32 $0xFFFFFEF7, lr;
	s5 =	simm.s32 $0xFFFFFFFF;
	p2 =	slt.u32 s8, $0xFFFFF086  }
0x1c: {  	p1 =	slt.u32 s9, $0xF7A;
	s5 =	simm.s32 @!p2 $0x0  }
0x1d: {  	s5 =	simm.s32 @p1 $0x1;
	p0 =	seq.s32 s7, s2  }
0x1e: {  	s7 =	smul.u32 @!p0 $0xF7A, s2;
	p2 =	seq.s32 @!p0 s5, $0x0  }
0x1f: {  	s9 =	smul.u32 $0xF7A, s1;
	s8 =	simm.s32 @!p0 $0x1BF5;
	p2 =	por !p2, p0  }
0x20: {  	[sflag:s8] =	ssyncset.s32 @!p0 $0xFFFFF086;
	s6 =	sadd.s32 @!p0 s3, s7;
	s7 =	simm.s32 @!p0 $0x108  }
0x21: {  	s3 =	sadd.s32 s3, s9;
	s6 =	sadd.s32 @!p0 $0x88, s6;
	s7 =	simm.s32 @p2 $0x1082  }
0x22: {  	[simem:s7], [sflag:s8] =	dma.local @!p0 [hbm:s6], $0xF7A  }
0x23: {  	s9 =	sor.u32 $0xD0000000, s2;
	s6 =	simm.s32 $0x108;
	_ =	swait.ge @!p0 [sflag:s8], $0x0  }
0x24: {  	s3 =	sadd.s32 $0x88, s3;
	s6 =	simm.s32 @!p1 $0x1082;
	[sflag:s4] =	ssyncset.s32 $0xFFFFF086  }
0x25: {  	[simem:s6], [sflag:s4] =	dma.local [hbm:s3], $0xF7A  }
0x26: {  	[smem:$0x3F91] =	sst s1;
	(tag) =	ssettag s2;
	_ =	strace s9  }
0x27: {  	s1 =	sld [smem:$0x3FA1]  }
0x28: {  	s2 =	sld [smem:$0x3FA2]  }
0x29: {  	s4 =	sld [smem:$0x3FA4]  }
0x2a: {  	p0 =	seq.s32 s5, $0x0;
	s5 =	sld [smem:$0x3FA5]  }
0x2b: {  	s6 =	sld [smem:$0x3FA6]  }
0x2c: {  	s7 =	sld [smem:$0x3FA7]  }
0x2d: {  	s3 =	simm.s32 $0x108;
	s8 =	sld [smem:$0x3FA8]  }
0x2e: {  	s3 =	simm.s32 @!p0 $0x1082;
	s9 =	sld [smem:$0x3FA9]  }
0x2f: {  	lr =	sadd.s32 s0, s3;
	s0 =	sld [smem:$0x3FA0]  }
0x30: {  	s3 =	sld [smem:$0x3FA3]  }
0x31: {  	[smem:$0x3FAC] =	sst s10  }
0x32: {  	s10 =	sld [smem:$0x3FAA];
	_ =	sdelay $0x3  }
0x33: {  	p0 =	seq.s32 s10, $0x1;
	s10 =	sld [smem:$0x3FAC];
	_ =	sdelay $0x3  }
0x34: {  	[smem:$0x3FAC] =	sst s10  }
0x35: {  	s10 =	sld [smem:$0x3FAB];
	_ =	sdelay $0x3  }
0x36: {  	p1 =	seq.s32 s10, $0x1;
	s10 =	sld [smem:$0x3FAC];
	_ =	sdelay $0x3  }
0x37: {  	[smem:$0x3FAC] =	sst s10  }
0x38: {  	s10 =	sld [smem:$0x3FAD]  }
0x39: {  	_ = 	snop;
	(pc) =	sbr.ind lr, $3  }
0x3a: {  	_ = 	snop  }
0x3b: {  	_ = 	snop  }
0x3c: {  	p2 =	seq.s32 s10, $0x1;
	s10 =	sld [smem:$0x3FAC]  }
0x3d: {  	_ =	shalt  }
0x3e: {  	_ =	shalt  }
0x3f: {  	_ =	shalt  }
0x40: {  	_ =	shalt  }
0x41: {  	_ =	shalt  }
0x42: {  	_ =	shalt  }
0x43: {  	_ =	shalt  }
0x44: {  	_ =	shalt  }
0x45: {  	_ =	shalt  }
0x46: {  	_ =	shalt  }
0x47: {  	_ =	shalt  }
0x48: {  	_ =	shalt  }
0x49: {  	_ =	shalt  }
0x4a: {  	_ =	shalt  }
0x4b: {  	_ =	shalt  }
0x4c: {  	_ =	shalt  }
0x4d: {  	_ =	shalt  }
0x4e: {  	_ =	shalt  }
0x4f: {  	_ =	shalt  }
0x50: {  	_ =	shalt  }
0x51: {  	_ =	shalt  }
0x52: {  	_ =	shalt  }
0x53: {  	_ =	shalt  }
0x54: {  	_ =	shalt  }
0x55: {  	_ =	shalt  }
0x56: {  	_ =	shalt  }
0x57: {  	_ =	shalt  }
0x58: {  	_ =	shalt  }
0x59: {  	_ =	shalt  }
0x5a: {  	_ =	shalt  }
0x5b: {  	_ =	shalt  }
0x5c: {  	_ =	shalt  }
0x5d: {  	_ =	shalt  }
0x5e: {  	_ =	shalt  }
0x5f: {  	_ =	shalt  }
0x60: {  	_ =	shalt  }
0x61: {  	_ =	shalt  }
0x62: {  	_ =	shalt  }
0x63: {  	_ =	shalt  }
0x64: {  	_ =	shalt  }
0x65: {  	_ =	shalt  }
0x66: {  	_ =	shalt  }
0x67: {  	_ =	shalt  }
0x68: {  	_ =	shalt  }
0x69: {  	_ =	shalt  }
0x6a: {  	_ =	shalt  }
0x6b: {  	_ =	shalt  }
0x6c: {  	_ =	shalt  }
0x6d: {  	_ =	shalt  }
0x6e: {  	_ =	shalt  }
0x6f: {  	_ =	shalt  }
0x70: {  	_ =	shalt  }
0x71: {  	_ =	shalt  }
0x72: {  	_ =	shalt  }
0x73: {  	_ =	shalt  }
0x74: {  	_ =	shalt  }
0x75: {  	_ =	shalt  }
0x76: {  	_ =	shalt  }
0x77: {  	_ =	shalt  }
0x78: {  	_ =	shalt  }
0x79: {  	_ =	shalt  }
0x7a: {  	_ =	shalt  }
0x7b: {  	_ =	shalt  }
0x7c: {  	_ =	shalt  }
0x7d: {  	_ =	shalt  }
0x7e: {  	_ =	shalt  }
0x7f: {  	_ =	shalt  }
0x80: {  	_ =	shalt  }
0x81: {  	_ =	shalt  }
0x82: {  	_ =	shalt  }
0x83: {  	_ =	shalt  }
0x84: {  	_ =	shalt  }
0x85: {  	_ =	shalt  }
0x86: {  	_ =	shalt  }
0x87: {  	_ =	shalt  }
.Lfunc_end0:
.L_simem_size_0:
called_computation.2_lowered:
.L_overlay_start_0:
0x88: {  	s2 =	sld [smem:$0x3FD9]  }
0x89: {  	s3 =	sld [smem:$0x3FFE];
	_ =	sdelay $0x1  }
0x8a: {  	s1 =	srdreg.scid  }
0x8b: {  	s0 =	sand.u32 $0x1, s1  }
0x8c: {  	s17 =	sshll.u32 s0, $0xA;
	s2 =	sadd.s32 s3, s2  }
0x8d: {  	s2 =	sadd.s32 s2, s17  }
0x8e: {  	[smem:$0x3FB8] =	sst s2  }
0x8f: {  	_ = 	snop  }
0x90: {  	s2 =	sld [smem:$0x3FD0];
	(tm) =	ssettm $0x1  }
0x91: {  	s18 =	sld [smem:$0x3FFB];
	_ =	sdelay $0x3  }
0x92: {  	_ =	strace s18  }
0x93: {  	s3 =	sld [smem:$0x3FFC];
	_ =	sdelay $0x3  }
0x94: {  	_ =	strace s3  }
0x95: {  	s3 =	sld [smem:$0x3FFD];
	_ =	sdelay $0x3  }
0x96: {  	_ =	strace s3  }
0x97: {  	_ =	strace $0x8FFFFFFF  }
0x98: {  	s19 =	sld [smem:$0x3FDB];
	_ =	sdelay $0x1  }
0x99: {  	s4 =	simm.s32 $_scs_section_size  }
0x9a: {  	s5 =	simm.s32 $_size__tile_overlayer_lowered;
	s6 =	simm.s32 $_tile_overlayer_lowered  }
0x9b: {  	s22 =	simm.s32 $0x1BFF;
	s21 =	sshll.u32 s6, $0x1;
	s3 =	sadd.s32 s4, s19  }
0x9c: {  	s7 =	simm.s32 $0x0;
	s20 =	sshll.u32 s5, $0x1;
	s5 =	sadd.s32 s21, s3  }
0x9d: {  	[timem:s7], [sflag:s22] =	dma.local [hbm:s5], s20  }
0x9e: {  	_ =	swait.ge [sflag:s22], s20  }
0x9f: {  	s4 =	ssub.s32 $0x0, s20;
	[sflag:s22] =	ssyncset.done $0x0  }
0xa0: {  	[sflag:s22] =	ssyncadd.s32 s4;
	_ =	sdelay $0x1  }
0xa1: {  	s23 =	simm.s32 $0x1B8B  }
0xa2: {  	_ =	swait.ge [sflag:s23], $0x1  }
0xa3: {  	[sflag:s23] =	ssyncset.done $0x0  }
0xa4: {  	s25 =	simm.s32 $0x1B8E;
	s24 =	sld [smem:$0x3FFE];
	[sflag:s23] =	ssyncadd.s32 $0xFFFFFFFF  }
0xa5: {  	s26 =	simm.s32 $execute0_lowered;
	[smem:$0x3FD2] =	sst s25  }
0xa6: {  	s5 =	sshll.u32 s26, $0x1;
	_ =	strace $0x8000004C;
	[dreg:$0x1] =	wrdreg $0xFFFFFFFF  }
0xa7: {  	s28 =	simm.s32 $_size_execute0_lowered;
	s3 =	sadd.s32 s3, s5;
	[dreg:$0x0] =	wrdreg $0x0  }
0xa8: {  	s5 =	sshll.u32 s28, $0x1;
	[dreg:$0x2] =	wrdreg s3  }
0xa9: {  	[dreg:$0x3] =	wrdreg s5  }
0xaa: {  	[dreg:$0x4] =	wrdreg $0xC0  }
0xab: {  	_ =	task [dreg:s7], $0x5FFFF  }
0xac: {  	[dreg:$0x1] =	wrdreg $0xFFFFFFFF  }
0xad: {  	[dreg:$0x0] =	wrdreg $0x60  }
0xae: {  	[dreg:$0x2] =	wrdreg s24  }
0xaf: {  	[dreg:$0x3] =	wrdreg s2  }
0xb0: {  	[dreg:$0x4] =	wrdreg $0xB9000  }
0xb1: {  	[dreg:$0x5] =	wrdreg $0x9  }
0xb2: {  	_ =	task.clear_ibuf [dreg:s7], $0x6FFFF;
	_ =	strace $0x9000004C  }
0xb3: {  	s29 =	simm.s32 $0x9;
	_ =	strace $0x8000004E  }
0xb4: {  	_ =	swait.ge [sflag:s29], $0x1  }
0xb5: {  	[sflag:s29] =	ssyncadd.s32 $0xFFFFFFFF  }
0xb6: {  	_ =	strace $0x9000004E  }
0xb7: {  	_ =	sfence  }
0xb8: {  	s30 =	sld [smem:$0x0];
	_ =	sdelay $0x2  }
0xb9: {  	s31 =	sshll.u32 s1, $0xD;
	s1 =	sshrl.u32 s1, $0x2  }
0xba: {  	s3 =	sand.u32 $0x4000, s31;
	s1 =	sadd.s32 s1, s30  }
0xbb: {  	s0 =	sor.u32 s3, s0;
	s1 =	sshll.u32 s1, $0x11  }
0xbc: {  	s0 =	sor.u32 s1, s0  }
0xbd: {  	s0 =	sadd.s32 $0x8F2B, s0  }
0xbe: {  	[sflag:s0] =	ssyncadd.remote.s32 $0x1  }
0xbf: {  	_ =	sfence.sel $0xFFFF  }
0xc0: {  	[dreg:$0x0] =	wrdreg $0xFFFFFFFF;
	(pc) =	sbr.abs _section_cstart, $3  }
0xc1: {  	[dreg:$0x1] =	wrdreg $0xFFFFFFFF  }
0xc2: {  	_ =	task.clear_ibuf [dreg:s7], $0x2FFFF;
	_ =	strace $0x9FFFFFFF  }
0xc3: {  	(tm) =	ssettm $0x7FFFFFFF  }
tec
execute0_lowered:
.L_overlay_start_1:
0x0: {  	(tag) =	ssettag $0x1  }
0x1: {  	s0 =	rddreg [dreg:$0x0]  }
0x2: {  	s11 =	rddreg [dreg:$0x1]  }
0x3: {  	s1 =	rddreg [dreg:$0x2]  }
0x4: {  	s2 =	srdreg.scid;
	s3 =	simm.s32 $0x0;
	s18 =	simm.s32 $0x80  }
0x5: {  	s19 =	simm.s32 $0x3900;
	s20 =	simm.s32 $0x7900;
	s7 =	sand.u32 $0x1, s2  }
0x6: {  	s21 =	simm.s32 $0x1;
	s2 =	stileid.u32;
	s5 =	smul.u32 $0x28000, s7  }
0x7: {  	s22 =	simm.s32 $0x2;
	s23 =	simm.s32 $0xC80;
	s6 =	smul.u32 $0x2800, s2  }
0x8: {  	s24 =	simm.s32 $0x3800;
	s25 =	simm.s32 $0x3880;
	s8 =	smul.u32 $0x138800, s7  }
0x9: {  	s26 =	simm.s32 $0x0;
	[smem:$0x7FF] =	sst s3;
	s12 =	smul.u32 $0x1F400, s2  }
0xa: {  	s4 =	sadd.s32 $0x13800, s0;
	_ =	strace $0x8000004D;
	s29 =	smul.u32 $0x7D000, s2  }
0xb: {  	s9 =	sshll.u32 s7, $0x5;
	s10 =	sshll.u32 s2, $0x4;
	s14 =	smul.u32 $0x30000, s7  }
0xc: {  	s30 =	ssub.s32 $0x2, s7;
	s15 =	smul.u32 $0x3000, s2;
	p0 =	sgt.u32 s2, $0x9  }
0xd: {  	p1 =	sgt.u32 s2, $0x1;
	s13 =	sadd.s32 s10, s9;
	s31 =	sshrl.u32 s30, $0x1  }
0xe: {  	s6 =	sadd.s32 s6, s5;
	s5 =	sadd.s32 $0x62400, s0;
	s10 =	sadd.s32 s13, s0  }
0xf: {  	s8 =	sadd.s32 s12, s8;
	s12 =	sshrl.u32 s29, $0x2;
	s16 =	ssub.s32 s30, s31  }
0x10: {  	s9 =	sadd.s32 s15, s14;
	s11 =	sadd.s32 s11, s13;
	s15 =	simm.s32 $0x3  }
.Ltmp0:
0x11: {  	s6 =	sshrl.u32 s6, $0x3;
	s8 =	sshrl.u32 s8, $0x3;
	(pc) =	sbr.rel .LBB2_1-.Ltmp0, $4  }
0x12: {  	s10 =	sadd.s32 $0x62200, s10;
	s13 =	smax.u32 s16, $0x1;
	s28 =	sadd.s32 s6, s0  }
0x13: {  	s6 =	sadd.s32 $0xF800, s0;
	s0 =	sadd.s32 s8, s0;
	s8 =	sadd.s32 s12, s1  }
0x14: {  	[dreg:$0x4] =	wrdreg s10;
	s12 =	sadd.s32 $0x6E400, s0;
	s0 =	sshll.u32 @!p0 s2, $0x6  }
0x15: {  	s7 =	sadd.s32 $0x5800, s28;
	s17 =	sshrl.u32 @!p0 s8, $0x3;
	s16 =	sor.u32 @!p0 $0x1C03, s0  }
.LBB2_6:
0x16: {  	s0 =	rddreg [dreg:$0x4]  }
0x17: {  	[tilespmem:s24], [sflag:$0x3] =	stream.linear.gather [hbm4b:s0+s3], $0x80, $0x38;
	[tilespmem:$0x1F180] =	vst v63  }
0x18: {  	_ =	swait.ge [sflag:s15], $0x80  }
0x19: {  	[sflag:s15] =	ssyncset.done $0x0  }
0x1a: {  	[sflag:s15] =	ssyncadd.s32 $0xFFFFFF80  }
0x1b: {  	[tilespmem:s25], [sflag:$0x3] =	stream.linear.gather [hbm4b:s11+s3], $0x80, $0x38;
	[tilespmem:$0x1F180] =	vst v63  }
0x1c: {  	_ =	swait.ge [sflag:s15], $0x80  }
0x1d: {  	[sflag:s15] =	ssyncset.done $0x0  }
0x1e: {  	[sflag:s15] =	ssyncadd.s32 $0xFFFFFF80  }
0x1f: {  	[tilespmem:s19], [sflag:$0x3] =	stream.indirect.gather [hbm4b:s4+s18], $0x80, s24, s18, $0xb8;
	[tilespmem:$0x1F180] =	vst v63  }
0x20: {  	_ =	swait.ge [sflag:s15], $0x4000  }
0x21: {  	[sflag:s15] =	ssyncset.done $0x0  }
0x22: {  	[sflag:s15] =	ssyncadd.s32 $0xFFFFC000  }
0x23: {  	[spmem:s1] =	stream.indirect.scatter.add.f32 [tilespmem:s19], [sflag:$0x3], $0x80, s25, s18, $0xb8;
	[tilespmem:$0x1F180] =	vst v63  }
0x24: {  	_ =	swait.ge [sflag:s15], $0x4000  }
0x25: {  	[sflag:s15] =	ssyncset.done $0x0  }
0x26: {  	[sflag:s15] =	ssyncadd.s32 $0xFFFFC000  }
0x27: {  	[bflag:$0x0] =	sbarrier.arrive $0xFFFF  }
.LBB2_8:
0x28: {  	s0 =	stileid.u32  }
0x29: {  	s0 =	sshll.u32 s0, $0x6  }
0x2a: {  	s2 =	sshrl.u32 s8, $0x3;
	s0 =	sor.u32 $0x1C03, s0  }
0x2b: {  	[hbm:s12], [sflag:s0] =	dma.local [spmem:s2], $0x3E80  }
0x2c: {  	_ =	swait.ge [sflag:s15], $0x3E80  }
0x2d: {  	[sflag:s15] =	ssyncset.done $0x0  }
0x2e: {  	[sflag:s15] =	ssyncadd.s32 $0xFFFFC180  }
.LBB2_9:
0x2f: {  	s26 =	sadd.s32 $0x1, s26  }
0x30: {  	p2 =	sne.s32 s26, s13  }
.Ltmp1:
0x31: {  	_ = 	snop;
	(pc) =	sbr.rel @!p2 .LBB2_10-.Ltmp1, $1  }
0x32: {  	_ =	sdelay $0x3  }
.LBB2_1:
0x33: {  	s0 =	simm.s32 $0x1000  }
0x34: {  	[tilespmem:s0], [sflag:$0x3] =	stream.linear.gather [hbm4b:s7+s3], $0x2700, $0x38;
	[tilespmem:$0x1F180] =	vst v63  }
0x35: {  	_ =	swait.ge [sflag:s15], $0x2700  }
0x36: {  	[sflag:s15] =	ssyncset.done $0x0  }
0x37: {  	s0 =	simm.s32 @!p0 $0x3;
	[sflag:s15] =	ssyncadd.s32 $0xFFFFD900  }
0x38: {  	[spmem:s17], [sflag:s16] =	dma.local @!p0 [hbm:s6], $0x3E80  }
0x39: {  	_ =	swait.ge @!p0 [sflag:s0], $0x3E80  }
0x3a: {  	[sflag:s0] =	ssyncset.done @!p0 $0x0  }
0x3b: {  	[sflag:s0] =	ssyncadd.s32 @!p0 $0xFFFFC180  }
0x3c: {  	s28 =	simm.s32 $0x1000;
	s29 =	simm.s32 $0x0;
	[bflag:$0x0] =	sbarrier.arrive $0xFFFF  }
.LBB2_2:
0x3d: {  	s0 =	sshll.u32 s29, $0xC  }
0x3e: {  	s0 =	sadd.s32 s0, s9  }
0x3f: {  	s0 =	sshrl.u32 s0, $0x3  }
0x40: {  	s30 =	simm.s32 $0x0;
	s0 =	sadd.s32 s5, s0  }
0x41: {  	[tilespmem:s30], [sflag:$0x3] =	stream.linear.gather [hbm4b:s0+s30], $0xD00, $0x38;
	[tilespmem:$0x1F180] =	vst v63  }
0x42: {  	_ =	swait.ge [sflag:s15], $0xD00  }
0x43: {  	[sflag:s15] =	ssyncset.done $0x0  }
0x44: {  	[sflag:s15] =	ssyncadd.s32 $0xFFFFF300  }
0x45: {  	[tilespmem:s19], [sflag:$0x1] =	stream.indirect.gather [hbm4b:s4+s18], $0x80, s30, s18, $0xb8;
	[tilespmem:$0x1F180] =	vst v63  }
0x46: {  	s10 =	simm.s32 $0x80  }
0x47: {  	[tilespmem:s20], [sflag:$0x2] =	stream.indirect.gather [hbm4b:s4+s18], $0x80, s10, s18, $0xb8;
	[tilespmem:$0x1F180] =	vst v63  }
0x48: {  	_ =	swait.ge [sflag:s21], $0x4000  }
0x49: {  	[sflag:s21] =	ssyncset.done $0x0  }
0x4a: {  	s14 =	sadd.s32 $0x0, s28;
	[sflag:s21] =	ssyncadd.s32 $0xFFFFC000  }
0x4b: {  	[spmem:s1] =	stream.indirect.scatter.add.f32 [tilespmem:s19], [sflag:$0x3], $0x80, s14, s18, $0xb8;
	[tilespmem:$0x1F180] =	vst v63  }
0x4c: {  	_ =	swait.ge [sflag:s15], $0x4000  }
0x4d: {  	[sflag:s15] =	ssyncset.done $0x0  }
0x4e: {  	s30 =	simm.s32 $0x100;
	[sflag:s15] =	ssyncadd.s32 $0xFFFFC000  }
0x4f: {  	[tilespmem:s19], [sflag:$0x1] =	stream.indirect.gather [hbm4b:s4+s18], $0x80, s30, s18, $0xb8;
	[tilespmem:$0x1F180] =	vst v63  }
0x50: {  	_ =	swait.ge [sflag:s22], $0x4000  }
0x51: {  	[sflag:s22] =	ssyncset.done $0x0  }
0x52: {  	s0 =	sadd.s32 $0x80, s14;
	s30 =	smul.u32 $0x3400, s29;
	[sflag:s22] =	ssyncadd.s32 $0xFFFFC000  }
0x53: {  	[spmem:s1] =	stream.indirect.scatter.add.f32 [tilespmem:s20], [sflag:$0x3], $0x80, s0, s18, $0xb8;
	[tilespmem:$0x1F180] =	vst v63  }
0x54: {  	s31 =	simm.s32 $0x100;
	_ =	swait.ge [sflag:s15], $0x4000  }
0x55: {  	s30 =	sshra.s32 s30, $0x2;
	s0 =	simm.s32 $0x800;
	[sflag:s15] =	ssyncset.done $0x0  }
.LBB2_3:
0x56: {  	s2 =	sadd.s32 $0x80, s31  }
0x57: {  	[sflag:s15] =	ssyncadd.s32 $0xFFFFC000;
	s14 =	smov.u32 s0;
	s10 =	sadd.s32 $0x400, s0  }
0x58: {  	[tilespmem:s20], [sflag:$0x2] =	stream.indirect.gather [hbm4b:s4+s18], $0x80, s2, s18, $0xb8;
	[tilespmem:$0x1F180] =	vst v63  }
0x59: {  	p2 =	sne.s32 s0, $0x2C00;
	_ =	swait.ge [sflag:s21], $0x4000  }
0x5a: {  	[sflag:s21] =	ssyncset.done $0x0  }
0x5b: {  	s0 =	sadd.s32 s31, s28;
	[sflag:s21] =	ssyncadd.s32 $0xFFFFC000  }
0x5c: {  	[spmem:s1] =	stream.indirect.scatter.add.f32 [tilespmem:s19], [sflag:$0x3], $0x80, s0, s18, $0xb8;
	[tilespmem:$0x1F180] =	vst v63  }
0x5d: {  	_ =	swait.ge [sflag:s15], $0x4000  }
0x5e: {  	[sflag:s15] =	ssyncset.done $0x0  }
0x5f: {  	s2 =	sadd.s32 $0x100, s31;
	[sflag:s15] =	ssyncadd.s32 $0xFFFFC000  }
0x60: {  	[tilespmem:s19], [sflag:$0x1] =	stream.indirect.gather [hbm4b:s4+s18], $0x80, s2, s18, $0xb8;
	[tilespmem:$0x1F180] =	vst v63  }
0x61: {  	_ =	swait.ge [sflag:s22], $0x4000  }
.Ltmp2:
0x62: {  	[sflag:s22] =	ssyncset.done $0x0;
	(pc) =	sbr.rel @p2 .LBB2_3-.Ltmp2, $4  }
0x63: {  	s0 =	sadd.s32 $0x80, s0;
	[sflag:s22] =	ssyncadd.s32 $0xFFFFC000  }
0x64: {  	[spmem:s1] =	stream.indirect.scatter.add.f32 [tilespmem:s20], [sflag:$0x3], $0x80, s0, s18, $0xb8;
	[tilespmem:$0x1F180] =	vst v63  }
0x65: {  	_ =	swait.ge [sflag:s15], $0x4000  }
0x66: {  	s31 =	sshra.s32 s14, $0x2;
	s0 =	smov.u32 s10;
	[sflag:s15] =	ssyncset.done $0x0  }
0x67: {  	s0 =	sadd.s32 $0x80, s31;
	[sflag:s15] =	ssyncadd.s32 $0xFFFFC000  }
0x68: {  	[tilespmem:s20], [sflag:$0x2] =	stream.indirect.gather [hbm4b:s4+s18], $0x80, s0, s18, $0xb8;
	[tilespmem:$0x1F180] =	vst v63  }
0x69: {  	_ =	swait.ge [sflag:s21], $0x4000  }
0x6a: {  	[sflag:s21] =	ssyncset.done $0x0  }
0x6b: {  	s10 =	sadd.s32 s31, s28;
	[sflag:s21] =	ssyncadd.s32 $0xFFFFC000  }
0x6c: {  	[spmem:s1] =	stream.indirect.scatter.add.f32 [tilespmem:s19], [sflag:$0x3], $0x80, s10, s18, $0xb8;
	[tilespmem:$0x1F180] =	vst v63  }
0x6d: {  	_ =	swait.ge [sflag:s15], $0x4000  }
0x6e: {  	[sflag:s15] =	ssyncset.done $0x0  }
0x6f: {  	s2 =	sadd.s32 $0x100, s31;
	[sflag:s15] =	ssyncadd.s32 $0xFFFFC000  }
0x70: {  	[tilespmem:s19], [sflag:$0x1] =	stream.indirect.gather [hbm4b:s4+s18], $0x80, s2, s18, $0xb8;
	[tilespmem:$0x1F180] =	vst v63  }
0x71: {  	_ =	swait.ge [sflag:s22], $0x4000  }
0x72: {  	[sflag:s22] =	ssyncset.done $0x0  }
0x73: {  	s0 =	sadd.s32 $0x80, s10;
	[sflag:s22] =	ssyncadd.s32 $0xFFFFC000  }
0x74: {  	[spmem:s1] =	stream.indirect.scatter.add.f32 [tilespmem:s20], [sflag:$0x3], $0x80, s0, s18, $0xb8;
	[tilespmem:$0x1F180] =	vst v63  }
0x75: {  	_ =	swait.ge [sflag:s15], $0x4000  }
0x76: {  	[sflag:s15] =	ssyncset.done $0x0  }
0x77: {  	[sflag:s15] =	ssyncadd.s32 $0xFFFFC000  }
0x78: {  	[tilespmem:s20], [sflag:$0x2] =	stream.indirect.gather [hbm4b:s4+s18], $0x80, s23, s18, $0xb8;
	[tilespmem:$0x1F180] =	vst v63  }
0x79: {  	_ =	swait.ge [sflag:s21], $0x4000  }
0x7a: {  	[sflag:s21] =	ssyncset.done $0x0  }
0x7b: {  	s14 =	sadd.s32 $0x1C00, s30;
	[sflag:s21] =	ssyncadd.s32 $0xFFFFC000  }
0x7c: {  	[spmem:s1] =	stream.indirect.scatter.add.f32 [tilespmem:s19], [sflag:$0x3], $0x80, s14, s18, $0xb8;
	[tilespmem:$0x1F180] =	vst v63  }
0x7d: {  	_ =	swait.ge [sflag:s15], $0x4000  }
0x7e: {  	[sflag:s15] =	ssyncset.done $0x0  }
0x7f: {  	[sflag:s15] =	ssyncadd.s32 $0xFFFFC000  }
0x80: {  	s29 =	sadd.s32 $0x1, s29;
	_ =	swait.ge [sflag:s22], $0x4000  }
0x81: {  	p2 =	sne.s32 s29, $0x3;
	[sflag:s22] =	ssyncset.done $0x0  }
.Ltmp3:
0x82: {  	s31 =	sadd.s32 $0x1C80, s30;
	[sflag:s22] =	ssyncadd.s32 $0xFFFFC000;
	(pc) =	sbr.rel @p2 .LBB2_2-.Ltmp3, $4  }
0x83: {  	[spmem:s1] =	stream.indirect.scatter.add.f32 [tilespmem:s20], [sflag:$0x3], $0x80, s31, s18, $0xb8;
	[tilespmem:$0x1F180] =	vst v63  }
0x84: {  	_ =	swait.ge [sflag:s15], $0x4000  }
0x85: {  	[sflag:s15] =	ssyncset.done $0x0  }
0x86: {  	s28 =	sadd.s32 $0xD00, s28;
	[sflag:s15] =	ssyncadd.s32 $0xFFFFC000  }
.Ltmp4:
0x87: {  	(pc) =	sbr.rel @!p1 .LBB2_6-.Ltmp4, $1  }
0x88: {  	_ =	sdelay $0x3  }
.Ltmp5:
0x89: {  	(pc) =	sbr.rel @p0 .LBB2_9-.Ltmp5, $4  }
.Ltmp6:
0x8a: {  	(pc) =	sbr.rel @!p0 .LBB2_8-.Ltmp6, $4  }
0x8b: {  	_ = 	snop  }
0x8c: {  	[bflag:$0x0] =	sbarrier.arrive $0xFFFF  }
0x8d: {  	_ = 	snop  }
0x8e: {  	_ = 	snop  }
.LBB2_10:
0x8f: {  	_ =	sfence.sel $0x180000  }
0x90: {  	[bflag:$0x0] =	sbarrier.arrive $0xFFFF  }
0x91: {  	_ =	strace $0x9000004D  }
0x92: {  	s0 =	stileid.u32;
	[bflag:$0x2] =	sbarrier.arrive $0xFFFF  }
0x93: {  	p0 =	sne.s32 s0, $0x0;
	s0 =	rddreg [dreg:$0x3]  }
0x94: {  	s0 =	sadd.s32 @!p0 $0x100000, s0  }
0x95: {  	[sflag:s0] =	ssyncadd.tile.s32 @!p0 $0x1;
	_ =	shalt  }
.Lfunc_end2:
_tile_overlayer_lowered:
.L_overlay_start_2:
0x96: {  	(tag) =	ssettag $0x2  }
0x97: {  	s0 =	rddreg [dreg:$0x0];
	s2 =	stileid.u32  }
0x98: {  	s1 =	rddreg [dreg:$0x1];
	p0 =	sne.s32 s2, $0x0  }
0x99: {  	s3 =	rddreg [dreg:$0x2];
	[bflag:$0x3] =	sbarrier.arrive $0xFFFF;
	s2 =	simm.s32 @!p0 $0x1C03  }
0x9a: {  	[timem:s3], [sflag:s2] =	dma.local @!p0 [hbm:s0], s1  }
0x9b: {  	s0 =	simm.s32 @!p0 $0x3  }
0x9c: {  	_ =	swait.ge @!p0 [sflag:s0], s1  }
0x9d: {  	s1 =	ssub.s32 @!p0 $0x0, s1;
	[sflag:s0] =	ssyncset.done @!p0 $0x0  }
0x9e: {  	[sflag:s0] =	ssyncadd.s32 @!p0 s1  }
0x9f: {  	[bflag:$0x3] =	sbarrier.arrive $0xFFFF  }
0xa0: {  	_ =	shalt  }

// kernel: kernel.25.cloned.1.call-start
scs
__scs_entry_jumppad:
0x0: {  	(pc) =	sbr.rel $0x88, $3  }
0x1: {  	(tag) =	ssettag $0x0;
	lr =	simm.s32 $0x1  }
0x2: {  	[smem:$0x3F91] =	sst lr;
	_ =	strace $0xD0000000  }
0x3: {  	_ = 	snop  }
0x4: {  	_ = 	snop  }
0x5: {  	_ = 	snop  }
0x6: {  	_ = 	snop  }
0x7: {  	_ = 	snop  }
__scs_overlays_trampoline_lowered:
0x8: {  	[smem:$0x3FA0] =	sst s0  }
0x9: {  	[smem:$0x3FA1] =	sst s1  }
0xa: {  	[smem:$0x3FA2] =	sst s2  }
0xb: {  	[smem:$0x3FA3] =	sst s3  }
0xc: {  	[smem:$0x3FA4] =	sst s4  }
0xd: {  	[smem:$0x3FA5] =	sst s5  }
0xe: {  	[smem:$0x3FA6] =	sst s6  }
0xf: {  	[smem:$0x3FA7] =	sst s7  }
0x10: {  	[smem:$0x3FA8] =	sst s8  }
0x11: {  	[smem:$0x3FA9] =	sst s9;
	s0 =	simm.s32 @!p0 $0x0  }
0x12: {  	s1 =	sld [smem:$0x3F8F];
	s0 =	simm.s32 @p0 $0x1  }
0x13: {  	[smem:$0x3FAA] =	sst s0;
	s0 =	simm.s32 @!p1 $0x0  }
0x14: {  	s2 =	sld [smem:$0x3F8E];
	s0 =	simm.s32 @p1 $0x1  }
0x15: {  	[smem:$0x3FAB] =	sst s0;
	s0 =	simm.s32 @!p2 $0x0  }
0x16: {  	s3 =	sld [smem:$0x3FDB];
	s0 =	simm.s32 @p2 $0x1  }
0x17: {  	s4 =	simm.s32 $0x1BF5;
	[smem:$0x3FAD] =	sst s0  }
0x18: {  	s0 =	sld [smem:$0x3F90];
	_ =	swait.ge [sflag:s4], $0x0  }
0x19: {  	s7 =	sld [smem:$0x3F91]  }
0x1a: {  	s8 =	sadd.s32 $0xFFFFE003, lr  }
0x1b: {  	s9 =	sadd.s32 $0xFFFFFEF7, lr;
	s5 =	simm.s32 $0xFFFFFFFF;
	p2 =	slt.u32 s8, $0xFFFFF086  }
0x1c: {  	p1 =	slt.u32 s9, $0xF7A;
	s5 =	simm.s32 @!p2 $0x0  }
0x1d: {  	s5 =	simm.s32 @p1 $0x1;
	p0 =	seq.s32 s7, s2  }
0x1e: {  	s7 =	smul.u32 @!p0 $0xF7A, s2;
	p2 =	seq.s32 @!p0 s5, $0x0  }
0x1f: {  	s9 =	smul.u32 $0xF7A, s1;
	s8 =	simm.s32 @!p0 $0x1BF5;
	p2 =	por !p2, p0  }
0x20: {  	[sflag:s8] =	ssyncset.s32 @!p0 $0xFFFFF086;
	s6 =	sadd.s32 @!p0 s3, s7;
	s7 =	simm.s32 @!p0 $0x108  }
0x21: {  	s3 =	sadd.s32 s3, s9;
	s6 =	sadd.s32 @!p0 $0x88, s6;
	s7 =	simm.s32 @p2 $0x1082  }
0x22: {  	[simem:s7], [sflag:s8] =	dma.local @!p0 [hbm:s6], $0xF7A  }
0x23: {  	s9 =	sor.u32 $0xD0000000, s2;
	s6 =	simm.s32 $0x108;
	_ =	swait.ge @!p0 [sflag:s8], $0x0  }
0x24: {  	s3 =	sadd.s32 $0x88, s3;
	s6 =	simm.s32 @!p1 $0x1082;
	[sflag:s4] =	ssyncset.s32 $0xFFFFF086  }
0x25: {  	[simem:s6], [sflag:s4] =	dma.local [hbm:s3], $0xF7A  }
0x26: {  	[smem:$0x3F91] =	sst s1;
	(tag) =	ssettag s2;
	_ =	strace s9  }
0x27: {  	s1 =	sld [smem:$0x3FA1]  }
0x28: {  	s2 =	sld [smem:$0x3FA2]  }
0x29: {  	s4 =	sld [smem:$0x3FA4]  }
0x2a: {  	p0 =	seq.s32 s5, $0x0;
	s5 =	sld [smem:$0x3FA5]  }
0x2b: {  	s6 =	sld [smem:$0x3FA6]  }
0x2c: {  	s7 =	sld [smem:$0x3FA7]  }
0x2d: {  	s3 =	simm.s32 $0x108;
	s8 =	sld [smem:$0x3FA8]  }
0x2e: {  	s3 =	simm.s32 @!p0 $0x1082;
	s9 =	sld [smem:$0x3FA9]  }
0x2f: {  	lr =	sadd.s32 s0, s3;
	s0 =	sld [smem:$0x3FA0]  }
0x30: {  	s3 =	sld [smem:$0x3FA3]  }
0x31: {  	[smem:$0x3FAC] =	sst s10  }
0x32: {  	s10 =	sld [smem:$0x3FAA];
	_ =	sdelay $0x3  }
0x33: {  	p0 =	seq.s32 s10, $0x1;
	s10 =	sld [smem:$0x3FAC];
	_ =	sdelay $0x3  }
0x34: {  	[smem:$0x3FAC] =	sst s10  }
0x35: {  	s10 =	sld [smem:$0x3FAB];
	_ =	sdelay $0x3  }
0x36: {  	p1 =	seq.s32 s10, $0x1;
	s10 =	sld [smem:$0x3FAC];
	_ =	sdelay $0x3  }
0x37: {  	[smem:$0x3FAC] =	sst s10  }
0x38: {  	s10 =	sld [smem:$0x3FAD]  }
0x39: {  	_ = 	snop;
	(pc) =	sbr.ind lr, $3  }
0x3a: {  	_ = 	snop  }
0x3b: {  	_ = 	snop  }
0x3c: {  	p2 =	seq.s32 s10, $0x1;
	s10 =	sld [smem:$0x3FAC]  }
0x3d: {  	_ =	shalt  }
0x3e: {  	_ =	shalt  }
0x3f: {  	_ =	shalt  }
0x40: {  	_ =	shalt  }
0x41: {  	_ =	shalt  }
0x42: {  	_ =	shalt  }
0x43: {  	_ =	shalt  }
0x44: {  	_ =	shalt  }
0x45: {  	_ =	shalt  }
0x46: {  	_ =	shalt  }
0x47: {  	_ =	shalt  }
0x48: {  	_ =	shalt  }
0x49: {  	_ =	shalt  }
0x4a: {  	_ =	shalt  }
0x4b: {  	_ =	shalt  }
0x4c: {  	_ =	shalt  }
0x4d: {  	_ =	shalt  }
0x4e: {  	_ =	shalt  }
0x4f: {  	_ =	shalt  }
0x50: {  	_ =	shalt  }
0x51: {  	_ =	shalt  }
0x52: {  	_ =	shalt  }
0x53: {  	_ =	shalt  }
0x54: {  	_ =	shalt  }
0x55: {  	_ =	shalt  }
0x56: {  	_ =	shalt  }
0x57: {  	_ =	shalt  }
0x58: {  	_ =	shalt  }
0x59: {  	_ =	shalt  }
0x5a: {  	_ =	shalt  }
0x5b: {  	_ =	shalt  }
0x5c: {  	_ =	shalt  }
0x5d: {  	_ =	shalt  }
0x5e: {  	_ =	shalt  }
0x5f: {  	_ =	shalt  }
0x60: {  	_ =	shalt  }
0x61: {  	_ =	shalt  }
0x62: {  	_ =	shalt  }
0x63: {  	_ =	shalt  }
0x64: {  	_ =	shalt  }
0x65: {  	_ =	shalt  }
0x66: {  	_ =	shalt  }
0x67: {  	_ =	shalt  }
0x68: {  	_ =	shalt  }
0x69: {  	_ =	shalt  }
0x6a: {  	_ =	shalt  }
0x6b: {  	_ =	shalt  }
0x6c: {  	_ =	shalt  }
0x6d: {  	_ =	shalt  }
0x6e: {  	_ =	shalt  }
0x6f: {  	_ =	shalt  }
0x70: {  	_ =	shalt  }
0x71: {  	_ =	shalt  }
0x72: {  	_ =	shalt  }
0x73: {  	_ =	shalt  }
0x74: {  	_ =	shalt  }
0x75: {  	_ =	shalt  }
0x76: {  	_ =	shalt  }
0x77: {  	_ =	shalt  }
0x78: {  	_ =	shalt  }
0x79: {  	_ =	shalt  }
0x7a: {  	_ =	shalt  }
0x7b: {  	_ =	shalt  }
0x7c: {  	_ =	shalt  }
0x7d: {  	_ =	shalt  }
0x7e: {  	_ =	shalt  }
0x7f: {  	_ =	shalt  }
0x80: {  	_ =	shalt  }
0x81: {  	_ =	shalt  }
0x82: {  	_ =	shalt  }
0x83: {  	_ =	shalt  }
0x84: {  	_ =	shalt  }
0x85: {  	_ =	shalt  }
0x86: {  	_ =	shalt  }
0x87: {  	_ =	shalt  }
.Lfunc_end0:
.L_simem_size_0:
called_computation.3_lowered:
.L_overlay_start_0:
0x88: {  	s2 =	sld [smem:$0x3FD9]  }
0x89: {  	s3 =	sld [smem:$0x3FFE];
	_ =	sdelay $0x1  }
0x8a: {  	s1 =	srdreg.scid  }
0x8b: {  	s0 =	sand.u32 $0x1, s1  }
0x8c: {  	s17 =	sshll.u32 s0, $0xA;
	s2 =	sadd.s32 s3, s2  }
0x8d: {  	s2 =	sadd.s32 s2, s17  }
0x8e: {  	[smem:$0x3FB8] =	sst s2  }
0x8f: {  	_ = 	snop  }
0x90: {  	s2 =	sld [smem:$0x3FD0];
	(tm) =	ssettm $0x1  }
0x91: {  	s18 =	sld [smem:$0x3FFB];
	_ =	sdelay $0x3  }
0x92: {  	_ =	strace s18  }
0x93: {  	s3 =	sld [smem:$0x3FFC];
	_ =	sdelay $0x3  }
0x94: {  	_ =	strace s3  }
0x95: {  	s3 =	sld [smem:$0x3FFD];
	_ =	sdelay $0x3  }
0x96: {  	_ =	strace s3  }
0x97: {  	_ =	strace $0x8FFFFFFF  }
0x98: {  	s19 =	sld [smem:$0x3FDB];
	_ =	sdelay $0x1  }
0x99: {  	s4 =	simm.s32 $_scs_section_size  }
0x9a: {  	s5 =	simm.s32 $_size__tile_overlayer_lowered;
	s6 =	simm.s32 $_tile_overlayer_lowered  }
0x9b: {  	s22 =	simm.s32 $0x1BFF;
	s21 =	sshll.u32 s6, $0x1;
	s3 =	sadd.s32 s4, s19  }
0x9c: {  	s7 =	simm.s32 $0x0;
	s20 =	sshll.u32 s5, $0x1;
	s5 =	sadd.s32 s21, s3  }
0x9d: {  	[timem:s7], [sflag:s22] =	dma.local [hbm:s5], s20  }
0x9e: {  	_ =	swait.ge [sflag:s22], s20  }
0x9f: {  	s4 =	ssub.s32 $0x0, s20;
	[sflag:s22] =	ssyncset.done $0x0  }
0xa0: {  	[sflag:s22] =	ssyncadd.s32 s4;
	_ =	sdelay $0x1  }
0xa1: {  	s23 =	simm.s32 $0x1B8B  }
0xa2: {  	_ =	swait.ge [sflag:s23], $0x1  }
0xa3: {  	[sflag:s23] =	ssyncset.done $0x0  }
0xa4: {  	s25 =	simm.s32 $0x1B8E;
	s24 =	sld [smem:$0x3FFE];
	[sflag:s23] =	ssyncadd.s32 $0xFFFFFFFF  }
0xa5: {  	s26 =	simm.s32 $execute0_lowered;
	[smem:$0x3FD2] =	sst s25  }
0xa6: {  	s5 =	sshll.u32 s26, $0x1;
	_ =	strace $0x8000004F;
	[dreg:$0x1] =	wrdreg $0xFFFFFFFF  }
0xa7: {  	s28 =	simm.s32 $_size_execute0_lowered;
	s3 =	sadd.s32 s3, s5;
	[dreg:$0x0] =	wrdreg $0x0  }
0xa8: {  	s5 =	sshll.u32 s28, $0x1;
	[dreg:$0x2] =	wrdreg s3  }
0xa9: {  	[dreg:$0x3] =	wrdreg s5  }
0xaa: {  	[dreg:$0x4] =	wrdreg $0xC0  }
0xab: {  	_ =	task [dreg:s7], $0x5FFFF  }
0xac: {  	[dreg:$0x1] =	wrdreg $0xFFFFFFFF  }
0xad: {  	[dreg:$0x0] =	wrdreg $0x60  }
0xae: {  	[dreg:$0x2] =	wrdreg s24  }
0xaf: {  	[dreg:$0x3] =	wrdreg s2  }
0xb0: {  	[dreg:$0x4] =	wrdreg $0xB9000  }
0xb1: {  	[dreg:$0x5] =	wrdreg $0x9  }
0xb2: {  	_ =	task.clear_ibuf [dreg:s7], $0x6FFFF;
	_ =	strace $0x9000004F  }
0xb3: {  	s29 =	simm.s32 $0x9;
	_ =	strace $0x80000051  }
0xb4: {  	_ =	swait.ge [sflag:s29], $0x1  }
0xb5: {  	[sflag:s29] =	ssyncadd.s32 $0xFFFFFFFF  }
0xb6: {  	_ =	strace $0x90000051  }
0xb7: {  	_ =	sfence  }
0xb8: {  	s30 =	sld [smem:$0x0];
	_ =	sdelay $0x2  }
0xb9: {  	s31 =	sshll.u32 s1, $0xD;
	s1 =	sshrl.u32 s1, $0x2  }
0xba: {  	s3 =	sand.u32 $0x4000, s31;
	s1 =	sadd.s32 s1, s30  }
0xbb: {  	s0 =	sor.u32 s3, s0;
	s1 =	sshll.u32 s1, $0x11  }
0xbc: {  	s0 =	sor.u32 s1, s0  }
0xbd: {  	s0 =	sadd.s32 $0x8F2B, s0  }
0xbe: {  	[sflag:s0] =	ssyncadd.remote.s32 $0x1  }
0xbf: {  	_ =	sfence.sel $0xFFFF  }
0xc0: {  	[dreg:$0x0] =	wrdreg $0xFFFFFFFF;
	(pc) =	sbr.abs _section_cstart, $3  }
0xc1: {  	[dreg:$0x1] =	wrdreg $0xFFFFFFFF  }
0xc2: {  	_ =	task.clear_ibuf [dreg:s7], $0x2FFFF;
	_ =	strace $0x9FFFFFFF  }
0xc3: {  	(tm) =	ssettm $0x7FFFFFFF  }
tec
execute0_lowered:
.L_overlay_start_1:
0x0: {  	(tag) =	ssettag $0x1  }
0x1: {  	s0 =	rddreg [dreg:$0x0]  }
0x2: {  	s11 =	rddreg [dreg:$0x1]  }
0x3: {  	s1 =	rddreg [dreg:$0x2]  }
0x4: {  	s2 =	srdreg.scid;
	s3 =	simm.s32 $0x0;
	s18 =	simm.s32 $0x80  }
0x5: {  	s19 =	simm.s32 $0x3900;
	s20 =	simm.s32 $0x7900;
	s7 =	sand.u32 $0x1, s2  }
0x6: {  	s21 =	simm.s32 $0x1;
	s2 =	stileid.u32;
	s5 =	smul.u32 $0x28000, s7  }
0x7: {  	s22 =	simm.s32 $0x2;
	s23 =	simm.s32 $0xC80;
	s6 =	smul.u32 $0x2800, s2  }
0x8: {  	s24 =	simm.s32 $0x3800;
	s25 =	simm.s32 $0x3880;
	s8 =	smul.u32 $0x138800, s7  }
0x9: {  	s26 =	simm.s32 $0x0;
	[smem:$0x7FF] =	sst s3;
	s12 =	smul.u32 $0x1F400, s2  }
0xa: {  	s4 =	sadd.s32 $0x13800, s0;
	_ =	strace $0x80000050;
	s29 =	smul.u32 $0x7D000, s2  }
0xb: {  	s9 =	sshll.u32 s7, $0x5;
	s10 =	sshll.u32 s2, $0x4;
	s14 =	smul.u32 $0x30000, s7  }
0xc: {  	s30 =	ssub.s32 $0x2, s7;
	s15 =	smul.u32 $0x3000, s2;
	p0 =	sgt.u32 s2, $0x9  }
0xd: {  	p1 =	sgt.u32 s2, $0x1;
	s13 =	sadd.s32 s10, s9;
	s31 =	sshrl.u32 s30, $0x1  }
0xe: {  	s6 =	sadd.s32 s6, s5;
	s5 =	sadd.s32 $0x62400, s0;
	s10 =	sadd.s32 s13, s0  }
0xf: {  	s8 =	sadd.s32 s12, s8;
	s12 =	sshrl.u32 s29, $0x2;
	s16 =	ssub.s32 s30, s31  }
0x10: {  	s9 =	sadd.s32 s15, s14;
	s11 =	sadd.s32 s11, s13;
	s15 =	simm.s32 $0x3  }
.Ltmp0:
0x11: {  	s6 =	sshrl.u32 s6, $0x3;
	s8 =	sshrl.u32 s8, $0x3;
	(pc) =	sbr.rel .LBB2_1-.Ltmp0, $4  }
0x12: {  	s10 =	sadd.s32 $0x62200, s10;
	s13 =	smax.u32 s16, $0x1;
	s28 =	sadd.s32 s6, s0  }
0x13: {  	s6 =	sadd.s32 $0xF800, s0;
	s0 =	sadd.s32 s8, s0;
	s8 =	sadd.s32 s12, s1  }
0x14: {  	[dreg:$0x4] =	wrdreg s10;
	s12 =	sadd.s32 $0x6E400, s0;
	s0 =	sshll.u32 @!p0 s2, $0x6  }
0x15: {  	s7 =	sadd.s32 $0x5800, s28;
	s17 =	sshrl.u32 @!p0 s8, $0x3;
	s16 =	sor.u32 @!p0 $0x1C03, s0  }
.LBB2_6:
0x16: {  	s0 =	rddreg [dreg:$0x4]  }
0x17: {  	[tilespmem:s24], [sflag:$0x3] =	stream.linear.gather [hbm4b:s0+s3], $0x80, $0x38;
	[tilespmem:$0x1F180] =	vst v63  }
0x18: {  	_ =	swait.ge [sflag:s15], $0x80  }
0x19: {  	[sflag:s15] =	ssyncset.done $0x0  }
0x1a: {  	[sflag:s15] =	ssyncadd.s32 $0xFFFFFF80  }
0x1b: {  	[tilespmem:s25], [sflag:$0x3] =	stream.linear.gather [hbm4b:s11+s3], $0x80, $0x38;
	[tilespmem:$0x1F180] =	vst v63  }
0x1c: {  	_ =	swait.ge [sflag:s15], $0x80  }
0x1d: {  	[sflag:s15] =	ssyncset.done $0x0  }
0x1e: {  	[sflag:s15] =	ssyncadd.s32 $0xFFFFFF80  }
0x1f: {  	[tilespmem:s19], [sflag:$0x3] =	stream.indirect.gather [hbm4b:s4+s18], $0x80, s24, s18, $0xb8;
	[tilespmem:$0x1F180] =	vst v63  }
0x20: {  	_ =	swait.ge [sflag:s15], $0x4000  }
0x21: {  	[sflag:s15] =	ssyncset.done $0x0  }
0x22: {  	[sflag:s15] =	ssyncadd.s32 $0xFFFFC000  }
0x23: {  	[spmem:s1] =	stream.indirect.scatter.add.f32 [tilespmem:s19], [sflag:$0x3], $0x80, s25, s18, $0xb8;
	[tilespmem:$0x1F180] =	vst v63  }
0x24: {  	_ =	swait.ge [sflag:s15], $0x4000  }
0x25: {  	[sflag:s15] =	ssyncset.done $0x0  }
0x26: {  	[sflag:s15] =	ssyncadd.s32 $0xFFFFC000  }
0x27: {  	[bflag:$0x0] =	sbarrier.arrive $0xFFFF  }
.LBB2_8:
0x28: {  	s0 =	stileid.u32  }
0x29: {  	s0 =	sshll.u32 s0, $0x6  }
0x2a: {  	s2 =	sshrl.u32 s8, $0x3;
	s0 =	sor.u32 $0x1C03, s0  }
0x2b: {  	[hbm:s12], [sflag:s0] =	dma.local [spmem:s2], $0x3E80  }
0x2c: {  	_ =	swait.ge [sflag:s15], $0x3E80  }
0x2d: {  	[sflag:s15] =	ssyncset.done $0x0  }
0x2e: {  	[sflag:s15] =	ssyncadd.s32 $0xFFFFC180  }
.LBB2_9:
0x2f: {  	s26 =	sadd.s32 $0x1, s26  }
0x30: {  	p2 =	sne.s32 s26, s13  }
.Ltmp1:
0x31: {  	_ = 	snop;
	(pc) =	sbr.rel @!p2 .LBB2_10-.Ltmp1, $1  }
0x32: {  	_ =	sdelay $0x3  }
.LBB2_1:
0x33: {  	s0 =	simm.s32 $0x1000  }
0x34: {  	[tilespmem:s0], [sflag:$0x3] =	stream.linear.gather [hbm4b:s7+s3], $0x2700, $0x38;
	[tilespmem:$0x1F180] =	vst v63  }
0x35: {  	_ =	swait.ge [sflag:s15], $0x2700  }
0x36: {  	[sflag:s15] =	ssyncset.done $0x0  }
0x37: {  	s0 =	simm.s32 @!p0 $0x3;
	[sflag:s15] =	ssyncadd.s32 $0xFFFFD900  }
0x38: {  	[spmem:s17], [sflag:s16] =	dma.local @!p0 [hbm:s6], $0x3E80  }
0x39: {  	_ =	swait.ge @!p0 [sflag:s0], $0x3E80  }
0x3a: {  	[sflag:s0] =	ssyncset.done @!p0 $0x0  }
0x3b: {  	[sflag:s0] =	ssyncadd.s32 @!p0 $0xFFFFC180  }
0x3c: {  	s28 =	simm.s32 $0x1000;
	s29 =	simm.s32 $0x0;
	[bflag:$0x0] =	sbarrier.arrive $0xFFFF  }
.LBB2_2:
0x3d: {  	s0 =	sshll.u32 s29, $0xC  }
0x3e: {  	s0 =	sadd.s32 s0, s9  }
0x3f: {  	s0 =	sshrl.u32 s0, $0x3  }
0x40: {  	s30 =	simm.s32 $0x0;
	s0 =	sadd.s32 s5, s0  }
0x41: {  	[tilespmem:s30], [sflag:$0x3] =	stream.linear.gather [hbm4b:s0+s30], $0xD00, $0x38;
	[tilespmem:$0x1F180] =	vst v63  }
0x42: {  	_ =	swait.ge [sflag:s15], $0xD00  }
0x43: {  	[sflag:s15] =	ssyncset.done $0x0  }
0x44: {  	[sflag:s15] =	ssyncadd.s32 $0xFFFFF300  }
0x45: {  	[tilespmem:s19], [sflag:$0x1] =	stream.indirect.gather [hbm4b:s4+s18], $0x80, s30, s18, $0xb8;
	[tilespmem:$0x1F180] =	vst v63  }
0x46: {  	s10 =	simm.s32 $0x80  }
0x47: {  	[tilespmem:s20], [sflag:$0x2] =	stream.indirect.gather [hbm4b:s4+s18], $0x80, s10, s18, $0xb8;
	[tilespmem:$0x1F180] =	vst v63  }
0x48: {  	_ =	swait.ge [sflag:s21], $0x4000  }
0x49: {  	[sflag:s21] =	ssyncset.done $0x0  }
0x4a: {  	s14 =	sadd.s32 $0x0, s28;
	[sflag:s21] =	ssyncadd.s32 $0xFFFFC000  }
0x4b: {  	[spmem:s1] =	stream.indirect.scatter.add.f32 [tilespmem:s19], [sflag:$0x3], $0x80, s14, s18, $0xb8;
	[tilespmem:$0x1F180] =	vst v63  }
0x4c: {  	_ =	swait.ge [sflag:s15], $0x4000  }
0x4d: {  	[sflag:s15] =	ssyncset.done $0x0  }
0x4e: {  	s30 =	simm.s32 $0x100;
	[sflag:s15] =	ssyncadd.s32 $0xFFFFC000  }
0x4f: {  	[tilespmem:s19], [sflag:$0x1] =	stream.indirect.gather [hbm4b:s4+s18], $0x80, s30, s18, $0xb8;
	[tilespmem:$0x1F180] =	vst v63  }
0x50: {  	_ =	swait.ge [sflag:s22], $0x4000  }
0x51: {  	[sflag:s22] =	ssyncset.done $0x0  }
0x52: {  	s0 =	sadd.s32 $0x80, s14;
	s30 =	smul.u32 $0x3400, s29;
	[sflag:s22] =	ssyncadd.s32 $0xFFFFC000  }
0x53: {  	[spmem:s1] =	stream.indirect.scatter.add.f32 [tilespmem:s20], [sflag:$0x3], $0x80, s0, s18, $0xb8;
	[tilespmem:$0x1F180] =	vst v63  }
0x54: {  	s31 =	simm.s32 $0x100;
	_ =	swait.ge [sflag:s15], $0x4000  }
0x55: {  	s30 =	sshra.s32 s30, $0x2;
	s0 =	simm.s32 $0x800;
	[sflag:s15] =	ssyncset.done $0x0  }
.LBB2_3:
0x56: {  	s2 =	sadd.s32 $0x80, s31  }
0x57: {  	[sflag:s15] =	ssyncadd.s32 $0xFFFFC000;
	s14 =	smov.u32 s0;
	s10 =	sadd.s32 $0x400, s0  }
0x58: {  	[tilespmem:s20], [sflag:$0x2] =	stream.indirect.gather [hbm4b:s4+s18], $0x80, s2, s18, $0xb8;
	[tilespmem:$0x1F180] =	vst v63  }
0x59: {  	p2 =	sne.s32 s0, $0x2C00;
	_ =	swait.ge [sflag:s21], $0x4000  }
0x5a: {  	[sflag:s21] =	ssyncset.done $0x0  }
0x5b: {  	s0 =	sadd.s32 s31, s28;
	[sflag:s21] =	ssyncadd.s32 $0xFFFFC000  }
0x5c: {  	[spmem:s1] =	stream.indirect.scatter.add.f32 [tilespmem:s19], [sflag:$0x3], $0x80, s0, s18, $0xb8;
	[tilespmem:$0x1F180] =	vst v63  }
0x5d: {  	_ =	swait.ge [sflag:s15], $0x4000  }
0x5e: {  	[sflag:s15] =	ssyncset.done $0x0  }
0x5f: {  	s2 =	sadd.s32 $0x100, s31;
	[sflag:s15] =	ssyncadd.s32 $0xFFFFC000  }
0x60: {  	[tilespmem:s19], [sflag:$0x1] =	stream.indirect.gather [hbm4b:s4+s18], $0x80, s2, s18, $0xb8;
	[tilespmem:$0x1F180] =	vst v63  }
0x61: {  	_ =	swait.ge [sflag:s22], $0x4000  }
.Ltmp2:
0x62: {  	[sflag:s22] =	ssyncset.done $0x0;
	(pc) =	sbr.rel @p2 .LBB2_3-.Ltmp2, $4  }
0x63: {  	s0 =	sadd.s32 $0x80, s0;
	[sflag:s22] =	ssyncadd.s32 $0xFFFFC000  }
0x64: {  	[spmem:s1] =	stream.indirect.scatter.add.f32 [tilespmem:s20], [sflag:$0x3], $0x80, s0, s18, $0xb8;
	[tilespmem:$0x1F180] =	vst v63  }
0x65: {  	_ =	swait.ge [sflag:s15], $0x4000  }
0x66: {  	s31 =	sshra.s32 s14, $0x2;
	s0 =	smov.u32 s10;
	[sflag:s15] =	ssyncset.done $0x0  }
0x67: {  	s0 =	sadd.s32 $0x80, s31;
	[sflag:s15] =	ssyncadd.s32 $0xFFFFC000  }
0x68: {  	[tilespmem:s20], [sflag:$0x2] =	stream.indirect.gather [hbm4b:s4+s18], $0x80, s0, s18, $0xb8;
	[tilespmem:$0x1F180] =	vst v63  }
0x69: {  	_ =	swait.ge [sflag:s21], $0x4000  }
0x6a: {  	[sflag:s21] =	ssyncset.done $0x0  }
0x6b: {  	s10 =	sadd.s32 s31, s28;
	[sflag:s21] =	ssyncadd.s32 $0xFFFFC000  }
0x6c: {  	[spmem:s1] =	stream.indirect.scatter.add.f32 [tilespmem:s19], [sflag:$0x3], $0x80, s10, s18, $0xb8;
	[tilespmem:$0x1F180] =	vst v63  }
0x6d: {  	_ =	swait.ge [sflag:s15], $0x4000  }
0x6e: {  	[sflag:s15] =	ssyncset.done $0x0  }
0x6f: {  	s2 =	sadd.s32 $0x100, s31;
	[sflag:s15] =	ssyncadd.s32 $0xFFFFC000  }
0x70: {  	[tilespmem:s19], [sflag:$0x1] =	stream.indirect.gather [hbm4b:s4+s18], $0x80, s2, s18, $0xb8;
	[tilespmem:$0x1F180] =	vst v63  }
0x71: {  	_ =	swait.ge [sflag:s22], $0x4000  }
0x72: {  	[sflag:s22] =	ssyncset.done $0x0  }
0x73: {  	s0 =	sadd.s32 $0x80, s10;
	[sflag:s22] =	ssyncadd.s32 $0xFFFFC000  }
0x74: {  	[spmem:s1] =	stream.indirect.scatter.add.f32 [tilespmem:s20], [sflag:$0x3], $0x80, s0, s18, $0xb8;
	[tilespmem:$0x1F180] =	vst v63  }
0x75: {  	_ =	swait.ge [sflag:s15], $0x4000  }
0x76: {  	[sflag:s15] =	ssyncset.done $0x0  }
0x77: {  	[sflag:s15] =	ssyncadd.s32 $0xFFFFC000  }
0x78: {  	[tilespmem:s20], [sflag:$0x2] =	stream.indirect.gather [hbm4b:s4+s18], $0x80, s23, s18, $0xb8;
	[tilespmem:$0x1F180] =	vst v63  }
0x79: {  	_ =	swait.ge [sflag:s21], $0x4000  }
0x7a: {  	[sflag:s21] =	ssyncset.done $0x0  }
0x7b: {  	s14 =	sadd.s32 $0x1C00, s30;
	[sflag:s21] =	ssyncadd.s32 $0xFFFFC000  }
0x7c: {  	[spmem:s1] =	stream.indirect.scatter.add.f32 [tilespmem:s19], [sflag:$0x3], $0x80, s14, s18, $0xb8;
	[tilespmem:$0x1F180] =	vst v63  }
0x7d: {  	_ =	swait.ge [sflag:s15], $0x4000  }
0x7e: {  	[sflag:s15] =	ssyncset.done $0x0  }
0x7f: {  	[sflag:s15] =	ssyncadd.s32 $0xFFFFC000  }
0x80: {  	s29 =	sadd.s32 $0x1, s29;
	_ =	swait.ge [sflag:s22], $0x4000  }
0x81: {  	p2 =	sne.s32 s29, $0x3;
	[sflag:s22] =	ssyncset.done $0x0  }
.Ltmp3:
0x82: {  	s31 =	sadd.s32 $0x1C80, s30;
	[sflag:s22] =	ssyncadd.s32 $0xFFFFC000;
	(pc) =	sbr.rel @p2 .LBB2_2-.Ltmp3, $4  }
0x83: {  	[spmem:s1] =	stream.indirect.scatter.add.f32 [tilespmem:s20], [sflag:$0x3], $0x80, s31, s18, $0xb8;
	[tilespmem:$0x1F180] =	vst v63  }
0x84: {  	_ =	swait.ge [sflag:s15], $0x4000  }
0x85: {  	[sflag:s15] =	ssyncset.done $0x0  }
0x86: {  	s28 =	sadd.s32 $0xD00, s28;
	[sflag:s15] =	ssyncadd.s32 $0xFFFFC000  }
.Ltmp4:
0x87: {  	(pc) =	sbr.rel @!p1 .LBB2_6-.Ltmp4, $1  }
0x88: {  	_ =	sdelay $0x3  }
.Ltmp5:
0x89: {  	(pc) =	sbr.rel @p0 .LBB2_9-.Ltmp5, $4  }
.Ltmp6:
0x8a: {  	(pc) =	sbr.rel @!p0 .LBB2_8-.Ltmp6, $4  }
0x8b: {  	_ = 	snop  }
0x8c: {  	[bflag:$0x0] =	sbarrier.arrive $0xFFFF  }
0x8d: {  	_ = 	snop  }
0x8e: {  	_ = 	snop  }
.LBB2_10:
0x8f: {  	_ =	sfence.sel $0x180000  }
0x90: {  	[bflag:$0x0] =	sbarrier.arrive $0xFFFF  }
0x91: {  	_ =	strace $0x90000050  }
0x92: {  	s0 =	stileid.u32;
	[bflag:$0x2] =	sbarrier.arrive $0xFFFF  }
0x93: {  	p0 =	sne.s32 s0, $0x0;
	s0 =	rddreg [dreg:$0x3]  }
0x94: {  	s0 =	sadd.s32 @!p0 $0x100000, s0  }
0x95: {  	[sflag:s0] =	ssyncadd.tile.s32 @!p0 $0x1;
	_ =	shalt  }
.Lfunc_end2:
_tile_overlayer_lowered:
.L_overlay_start_2:
0x96: {  	(tag) =	ssettag $0x2  }
0x97: {  	s0 =	rddreg [dreg:$0x0];
	s2 =	stileid.u32  }
0x98: {  	s1 =	rddreg [dreg:$0x1];
	p0 =	sne.s32 s2, $0x0  }
0x99: {  	s3 =	rddreg [dreg:$0x2];
	[bflag:$0x3] =	sbarrier.arrive $0xFFFF;
	s2 =	simm.s32 @!p0 $0x1C03  }
0x9a: {  	[timem:s3], [sflag:s2] =	dma.local @!p0 [hbm:s0], s1  }
0x9b: {  	s0 =	simm.s32 @!p0 $0x3  }
0x9c: {  	_ =	swait.ge @!p0 [sflag:s0], s1  }
0x9d: {  	s1 =	ssub.s32 @!p0 $0x0, s1;
	[sflag:s0] =	ssyncset.done @!p0 $0x0  }
0x9e: {  	[sflag:s0] =	ssyncadd.s32 @!p0 s1  }
0x9f: {  	[bflag:$0x3] =	sbarrier.arrive $0xFFFF  }
0xa0: {  	_ =	shalt  }

// kernel: kernel.28.cloned.1.call-start
scs
__scs_entry_jumppad:
0x0: {  	(pc) =	sbr.rel $0x88, $3  }
0x1: {  	(tag) =	ssettag $0x0;
	lr =	simm.s32 $0x1  }
0x2: {  	[smem:$0x3F91] =	sst lr;
	_ =	strace $0xD0000000  }
0x3: {  	_ = 	snop  }
0x4: {  	_ = 	snop  }
0x5: {  	_ = 	snop  }
0x6: {  	_ = 	snop  }
0x7: {  	_ = 	snop  }
__scs_overlays_trampoline_lowered:
0x8: {  	[smem:$0x3FA0] =	sst s0  }
0x9: {  	[smem:$0x3FA1] =	sst s1  }
0xa: {  	[smem:$0x3FA2] =	sst s2  }
0xb: {  	[smem:$0x3FA3] =	sst s3  }
0xc: {  	[smem:$0x3FA4] =	sst s4  }
0xd: {  	[smem:$0x3FA5] =	sst s5  }
0xe: {  	[smem:$0x3FA6] =	sst s6  }
0xf: {  	[smem:$0x3FA7] =	sst s7  }
0x10: {  	[smem:$0x3FA8] =	sst s8  }
0x11: {  	[smem:$0x3FA9] =	sst s9;
	s0 =	simm.s32 @!p0 $0x0  }
0x12: {  	s1 =	sld [smem:$0x3F8F];
	s0 =	simm.s32 @p0 $0x1  }
0x13: {  	[smem:$0x3FAA] =	sst s0;
	s0 =	simm.s32 @!p1 $0x0  }
0x14: {  	s2 =	sld [smem:$0x3F8E];
	s0 =	simm.s32 @p1 $0x1  }
0x15: {  	[smem:$0x3FAB] =	sst s0;
	s0 =	simm.s32 @!p2 $0x0  }
0x16: {  	s3 =	sld [smem:$0x3FDB];
	s0 =	simm.s32 @p2 $0x1  }
0x17: {  	s4 =	simm.s32 $0x1BF5;
	[smem:$0x3FAD] =	sst s0  }
0x18: {  	s0 =	sld [smem:$0x3F90];
	_ =	swait.ge [sflag:s4], $0x0  }
0x19: {  	s7 =	sld [smem:$0x3F91]  }
0x1a: {  	s8 =	sadd.s32 $0xFFFFE003, lr  }
0x1b: {  	s9 =	sadd.s32 $0xFFFFFEF7, lr;
	s5 =	simm.s32 $0xFFFFFFFF;
	p2 =	slt.u32 s8, $0xFFFFF086  }
0x1c: {  	p1 =	slt.u32 s9, $0xF7A;
	s5 =	simm.s32 @!p2 $0x0  }
0x1d: {  	s5 =	simm.s32 @p1 $0x1;
	p0 =	seq.s32 s7, s2  }
0x1e: {  	s7 =	smul.u32 @!p0 $0xF7A, s2;
	p2 =	seq.s32 @!p0 s5, $0x0  }
0x1f: {  	s9 =	smul.u32 $0xF7A, s1;
	s8 =	simm.s32 @!p0 $0x1BF5;
	p2 =	por !p2, p0  }
0x20: {  	[sflag:s8] =	ssyncset.s32 @!p0 $0xFFFFF086;
	s6 =	sadd.s32 @!p0 s3, s7;
	s7 =	simm.s32 @!p0 $0x108  }
0x21: {  	s3 =	sadd.s32 s3, s9;
	s6 =	sadd.s32 @!p0 $0x88, s6;
	s7 =	simm.s32 @p2 $0x1082  }
0x22: {  	[simem:s7], [sflag:s8] =	dma.local @!p0 [hbm:s6], $0xF7A  }
0x23: {  	s9 =	sor.u32 $0xD0000000, s2;
	s6 =	simm.s32 $0x108;
	_ =	swait.ge @!p0 [sflag:s8], $0x0  }
0x24: {  	s3 =	sadd.s32 $0x88, s3;
	s6 =	simm.s32 @!p1 $0x1082;
	[sflag:s4] =	ssyncset.s32 $0xFFFFF086  }
0x25: {  	[simem:s6], [sflag:s4] =	dma.local [hbm:s3], $0xF7A  }
0x26: {  	[smem:$0x3F91] =	sst s1;
	(tag) =	ssettag s2;
	_ =	strace s9  }
0x27: {  	s1 =	sld [smem:$0x3FA1]  }
0x28: {  	s2 =	sld [smem:$0x3FA2]  }
0x29: {  	s4 =	sld [smem:$0x3FA4]  }
0x2a: {  	p0 =	seq.s32 s5, $0x0;
	s5 =	sld [smem:$0x3FA5]  }
0x2b: {  	s6 =	sld [smem:$0x3FA6]  }
0x2c: {  	s7 =	sld [smem:$0x3FA7]  }
0x2d: {  	s3 =	simm.s32 $0x108;
	s8 =	sld [smem:$0x3FA8]  }
0x2e: {  	s3 =	simm.s32 @!p0 $0x1082;
	s9 =	sld [smem:$0x3FA9]  }
0x2f: {  	lr =	sadd.s32 s0, s3;
	s0 =	sld [smem:$0x3FA0]  }
0x30: {  	s3 =	sld [smem:$0x3FA3]  }
0x31: {  	[smem:$0x3FAC] =	sst s10  }
0x32: {  	s10 =	sld [smem:$0x3FAA];
	_ =	sdelay $0x3  }
0x33: {  	p0 =	seq.s32 s10, $0x1;
	s10 =	sld [smem:$0x3FAC];
	_ =	sdelay $0x3  }
0x34: {  	[smem:$0x3FAC] =	sst s10  }
0x35: {  	s10 =	sld [smem:$0x3FAB];
	_ =	sdelay $0x3  }
0x36: {  	p1 =	seq.s32 s10, $0x1;
	s10 =	sld [smem:$0x3FAC];
	_ =	sdelay $0x3  }
0x37: {  	[smem:$0x3FAC] =	sst s10  }
0x38: {  	s10 =	sld [smem:$0x3FAD]  }
0x39: {  	_ = 	snop;
	(pc) =	sbr.ind lr, $3  }
0x3a: {  	_ = 	snop  }
0x3b: {  	_ = 	snop  }
0x3c: {  	p2 =	seq.s32 s10, $0x1;
	s10 =	sld [smem:$0x3FAC]  }
0x3d: {  	_ =	shalt  }
0x3e: {  	_ =	shalt  }
0x3f: {  	_ =	shalt  }
0x40: {  	_ =	shalt  }
0x41: {  	_ =	shalt  }
0x42: {  	_ =	shalt  }
0x43: {  	_ =	shalt  }
0x44: {  	_ =	shalt  }
0x45: {  	_ =	shalt  }
0x46: {  	_ =	shalt  }
0x47: {  	_ =	shalt  }
0x48: {  	_ =	shalt  }
0x49: {  	_ =	shalt  }
0x4a: {  	_ =	shalt  }
0x4b: {  	_ =	shalt  }
0x4c: {  	_ =	shalt  }
0x4d: {  	_ =	shalt  }
0x4e: {  	_ =	shalt  }
0x4f: {  	_ =	shalt  }
0x50: {  	_ =	shalt  }
0x51: {  	_ =	shalt  }
0x52: {  	_ =	shalt  }
0x53: {  	_ =	shalt  }
0x54: {  	_ =	shalt  }
0x55: {  	_ =	shalt  }
0x56: {  	_ =	shalt  }
0x57: {  	_ =	shalt  }
0x58: {  	_ =	shalt  }
0x59: {  	_ =	shalt  }
0x5a: {  	_ =	shalt  }
0x5b: {  	_ =	shalt  }
0x5c: {  	_ =	shalt  }
0x5d: {  	_ =	shalt  }
0x5e: {  	_ =	shalt  }
0x5f: {  	_ =	shalt  }
0x60: {  	_ =	shalt  }
0x61: {  	_ =	shalt  }
0x62: {  	_ =	shalt  }
0x63: {  	_ =	shalt  }
0x64: {  	_ =	shalt  }
0x65: {  	_ =	shalt  }
0x66: {  	_ =	shalt  }
0x67: {  	_ =	shalt  }
0x68: {  	_ =	shalt  }
0x69: {  	_ =	shalt  }
0x6a: {  	_ =	shalt  }
0x6b: {  	_ =	shalt  }
0x6c: {  	_ =	shalt  }
0x6d: {  	_ =	shalt  }
0x6e: {  	_ =	shalt  }
0x6f: {  	_ =	shalt  }
0x70: {  	_ =	shalt  }
0x71: {  	_ =	shalt  }
0x72: {  	_ =	shalt  }
0x73: {  	_ =	shalt  }
0x74: {  	_ =	shalt  }
0x75: {  	_ =	shalt  }
0x76: {  	_ =	shalt  }
0x77: {  	_ =	shalt  }
0x78: {  	_ =	shalt  }
0x79: {  	_ =	shalt  }
0x7a: {  	_ =	shalt  }
0x7b: {  	_ =	shalt  }
0x7c: {  	_ =	shalt  }
0x7d: {  	_ =	shalt  }
0x7e: {  	_ =	shalt  }
0x7f: {  	_ =	shalt  }
0x80: {  	_ =	shalt  }
0x81: {  	_ =	shalt  }
0x82: {  	_ =	shalt  }
0x83: {  	_ =	shalt  }
0x84: {  	_ =	shalt  }
0x85: {  	_ =	shalt  }
0x86: {  	_ =	shalt  }
0x87: {  	_ =	shalt  }
.Lfunc_end0:
.L_simem_size_0:
called_computation.4_lowered:
.L_overlay_start_0:
0x88: {  	s2 =	sld [smem:$0x3FD9]  }
0x89: {  	s3 =	sld [smem:$0x3FFE];
	_ =	sdelay $0x1  }
0x8a: {  	s1 =	srdreg.scid  }
0x8b: {  	s0 =	sand.u32 $0x1, s1  }
0x8c: {  	s17 =	sshll.u32 s0, $0xA;
	s2 =	sadd.s32 s3, s2  }
0x8d: {  	s2 =	sadd.s32 s2, s17  }
0x8e: {  	[smem:$0x3FB8] =	sst s2  }
0x8f: {  	_ = 	snop  }
0x90: {  	s2 =	sld [smem:$0x3FD0];
	(tm) =	ssettm $0x1  }
0x91: {  	s18 =	sld [smem:$0x3FFB];
	_ =	sdelay $0x3  }
0x92: {  	_ =	strace s18  }
0x93: {  	s3 =	sld [smem:$0x3FFC];
	_ =	sdelay $0x3  }
0x94: {  	_ =	strace s3  }
0x95: {  	s3 =	sld [smem:$0x3FFD];
	_ =	sdelay $0x3  }
0x96: {  	_ =	strace s3  }
0x97: {  	_ =	strace $0x8FFFFFFF  }
0x98: {  	s19 =	sld [smem:$0x3FDB];
	_ =	sdelay $0x1  }
0x99: {  	s4 =	simm.s32 $_scs_section_size  }
0x9a: {  	s5 =	simm.s32 $_size__tile_overlayer_lowered;
	s6 =	simm.s32 $_tile_overlayer_lowered  }
0x9b: {  	s22 =	simm.s32 $0x1BFF;
	s21 =	sshll.u32 s6, $0x1;
	s3 =	sadd.s32 s4, s19  }
0x9c: {  	s7 =	simm.s32 $0x0;
	s20 =	sshll.u32 s5, $0x1;
	s5 =	sadd.s32 s21, s3  }
0x9d: {  	[timem:s7], [sflag:s22] =	dma.local [hbm:s5], s20  }
0x9e: {  	_ =	swait.ge [sflag:s22], s20  }
0x9f: {  	s4 =	ssub.s32 $0x0, s20;
	[sflag:s22] =	ssyncset.done $0x0  }
0xa0: {  	[sflag:s22] =	ssyncadd.s32 s4;
	_ =	sdelay $0x1  }
0xa1: {  	s23 =	simm.s32 $0x1B8B  }
0xa2: {  	_ =	swait.ge [sflag:s23], $0x1  }
0xa3: {  	[sflag:s23] =	ssyncset.done $0x0  }
0xa4: {  	s25 =	simm.s32 $0x1B8E;
	s24 =	sld [smem:$0x3FFE];
	[sflag:s23] =	ssyncadd.s32 $0xFFFFFFFF  }
0xa5: {  	s26 =	simm.s32 $execute0_lowered;
	[smem:$0x3FD2] =	sst s25  }
0xa6: {  	s5 =	sshll.u32 s26, $0x1;
	_ =	strace $0x80000052;
	[dreg:$0x1] =	wrdreg $0xFFFFFFFF  }
0xa7: {  	s28 =	simm.s32 $_size_execute0_lowered;
	s3 =	sadd.s32 s3, s5;
	[dreg:$0x0] =	wrdreg $0x0  }
0xa8: {  	s5 =	sshll.u32 s28, $0x1;
	[dreg:$0x2] =	wrdreg s3  }
0xa9: {  	[dreg:$0x3] =	wrdreg s5  }
0xaa: {  	[dreg:$0x4] =	wrdreg $0xC0  }
0xab: {  	_ =	task [dreg:s7], $0x5FFFF  }
0xac: {  	[dreg:$0x1] =	wrdreg $0xFFFFFFFF  }
0xad: {  	[dreg:$0x0] =	wrdreg $0x60  }
0xae: {  	[dreg:$0x2] =	wrdreg s24  }
0xaf: {  	[dreg:$0x3] =	wrdreg s2  }
0xb0: {  	[dreg:$0x4] =	wrdreg $0xB9000  }
0xb1: {  	[dreg:$0x5] =	wrdreg $0x9  }
0xb2: {  	_ =	task.clear_ibuf [dreg:s7], $0x6FFFF;
	_ =	strace $0x90000052  }
0xb3: {  	s29 =	simm.s32 $0x9;
	_ =	strace $0x80000054  }
0xb4: {  	_ =	swait.ge [sflag:s29], $0x1  }
0xb5: {  	[sflag:s29] =	ssyncadd.s32 $0xFFFFFFFF  }
0xb6: {  	_ =	strace $0x90000054  }
0xb7: {  	_ =	sfence  }
0xb8: {  	s30 =	sld [smem:$0x0];
	_ =	sdelay $0x2  }
0xb9: {  	s31 =	sshll.u32 s1, $0xD;
	s1 =	sshrl.u32 s1, $0x2  }
0xba: {  	s3 =	sand.u32 $0x4000, s31;
	s1 =	sadd.s32 s1, s30  }
0xbb: {  	s0 =	sor.u32 s3, s0;
	s1 =	sshll.u32 s1, $0x11  }
0xbc: {  	s0 =	sor.u32 s1, s0  }
0xbd: {  	s0 =	sadd.s32 $0x8F2B, s0  }
0xbe: {  	[sflag:s0] =	ssyncadd.remote.s32 $0x1  }
0xbf: {  	_ =	sfence.sel $0xFFFF  }
0xc0: {  	[dreg:$0x0] =	wrdreg $0xFFFFFFFF;
	(pc) =	sbr.abs _section_cstart, $3  }
0xc1: {  	[dreg:$0x1] =	wrdreg $0xFFFFFFFF  }
0xc2: {  	_ =	task.clear_ibuf [dreg:s7], $0x2FFFF;
	_ =	strace $0x9FFFFFFF  }
0xc3: {  	(tm) =	ssettm $0x7FFFFFFF  }
tec
execute0_lowered:
.L_overlay_start_1:
0x0: {  	(tag) =	ssettag $0x1  }
0x1: {  	s0 =	rddreg [dreg:$0x0]  }
0x2: {  	s11 =	rddreg [dreg:$0x1]  }
0x3: {  	s1 =	rddreg [dreg:$0x2]  }
0x4: {  	s2 =	srdreg.scid;
	s3 =	simm.s32 $0x0;
	s18 =	simm.s32 $0x80  }
0x5: {  	s19 =	simm.s32 $0x3900;
	s20 =	simm.s32 $0x7900;
	s7 =	sand.u32 $0x1, s2  }
0x6: {  	s21 =	simm.s32 $0x1;
	s2 =	stileid.u32;
	s5 =	smul.u32 $0x28000, s7  }
0x7: {  	s22 =	simm.s32 $0x2;
	s23 =	simm.s32 $0xC80;
	s6 =	smul.u32 $0x2800, s2  }
0x8: {  	s24 =	simm.s32 $0x3800;
	s25 =	simm.s32 $0x3880;
	s8 =	smul.u32 $0x138800, s7  }
0x9: {  	s26 =	simm.s32 $0x0;
	[smem:$0x7FF] =	sst s3;
	s12 =	smul.u32 $0x1F400, s2  }
0xa: {  	s4 =	sadd.s32 $0x13800, s0;
	_ =	strace $0x80000053;
	s29 =	smul.u32 $0x7D000, s2  }
0xb: {  	s9 =	sshll.u32 s7, $0x5;
	s10 =	sshll.u32 s2, $0x4;
	s14 =	smul.u32 $0x30000, s7  }
0xc: {  	s30 =	ssub.s32 $0x2, s7;
	s15 =	smul.u32 $0x3000, s2;
	p0 =	sgt.u32 s2, $0x9  }
0xd: {  	p1 =	sgt.u32 s2, $0x1;
	s13 =	sadd.s32 s10, s9;
	s31 =	sshrl.u32 s30, $0x1  }
0xe: {  	s6 =	sadd.s32 s6, s5;
	s5 =	sadd.s32 $0x62400, s0;
	s10 =	sadd.s32 s13, s0  }
0xf: {  	s8 =	sadd.s32 s12, s8;
	s12 =	sshrl.u32 s29, $0x2;
	s16 =	ssub.s32 s30, s31  }
0x10: {  	s9 =	sadd.s32 s15, s14;
	s11 =	sadd.s32 s11, s13;
	s15 =	simm.s32 $0x3  }
.Ltmp0:
0x11: {  	s6 =	sshrl.u32 s6, $0x3;
	s8 =	sshrl.u32 s8, $0x3;
	(pc) =	sbr.rel .LBB2_1-.Ltmp0, $4  }
0x12: {  	s10 =	sadd.s32 $0x62200, s10;
	s13 =	smax.u32 s16, $0x1;
	s28 =	sadd.s32 s6, s0  }
0x13: {  	s6 =	sadd.s32 $0xF800, s0;
	s0 =	sadd.s32 s8, s0;
	s8 =	sadd.s32 s12, s1  }
0x14: {  	[dreg:$0x4] =	wrdreg s10;
	s12 =	sadd.s32 $0x6E400, s0;
	s0 =	sshll.u32 @!p0 s2, $0x6  }
0x15: {  	s7 =	sadd.s32 $0x5800, s28;
	s17 =	sshrl.u32 @!p0 s8, $0x3;
	s16 =	sor.u32 @!p0 $0x1C03, s0  }
.LBB2_6:
0x16: {  	s0 =	rddreg [dreg:$0x4]  }
0x17: {  	[tilespmem:s24], [sflag:$0x3] =	stream.linear.gather [hbm4b:s0+s3], $0x80, $0x38;
	[tilespmem:$0x1F180] =	vst v63  }
0x18: {  	_ =	swait.ge [sflag:s15], $0x80  }
0x19: {  	[sflag:s15] =	ssyncset.done $0x0  }
0x1a: {  	[sflag:s15] =	ssyncadd.s32 $0xFFFFFF80  }
0x1b: {  	[tilespmem:s25], [sflag:$0x3] =	stream.linear.gather [hbm4b:s11+s3], $0x80, $0x38;
	[tilespmem:$0x1F180] =	vst v63  }
0x1c: {  	_ =	swait.ge [sflag:s15], $0x80  }
0x1d: {  	[sflag:s15] =	ssyncset.done $0x0  }
0x1e: {  	[sflag:s15] =	ssyncadd.s32 $0xFFFFFF80  }
0x1f: {  	[tilespmem:s19], [sflag:$0x3] =	stream.indirect.gather [hbm4b:s4+s18], $0x80, s24, s18, $0xb8;
	[tilespmem:$0x1F180] =	vst v63  }
0x20: {  	_ =	swait.ge [sflag:s15], $0x4000  }
0x21: {  	[sflag:s15] =	ssyncset.done $0x0  }
0x22: {  	[sflag:s15] =	ssyncadd.s32 $0xFFFFC000  }
0x23: {  	[spmem:s1] =	stream.indirect.scatter.add.f32 [tilespmem:s19], [sflag:$0x3], $0x80, s25, s18, $0xb8;
	[tilespmem:$0x1F180] =	vst v63  }
0x24: {  	_ =	swait.ge [sflag:s15], $0x4000  }
0x25: {  	[sflag:s15] =	ssyncset.done $0x0  }
0x26: {  	[sflag:s15] =	ssyncadd.s32 $0xFFFFC000  }
0x27: {  	[bflag:$0x0] =	sbarrier.arrive $0xFFFF  }
.LBB2_8:
0x28: {  	s0 =	stileid.u32  }
0x29: {  	s0 =	sshll.u32 s0, $0x6  }
0x2a: {  	s2 =	sshrl.u32 s8, $0x3;
	s0 =	sor.u32 $0x1C03, s0  }
0x2b: {  	[hbm:s12], [sflag:s0] =	dma.local [spmem:s2], $0x3E80  }
0x2c: {  	_ =	swait.ge [sflag:s15], $0x3E80  }
0x2d: {  	[sflag:s15] =	ssyncset.done $0x0  }
0x2e: {  	[sflag:s15] =	ssyncadd.s32 $0xFFFFC180  }
.LBB2_9:
0x2f: {  	s26 =	sadd.s32 $0x1, s26  }
0x30: {  	p2 =	sne.s32 s26, s13  }
.Ltmp1:
0x31: {  	_ = 	snop;
	(pc) =	sbr.rel @!p2 .LBB2_10-.Ltmp1, $1  }
0x32: {  	_ =	sdelay $0x3  }
.LBB2_1:
0x33: {  	s0 =	simm.s32 $0x1000  }
0x34: {  	[tilespmem:s0], [sflag:$0x3] =	stream.linear.gather [hbm4b:s7+s3], $0x2700, $0x38;
	[tilespmem:$0x1F180] =	vst v63  }
0x35: {  	_ =	swait.ge [sflag:s15], $0x2700  }
0x36: {  	[sflag:s15] =	ssyncset.done $0x0  }
0x37: {  	s0 =	simm.s32 @!p0 $0x3;
	[sflag:s15] =	ssyncadd.s32 $0xFFFFD900  }
0x38: {  	[spmem:s17], [sflag:s16] =	dma.local @!p0 [hbm:s6], $0x3E80  }
0x39: {  	_ =	swait.ge @!p0 [sflag:s0], $0x3E80  }
0x3a: {  	[sflag:s0] =	ssyncset.done @!p0 $0x0  }
0x3b: {  	[sflag:s0] =	ssyncadd.s32 @!p0 $0xFFFFC180  }
0x3c: {  	s28 =	simm.s32 $0x1000;
	s29 =	simm.s32 $0x0;
	[bflag:$0x0] =	sbarrier.arrive $0xFFFF  }
.LBB2_2:
0x3d: {  	s0 =	sshll.u32 s29, $0xC  }
0x3e: {  	s0 =	sadd.s32 s0, s9  }
0x3f: {  	s0 =	sshrl.u32 s0, $0x3  }
0x40: {  	s30 =	simm.s32 $0x0;
	s0 =	sadd.s32 s5, s0  }
0x41: {  	[tilespmem:s30], [sflag:$0x3] =	stream.linear.gather [hbm4b:s0+s30], $0xD00, $0x38;
	[tilespmem:$0x1F180] =	vst v63  }
0x42: {  	_ =	swait.ge [sflag:s15], $0xD00  }
0x43: {  	[sflag:s15] =	ssyncset.done $0x0  }
0x44: {  	[sflag:s15] =	ssyncadd.s32 $0xFFFFF300  }
0x45: {  	[tilespmem:s19], [sflag:$0x1] =	stream.indirect.gather [hbm4b:s4+s18], $0x80, s30, s18, $0xb8;
	[tilespmem:$0x1F180] =	vst v63  }
0x46: {  	s10 =	simm.s32 $0x80  }
0x47: {  	[tilespmem:s20], [sflag:$0x2] =	stream.indirect.gather [hbm4b:s4+s18], $0x80, s10, s18, $0xb8;
	[tilespmem:$0x1F180] =	vst v63  }
0x48: {  	_ =	swait.ge [sflag:s21], $0x4000  }
0x49: {  	[sflag:s21] =	ssyncset.done $0x0  }
0x4a: {  	s14 =	sadd.s32 $0x0, s28;
	[sflag:s21] =	ssyncadd.s32 $0xFFFFC000  }
0x4b: {  	[spmem:s1] =	stream.indirect.scatter.add.f32 [tilespmem:s19], [sflag:$0x3], $0x80, s14, s18, $0xb8;
	[tilespmem:$0x1F180] =	vst v63  }
0x4c: {  	_ =	swait.ge [sflag:s15], $0x4000  }
0x4d: {  	[sflag:s15] =	ssyncset.done $0x0  }
0x4e: {  	s30 =	simm.s32 $0x100;
	[sflag:s15] =	ssyncadd.s32 $0xFFFFC000  }
0x4f: {  	[tilespmem:s19], [sflag:$0x1] =	stream.indirect.gather [hbm4b:s4+s18], $0x80, s30, s18, $0xb8;
	[tilespmem:$0x1F180] =	vst v63  }
0x50: {  	_ =	swait.ge [sflag:s22], $0x4000  }
0x51: {  	[sflag:s22] =	ssyncset.done $0x0  }
0x52: {  	s0 =	sadd.s32 $0x80, s14;
	s30 =	smul.u32 $0x3400, s29;
	[sflag:s22] =	ssyncadd.s32 $0xFFFFC000  }
0x53: {  	[spmem:s1] =	stream.indirect.scatter.add.f32 [tilespmem:s20], [sflag:$0x3], $0x80, s0, s18, $0xb8;
	[tilespmem:$0x1F180] =	vst v63  }
0x54: {  	s31 =	simm.s32 $0x100;
	_ =	swait.ge [sflag:s15], $0x4000  }
0x55: {  	s30 =	sshra.s32 s30, $0x2;
	s0 =	simm.s32 $0x800;
	[sflag:s15] =	ssyncset.done $0x0  }
.LBB2_3:
0x56: {  	s2 =	sadd.s32 $0x80, s31  }
0x57: {  	[sflag:s15] =	ssyncadd.s32 $0xFFFFC000;
	s14 =	smov.u32 s0;
	s10 =	sadd.s32 $0x400, s0  }
0x58: {  	[tilespmem:s20], [sflag:$0x2] =	stream.indirect.gather [hbm4b:s4+s18], $0x80, s2, s18, $0xb8;
	[tilespmem:$0x1F180] =	vst v63  }
0x59: {  	p2 =	sne.s32 s0, $0x2C00;
	_ =	swait.ge [sflag:s21], $0x4000  }
0x5a: {  	[sflag:s21] =	ssyncset.done $0x0  }
0x5b: {  	s0 =	sadd.s32 s31, s28;
	[sflag:s21] =	ssyncadd.s32 $0xFFFFC000  }
0x5c: {  	[spmem:s1] =	stream.indirect.scatter.add.f32 [tilespmem:s19], [sflag:$0x3], $0x80, s0, s18, $0xb8;
	[tilespmem:$0x1F180] =	vst v63  }
0x5d: {  	_ =	swait.ge [sflag:s15], $0x4000  }
0x5e: {  	[sflag:s15] =	ssyncset.done $0x0  }
0x5f: {  	s2 =	sadd.s32 $0x100, s31;
	[sflag:s15] =	ssyncadd.s32 $0xFFFFC000  }
0x60: {  	[tilespmem:s19], [sflag:$0x1] =	stream.indirect.gather [hbm4b:s4+s18], $0x80, s2, s18, $0xb8;
	[tilespmem:$0x1F180] =	vst v63  }
0x61: {  	_ =	swait.ge [sflag:s22], $0x4000  }
.Ltmp2:
0x62: {  	[sflag:s22] =	ssyncset.done $0x0;
	(pc) =	sbr.rel @p2 .LBB2_3-.Ltmp2, $4  }
0x63: {  	s0 =	sadd.s32 $0x80, s0;
	[sflag:s22] =	ssyncadd.s32 $0xFFFFC000  }
0x64: {  	[spmem:s1] =	stream.indirect.scatter.add.f32 [tilespmem:s20], [sflag:$0x3], $0x80, s0, s18, $0xb8;
	[tilespmem:$0x1F180] =	vst v63  }
0x65: {  	_ =	swait.ge [sflag:s15], $0x4000  }
0x66: {  	s31 =	sshra.s32 s14, $0x2;
	s0 =	smov.u32 s10;
	[sflag:s15] =	ssyncset.done $0x0  }
0x67: {  	s0 =	sadd.s32 $0x80, s31;
	[sflag:s15] =	ssyncadd.s32 $0xFFFFC000  }
0x68: {  	[tilespmem:s20], [sflag:$0x2] =	stream.indirect.gather [hbm4b:s4+s18], $0x80, s0, s18, $0xb8;
	[tilespmem:$0x1F180] =	vst v63  }
0x69: {  	_ =	swait.ge [sflag:s21], $0x4000  }
0x6a: {  	[sflag:s21] =	ssyncset.done $0x0  }
0x6b: {  	s10 =	sadd.s32 s31, s28;
	[sflag:s21] =	ssyncadd.s32 $0xFFFFC000  }
0x6c: {  	[spmem:s1] =	stream.indirect.scatter.add.f32 [tilespmem:s19], [sflag:$0x3], $0x80, s10, s18, $0xb8;
	[tilespmem:$0x1F180] =	vst v63  }
0x6d: {  	_ =	swait.ge [sflag:s15], $0x4000  }
0x6e: {  	[sflag:s15] =	ssyncset.done $0x0  }
0x6f: {  	s2 =	sadd.s32 $0x100, s31;
	[sflag:s15] =	ssyncadd.s32 $0xFFFFC000  }
0x70: {  	[tilespmem:s19], [sflag:$0x1] =	stream.indirect.gather [hbm4b:s4+s18], $0x80, s2, s18, $0xb8;
	[tilespmem:$0x1F180] =	vst v63  }
0x71: {  	_ =	swait.ge [sflag:s22], $0x4000  }
0x72: {  	[sflag:s22] =	ssyncset.done $0x0  }
0x73: {  	s0 =	sadd.s32 $0x80, s10;
	[sflag:s22] =	ssyncadd.s32 $0xFFFFC000  }
0x74: {  	[spmem:s1] =	stream.indirect.scatter.add.f32 [tilespmem:s20], [sflag:$0x3], $0x80, s0, s18, $0xb8;
	[tilespmem:$0x1F180] =	vst v63  }
0x75: {  	_ =	swait.ge [sflag:s15], $0x4000  }
0x76: {  	[sflag:s15] =	ssyncset.done $0x0  }
0x77: {  	[sflag:s15] =	ssyncadd.s32 $0xFFFFC000  }
0x78: {  	[tilespmem:s20], [sflag:$0x2] =	stream.indirect.gather [hbm4b:s4+s18], $0x80, s23, s18, $0xb8;
	[tilespmem:$0x1F180] =	vst v63  }
0x79: {  	_ =	swait.ge [sflag:s21], $0x4000  }
0x7a: {  	[sflag:s21] =	ssyncset.done $0x0  }
0x7b: {  	s14 =	sadd.s32 $0x1C00, s30;
	[sflag:s21] =	ssyncadd.s32 $0xFFFFC000  }
0x7c: {  	[spmem:s1] =	stream.indirect.scatter.add.f32 [tilespmem:s19], [sflag:$0x3], $0x80, s14, s18, $0xb8;
	[tilespmem:$0x1F180] =	vst v63  }
0x7d: {  	_ =	swait.ge [sflag:s15], $0x4000  }
0x7e: {  	[sflag:s15] =	ssyncset.done $0x0  }
0x7f: {  	[sflag:s15] =	ssyncadd.s32 $0xFFFFC000  }
0x80: {  	s29 =	sadd.s32 $0x1, s29;
	_ =	swait.ge [sflag:s22], $0x4000  }
0x81: {  	p2 =	sne.s32 s29, $0x3;
	[sflag:s22] =	ssyncset.done $0x0  }
.Ltmp3:
0x82: {  	s31 =	sadd.s32 $0x1C80, s30;
	[sflag:s22] =	ssyncadd.s32 $0xFFFFC000;
	(pc) =	sbr.rel @p2 .LBB2_2-.Ltmp3, $4  }
0x83: {  	[spmem:s1] =	stream.indirect.scatter.add.f32 [tilespmem:s20], [sflag:$0x3], $0x80, s31, s18, $0xb8;
	[tilespmem:$0x1F180] =	vst v63  }
0x84: {  	_ =	swait.ge [sflag:s15], $0x4000  }
0x85: {  	[sflag:s15] =	ssyncset.done $0x0  }
0x86: {  	s28 =	sadd.s32 $0xD00, s28;
	[sflag:s15] =	ssyncadd.s32 $0xFFFFC000  }
.Ltmp4:
0x87: {  	(pc) =	sbr.rel @!p1 .LBB2_6-.Ltmp4, $1  }
0x88: {  	_ =	sdelay $0x3  }
.Ltmp5:
0x89: {  	(pc) =	sbr.rel @p0 .LBB2_9-.Ltmp5, $4  }
.Ltmp6:
0x8a: {  	(pc) =	sbr.rel @!p0 .LBB2_8-.Ltmp6, $4  }
0x8b: {  	_ = 	snop  }
0x8c: {  	[bflag:$0x0] =	sbarrier.arrive $0xFFFF  }
0x8d: {  	_ = 	snop  }
0x8e: {  	_ = 	snop  }
.LBB2_10:
0x8f: {  	_ =	sfence.sel $0x180000  }
0x90: {  	[bflag:$0x0] =	sbarrier.arrive $0xFFFF  }
0x91: {  	_ =	strace $0x90000053  }
0x92: {  	s0 =	stileid.u32;
	[bflag:$0x2] =	sbarrier.arrive $0xFFFF  }
0x93: {  	p0 =	sne.s32 s0, $0x0;
	s0 =	rddreg [dreg:$0x3]  }
0x94: {  	s0 =	sadd.s32 @!p0 $0x100000, s0  }
0x95: {  	[sflag:s0] =	ssyncadd.tile.s32 @!p0 $0x1;
	_ =	shalt  }
.Lfunc_end2:
_tile_overlayer_lowered:
.L_overlay_start_2:
0x96: {  	(tag) =	ssettag $0x2  }
0x97: {  	s0 =	rddreg [dreg:$0x0];
	s2 =	stileid.u32  }
0x98: {  	s1 =	rddreg [dreg:$0x1];
	p0 =	sne.s32 s2, $0x0  }
0x99: {  	s3 =	rddreg [dreg:$0x2];
	[bflag:$0x3] =	sbarrier.arrive $0xFFFF;
	s2 =	simm.s32 @!p0 $0x1C03  }
0x9a: {  	[timem:s3], [sflag:s2] =	dma.local @!p0 [hbm:s0], s1  }
0x9b: {  	s0 =	simm.s32 @!p0 $0x3  }
0x9c: {  	_ =	swait.ge @!p0 [sflag:s0], s1  }
0x9d: {  	s1 =	ssub.s32 @!p0 $0x0, s1;
	[sflag:s0] =	ssyncset.done @!p0 $0x0  }
0x9e: {  	[sflag:s0] =	ssyncadd.s32 @!p0 s1  }
0x9f: {  	[bflag:$0x3] =	sbarrier.arrive $0xFFFF  }
0xa0: {  	_ =	shalt  }

// kernel: kernel.31.cloned.1.call-start
scs
__scs_entry_jumppad:
0x0: {  	(pc) =	sbr.rel $0x88, $3  }
0x1: {  	(tag) =	ssettag $0x0;
	lr =	simm.s32 $0x1  }
0x2: {  	[smem:$0x3F91] =	sst lr;
	_ =	strace $0xD0000000  }
0x3: {  	_ = 	snop  }
0x4: {  	_ = 	snop  }
0x5: {  	_ = 	snop  }
0x6: {  	_ = 	snop  }
0x7: {  	_ = 	snop  }
__scs_overlays_trampoline_lowered:
0x8: {  	[smem:$0x3FA0] =	sst s0  }
0x9: {  	[smem:$0x3FA1] =	sst s1  }
0xa: {  	[smem:$0x3FA2] =	sst s2  }
0xb: {  	[smem:$0x3FA3] =	sst s3  }
0xc: {  	[smem:$0x3FA4] =	sst s4  }
0xd: {  	[smem:$0x3FA5] =	sst s5  }
0xe: {  	[smem:$0x3FA6] =	sst s6  }
0xf: {  	[smem:$0x3FA7] =	sst s7  }
0x10: {  	[smem:$0x3FA8] =	sst s8  }
0x11: {  	[smem:$0x3FA9] =	sst s9;
	s0 =	simm.s32 @!p0 $0x0  }
0x12: {  	s1 =	sld [smem:$0x3F8F];
	s0 =	simm.s32 @p0 $0x1  }
0x13: {  	[smem:$0x3FAA] =	sst s0;
	s0 =	simm.s32 @!p1 $0x0  }
0x14: {  	s2 =	sld [smem:$0x3F8E];
	s0 =	simm.s32 @p1 $0x1  }
0x15: {  	[smem:$0x3FAB] =	sst s0;
	s0 =	simm.s32 @!p2 $0x0  }
0x16: {  	s3 =	sld [smem:$0x3FDB];
	s0 =	simm.s32 @p2 $0x1  }
0x17: {  	s4 =	simm.s32 $0x1BF5;
	[smem:$0x3FAD] =	sst s0  }
0x18: {  	s0 =	sld [smem:$0x3F90];
	_ =	swait.ge [sflag:s4], $0x0  }
0x19: {  	s7 =	sld [smem:$0x3F91]  }
0x1a: {  	s8 =	sadd.s32 $0xFFFFE003, lr  }
0x1b: {  	s9 =	sadd.s32 $0xFFFFFEF7, lr;
	s5 =	simm.s32 $0xFFFFFFFF;
	p2 =	slt.u32 s8, $0xFFFFF086  }
0x1c: {  	p1 =	slt.u32 s9, $0xF7A;
	s5 =	simm.s32 @!p2 $0x0  }
0x1d: {  	s5 =	simm.s32 @p1 $0x1;
	p0 =	seq.s32 s7, s2  }
0x1e: {  	s7 =	smul.u32 @!p0 $0xF7A, s2;
	p2 =	seq.s32 @!p0 s5, $0x0  }
0x1f: {  	s9 =	smul.u32 $0xF7A, s1;
	s8 =	simm.s32 @!p0 $0x1BF5;
	p2 =	por !p2, p0  }
0x20: {  	[sflag:s8] =	ssyncset.s32 @!p0 $0xFFFFF086;
	s6 =	sadd.s32 @!p0 s3, s7;
	s7 =	simm.s32 @!p0 $0x108  }
0x21: {  	s3 =	sadd.s32 s3, s9;
	s6 =	sadd.s32 @!p0 $0x88, s6;
	s7 =	simm.s32 @p2 $0x1082  }
0x22: {  	[simem:s7], [sflag:s8] =	dma.local @!p0 [hbm:s6], $0xF7A  }
0x23: {  	s9 =	sor.u32 $0xD0000000, s2;
	s6 =	simm.s32 $0x108;
	_ =	swait.ge @!p0 [sflag:s8], $0x0  }
0x24: {  	s3 =	sadd.s32 $0x88, s3;
	s6 =	simm.s32 @!p1 $0x1082;
	[sflag:s4] =	ssyncset.s32 $0xFFFFF086  }
0x25: {  	[simem:s6], [sflag:s4] =	dma.local [hbm:s3], $0xF7A  }
0x26: {  	[smem:$0x3F91] =	sst s1;
	(tag) =	ssettag s2;
	_ =	strace s9  }
0x27: {  	s1 =	sld [smem:$0x3FA1]  }
0x28: {  	s2 =	sld [smem:$0x3FA2]  }
0x29: {  	s4 =	sld [smem:$0x3FA4]  }
0x2a: {  	p0 =	seq.s32 s5, $0x0;
	s5 =	sld [smem:$0x3FA5]  }
0x2b: {  	s6 =	sld [smem:$0x3FA6]  }
0x2c: {  	s7 =	sld [smem:$0x3FA7]  }
0x2d: {  	s3 =	simm.s32 $0x108;
	s8 =	sld [smem:$0x3FA8]  }
0x2e: {  	s3 =	simm.s32 @!p0 $0x1082;
	s9 =	sld [smem:$0x3FA9]  }
0x2f: {  	lr =	sadd.s32 s0, s3;
	s0 =	sld [smem:$0x3FA0]  }
0x30: {  	s3 =	sld [smem:$0x3FA3]  }
0x31: {  	[smem:$0x3FAC] =	sst s10  }
0x32: {  	s10 =	sld [smem:$0x3FAA];
	_ =	sdelay $0x3  }
0x33: {  	p0 =	seq.s32 s10, $0x1;
	s10 =	sld [smem:$0x3FAC];
	_ =	sdelay $0x3  }
0x34: {  	[smem:$0x3FAC] =	sst s10  }
0x35: {  	s10 =	sld [smem:$0x3FAB];
	_ =	sdelay $0x3  }
0x36: {  	p1 =	seq.s32 s10, $0x1;
	s10 =	sld [smem:$0x3FAC];
	_ =	sdelay $0x3  }
0x37: {  	[smem:$0x3FAC] =	sst s10  }
0x38: {  	s10 =	sld [smem:$0x3FAD]  }
0x39: {  	_ = 	snop;
	(pc) =	sbr.ind lr, $3  }
0x3a: {  	_ = 	snop  }
0x3b: {  	_ = 	snop  }
0x3c: {  	p2 =	seq.s32 s10, $0x1;
	s10 =	sld [smem:$0x3FAC]  }
0x3d: {  	_ =	shalt  }
0x3e: {  	_ =	shalt  }
0x3f: {  	_ =	shalt  }
0x40: {  	_ =	shalt  }
0x41: {  	_ =	shalt  }
0x42: {  	_ =	shalt  }
0x43: {  	_ =	shalt  }
0x44: {  	_ =	shalt  }
0x45: {  	_ =	shalt  }
0x46: {  	_ =	shalt  }
0x47: {  	_ =	shalt  }
0x48: {  	_ =	shalt  }
0x49: {  	_ =	shalt  }
0x4a: {  	_ =	shalt  }
0x4b: {  	_ =	shalt  }
0x4c: {  	_ =	shalt  }
0x4d: {  	_ =	shalt  }
0x4e: {  	_ =	shalt  }
0x4f: {  	_ =	shalt  }
0x50: {  	_ =	shalt  }
0x51: {  	_ =	shalt  }
0x52: {  	_ =	shalt  }
0x53: {  	_ =	shalt  }
0x54: {  	_ =	shalt  }
0x55: {  	_ =	shalt  }
0x56: {  	_ =	shalt  }
0x57: {  	_ =	shalt  }
0x58: {  	_ =	shalt  }
0x59: {  	_ =	shalt  }
0x5a: {  	_ =	shalt  }
0x5b: {  	_ =	shalt  }
0x5c: {  	_ =	shalt  }
0x5d: {  	_ =	shalt  }
0x5e: {  	_ =	shalt  }
0x5f: {  	_ =	shalt  }
0x60: {  	_ =	shalt  }
0x61: {  	_ =	shalt  }
0x62: {  	_ =	shalt  }
0x63: {  	_ =	shalt  }
0x64: {  	_ =	shalt  }
0x65: {  	_ =	shalt  }
0x66: {  	_ =	shalt  }
0x67: {  	_ =	shalt  }
0x68: {  	_ =	shalt  }
0x69: {  	_ =	shalt  }
0x6a: {  	_ =	shalt  }
0x6b: {  	_ =	shalt  }
0x6c: {  	_ =	shalt  }
0x6d: {  	_ =	shalt  }
0x6e: {  	_ =	shalt  }
0x6f: {  	_ =	shalt  }
0x70: {  	_ =	shalt  }
0x71: {  	_ =	shalt  }
0x72: {  	_ =	shalt  }
0x73: {  	_ =	shalt  }
0x74: {  	_ =	shalt  }
0x75: {  	_ =	shalt  }
0x76: {  	_ =	shalt  }
0x77: {  	_ =	shalt  }
0x78: {  	_ =	shalt  }
0x79: {  	_ =	shalt  }
0x7a: {  	_ =	shalt  }
0x7b: {  	_ =	shalt  }
0x7c: {  	_ =	shalt  }
0x7d: {  	_ =	shalt  }
0x7e: {  	_ =	shalt  }
0x7f: {  	_ =	shalt  }
0x80: {  	_ =	shalt  }
0x81: {  	_ =	shalt  }
0x82: {  	_ =	shalt  }
0x83: {  	_ =	shalt  }
0x84: {  	_ =	shalt  }
0x85: {  	_ =	shalt  }
0x86: {  	_ =	shalt  }
0x87: {  	_ =	shalt  }
.Lfunc_end0:
.L_simem_size_0:
called_computation.5_lowered:
.L_overlay_start_0:
0x88: {  	s2 =	sld [smem:$0x3FD9]  }
0x89: {  	s3 =	sld [smem:$0x3FFE];
	_ =	sdelay $0x1  }
0x8a: {  	s1 =	srdreg.scid  }
0x8b: {  	s0 =	sand.u32 $0x1, s1  }
0x8c: {  	s17 =	sshll.u32 s0, $0xA;
	s2 =	sadd.s32 s3, s2  }
0x8d: {  	s2 =	sadd.s32 s2, s17  }
0x8e: {  	[smem:$0x3FB8] =	sst s2  }
0x8f: {  	_ = 	snop  }
0x90: {  	s2 =	sld [smem:$0x3FD0];
	(tm) =	ssettm $0x1  }
0x91: {  	s18 =	sld [smem:$0x3FFB];
	_ =	sdelay $0x3  }
0x92: {  	_ =	strace s18  }
0x93: {  	s3 =	sld [smem:$0x3FFC];
	_ =	sdelay $0x3  }
0x94: {  	_ =	strace s3  }
0x95: {  	s3 =	sld [smem:$0x3FFD];
	_ =	sdelay $0x3  }
0x96: {  	_ =	strace s3  }
0x97: {  	_ =	strace $0x8FFFFFFF  }
0x98: {  	s19 =	sld [smem:$0x3FDB];
	_ =	sdelay $0x1  }
0x99: {  	s4 =	simm.s32 $_scs_section_size  }
0x9a: {  	s5 =	simm.s32 $_size__tile_overlayer_lowered;
	s6 =	simm.s32 $_tile_overlayer_lowered  }
0x9b: {  	s22 =	simm.s32 $0x1BFF;
	s21 =	sshll.u32 s6, $0x1;
	s3 =	sadd.s32 s4, s19  }
0x9c: {  	s7 =	simm.s32 $0x0;
	s20 =	sshll.u32 s5, $0x1;
	s5 =	sadd.s32 s21, s3  }
0x9d: {  	[timem:s7], [sflag:s22] =	dma.local [hbm:s5], s20  }
0x9e: {  	_ =	swait.ge [sflag:s22], s20  }
0x9f: {  	s4 =	ssub.s32 $0x0, s20;
	[sflag:s22] =	ssyncset.done $0x0  }
0xa0: {  	[sflag:s22] =	ssyncadd.s32 s4;
	_ =	sdelay $0x1  }
0xa1: {  	s23 =	simm.s32 $0x1B8B  }
0xa2: {  	_ =	swait.ge [sflag:s23], $0x1  }
0xa3: {  	[sflag:s23] =	ssyncset.done $0x0  }
0xa4: {  	s25 =	simm.s32 $0x1B8E;
	s24 =	sld [smem:$0x3FFE];
	[sflag:s23] =	ssyncadd.s32 $0xFFFFFFFF  }
0xa5: {  	s26 =	simm.s32 $execute0_lowered;
	[smem:$0x3FD2] =	sst s25  }
0xa6: {  	s5 =	sshll.u32 s26, $0x1;
	_ =	strace $0x80000055;
	[dreg:$0x1] =	wrdreg $0xFFFFFFFF  }
0xa7: {  	s28 =	simm.s32 $_size_execute0_lowered;
	s3 =	sadd.s32 s3, s5;
	[dreg:$0x0] =	wrdreg $0x0  }
0xa8: {  	s5 =	sshll.u32 s28, $0x1;
	[dreg:$0x2] =	wrdreg s3  }
0xa9: {  	[dreg:$0x3] =	wrdreg s5  }
0xaa: {  	[dreg:$0x4] =	wrdreg $0xC0  }
0xab: {  	_ =	task [dreg:s7], $0x5FFFF  }
0xac: {  	[dreg:$0x1] =	wrdreg $0xFFFFFFFF  }
0xad: {  	[dreg:$0x0] =	wrdreg $0x60  }
0xae: {  	[dreg:$0x2] =	wrdreg s24  }
0xaf: {  	[dreg:$0x3] =	wrdreg s2  }
0xb0: {  	[dreg:$0x4] =	wrdreg $0xB9000  }
0xb1: {  	[dreg:$0x5] =	wrdreg $0x9  }
0xb2: {  	_ =	task.clear_ibuf [dreg:s7], $0x6FFFF;
	_ =	strace $0x90000055  }
0xb3: {  	s29 =	simm.s32 $0x9;
	_ =	strace $0x80000057  }
0xb4: {  	_ =	swait.ge [sflag:s29], $0x1  }
0xb5: {  	[sflag:s29] =	ssyncadd.s32 $0xFFFFFFFF  }
0xb6: {  	_ =	strace $0x90000057  }
0xb7: {  	_ =	sfence  }
0xb8: {  	s30 =	sld [smem:$0x0];
	_ =	sdelay $0x2  }
0xb9: {  	s31 =	sshll.u32 s1, $0xD;
	s1 =	sshrl.u32 s1, $0x2  }
0xba: {  	s3 =	sand.u32 $0x4000, s31;
	s1 =	sadd.s32 s1, s30  }
0xbb: {  	s0 =	sor.u32 s3, s0;
	s1 =	sshll.u32 s1, $0x11  }
0xbc: {  	s0 =	sor.u32 s1, s0  }
0xbd: {  	s0 =	sadd.s32 $0x8F2B, s0  }
0xbe: {  	[sflag:s0] =	ssyncadd.remote.s32 $0x1  }
0xbf: {  	_ =	sfence.sel $0xFFFF  }
0xc0: {  	[dreg:$0x0] =	wrdreg $0xFFFFFFFF;
	(pc) =	sbr.abs _section_cstart, $3  }
0xc1: {  	[dreg:$0x1] =	wrdreg $0xFFFFFFFF  }
0xc2: {  	_ =	task.clear_ibuf [dreg:s7], $0x2FFFF;
	_ =	strace $0x9FFFFFFF  }
0xc3: {  	(tm) =	ssettm $0x7FFFFFFF  }
tec
execute0_lowered:
.L_overlay_start_1:
0x0: {  	(tag) =	ssettag $0x1  }
0x1: {  	s0 =	rddreg [dreg:$0x0]  }
0x2: {  	s11 =	rddreg [dreg:$0x1]  }
0x3: {  	s1 =	rddreg [dreg:$0x2]  }
0x4: {  	s2 =	srdreg.scid;
	s3 =	simm.s32 $0x0;
	s18 =	simm.s32 $0x80  }
0x5: {  	s19 =	simm.s32 $0x3900;
	s20 =	simm.s32 $0x7900;
	s7 =	sand.u32 $0x1, s2  }
0x6: {  	s21 =	simm.s32 $0x1;
	s2 =	stileid.u32;
	s5 =	smul.u32 $0x28000, s7  }
0x7: {  	s22 =	simm.s32 $0x2;
	s23 =	simm.s32 $0xC80;
	s6 =	smul.u32 $0x2800, s2  }
0x8: {  	s24 =	simm.s32 $0x3800;
	s25 =	simm.s32 $0x3880;
	s8 =	smul.u32 $0x138800, s7  }
0x9: {  	s26 =	simm.s32 $0x0;
	[smem:$0x7FF] =	sst s3;
	s12 =	smul.u32 $0x1F400, s2  }
0xa: {  	s4 =	sadd.s32 $0x13800, s0;
	_ =	strace $0x80000056;
	s29 =	smul.u32 $0x7D000, s2  }
0xb: {  	s9 =	sshll.u32 s7, $0x5;
	s10 =	sshll.u32 s2, $0x4;
	s14 =	smul.u32 $0x30000, s7  }
0xc: {  	s30 =	ssub.s32 $0x2, s7;
	s15 =	smul.u32 $0x3000, s2;
	p0 =	sgt.u32 s2, $0x9  }
0xd: {  	p1 =	sgt.u32 s2, $0x1;
	s13 =	sadd.s32 s10, s9;
	s31 =	sshrl.u32 s30, $0x1  }
0xe: {  	s6 =	sadd.s32 s6, s5;
	s5 =	sadd.s32 $0x62400, s0;
	s10 =	sadd.s32 s13, s0  }
0xf: {  	s8 =	sadd.s32 s12, s8;
	s12 =	sshrl.u32 s29, $0x2;
	s16 =	ssub.s32 s30, s31  }
0x10: {  	s9 =	sadd.s32 s15, s14;
	s11 =	sadd.s32 s11, s13;
	s15 =	simm.s32 $0x3  }
.Ltmp0:
0x11: {  	s6 =	sshrl.u32 s6, $0x3;
	s8 =	sshrl.u32 s8, $0x3;
	(pc) =	sbr.rel .LBB2_1-.Ltmp0, $4  }
0x12: {  	s10 =	sadd.s32 $0x62200, s10;
	s13 =	smax.u32 s16, $0x1;
	s28 =	sadd.s32 s6, s0  }
0x13: {  	s6 =	sadd.s32 $0xF800, s0;
	s0 =	sadd.s32 s8, s0;
	s8 =	sadd.s32 s12, s1  }
0x14: {  	[dreg:$0x4] =	wrdreg s10;
	s12 =	sadd.s32 $0x6E400, s0;
	s0 =	sshll.u32 @!p0 s2, $0x6  }
0x15: {  	s7 =	sadd.s32 $0x5800, s28;
	s17 =	sshrl.u32 @!p0 s8, $0x3;
	s16 =	sor.u32 @!p0 $0x1C03, s0  }
.LBB2_6:
0x16: {  	s0 =	rddreg [dreg:$0x4]  }
0x17: {  	[tilespmem:s24], [sflag:$0x3] =	stream.linear.gather [hbm4b:s0+s3], $0x80, $0x38;
	[tilespmem:$0x1F180] =	vst v63  }
0x18: {  	_ =	swait.ge [sflag:s15], $0x80  }
0x19: {  	[sflag:s15] =	ssyncset.done $0x0  }
0x1a: {  	[sflag:s15] =	ssyncadd.s32 $0xFFFFFF80  }
0x1b: {  	[tilespmem:s25], [sflag:$0x3] =	stream.linear.gather [hbm4b:s11+s3], $0x80, $0x38;
	[tilespmem:$0x1F180] =	vst v63  }
0x1c: {  	_ =	swait.ge [sflag:s15], $0x80  }
0x1d: {  	[sflag:s15] =	ssyncset.done $0x0  }
0x1e: {  	[sflag:s15] =	ssyncadd.s32 $0xFFFFFF80  }
0x1f: {  	[tilespmem:s19], [sflag:$0x3] =	stream.indirect.gather [hbm4b:s4+s18], $0x80, s24, s18, $0xb8;
	[tilespmem:$0x1F180] =	vst v63  }
0x20: {  	_ =	swait.ge [sflag:s15], $0x4000  }
0x21: {  	[sflag:s15] =	ssyncset.done $0x0  }
0x22: {  	[sflag:s15] =	ssyncadd.s32 $0xFFFFC000  }
0x23: {  	[spmem:s1] =	stream.indirect.scatter.add.f32 [tilespmem:s19], [sflag:$0x3], $0x80, s25, s18, $0xb8;
	[tilespmem:$0x1F180] =	vst v63  }
0x24: {  	_ =	swait.ge [sflag:s15], $0x4000  }
0x25: {  	[sflag:s15] =	ssyncset.done $0x0  }
0x26: {  	[sflag:s15] =	ssyncadd.s32 $0xFFFFC000  }
0x27: {  	[bflag:$0x0] =	sbarrier.arrive $0xFFFF  }
.LBB2_8:
0x28: {  	s0 =	stileid.u32  }
0x29: {  	s0 =	sshll.u32 s0, $0x6  }
0x2a: {  	s2 =	sshrl.u32 s8, $0x3;
	s0 =	sor.u32 $0x1C03, s0  }
0x2b: {  	[hbm:s12], [sflag:s0] =	dma.local [spmem:s2], $0x3E80  }
0x2c: {  	_ =	swait.ge [sflag:s15], $0x3E80  }
0x2d: {  	[sflag:s15] =	ssyncset.done $0x0  }
0x2e: {  	[sflag:s15] =	ssyncadd.s32 $0xFFFFC180  }
.LBB2_9:
0x2f: {  	s26 =	sadd.s32 $0x1, s26  }
0x30: {  	p2 =	sne.s32 s26, s13  }
.Ltmp1:
0x31: {  	_ = 	snop;
	(pc) =	sbr.rel @!p2 .LBB2_10-.Ltmp1, $1  }
0x32: {  	_ =	sdelay $0x3  }
.LBB2_1:
0x33: {  	s0 =	simm.s32 $0x1000  }
0x34: {  	[tilespmem:s0], [sflag:$0x3] =	stream.linear.gather [hbm4b:s7+s3], $0x2700, $0x38;
	[tilespmem:$0x1F180] =	vst v63  }
0x35: {  	_ =	swait.ge [sflag:s15], $0x2700  }
0x36: {  	[sflag:s15] =	ssyncset.done $0x0  }
0x37: {  	s0 =	simm.s32 @!p0 $0x3;
	[sflag:s15] =	ssyncadd.s32 $0xFFFFD900  }
0x38: {  	[spmem:s17], [sflag:s16] =	dma.local @!p0 [hbm:s6], $0x3E80  }
0x39: {  	_ =	swait.ge @!p0 [sflag:s0], $0x3E80  }
0x3a: {  	[sflag:s0] =	ssyncset.done @!p0 $0x0  }
0x3b: {  	[sflag:s0] =	ssyncadd.s32 @!p0 $0xFFFFC180  }
0x3c: {  	s28 =	simm.s32 $0x1000;
	s29 =	simm.s32 $0x0;
	[bflag:$0x0] =	sbarrier.arrive $0xFFFF  }
.LBB2_2:
0x3d: {  	s0 =	sshll.u32 s29, $0xC  }
0x3e: {  	s0 =	sadd.s32 s0, s9  }
0x3f: {  	s0 =	sshrl.u32 s0, $0x3  }
0x40: {  	s30 =	simm.s32 $0x0;
	s0 =	sadd.s32 s5, s0  }
0x41: {  	[tilespmem:s30], [sflag:$0x3] =	stream.linear.gather [hbm4b:s0+s30], $0xD00, $0x38;
	[tilespmem:$0x1F180] =	vst v63  }
0x42: {  	_ =	swait.ge [sflag:s15], $0xD00  }
0x43: {  	[sflag:s15] =	ssyncset.done $0x0  }
0x44: {  	[sflag:s15] =	ssyncadd.s32 $0xFFFFF300  }
0x45: {  	[tilespmem:s19], [sflag:$0x1] =	stream.indirect.gather [hbm4b:s4+s18], $0x80, s30, s18, $0xb8;
	[tilespmem:$0x1F180] =	vst v63  }
0x46: {  	s10 =	simm.s32 $0x80  }
0x47: {  	[tilespmem:s20], [sflag:$0x2] =	stream.indirect.gather [hbm4b:s4+s18], $0x80, s10, s18, $0xb8;
	[tilespmem:$0x1F180] =	vst v63  }
0x48: {  	_ =	swait.ge [sflag:s21], $0x4000  }
0x49: {  	[sflag:s21] =	ssyncset.done $0x0  }
0x4a: {  	s14 =	sadd.s32 $0x0, s28;
	[sflag:s21] =	ssyncadd.s32 $0xFFFFC000  }
0x4b: {  	[spmem:s1] =	stream.indirect.scatter.add.f32 [tilespmem:s19], [sflag:$0x3], $0x80, s14, s18, $0xb8;
	[tilespmem:$0x1F180] =	vst v63  }
0x4c: {  	_ =	swait.ge [sflag:s15], $0x4000  }
0x4d: {  	[sflag:s15] =	ssyncset.done $0x0  }
0x4e: {  	s30 =	simm.s32 $0x100;
	[sflag:s15] =	ssyncadd.s32 $0xFFFFC000  }
0x4f: {  	[tilespmem:s19], [sflag:$0x1] =	stream.indirect.gather [hbm4b:s4+s18], $0x80, s30, s18, $0xb8;
	[tilespmem:$0x1F180] =	vst v63  }
0x50: {  	_ =	swait.ge [sflag:s22], $0x4000  }
0x51: {  	[sflag:s22] =	ssyncset.done $0x0  }
0x52: {  	s0 =	sadd.s32 $0x80, s14;
	s30 =	smul.u32 $0x3400, s29;
	[sflag:s22] =	ssyncadd.s32 $0xFFFFC000  }
0x53: {  	[spmem:s1] =	stream.indirect.scatter.add.f32 [tilespmem:s20], [sflag:$0x3], $0x80, s0, s18, $0xb8;
	[tilespmem:$0x1F180] =	vst v63  }
0x54: {  	s31 =	simm.s32 $0x100;
	_ =	swait.ge [sflag:s15], $0x4000  }
0x55: {  	s30 =	sshra.s32 s30, $0x2;
	s0 =	simm.s32 $0x800;
	[sflag:s15] =	ssyncset.done $0x0  }
.LBB2_3:
0x56: {  	s2 =	sadd.s32 $0x80, s31  }
0x57: {  	[sflag:s15] =	ssyncadd.s32 $0xFFFFC000;
	s14 =	smov.u32 s0;
	s10 =	sadd.s32 $0x400, s0  }
0x58: {  	[tilespmem:s20], [sflag:$0x2] =	stream.indirect.gather [hbm4b:s4+s18], $0x80, s2, s18, $0xb8;
	[tilespmem:$0x1F180] =	vst v63  }
0x59: {  	p2 =	sne.s32 s0, $0x2C00;
	_ =	swait.ge [sflag:s21], $0x4000  }
0x5a: {  	[sflag:s21] =	ssyncset.done $0x0  }
0x5b: {  	s0 =	sadd.s32 s31, s28;
	[sflag:s21] =	ssyncadd.s32 $0xFFFFC000  }
0x5c: {  	[spmem:s1] =	stream.indirect.scatter.add.f32 [tilespmem:s19], [sflag:$0x3], $0x80, s0, s18, $0xb8;
	[tilespmem:$0x1F180] =	vst v63  }
0x5d: {  	_ =	swait.ge [sflag:s15], $0x4000  }
0x5e: {  	[sflag:s15] =	ssyncset.done $0x0  }
0x5f: {  	s2 =	sadd.s32 $0x100, s31;
	[sflag:s15] =	ssyncadd.s32 $0xFFFFC000  }
0x60: {  	[tilespmem:s19], [sflag:$0x1] =	stream.indirect.gather [hbm4b:s4+s18], $0x80, s2, s18, $0xb8;
	[tilespmem:$0x1F180] =	vst v63  }
0x61: {  	_ =	swait.ge [sflag:s22], $0x4000  }
.Ltmp2:
0x62: {  	[sflag:s22] =	ssyncset.done $0x0;
	(pc) =	sbr.rel @p2 .LBB2_3-.Ltmp2, $4  }
0x63: {  	s0 =	sadd.s32 $0x80, s0;
	[sflag:s22] =	ssyncadd.s32 $0xFFFFC000  }
0x64: {  	[spmem:s1] =	stream.indirect.scatter.add.f32 [tilespmem:s20], [sflag:$0x3], $0x80, s0, s18, $0xb8;
	[tilespmem:$0x1F180] =	vst v63  }
0x65: {  	_ =	swait.ge [sflag:s15], $0x4000  }
0x66: {  	s31 =	sshra.s32 s14, $0x2;
	s0 =	smov.u32 s10;
	[sflag:s15] =	ssyncset.done $0x0  }
0x67: {  	s0 =	sadd.s32 $0x80, s31;
	[sflag:s15] =	ssyncadd.s32 $0xFFFFC000  }
0x68: {  	[tilespmem:s20], [sflag:$0x2] =	stream.indirect.gather [hbm4b:s4+s18], $0x80, s0, s18, $0xb8;
	[tilespmem:$0x1F180] =	vst v63  }
0x69: {  	_ =	swait.ge [sflag:s21], $0x4000  }
0x6a: {  	[sflag:s21] =	ssyncset.done $0x0  }
0x6b: {  	s10 =	sadd.s32 s31, s28;
	[sflag:s21] =	ssyncadd.s32 $0xFFFFC000  }
0x6c: {  	[spmem:s1] =	stream.indirect.scatter.add.f32 [tilespmem:s19], [sflag:$0x3], $0x80, s10, s18, $0xb8;
	[tilespmem:$0x1F180] =	vst v63  }
0x6d: {  	_ =	swait.ge [sflag:s15], $0x4000  }
0x6e: {  	[sflag:s15] =	ssyncset.done $0x0  }
0x6f: {  	s2 =	sadd.s32 $0x100, s31;
	[sflag:s15] =	ssyncadd.s32 $0xFFFFC000  }
0x70: {  	[tilespmem:s19], [sflag:$0x1] =	stream.indirect.gather [hbm4b:s4+s18], $0x80, s2, s18, $0xb8;
	[tilespmem:$0x1F180] =	vst v63  }
0x71: {  	_ =	swait.ge [sflag:s22], $0x4000  }
0x72: {  	[sflag:s22] =	ssyncset.done $0x0  }
0x73: {  	s0 =	sadd.s32 $0x80, s10;
	[sflag:s22] =	ssyncadd.s32 $0xFFFFC000  }
0x74: {  	[spmem:s1] =	stream.indirect.scatter.add.f32 [tilespmem:s20], [sflag:$0x3], $0x80, s0, s18, $0xb8;
	[tilespmem:$0x1F180] =	vst v63  }
0x75: {  	_ =	swait.ge [sflag:s15], $0x4000  }
0x76: {  	[sflag:s15] =	ssyncset.done $0x0  }
0x77: {  	[sflag:s15] =	ssyncadd.s32 $0xFFFFC000  }
0x78: {  	[tilespmem:s20], [sflag:$0x2] =	stream.indirect.gather [hbm4b:s4+s18], $0x80, s23, s18, $0xb8;
	[tilespmem:$0x1F180] =	vst v63  }
0x79: {  	_ =	swait.ge [sflag:s21], $0x4000  }
0x7a: {  	[sflag:s21] =	ssyncset.done $0x0  }
0x7b: {  	s14 =	sadd.s32 $0x1C00, s30;
	[sflag:s21] =	ssyncadd.s32 $0xFFFFC000  }
0x7c: {  	[spmem:s1] =	stream.indirect.scatter.add.f32 [tilespmem:s19], [sflag:$0x3], $0x80, s14, s18, $0xb8;
	[tilespmem:$0x1F180] =	vst v63  }
0x7d: {  	_ =	swait.ge [sflag:s15], $0x4000  }
0x7e: {  	[sflag:s15] =	ssyncset.done $0x0  }
0x7f: {  	[sflag:s15] =	ssyncadd.s32 $0xFFFFC000  }
0x80: {  	s29 =	sadd.s32 $0x1, s29;
	_ =	swait.ge [sflag:s22], $0x4000  }
0x81: {  	p2 =	sne.s32 s29, $0x3;
	[sflag:s22] =	ssyncset.done $0x0  }
.Ltmp3:
0x82: {  	s31 =	sadd.s32 $0x1C80, s30;
	[sflag:s22] =	ssyncadd.s32 $0xFFFFC000;
	(pc) =	sbr.rel @p2 .LBB2_2-.Ltmp3, $4  }
0x83: {  	[spmem:s1] =	stream.indirect.scatter.add.f32 [tilespmem:s20], [sflag:$0x3], $0x80, s31, s18, $0xb8;
	[tilespmem:$0x1F180] =	vst v63  }
0x84: {  	_ =	swait.ge [sflag:s15], $0x4000  }
0x85: {  	[sflag:s15] =	ssyncset.done $0x0  }
0x86: {  	s28 =	sadd.s32 $0xD00, s28;
	[sflag:s15] =	ssyncadd.s32 $0xFFFFC000  }
.Ltmp4:
0x87: {  	(pc) =	sbr.rel @!p1 .LBB2_6-.Ltmp4, $1  }
0x88: {  	_ =	sdelay $0x3  }
.Ltmp5:
0x89: {  	(pc) =	sbr.rel @p0 .LBB2_9-.Ltmp5, $4  }
.Ltmp6:
0x8a: {  	(pc) =	sbr.rel @!p0 .LBB2_8-.Ltmp6, $4  }
0x8b: {  	_ = 	snop  }
0x8c: {  	[bflag:$0x0] =	sbarrier.arrive $0xFFFF  }
0x8d: {  	_ = 	snop  }
0x8e: {  	_ = 	snop  }
.LBB2_10:
0x8f: {  	_ =	sfence.sel $0x180000  }
0x90: {  	[bflag:$0x0] =	sbarrier.arrive $0xFFFF  }
0x91: {  	_ =	strace $0x90000056  }
0x92: {  	s0 =	stileid.u32;
	[bflag:$0x2] =	sbarrier.arrive $0xFFFF  }
0x93: {  	p0 =	sne.s32 s0, $0x0;
	s0 =	rddreg [dreg:$0x3]  }
0x94: {  	s0 =	sadd.s32 @!p0 $0x100000, s0  }
0x95: {  	[sflag:s0] =	ssyncadd.tile.s32 @!p0 $0x1;
	_ =	shalt  }
.Lfunc_end2:
_tile_overlayer_lowered:
.L_overlay_start_2:
0x96: {  	(tag) =	ssettag $0x2  }
0x97: {  	s0 =	rddreg [dreg:$0x0];
	s2 =	stileid.u32  }
0x98: {  	s1 =	rddreg [dreg:$0x1];
	p0 =	sne.s32 s2, $0x0  }
0x99: {  	s3 =	rddreg [dreg:$0x2];
	[bflag:$0x3] =	sbarrier.arrive $0xFFFF;
	s2 =	simm.s32 @!p0 $0x1C03  }
0x9a: {  	[timem:s3], [sflag:s2] =	dma.local @!p0 [hbm:s0], s1  }
0x9b: {  	s0 =	simm.s32 @!p0 $0x3  }
0x9c: {  	_ =	swait.ge @!p0 [sflag:s0], s1  }
0x9d: {  	s1 =	ssub.s32 @!p0 $0x0, s1;
	[sflag:s0] =	ssyncset.done @!p0 $0x0  }
0x9e: {  	[sflag:s0] =	ssyncadd.s32 @!p0 s1  }
0x9f: {  	[bflag:$0x3] =	sbarrier.arrive $0xFFFF  }
0xa0: {  	_ =	shalt  }

// kernel: kernel.34.cloned.1.call-start
scs
__scs_entry_jumppad:
0x0: {  	(pc) =	sbr.rel $0x88, $3  }
0x1: {  	(tag) =	ssettag $0x0;
	lr =	simm.s32 $0x1  }
0x2: {  	[smem:$0x3F91] =	sst lr;
	_ =	strace $0xD0000000  }
0x3: {  	_ = 	snop  }
0x4: {  	_ = 	snop  }
0x5: {  	_ = 	snop  }
0x6: {  	_ = 	snop  }
0x7: {  	_ = 	snop  }
__scs_overlays_trampoline_lowered:
0x8: {  	[smem:$0x3FA0] =	sst s0  }
0x9: {  	[smem:$0x3FA1] =	sst s1  }
0xa: {  	[smem:$0x3FA2] =	sst s2  }
0xb: {  	[smem:$0x3FA3] =	sst s3  }
0xc: {  	[smem:$0x3FA4] =	sst s4  }
0xd: {  	[smem:$0x3FA5] =	sst s5  }
0xe: {  	[smem:$0x3FA6] =	sst s6  }
0xf: {  	[smem:$0x3FA7] =	sst s7  }
0x10: {  	[smem:$0x3FA8] =	sst s8  }
0x11: {  	[smem:$0x3FA9] =	sst s9;
	s0 =	simm.s32 @!p0 $0x0  }
0x12: {  	s1 =	sld [smem:$0x3F8F];
	s0 =	simm.s32 @p0 $0x1  }
0x13: {  	[smem:$0x3FAA] =	sst s0;
	s0 =	simm.s32 @!p1 $0x0  }
0x14: {  	s2 =	sld [smem:$0x3F8E];
	s0 =	simm.s32 @p1 $0x1  }
0x15: {  	[smem:$0x3FAB] =	sst s0;
	s0 =	simm.s32 @!p2 $0x0  }
0x16: {  	s3 =	sld [smem:$0x3FDB];
	s0 =	simm.s32 @p2 $0x1  }
0x17: {  	s4 =	simm.s32 $0x1BF5;
	[smem:$0x3FAD] =	sst s0  }
0x18: {  	s0 =	sld [smem:$0x3F90];
	_ =	swait.ge [sflag:s4], $0x0  }
0x19: {  	s7 =	sld [smem:$0x3F91]  }
0x1a: {  	s8 =	sadd.s32 $0xFFFFE003, lr  }
0x1b: {  	s9 =	sadd.s32 $0xFFFFFEF7, lr;
	s5 =	simm.s32 $0xFFFFFFFF;
	p2 =	slt.u32 s8, $0xFFFFF086  }
0x1c: {  	p1 =	slt.u32 s9, $0xF7A;
	s5 =	simm.s32 @!p2 $0x0  }
0x1d: {  	s5 =	simm.s32 @p1 $0x1;
	p0 =	seq.s32 s7, s2  }
0x1e: {  	s7 =	smul.u32 @!p0 $0xF7A, s2;
	p2 =	seq.s32 @!p0 s5, $0x0  }
0x1f: {  	s9 =	smul.u32 $0xF7A, s1;
	s8 =	simm.s32 @!p0 $0x1BF5;
	p2 =	por !p2, p0  }
0x20: {  	[sflag:s8] =	ssyncset.s32 @!p0 $0xFFFFF086;
	s6 =	sadd.s32 @!p0 s3, s7;
	s7 =	simm.s32 @!p0 $0x108  }
0x21: {  	s3 =	sadd.s32 s3, s9;
	s6 =	sadd.s32 @!p0 $0x88, s6;
	s7 =	simm.s32 @p2 $0x1082  }
0x22: {  	[simem:s7], [sflag:s8] =	dma.local @!p0 [hbm:s6], $0xF7A  }
0x23: {  	s9 =	sor.u32 $0xD0000000, s2;
	s6 =	simm.s32 $0x108;
	_ =	swait.ge @!p0 [sflag:s8], $0x0  }
0x24: {  	s3 =	sadd.s32 $0x88, s3;
	s6 =	simm.s32 @!p1 $0x1082;
	[sflag:s4] =	ssyncset.s32 $0xFFFFF086  }
0x25: {  	[simem:s6], [sflag:s4] =	dma.local [hbm:s3], $0xF7A  }
0x26: {  	[smem:$0x3F91] =	sst s1;
	(tag) =	ssettag s2;
	_ =	strace s9  }
0x27: {  	s1 =	sld [smem:$0x3FA1]  }
0x28: {  	s2 =	sld [smem:$0x3FA2]  }
0x29: {  	s4 =	sld [smem:$0x3FA4]  }
0x2a: {  	p0 =	seq.s32 s5, $0x0;
	s5 =	sld [smem:$0x3FA5]  }
0x2b: {  	s6 =	sld [smem:$0x3FA6]  }
0x2c: {  	s7 =	sld [smem:$0x3FA7]  }
0x2d: {  	s3 =	simm.s32 $0x108;
	s8 =	sld [smem:$0x3FA8]  }
0x2e: {  	s3 =	simm.s32 @!p0 $0x1082;
	s9 =	sld [smem:$0x3FA9]  }
0x2f: {  	lr =	sadd.s32 s0, s3;
	s0 =	sld [smem:$0x3FA0]  }
0x30: {  	s3 =	sld [smem:$0x3FA3]  }
0x31: {  	[smem:$0x3FAC] =	sst s10  }
0x32: {  	s10 =	sld [smem:$0x3FAA];
	_ =	sdelay $0x3  }
0x33: {  	p0 =	seq.s32 s10, $0x1;
	s10 =	sld [smem:$0x3FAC];
	_ =	sdelay $0x3  }
0x34: {  	[smem:$0x3FAC] =	sst s10  }
0x35: {  	s10 =	sld [smem:$0x3FAB];
	_ =	sdelay $0x3  }
0x36: {  	p1 =	seq.s32 s10, $0x1;
	s10 =	sld [smem:$0x3FAC];
	_ =	sdelay $0x3  }
0x37: {  	[smem:$0x3FAC] =	sst s10  }
0x38: {  	s10 =	sld [smem:$0x3FAD]  }
0x39: {  	_ = 	snop;
	(pc) =	sbr.ind lr, $3  }
0x3a: {  	_ = 	snop  }
0x3b: {  	_ = 	snop  }
0x3c: {  	p2 =	seq.s32 s10, $0x1;
	s10 =	sld [smem:$0x3FAC]  }
0x3d: {  	_ =	shalt  }
0x3e: {  	_ =	shalt  }
0x3f: {  	_ =	shalt  }
0x40: {  	_ =	shalt  }
0x41: {  	_ =	shalt  }
0x42: {  	_ =	shalt  }
0x43: {  	_ =	shalt  }
0x44: {  	_ =	shalt  }
0x45: {  	_ =	shalt  }
0x46: {  	_ =	shalt  }
0x47: {  	_ =	shalt  }
0x48: {  	_ =	shalt  }
0x49: {  	_ =	shalt  }
0x4a: {  	_ =	shalt  }
0x4b: {  	_ =	shalt  }
0x4c: {  	_ =	shalt  }
0x4d: {  	_ =	shalt  }
0x4e: {  	_ =	shalt  }
0x4f: {  	_ =	shalt  }
0x50: {  	_ =	shalt  }
0x51: {  	_ =	shalt  }
0x52: {  	_ =	shalt  }
0x53: {  	_ =	shalt  }
0x54: {  	_ =	shalt  }
0x55: {  	_ =	shalt  }
0x56: {  	_ =	shalt  }
0x57: {  	_ =	shalt  }
0x58: {  	_ =	shalt  }
0x59: {  	_ =	shalt  }
0x5a: {  	_ =	shalt  }
0x5b: {  	_ =	shalt  }
0x5c: {  	_ =	shalt  }
0x5d: {  	_ =	shalt  }
0x5e: {  	_ =	shalt  }
0x5f: {  	_ =	shalt  }
0x60: {  	_ =	shalt  }
0x61: {  	_ =	shalt  }
0x62: {  	_ =	shalt  }
0x63: {  	_ =	shalt  }
0x64: {  	_ =	shalt  }
0x65: {  	_ =	shalt  }
0x66: {  	_ =	shalt  }
0x67: {  	_ =	shalt  }
0x68: {  	_ =	shalt  }
0x69: {  	_ =	shalt  }
0x6a: {  	_ =	shalt  }
0x6b: {  	_ =	shalt  }
0x6c: {  	_ =	shalt  }
0x6d: {  	_ =	shalt  }
0x6e: {  	_ =	shalt  }
0x6f: {  	_ =	shalt  }
0x70: {  	_ =	shalt  }
0x71: {  	_ =	shalt  }
0x72: {  	_ =	shalt  }
0x73: {  	_ =	shalt  }
0x74: {  	_ =	shalt  }
0x75: {  	_ =	shalt  }
0x76: {  	_ =	shalt  }
0x77: {  	_ =	shalt  }
0x78: {  	_ =	shalt  }
0x79: {  	_ =	shalt  }
0x7a: {  	_ =	shalt  }
0x7b: {  	_ =	shalt  }
0x7c: {  	_ =	shalt  }
0x7d: {  	_ =	shalt  }
0x7e: {  	_ =	shalt  }
0x7f: {  	_ =	shalt  }
0x80: {  	_ =	shalt  }
0x81: {  	_ =	shalt  }
0x82: {  	_ =	shalt  }
0x83: {  	_ =	shalt  }
0x84: {  	_ =	shalt  }
0x85: {  	_ =	shalt  }
0x86: {  	_ =	shalt  }
0x87: {  	_ =	shalt  }
.Lfunc_end0:
.L_simem_size_0:
called_computation.6_lowered:
.L_overlay_start_0:
0x88: {  	s2 =	sld [smem:$0x3FD9]  }
0x89: {  	s3 =	sld [smem:$0x3FFE];
	_ =	sdelay $0x1  }
0x8a: {  	s1 =	srdreg.scid  }
0x8b: {  	s0 =	sand.u32 $0x1, s1  }
0x8c: {  	s17 =	sshll.u32 s0, $0xA;
	s2 =	sadd.s32 s3, s2  }
0x8d: {  	s2 =	sadd.s32 s2, s17  }
0x8e: {  	[smem:$0x3FB8] =	sst s2  }
0x8f: {  	_ = 	snop  }
0x90: {  	s2 =	sld [smem:$0x3FD0];
	(tm) =	ssettm $0x1  }
0x91: {  	s18 =	sld [smem:$0x3FFB];
	_ =	sdelay $0x3  }
0x92: {  	_ =	strace s18  }
0x93: {  	s3 =	sld [smem:$0x3FFC];
	_ =	sdelay $0x3  }
0x94: {  	_ =	strace s3  }
0x95: {  	s3 =	sld [smem:$0x3FFD];
	_ =	sdelay $0x3  }
0x96: {  	_ =	strace s3  }
0x97: {  	_ =	strace $0x8FFFFFFF  }
0x98: {  	s19 =	sld [smem:$0x3FDB];
	_ =	sdelay $0x1  }
0x99: {  	s4 =	simm.s32 $_scs_section_size  }
0x9a: {  	s5 =	simm.s32 $_size__tile_overlayer_lowered;
	s6 =	simm.s32 $_tile_overlayer_lowered  }
0x9b: {  	s22 =	simm.s32 $0x1BFF;
	s21 =	sshll.u32 s6, $0x1;
	s3 =	sadd.s32 s4, s19  }
0x9c: {  	s7 =	simm.s32 $0x0;
	s20 =	sshll.u32 s5, $0x1;
	s5 =	sadd.s32 s21, s3  }
0x9d: {  	[timem:s7], [sflag:s22] =	dma.local [hbm:s5], s20  }
0x9e: {  	_ =	swait.ge [sflag:s22], s20  }
0x9f: {  	s4 =	ssub.s32 $0x0, s20;
	[sflag:s22] =	ssyncset.done $0x0  }
0xa0: {  	[sflag:s22] =	ssyncadd.s32 s4;
	_ =	sdelay $0x1  }
0xa1: {  	s23 =	simm.s32 $0x1B8B  }
0xa2: {  	_ =	swait.ge [sflag:s23], $0x1  }
0xa3: {  	[sflag:s23] =	ssyncset.done $0x0  }
0xa4: {  	s25 =	simm.s32 $0x1B8E;
	s24 =	sld [smem:$0x3FFE];
	[sflag:s23] =	ssyncadd.s32 $0xFFFFFFFF  }
0xa5: {  	s26 =	simm.s32 $execute0_lowered;
	[smem:$0x3FD2] =	sst s25  }
0xa6: {  	s5 =	sshll.u32 s26, $0x1;
	_ =	strace $0x80000058;
	[dreg:$0x1] =	wrdreg $0xFFFFFFFF  }
0xa7: {  	s28 =	simm.s32 $_size_execute0_lowered;
	s3 =	sadd.s32 s3, s5;
	[dreg:$0x0] =	wrdreg $0x0  }
0xa8: {  	s5 =	sshll.u32 s28, $0x1;
	[dreg:$0x2] =	wrdreg s3  }
0xa9: {  	[dreg:$0x3] =	wrdreg s5  }
0xaa: {  	[dreg:$0x4] =	wrdreg $0xC0  }
0xab: {  	_ =	task [dreg:s7], $0x5FFFF  }
0xac: {  	[dreg:$0x1] =	wrdreg $0xFFFFFFFF  }
0xad: {  	[dreg:$0x0] =	wrdreg $0x60  }
0xae: {  	[dreg:$0x2] =	wrdreg s24  }
0xaf: {  	[dreg:$0x3] =	wrdreg s2  }
0xb0: {  	[dreg:$0x4] =	wrdreg $0xB9000  }
0xb1: {  	[dreg:$0x5] =	wrdreg $0x9  }
0xb2: {  	_ =	task.clear_ibuf [dreg:s7], $0x6FFFF;
	_ =	strace $0x90000058  }
0xb3: {  	s29 =	simm.s32 $0x9;
	_ =	strace $0x8000005A  }
0xb4: {  	_ =	swait.ge [sflag:s29], $0x1  }
0xb5: {  	[sflag:s29] =	ssyncadd.s32 $0xFFFFFFFF  }
0xb6: {  	_ =	strace $0x9000005A  }
0xb7: {  	_ =	sfence  }
0xb8: {  	s30 =	sld [smem:$0x0];
	_ =	sdelay $0x2  }
0xb9: {  	s31 =	sshll.u32 s1, $0xD;
	s1 =	sshrl.u32 s1, $0x2  }
0xba: {  	s3 =	sand.u32 $0x4000, s31;
	s1 =	sadd.s32 s1, s30  }
0xbb: {  	s0 =	sor.u32 s3, s0;
	s1 =	sshll.u32 s1, $0x11  }
0xbc: {  	s0 =	sor.u32 s1, s0  }
0xbd: {  	s0 =	sadd.s32 $0x8F2B, s0  }
0xbe: {  	[sflag:s0] =	ssyncadd.remote.s32 $0x1  }
0xbf: {  	_ =	sfence.sel $0xFFFF  }
0xc0: {  	[dreg:$0x0] =	wrdreg $0xFFFFFFFF;
	(pc) =	sbr.abs _section_cstart, $3  }
0xc1: {  	[dreg:$0x1] =	wrdreg $0xFFFFFFFF  }
0xc2: {  	_ =	task.clear_ibuf [dreg:s7], $0x2FFFF;
	_ =	strace $0x9FFFFFFF  }
0xc3: {  	(tm) =	ssettm $0x7FFFFFFF  }
tec
execute0_lowered:
.L_overlay_start_1:
0x0: {  	(tag) =	ssettag $0x1  }
0x1: {  	s0 =	rddreg [dreg:$0x0]  }
0x2: {  	s11 =	rddreg [dreg:$0x1]  }
0x3: {  	s1 =	rddreg [dreg:$0x2]  }
0x4: {  	s2 =	srdreg.scid;
	s3 =	simm.s32 $0x0;
	s18 =	simm.s32 $0x80  }
0x5: {  	s19 =	simm.s32 $0x3900;
	s20 =	simm.s32 $0x7900;
	s7 =	sand.u32 $0x1, s2  }
0x6: {  	s21 =	simm.s32 $0x1;
	s2 =	stileid.u32;
	s5 =	smul.u32 $0x28000, s7  }
0x7: {  	s22 =	simm.s32 $0x2;
	s23 =	simm.s32 $0xC80;
	s6 =	smul.u32 $0x2800, s2  }
0x8: {  	s24 =	simm.s32 $0x3800;
	s25 =	simm.s32 $0x3880;
	s8 =	smul.u32 $0x138800, s7  }
0x9: {  	s26 =	simm.s32 $0x0;
	[smem:$0x7FF] =	sst s3;
	s12 =	smul.u32 $0x1F400, s2  }
0xa: {  	s4 =	sadd.s32 $0x13800, s0;
	_ =	strace $0x80000059;
	s29 =	smul.u32 $0x7D000, s2  }
0xb: {  	s9 =	sshll.u32 s7, $0x5;
	s10 =	sshll.u32 s2, $0x4;
	s14 =	smul.u32 $0x30000, s7  }
0xc: {  	s30 =	ssub.s32 $0x2, s7;
	s15 =	smul.u32 $0x3000, s2;
	p0 =	sgt.u32 s2, $0x9  }
0xd: {  	p1 =	sgt.u32 s2, $0x1;
	s13 =	sadd.s32 s10, s9;
	s31 =	sshrl.u32 s30, $0x1  }
0xe: {  	s6 =	sadd.s32 s6, s5;
	s5 =	sadd.s32 $0x62400, s0;
	s10 =	sadd.s32 s13, s0  }
0xf: {  	s8 =	sadd.s32 s12, s8;
	s12 =	sshrl.u32 s29, $0x2;
	s16 =	ssub.s32 s30, s31  }
0x10: {  	s9 =	sadd.s32 s15, s14;
	s11 =	sadd.s32 s11, s13;
	s15 =	simm.s32 $0x3  }
.Ltmp0:
0x11: {  	s6 =	sshrl.u32 s6, $0x3;
	s8 =	sshrl.u32 s8, $0x3;
	(pc) =	sbr.rel .LBB2_1-.Ltmp0, $4  }
0x12: {  	s10 =	sadd.s32 $0x62200, s10;
	s13 =	smax.u32 s16, $0x1;
	s28 =	sadd.s32 s6, s0  }
0x13: {  	s6 =	sadd.s32 $0xF800, s0;
	s0 =	sadd.s32 s8, s0;
	s8 =	sadd.s32 s12, s1  }
0x14: {  	[dreg:$0x4] =	wrdreg s10;
	s12 =	sadd.s32 $0x6E400, s0;
	s0 =	sshll.u32 @!p0 s2, $0x6  }
0x15: {  	s7 =	sadd.s32 $0x5800, s28;
	s17 =	sshrl.u32 @!p0 s8, $0x3;
	s16 =	sor.u32 @!p0 $0x1C03, s0  }
.LBB2_6:
0x16: {  	s0 =	rddreg [dreg:$0x4]  }
0x17: {  	[tilespmem:s24], [sflag:$0x3] =	stream.linear.gather [hbm4b:s0+s3], $0x80, $0x38;
	[tilespmem:$0x1F180] =	vst v63  }
0x18: {  	_ =	swait.ge [sflag:s15], $0x80  }
0x19: {  	[sflag:s15] =	ssyncset.done $0x0  }
0x1a: {  	[sflag:s15] =	ssyncadd.s32 $0xFFFFFF80  }
0x1b: {  	[tilespmem:s25], [sflag:$0x3] =	stream.linear.gather [hbm4b:s11+s3], $0x80, $0x38;
	[tilespmem:$0x1F180] =	vst v63  }
0x1c: {  	_ =	swait.ge [sflag:s15], $0x80  }
0x1d: {  	[sflag:s15] =	ssyncset.done $0x0  }
0x1e: {  	[sflag:s15] =	ssyncadd.s32 $0xFFFFFF80  }
0x1f: {  	[tilespmem:s19], [sflag:$0x3] =	stream.indirect.gather [hbm4b:s4+s18], $0x80, s24, s18, $0xb8;
	[tilespmem:$0x1F180] =	vst v63  }
0x20: {  	_ =	swait.ge [sflag:s15], $0x4000  }
0x21: {  	[sflag:s15] =	ssyncset.done $0x0  }
0x22: {  	[sflag:s15] =	ssyncadd.s32 $0xFFFFC000  }
0x23: {  	[spmem:s1] =	stream.indirect.scatter.add.f32 [tilespmem:s19], [sflag:$0x3], $0x80, s25, s18, $0xb8;
	[tilespmem:$0x1F180] =	vst v63  }
0x24: {  	_ =	swait.ge [sflag:s15], $0x4000  }
0x25: {  	[sflag:s15] =	ssyncset.done $0x0  }
0x26: {  	[sflag:s15] =	ssyncadd.s32 $0xFFFFC000  }
0x27: {  	[bflag:$0x0] =	sbarrier.arrive $0xFFFF  }
.LBB2_8:
0x28: {  	s0 =	stileid.u32  }
0x29: {  	s0 =	sshll.u32 s0, $0x6  }
0x2a: {  	s2 =	sshrl.u32 s8, $0x3;
	s0 =	sor.u32 $0x1C03, s0  }
0x2b: {  	[hbm:s12], [sflag:s0] =	dma.local [spmem:s2], $0x3E80  }
0x2c: {  	_ =	swait.ge [sflag:s15], $0x3E80  }
0x2d: {  	[sflag:s15] =	ssyncset.done $0x0  }
0x2e: {  	[sflag:s15] =	ssyncadd.s32 $0xFFFFC180  }
.LBB2_9:
0x2f: {  	s26 =	sadd.s32 $0x1, s26  }
0x30: {  	p2 =	sne.s32 s26, s13  }
.Ltmp1:
0x31: {  	_ = 	snop;
	(pc) =	sbr.rel @!p2 .LBB2_10-.Ltmp1, $1  }
0x32: {  	_ =	sdelay $0x3  }
.LBB2_1:
0x33: {  	s0 =	simm.s32 $0x1000  }
0x34: {  	[tilespmem:s0], [sflag:$0x3] =	stream.linear.gather [hbm4b:s7+s3], $0x2700, $0x38;
	[tilespmem:$0x1F180] =	vst v63  }
0x35: {  	_ =	swait.ge [sflag:s15], $0x2700  }
0x36: {  	[sflag:s15] =	ssyncset.done $0x0  }
0x37: {  	s0 =	simm.s32 @!p0 $0x3;
	[sflag:s15] =	ssyncadd.s32 $0xFFFFD900  }
0x38: {  	[spmem:s17], [sflag:s16] =	dma.local @!p0 [hbm:s6], $0x3E80  }
0x39: {  	_ =	swait.ge @!p0 [sflag:s0], $0x3E80  }
0x3a: {  	[sflag:s0] =	ssyncset.done @!p0 $0x0  }
0x3b: {  	[sflag:s0] =	ssyncadd.s32 @!p0 $0xFFFFC180  }
0x3c: {  	s28 =	simm.s32 $0x1000;
	s29 =	simm.s32 $0x0;
	[bflag:$0x0] =	sbarrier.arrive $0xFFFF  }
.LBB2_2:
0x3d: {  	s0 =	sshll.u32 s29, $0xC  }
0x3e: {  	s0 =	sadd.s32 s0, s9  }
0x3f: {  	s0 =	sshrl.u32 s0, $0x3  }
0x40: {  	s30 =	simm.s32 $0x0;
	s0 =	sadd.s32 s5, s0  }
0x41: {  	[tilespmem:s30], [sflag:$0x3] =	stream.linear.gather [hbm4b:s0+s30], $0xD00, $0x38;
	[tilespmem:$0x1F180] =	vst v63  }
0x42: {  	_ =	swait.ge [sflag:s15], $0xD00  }
0x43: {  	[sflag:s15] =	ssyncset.done $0x0  }
0x44: {  	[sflag:s15] =	ssyncadd.s32 $0xFFFFF300  }
0x45: {  	[tilespmem:s19], [sflag:$0x1] =	stream.indirect.gather [hbm4b:s4+s18], $0x80, s30, s18, $0xb8;
	[tilespmem:$0x1F180] =	vst v63  }
0x46: {  	s10 =	simm.s32 $0x80  }
0x47: {  	[tilespmem:s20], [sflag:$0x2] =	stream.indirect.gather [hbm4b:s4+s18], $0x80, s10, s18, $0xb8;
	[tilespmem:$0x1F180] =	vst v63  }
0x48: {  	_ =	swait.ge [sflag:s21], $0x4000  }
0x49: {  	[sflag:s21] =	ssyncset.done $0x0  }
0x4a: {  	s14 =	sadd.s32 $0x0, s28;
	[sflag:s21] =	ssyncadd.s32 $0xFFFFC000  }
0x4b: {  	[spmem:s1] =	stream.indirect.scatter.add.f32 [tilespmem:s19], [sflag:$0x3], $0x80, s14, s18, $0xb8;
	[tilespmem:$0x1F180] =	vst v63  }
0x4c: {  	_ =	swait.ge [sflag:s15], $0x4000  }
0x4d: {  	[sflag:s15] =	ssyncset.done $0x0  }
0x4e: {  	s30 =	simm.s32 $0x100;
	[sflag:s15] =	ssyncadd.s32 $0xFFFFC000  }
0x4f: {  	[tilespmem:s19], [sflag:$0x1] =	stream.indirect.gather [hbm4b:s4+s18], $0x80, s30, s18, $0xb8;
	[tilespmem:$0x1F180] =	vst v63  }
0x50: {  	_ =	swait.ge [sflag:s22], $0x4000  }
0x51: {  	[sflag:s22] =	ssyncset.done $0x0  }
0x52: {  	s0 =	sadd.s32 $0x80, s14;
	s30 =	smul.u32 $0x3400, s29;
	[sflag:s22] =	ssyncadd.s32 $0xFFFFC000  }
0x53: {  	[spmem:s1] =	stream.indirect.scatter.add.f32 [tilespmem:s20], [sflag:$0x3], $0x80, s0, s18, $0xb8;
	[tilespmem:$0x1F180] =	vst v63  }
0x54: {  	s31 =	simm.s32 $0x100;
	_ =	swait.ge [sflag:s15], $0x4000  }
0x55: {  	s30 =	sshra.s32 s30, $0x2;
	s0 =	simm.s32 $0x800;
	[sflag:s15] =	ssyncset.done $0x0  }
.LBB2_3:
0x56: {  	s2 =	sadd.s32 $0x80, s31  }
0x57: {  	[sflag:s15] =	ssyncadd.s32 $0xFFFFC000;
	s14 =	smov.u32 s0;
	s10 =	sadd.s32 $0x400, s0  }
0x58: {  	[tilespmem:s20], [sflag:$0x2] =	stream.indirect.gather [hbm4b:s4+s18], $0x80, s2, s18, $0xb8;
	[tilespmem:$0x1F180] =	vst v63  }
0x59: {  	p2 =	sne.s32 s0, $0x2C00;
	_ =	swait.ge [sflag:s21], $0x4000  }
0x5a: {  	[sflag:s21] =	ssyncset.done $0x0  }
0x5b: {  	s0 =	sadd.s32 s31, s28;
	[sflag:s21] =	ssyncadd.s32 $0xFFFFC000  }
0x5c: {  	[spmem:s1] =	stream.indirect.scatter.add.f32 [tilespmem:s19], [sflag:$0x3], $0x80, s0, s18, $0xb8;
	[tilespmem:$0x1F180] =	vst v63  }
0x5d: {  	_ =	swait.ge [sflag:s15], $0x4000  }
0x5e: {  	[sflag:s15] =	ssyncset.done $0x0  }
0x5f: {  	s2 =	sadd.s32 $0x100, s31;
	[sflag:s15] =	ssyncadd.s32 $0xFFFFC000  }
0x60: {  	[tilespmem:s19], [sflag:$0x1] =	stream.indirect.gather [hbm4b:s4+s18], $0x80, s2, s18, $0xb8;
	[tilespmem:$0x1F180] =	vst v63  }
0x61: {  	_ =	swait.ge [sflag:s22], $0x4000  }
.Ltmp2:
0x62: {  	[sflag:s22] =	ssyncset.done $0x0;
	(pc) =	sbr.rel @p2 .LBB2_3-.Ltmp2, $4  }
0x63: {  	s0 =	sadd.s32 $0x80, s0;
	[sflag:s22] =	ssyncadd.s32 $0xFFFFC000  }
0x64: {  	[spmem:s1] =	stream.indirect.scatter.add.f32 [tilespmem:s20], [sflag:$0x3], $0x80, s0, s18, $0xb8;
	[tilespmem:$0x1F180] =	vst v63  }
0x65: {  	_ =	swait.ge [sflag:s15], $0x4000  }
0x66: {  	s31 =	sshra.s32 s14, $0x2;
	s0 =	smov.u32 s10;
	[sflag:s15] =	ssyncset.done $0x0  }
0x67: {  	s0 =	sadd.s32 $0x80, s31;
	[sflag:s15] =	ssyncadd.s32 $0xFFFFC000  }
0x68: {  	[tilespmem:s20], [sflag:$0x2] =	stream.indirect.gather [hbm4b:s4+s18], $0x80, s0, s18, $0xb8;
	[tilespmem:$0x1F180] =	vst v63  }
0x69: {  	_ =	swait.ge [sflag:s21], $0x4000  }
0x6a: {  	[sflag:s21] =	ssyncset.done $0x0  }
0x6b: {  	s10 =	sadd.s32 s31, s28;
	[sflag:s21] =	ssyncadd.s32 $0xFFFFC000  }
0x6c: {  	[spmem:s1] =	stream.indirect.scatter.add.f32 [tilespmem:s19], [sflag:$0x3], $0x80, s10, s18, $0xb8;
	[tilespmem:$0x1F180] =	vst v63  }
0x6d: {  	_ =	swait.ge [sflag:s15], $0x4000  }
0x6e: {  	[sflag:s15] =	ssyncset.done $0x0  }
0x6f: {  	s2 =	sadd.s32 $0x100, s31;
	[sflag:s15] =	ssyncadd.s32 $0xFFFFC000  }
0x70: {  	[tilespmem:s19], [sflag:$0x1] =	stream.indirect.gather [hbm4b:s4+s18], $0x80, s2, s18, $0xb8;
	[tilespmem:$0x1F180] =	vst v63  }
0x71: {  	_ =	swait.ge [sflag:s22], $0x4000  }
0x72: {  	[sflag:s22] =	ssyncset.done $0x0  }
0x73: {  	s0 =	sadd.s32 $0x80, s10;
	[sflag:s22] =	ssyncadd.s32 $0xFFFFC000  }
0x74: {  	[spmem:s1] =	stream.indirect.scatter.add.f32 [tilespmem:s20], [sflag:$0x3], $0x80, s0, s18, $0xb8;
	[tilespmem:$0x1F180] =	vst v63  }
0x75: {  	_ =	swait.ge [sflag:s15], $0x4000  }
0x76: {  	[sflag:s15] =	ssyncset.done $0x0  }
0x77: {  	[sflag:s15] =	ssyncadd.s32 $0xFFFFC000  }
0x78: {  	[tilespmem:s20], [sflag:$0x2] =	stream.indirect.gather [hbm4b:s4+s18], $0x80, s23, s18, $0xb8;
	[tilespmem:$0x1F180] =	vst v63  }
0x79: {  	_ =	swait.ge [sflag:s21], $0x4000  }
0x7a: {  	[sflag:s21] =	ssyncset.done $0x0  }
0x7b: {  	s14 =	sadd.s32 $0x1C00, s30;
	[sflag:s21] =	ssyncadd.s32 $0xFFFFC000  }
0x7c: {  	[spmem:s1] =	stream.indirect.scatter.add.f32 [tilespmem:s19], [sflag:$0x3], $0x80, s14, s18, $0xb8;
	[tilespmem:$0x1F180] =	vst v63  }
0x7d: {  	_ =	swait.ge [sflag:s15], $0x4000  }
0x7e: {  	[sflag:s15] =	ssyncset.done $0x0  }
0x7f: {  	[sflag:s15] =	ssyncadd.s32 $0xFFFFC000  }
0x80: {  	s29 =	sadd.s32 $0x1, s29;
	_ =	swait.ge [sflag:s22], $0x4000  }
0x81: {  	p2 =	sne.s32 s29, $0x3;
	[sflag:s22] =	ssyncset.done $0x0  }
.Ltmp3:
0x82: {  	s31 =	sadd.s32 $0x1C80, s30;
	[sflag:s22] =	ssyncadd.s32 $0xFFFFC000;
	(pc) =	sbr.rel @p2 .LBB2_2-.Ltmp3, $4  }
0x83: {  	[spmem:s1] =	stream.indirect.scatter.add.f32 [tilespmem:s20], [sflag:$0x3], $0x80, s31, s18, $0xb8;
	[tilespmem:$0x1F180] =	vst v63  }
0x84: {  	_ =	swait.ge [sflag:s15], $0x4000  }
0x85: {  	[sflag:s15] =	ssyncset.done $0x0  }
0x86: {  	s28 =	sadd.s32 $0xD00, s28;
	[sflag:s15] =	ssyncadd.s32 $0xFFFFC000  }
.Ltmp4:
0x87: {  	(pc) =	sbr.rel @!p1 .LBB2_6-.Ltmp4, $1  }
0x88: {  	_ =	sdelay $0x3  }
.Ltmp5:
0x89: {  	(pc) =	sbr.rel @p0 .LBB2_9-.Ltmp5, $4  }
.Ltmp6:
0x8a: {  	(pc) =	sbr.rel @!p0 .LBB2_8-.Ltmp6, $4  }
0x8b: {  	_ = 	snop  }
0x8c: {  	[bflag:$0x0] =	sbarrier.arrive $0xFFFF  }
0x8d: {  	_ = 	snop  }
0x8e: {  	_ = 	snop  }
.LBB2_10:
0x8f: {  	_ =	sfence.sel $0x180000  }
0x90: {  	[bflag:$0x0] =	sbarrier.arrive $0xFFFF  }
0x91: {  	_ =	strace $0x90000059  }
0x92: {  	s0 =	stileid.u32;
	[bflag:$0x2] =	sbarrier.arrive $0xFFFF  }
0x93: {  	p0 =	sne.s32 s0, $0x0;
	s0 =	rddreg [dreg:$0x3]  }
0x94: {  	s0 =	sadd.s32 @!p0 $0x100000, s0  }
0x95: {  	[sflag:s0] =	ssyncadd.tile.s32 @!p0 $0x1;
	_ =	shalt  }
.Lfunc_end2:
_tile_overlayer_lowered:
.L_overlay_start_2:
0x96: {  	(tag) =	ssettag $0x2  }
0x97: {  	s0 =	rddreg [dreg:$0x0];
	s2 =	stileid.u32  }
0x98: {  	s1 =	rddreg [dreg:$0x1];
	p0 =	sne.s32 s2, $0x0  }
0x99: {  	s3 =	rddreg [dreg:$0x2];
	[bflag:$0x3] =	sbarrier.arrive $0xFFFF;
	s2 =	simm.s32 @!p0 $0x1C03  }
0x9a: {  	[timem:s3], [sflag:s2] =	dma.local @!p0 [hbm:s0], s1  }
0x9b: {  	s0 =	simm.s32 @!p0 $0x3  }
0x9c: {  	_ =	swait.ge @!p0 [sflag:s0], s1  }
0x9d: {  	s1 =	ssub.s32 @!p0 $0x0, s1;
	[sflag:s0] =	ssyncset.done @!p0 $0x0  }
0x9e: {  	[sflag:s0] =	ssyncadd.s32 @!p0 s1  }
0x9f: {  	[bflag:$0x3] =	sbarrier.arrive $0xFFFF  }
0xa0: {  	_ =	shalt  }

</sc_bundles>
